<compile_context>
chip_gen: v7x
topology: tpu7x:2x2x1
jax: 0.10.2.dev20260603
libtpu: 0.0.44.dev20260713+nightly
codegen_flags: <defaults>
</compile_context>

<pallas_src>
import functools

import jax
import jax.numpy as jnp
from jax import lax
from jax.experimental import pallas as pl
from jax.experimental.pallas import tpu as pltpu
from jax.experimental.pallas import tpu_sc as plsc

N = 1000000
X_LIM = (-1.0, 1.0)
T_LIM = (0.0, 1.0)
ALPHA = 10.0

NP = 1 << 20
NC, NS, L = 2, 16, 16
NW = NC * NS
CH = NP // NW
ROWS = CH // 128

_mesh = plsc.VectorSubcoreMesh(
    core_axis_name="c", subcore_axis_name="s", num_cores=NC, num_subcores=NS)


def _wid():
    return lax.axis_index("s") * NC + lax.axis_index("c")


@functools.partial(
    pl.kernel,
    compiler_params=pltpu.CompilerParams(needs_layout_passes=False),
    out_type=(
        jax.ShapeDtypeStruct((NW, L), jnp.int32),
        jax.ShapeDtypeStruct((2 * NP,), jnp.float32),
        jax.ShapeDtypeStruct((2 * NP,), jnp.float32),
    ),
    mesh=_mesh,
    scratch_types=(
        pltpu.VMEM((2048,), jnp.float32),
        pltpu.VMEM((2048,), jnp.float32),
        pltpu.VMEM((2048,), jnp.float32),
        pltpu.VMEM((CH + 16,), jnp.float32),
        pltpu.VMEM((CH + 16,), jnp.float32),
        pltpu.VMEM((L,), jnp.float32),
        pltpu.VMEM((L,), jnp.int32),
    ),
)
def _k1(fit_hbm, x_hbm, t_hbm, xn_hbm, tn_hbm, mean_hbm,
        counts_hbm, cxx_hbm, ctt_hbm,
        fbuf, xbuf, tbuf, bufx, buft, meanv, cntv):
    w = _wid()
    base = w * CH
    pltpu.sync_copy(xn_hbm.at[pl.ds(base, CH)], cxx_hbm.at[pl.ds(NP + base, CH)])
    pltpu.sync_copy(tn_hbm.at[pl.ds(base, CH)], ctt_hbm.at[pl.ds(NP + base, CH)])
    pltpu.sync_copy(mean_hbm, meanv)
    mean = meanv[...]

    SB = 2048

    def outer(sb, off):
        s0 = base + sb * SB
        pltpu.sync_copy(fit_hbm.at[pl.ds(s0, SB)], fbuf)
        pltpu.sync_copy(x_hbm.at[pl.ds(s0, SB)], xbuf)
        pltpu.sync_copy(t_hbm.at[pl.ds(s0, SB)], tbuf)

        def inner(i, off):
            o = i * L
            m = fbuf[pl.ds(o, L)] > mean
            mi = m.astype(jnp.int32)
            pos = plsc.cumsum(mi) - mi + off
            plsc.store_scatter(bufx, [pos], xbuf[pl.ds(o, L)], mask=m)
            plsc.store_scatter(buft, [pos], tbuf[pl.ds(o, L)], mask=m)
            return off + jnp.sum(mi)

        return lax.fori_loop(0, SB // L, inner, off)

    cnt = lax.fori_loop(0, CH // SB, outer, jnp.int32(0))
    pltpu.sync_copy(bufx.at[pl.ds(0, CH)], cxx_hbm.at[pl.ds(base, CH)])
    pltpu.sync_copy(buft.at[pl.ds(0, CH)], ctt_hbm.at[pl.ds(base, CH)])
    cntv[...] = jnp.broadcast_to(cnt, (L,))
    pltpu.sync_copy(cntv, counts_hbm.at[w])


@functools.partial(
    pl.kernel,
    compiler_params=pltpu.CompilerParams(needs_layout_passes=False),
    out_type=(
        jax.ShapeDtypeStruct((NW, CH), jnp.float32),
        jax.ShapeDtypeStruct((NW, CH), jnp.float32),
    ),
    mesh=_mesh,
    scratch_types=(
        pltpu.VMEM((NW, L), jnp.int32),
        pltpu.VMEM((48,), jnp.int32),
        pltpu.SMEM((40,), jnp.int32),
        pltpu.SMEM((40,), jnp.int32),
        pltpu.VMEM((CH,), jnp.int32),
        pltpu.VMEM((CH,), jnp.float32),
        pltpu.VMEM((CH,), jnp.float32),
        pltpu.SemaphoreType.DMA,
        pltpu.SemaphoreType.DMA,
    ),
)
def _k2(counts_hbm, cxx_hbm, ctt_hbm, xo_hbm, to_hbm,
        cntbuf, shiftv, bound_s, shift_s, idxbuf, gbx, gbt, sem1, sem2):
    w = _wid()
    obase = w * CH
    pltpu.sync_copy(counts_hbm, cntbuf)

    lane0 = lax.iota(jnp.int32, L) == 0
    b = jnp.int32(0)
    bound_s[0] = b
    for c in range(NW):
        sh = jnp.int32(c * CH) - b
        shift_s[c] = sh
        plsc.store_scatter(shiftv, [jnp.full((L,), c, jnp.int32)],
                           jnp.broadcast_to(sh, (L,)), mask=lane0)
        b = b + jnp.max(cntbuf[c])
        bound_s[c + 1] = b
    k_total = b
    sh_tail = jnp.int32(NP) - k_total
    shift_s[NW] = sh_tail
    plsc.store_scatter(shiftv, [jnp.full((L,), NW, jnp.int32)],
                       jnp.broadcast_to(sh_tail, (L,)), mask=lane0)
    bound_s[NW + 1] = jnp.int32(NP)

    iota16 = lax.iota(jnp.int32, L)

    def slow_lane_idx(r):
        p = jnp.zeros((L,), jnp.int32)
        for q in range(1, NW + 1):
            p = p + (r >= bound_s[q]).astype(jnp.int32)
        shl = plsc.load_gather(shiftv, [p])
        return r + shl

    def row(i, p):
        j = obase + i * 128

        def adv_cond(p):
            return jnp.logical_and(p < NW, j >= bound_s[p + 1])

        p = lax.while_loop(adv_cond, lambda p: p + 1, p)
        hi = bound_s[p + 1]
        sh = shift_s[p]

        def fast(_):
            for l in range(8):
                r = j + l * L + iota16
                idxbuf[pl.ds(i * 128 + l * L, L)] = r + sh
            return 0

        def slow(_):
            for l in range(8):
                r = j + l * L + iota16
                idxbuf[pl.ds(i * 128 + l * L, L)] = slow_lane_idx(r)
            return 0

        lax.cond(j + 127 < hi, fast, slow, 0)
        return p

    lax.fori_loop(0, ROWS, row, jnp.int32(0))

    cpx = pltpu.async_copy(cxx_hbm.at[idxbuf], gbx, sem1)
    cpt = pltpu.async_copy(ctt_hbm.at[idxbuf], gbt, sem2)
    cpx.wait()
    cpt.wait()
    pltpu.sync_copy(gbx, xo_hbm.at[w])
    pltpu.sync_copy(gbt, to_hbm.at[w])


def kernel(loss, x, t, beta):
    f32 = jnp.float32
    t_norm = (t - T_LIM[0]) / (T_LIM[1] - T_LIM[0])
    gate = jax.nn.relu(-jnp.tanh(ALPHA * (t_norm - beta)))
    fitness = loss * gate
    mean = fitness.mean()

    kr = jax.random.key(1)
    ka, kb = jax.random.split(kr)
    x_new = jax.random.uniform(ka, (N, 1), dtype=f32, minval=X_LIM[0], maxval=X_LIM[1])
    t_new = jax.random.uniform(kb, (N, 1), dtype=f32, minval=T_LIM[0], maxval=T_LIM[1])

    pad = NP - N
    fit_p = jnp.concatenate([fitness[:, 0], jnp.full((pad,), -1.0, f32)])
    x_p = jnp.concatenate([x[:, 0], jnp.zeros((pad,), f32)])
    t_p = jnp.concatenate([t[:, 0], jnp.zeros((pad,), f32)])
    xn_p = jnp.concatenate([x_new[:, 0], jnp.zeros((pad,), f32)])
    tn_p = jnp.concatenate([t_new[:, 0], jnp.zeros((pad,), f32)])
    mean_v = jnp.broadcast_to(mean, (L,))

    counts, cxx, ctt = _k1(fit_p, x_p, t_p, xn_p, tn_p, mean_v)
    xo, to = _k2(counts, cxx, ctt)
    x_out = xo.reshape(NP, 1)[:N]
    t_out = to.reshape(NP, 1)[:N]
    return (x_out, t_out)

# --- scband reference (transcript-rebuilt; emitter-appended) ---
"""Pipeline reference for scband-causal-r3-sampler-62208306315783 (READ-ONLY COPY).

The authoritative reference and input builder live on the scoring server;
editing this copy changes nothing except your own understanding.
"""

import jax, jax.numpy as jnp
import numpy as np

N = 1000000
X_LIM = (-1.0, 1.0)
T_LIM = (0.0, 1.0)
ALPHA = 10.0
BETA0 = 1.0


def setup_inputs(seed: int = 0) -> dict:
    key = jax.random.key(seed)
    k1, k2, k3 = jax.random.split(key, 3)
    loss = jax.random.uniform(k1, (N, 1), dtype=jnp.float32)
    # module buffers: current collocation points x, t and causal-gate parameter beta
    x = jax.random.uniform(k2, (N, 1), dtype=jnp.float32, minval=X_LIM[0], maxval=X_LIM[1])
    t = jax.random.uniform(k3, (N, 1), dtype=jnp.float32, minval=T_LIM[0], maxval=T_LIM[1])
    beta = jnp.ones((1,), dtype=jnp.float32) * BETA0
    return {"loss": loss, "x": x, "t": t, "beta": beta}


def causal_gate(t, beta):
    t_norm = (t - T_LIM[0]) / (T_LIM[1] - T_LIM[0])
    # gate_type == 'relu_tanh'
    return jax.nn.relu(-jnp.tanh(ALPHA * (t_norm - beta)))


def reference(loss, x, t, beta):
    # fitness = loss * causal_gate(t)
    gate = causal_gate(t, beta)
    fitness = loss * gate
    mask = (fitness > fitness.mean())[:, 0]
    # keep high-fitness points: stable permutation puts masked rows first in order
    order = jnp.argsort(~mask, stable=True)
    x_old = x[order]
    t_old = t[order]
    k = mask.sum()
    # resample the rest uniformly (fresh RNG, matches torch uniform_ semantics);
    # drawn at full size: counter-based PRNG makes the first N-k values identical
    kr = jax.random.key(1)
    ka, kb = jax.random.split(kr)
    x_new = jax.random.uniform(ka, (N, 1), dtype=jnp.float32, minval=X_LIM[0], maxval=X_LIM[1])
    t_new = jax.random.uniform(kb, (N, 1), dtype=jnp.float32, minval=T_LIM[0], maxval=T_LIM[1])
    idx = jnp.arange(N)
    keep = (idx < k)[:, None]
    new_idx = jnp.clip(idx - k, 0)
    x_out = jnp.where(keep, x_old, x_new[new_idx])
    t_out = jnp.where(keep, t_old, t_new[new_idx])
    return (x_out, t_out)

if __name__ == "__main__":
    import jax
    _d = setup_inputs()
    print(jax.jit(kernel)(*tuple(_d.values())))

</pallas_src>

<mosaic_0001>
#map = affine_map<(d0, d1) -> (0)>
#map1 = affine_map<(d0, d1) -> (0, 0)>
module attributes {stable_mosaic.version = 14 : i64} {
  func.func @_k1(%arg0: i32, %arg1: i32, %arg2: memref<1048576xf32, #tpu.memory_space<hbm>>, %arg3: memref<1048576xf32, #tpu.memory_space<hbm>>, %arg4: memref<1048576xf32, #tpu.memory_space<hbm>>, %arg5: memref<1048576xf32, #tpu.memory_space<hbm>>, %arg6: memref<1048576xf32, #tpu.memory_space<hbm>>, %arg7: memref<16xf32, #tpu.memory_space<hbm>>, %arg8: memref<32x16xi32, #tpu.memory_space<hbm>>, %arg9: memref<2097152xf32, #tpu.memory_space<hbm>>, %arg10: memref<2097152xf32, #tpu.memory_space<hbm>>, %arg11: memref<2048xf32, #tpu.memory_space<vmem>>, %arg12: memref<2048xf32, #tpu.memory_space<vmem>>, %arg13: memref<2048xf32, #tpu.memory_space<vmem>>, %arg14: memref<32784xf32, #tpu.memory_space<vmem>>, %arg15: memref<32784xf32, #tpu.memory_space<vmem>>, %arg16: memref<16xf32, #tpu.memory_space<vmem>>, %arg17: memref<16xi32, #tpu.memory_space<vmem>>) attributes {dimension_semantics = [#tpu.dimension_semantics<core_parallel>, #tpu.dimension_semantics<subcore_parallel>], iteration_bounds = array<i64: 2, 16>, scalar_prefetch = 0 : i64, scratch_operands = 7 : i64, tpu.core_type = #tpu.core_type<sc_vector_subcore>, window_params = [{transform_indices = #map}, {transform_indices = #map}, {transform_indices = #map}, {transform_indices = #map}, {transform_indices = #map}, {transform_indices = #map}, {transform_indices = #map1}, {transform_indices = #map}, {transform_indices = #map}]} {
    %mul3A = arith.constant 2 : i32
    %mul3A_0 = arith.muli %arg1, %mul3A : i32
    %add3A = arith.addi %mul3A_0, %arg0 : i32
    %mul3A_1 = arith.constant 32768 : i32
    %mul3A_2 = arith.muli %add3A, %mul3A_1 : i32
    %add3A_3 = arith.constant 1048576 : i32
    %add3A_4 = arith.addi %add3A_3, %mul3A_2 : i32
    "tpu.region"() ({
      %run_scoped3A = tpu.sem_alloc : memref<!tpu.dma_semaphore, #tpu.memory_space<semaphore_mem>>
      %dma_start3A = tpu.memref_slice %arg9[%add3A_4] : memref<2097152xf32, #tpu.memory_space<hbm>> -> memref<32768xf32, #tpu.memory_space<hbm>>
      %dma_start3A_15 = tpu.memref_slice %arg5[%mul3A_2] : memref<1048576xf32, #tpu.memory_space<hbm>> -> memref<32768xf32, #tpu.memory_space<hbm>>
      tpu.enqueue_dma source(%dma_start3A_15 : memref<32768xf32, #tpu.memory_space<hbm>>) target(%dma_start3A : memref<32768xf32, #tpu.memory_space<hbm>>) target_semaphore(%run_scoped3A : memref<!tpu.dma_semaphore, #tpu.memory_space<semaphore_mem>>)
      %dma_wait3A = tpu.memref_slice %arg9[%add3A_4] : memref<2097152xf32, #tpu.memory_space<hbm>> -> memref<32768xf32, #tpu.memory_space<hbm>>
      %dma_wait3A_16 = tpu.memref_slice %arg5[%mul3A_2] : memref<1048576xf32, #tpu.memory_space<hbm>> -> memref<32768xf32, #tpu.memory_space<hbm>>
      tpu.wait_dma2 semaphore(%run_scoped3A : memref<!tpu.dma_semaphore, #tpu.memory_space<semaphore_mem>>) src(%dma_wait3A_16 : memref<32768xf32, #tpu.memory_space<hbm>>) dst(%dma_wait3A : memref<32768xf32, #tpu.memory_space<hbm>>)
      tpu.yield
    }) : () -> ()
    %add3A_5 = arith.constant 1048576 : i32
    %add3A_6 = arith.addi %add3A_5, %mul3A_2 : i32
    "tpu.region"() ({
      %run_scoped3A = tpu.sem_alloc : memref<!tpu.dma_semaphore, #tpu.memory_space<semaphore_mem>>
      %dma_start3A = tpu.memref_slice %arg10[%add3A_6] : memref<2097152xf32, #tpu.memory_space<hbm>> -> memref<32768xf32, #tpu.memory_space<hbm>>
      %dma_start3A_15 = tpu.memref_slice %arg6[%mul3A_2] : memref<1048576xf32, #tpu.memory_space<hbm>> -> memref<32768xf32, #tpu.memory_space<hbm>>
      tpu.enqueue_dma source(%dma_start3A_15 : memref<32768xf32, #tpu.memory_space<hbm>>) target(%dma_start3A : memref<32768xf32, #tpu.memory_space<hbm>>) target_semaphore(%run_scoped3A : memref<!tpu.dma_semaphore, #tpu.memory_space<semaphore_mem>>)
      %dma_wait3A = tpu.memref_slice %arg10[%add3A_6] : memref<2097152xf32, #tpu.memory_space<hbm>> -> memref<32768xf32, #tpu.memory_space<hbm>>
      %dma_wait3A_16 = tpu.memref_slice %arg6[%mul3A_2] : memref<1048576xf32, #tpu.memory_space<hbm>> -> memref<32768xf32, #tpu.memory_space<hbm>>
      tpu.wait_dma2 semaphore(%run_scoped3A : memref<!tpu.dma_semaphore, #tpu.memory_space<semaphore_mem>>) src(%dma_wait3A_16 : memref<32768xf32, #tpu.memory_space<hbm>>) dst(%dma_wait3A : memref<32768xf32, #tpu.memory_space<hbm>>)
      tpu.yield
    }) : () -> ()
    "tpu.region"() ({
      %run_scoped3A = tpu.sem_alloc : memref<!tpu.dma_semaphore, #tpu.memory_space<semaphore_mem>>
      tpu.enqueue_dma source(%arg7 : memref<16xf32, #tpu.memory_space<hbm>>) target(%arg16 : memref<16xf32, #tpu.memory_space<vmem>>) target_semaphore(%run_scoped3A : memref<!tpu.dma_semaphore, #tpu.memory_space<semaphore_mem>>)
      tpu.wait_dma2 semaphore(%run_scoped3A : memref<!tpu.dma_semaphore, #tpu.memory_space<semaphore_mem>>) src(%arg7 : memref<16xf32, #tpu.memory_space<hbm>>) dst(%arg16 : memref<16xf32, #tpu.memory_space<vmem>>)
      tpu.yield
    }) : () -> ()
    %get3A = arith.constant 0 : index
    %get3A_7 = tpu.vector_load %arg16[%get3A] {strides = array<i32>} : memref<16xf32, #tpu.memory_space<vmem>>, vector<16xf32>,
    %scan3A = arith.constant 0 : i32
    %scan3A_8 = arith.constant 0 : i32
    %scan3A_9 = arith.constant 16 : i32
    %scan3A_10 = arith.addi %scan3A_8, %scan3A_9 : i32
    %scan3A_11 = arith.constant 1 : i32
    %scan3A_12 = scf.for %scan3A_15 = %scan3A_8 to %scan3A_10 step %scan3A_11 iter_args(%scan3A_16 = %scan3A) -> (i32)  : i32 {
      %mul3A_17 = arith.constant 2048 : i32
      %mul3A_18 = arith.muli %scan3A_15, %mul3A_17 : i32
      %add3A_19 = arith.addi %mul3A_2, %mul3A_18 : i32
      "tpu.region"() ({
        %run_scoped3A = tpu.sem_alloc : memref<!tpu.dma_semaphore, #tpu.memory_space<semaphore_mem>>
        %dma_start3A = tpu.memref_slice %arg2[%add3A_19] : memref<1048576xf32, #tpu.memory_space<hbm>> -> memref<2048xf32, #tpu.memory_space<hbm>>
        %dma_start3A_26 = tpu.memref_slice %arg2[%add3A_19] : memref<1048576xf32, #tpu.memory_space<hbm>> -> memref<2048xf32, #tpu.memory_space<hbm>>
        tpu.enqueue_dma source(%dma_start3A_26 : memref<2048xf32, #tpu.memory_space<hbm>>) target(%arg11 : memref<2048xf32, #tpu.memory_space<vmem>>) target_semaphore(%run_scoped3A : memref<!tpu.dma_semaphore, #tpu.memory_space<semaphore_mem>>)
        %dma_wait3A = tpu.memref_slice %arg2[%add3A_19] : memref<1048576xf32, #tpu.memory_space<hbm>> -> memref<2048xf32, #tpu.memory_space<hbm>>
        %dma_wait3A_27 = tpu.memref_slice %arg2[%add3A_19] : memref<1048576xf32, #tpu.memory_space<hbm>> -> memref<2048xf32, #tpu.memory_space<hbm>>
        tpu.wait_dma2 semaphore(%run_scoped3A : memref<!tpu.dma_semaphore, #tpu.memory_space<semaphore_mem>>) src(%dma_wait3A_27 : memref<2048xf32, #tpu.memory_space<hbm>>) dst(%arg11 : memref<2048xf32, #tpu.memory_space<vmem>>)
        tpu.yield
      }) : () -> ()
      "tpu.region"() ({
        %run_scoped3A = tpu.sem_alloc : memref<!tpu.dma_semaphore, #tpu.memory_space<semaphore_mem>>
        %dma_start3A = tpu.memref_slice %arg3[%add3A_19] : memref<1048576xf32, #tpu.memory_space<hbm>> -> memref<2048xf32, #tpu.memory_space<hbm>>
        %dma_start3A_26 = tpu.memref_slice %arg3[%add3A_19] : memref<1048576xf32, #tpu.memory_space<hbm>> -> memref<2048xf32, #tpu.memory_space<hbm>>
        tpu.enqueue_dma source(%dma_start3A_26 : memref<2048xf32, #tpu.memory_space<hbm>>) target(%arg12 : memref<2048xf32, #tpu.memory_space<vmem>>) target_semaphore(%run_scoped3A : memref<!tpu.dma_semaphore, #tpu.memory_space<semaphore_mem>>)
        %dma_wait3A = tpu.memref_slice %arg3[%add3A_19] : memref<1048576xf32, #tpu.memory_space<hbm>> -> memref<2048xf32, #tpu.memory_space<hbm>>
        %dma_wait3A_27 = tpu.memref_slice %arg3[%add3A_19] : memref<1048576xf32, #tpu.memory_space<hbm>> -> memref<2048xf32, #tpu.memory_space<hbm>>
        tpu.wait_dma2 semaphore(%run_scoped3A : memref<!tpu.dma_semaphore, #tpu.memory_space<semaphore_mem>>) src(%dma_wait3A_27 : memref<2048xf32, #tpu.memory_space<hbm>>) dst(%arg12 : memref<2048xf32, #tpu.memory_space<vmem>>)
        tpu.yield
      }) : () -> ()
      "tpu.region"() ({
        %run_scoped3A = tpu.sem_alloc : memref<!tpu.dma_semaphore, #tpu.memory_space<semaphore_mem>>
        %dma_start3A = tpu.memref_slice %arg4[%add3A_19] : memref<1048576xf32, #tpu.memory_space<hbm>> -> memref<2048xf32, #tpu.memory_space<hbm>>
        %dma_start3A_26 = tpu.memref_slice %arg4[%add3A_19] : memref<1048576xf32, #tpu.memory_space<hbm>> -> memref<2048xf32, #tpu.memory_space<hbm>>
        tpu.enqueue_dma source(%dma_start3A_26 : memref<2048xf32, #tpu.memory_space<hbm>>) target(%arg13 : memref<2048xf32, #tpu.memory_space<vmem>>) target_semaphore(%run_scoped3A : memref<!tpu.dma_semaphore, #tpu.memory_space<semaphore_mem>>)
        %dma_wait3A = tpu.memref_slice %arg4[%add3A_19] : memref<1048576xf32, #tpu.memory_space<hbm>> -> memref<2048xf32, #tpu.memory_space<hbm>>
        %dma_wait3A_27 = tpu.memref_slice %arg4[%add3A_19] : memref<1048576xf32, #tpu.memory_space<hbm>> -> memref<2048xf32, #tpu.memory_space<hbm>>
        tpu.wait_dma2 semaphore(%run_scoped3A : memref<!tpu.dma_semaphore, #tpu.memory_space<semaphore_mem>>) src(%dma_wait3A_27 : memref<2048xf32, #tpu.memory_space<hbm>>) dst(%arg13 : memref<2048xf32, #tpu.memory_space<vmem>>)
        tpu.yield
      }) : () -> ()
      %scan3A_20 = arith.constant 0 : i32
      %scan3A_21 = arith.constant 128 : i32
      %scan3A_22 = arith.addi %scan3A_20, %scan3A_21 : i32
      %scan3A_23 = arith.constant 1 : i32
      %scan3A_24 = scf.for %scan3A_26 = %scan3A_20 to %scan3A_22 step %scan3A_23 iter_args(%scan3A_27 = %scan3A_16) -> (i32)  : i32 {
        %mul3A_28 = arith.constant 16 : i32
        %mul3A_29 = arith.muli %scan3A_26, %mul3A_28 : i32
        %get3A_30 = arith.index_cast %mul3A_29 : i32 to index
        %get3A_31 = tpu.vector_load %arg11[%get3A_30] {strides = array<i32>} : memref<2048xf32, #tpu.memory_space<vmem>>, vector<16xf32>,
        %gt3A = arith.cmpf ogt, %get3A_31, %get3A_7 : vector<16xf32>
        %convert_element_type3A = arith.extui %gt3A : vector<16xi1> to vector<16xi32>
        %broadcast_in_dim3A_32 = arith.constant true
        %broadcast_in_dim3A_33 = vector.broadcast %broadcast_in_dim3A_32 : i1 to vector<16xi1>
        %masked_cumsum3A = tpu.scan <sum>, %convert_element_type3A masked %broadcast_in_dim3A_33 : vector<16xi32>, vector<16xi1> -> vector<16xi32>
        %sub3A = arith.subi %masked_cumsum3A, %convert_element_type3A : vector<16xi32>
        %add3A_34 = vector.broadcast %scan3A_27 : i32 to vector<16xi32>
        %add3A_35 = arith.addi %sub3A, %add3A_34 : vector<16xi32>
        %get3A_36 = arith.index_cast %mul3A_29 : i32 to index
        %get3A_37 = tpu.vector_load %arg12[%get3A_36] {strides = array<i32>} : memref<2048xf32, #tpu.memory_space<vmem>>, vector<16xf32>,
        tpu.vector_store_idx %arg14[%add3A_35], %get3A_37 masked %gt3A : memref<32784xf32, #tpu.memory_space<vmem>>[vector<16xi32>], vector<16xf32>, vector<16xi1>
        %get3A_38 = arith.index_cast %mul3A_29 : i32 to index
        %get3A_39 = tpu.vector_load %arg13[%get3A_38] {strides = array<i32>} : memref<2048xf32, #tpu.memory_space<vmem>>, vector<16xf32>,
        tpu.vector_store_idx %arg15[%add3A_35], %get3A_39 masked %gt3A : memref<32784xf32, #tpu.memory_space<vmem>>[vector<16xi32>], vector<16xf32>, vector<16xi1>
        %reduce_sum3A = arith.constant true
        %reduce_sum3A_40 = vector.broadcast %reduce_sum3A : i1 to vector<16xi1>
        %reduce_sum3A_41 = tpu.scan <sum>, %convert_element_type3A masked %reduce_sum3A_40 : vector<16xi32>, vector<16xi1> -> vector<16xi32>
        %reduce_sum3A_42 = vector.extract %reduce_sum3A_41[15] : i32 from vector<16xi32>
        %add3A_43 = arith.addi %scan3A_27, %reduce_sum3A_42 : i32
        scf.yield %add3A_43 : i32
      }
      %scan3A_25 = arith.constant 128 : i32
      scf.yield %scan3A_24 : i32
    }
    %scan3A_13 = arith.constant 16 : i32
    "tpu.region"() ({
      %run_scoped3A = tpu.sem_alloc : memref<!tpu.dma_semaphore, #tpu.memory_space<semaphore_mem>>
      %dma_start3A = arith.constant 0 : i32
      %dma_start3A_15 = tpu.memref_slice %arg14[%dma_start3A] : memref<32784xf32, #tpu.memory_space<vmem>> -> memref<32768xf32, #tpu.memory_space<vmem>>
      %dma_start3A_16 = tpu.memref_slice %arg9[%mul3A_2] : memref<2097152xf32, #tpu.memory_space<hbm>> -> memref<32768xf32, #tpu.memory_space<hbm>>
      %dma_start3A_17 = tpu.memref_slice %arg9[%mul3A_2] : memref<2097152xf32, #tpu.memory_space<hbm>> -> memref<32768xf32, #tpu.memory_space<hbm>>
      %dma_start3A_18 = arith.constant 0 : i32
      %dma_start3A_19 = tpu.memref_slice %arg14[%dma_start3A_18] : memref<32784xf32, #tpu.memory_space<vmem>> -> memref<32768xf32, #tpu.memory_space<vmem>>
      tpu.enqueue_dma source(%dma_start3A_19 : memref<32768xf32, #tpu.memory_space<vmem>>) target(%dma_start3A_17 : memref<32768xf32, #tpu.memory_space<hbm>>) target_semaphore(%run_scoped3A : memref<!tpu.dma_semaphore, #tpu.memory_space<semaphore_mem>>)
      %dma_wait3A = arith.constant 0 : i32
      %dma_wait3A_20 = tpu.memref_slice %arg14[%dma_wait3A] : memref<32784xf32, #tpu.memory_space<vmem>> -> memref<32768xf32, #tpu.memory_space<vmem>>
      %dma_wait3A_21 = tpu.memref_slice %arg9[%mul3A_2] : memref<2097152xf32, #tpu.memory_space<hbm>> -> memref<32768xf32, #tpu.memory_space<hbm>>
      %dma_wait3A_22 = tpu.memref_slice %arg9[%mul3A_2] : memref<2097152xf32, #tpu.memory_space<hbm>> -> memref<32768xf32, #tpu.memory_space<hbm>>
      %dma_wait3A_23 = arith.constant 0 : i32
      %dma_wait3A_24 = tpu.memref_slice %arg14[%dma_wait3A_23] : memref<32784xf32, #tpu.memory_space<vmem>> -> memref<32768xf32, #tpu.memory_space<vmem>>
      tpu.wait_dma2 semaphore(%run_scoped3A : memref<!tpu.dma_semaphore, #tpu.memory_space<semaphore_mem>>) src(%dma_wait3A_24 : memref<32768xf32, #tpu.memory_space<vmem>>) dst(%dma_wait3A_22 : memref<32768xf32, #tpu.memory_space<hbm>>)
      tpu.yield
    }) : () -> ()
    "tpu.region"() ({
      %run_scoped3A = tpu.sem_alloc : memref<!tpu.dma_semaphore, #tpu.memory_space<semaphore_mem>>
      %dma_start3A = arith.constant 0 : i32
      %dma_start3A_15 = tpu.memref_slice %arg15[%dma_start3A] : memref<32784xf32, #tpu.memory_space<vmem>> -> memref<32768xf32, #tpu.memory_space<vmem>>
      %dma_start3A_16 = tpu.memref_slice %arg10[%mul3A_2] : memref<2097152xf32, #tpu.memory_space<hbm>> -> memref<32768xf32, #tpu.memory_space<hbm>>
      %dma_start3A_17 = tpu.memref_slice %arg10[%mul3A_2] : memref<2097152xf32, #tpu.memory_space<hbm>> -> memref<32768xf32, #tpu.memory_space<hbm>>
      %dma_start3A_18 = arith.constant 0 : i32
      %dma_start3A_19 = tpu.memref_slice %arg15[%dma_start3A_18] : memref<32784xf32, #tpu.memory_space<vmem>> -> memref<32768xf32, #tpu.memory_space<vmem>>
      tpu.enqueue_dma source(%dma_start3A_19 : memref<32768xf32, #tpu.memory_space<vmem>>) target(%dma_start3A_17 : memref<32768xf32, #tpu.memory_space<hbm>>) target_semaphore(%run_scoped3A : memref<!tpu.dma_semaphore, #tpu.memory_space<semaphore_mem>>)
      %dma_wait3A = arith.constant 0 : i32
      %dma_wait3A_20 = tpu.memref_slice %arg15[%dma_wait3A] : memref<32784xf32, #tpu.memory_space<vmem>> -> memref<32768xf32, #tpu.memory_space<vmem>>
      %dma_wait3A_21 = tpu.memref_slice %arg10[%mul3A_2] : memref<2097152xf32, #tpu.memory_space<hbm>> -> memref<32768xf32, #tpu.memory_space<hbm>>
      %dma_wait3A_22 = tpu.memref_slice %arg10[%mul3A_2] : memref<2097152xf32, #tpu.memory_space<hbm>> -> memref<32768xf32, #tpu.memory_space<hbm>>
      %dma_wait3A_23 = arith.constant 0 : i32
      %dma_wait3A_24 = tpu.memref_slice %arg15[%dma_wait3A_23] : memref<32784xf32, #tpu.memory_space<vmem>> -> memref<32768xf32, #tpu.memory_space<vmem>>
      tpu.wait_dma2 semaphore(%run_scoped3A : memref<!tpu.dma_semaphore, #tpu.memory_space<semaphore_mem>>) src(%dma_wait3A_24 : memref<32768xf32, #tpu.memory_space<vmem>>) dst(%dma_wait3A_22 : memref<32768xf32, #tpu.memory_space<hbm>>)
      tpu.yield
    }) : () -> ()
    %broadcast_in_dim3A = vector.broadcast %scan3A_12 : i32 to vector<16xi32>
    %swap3A = arith.constant 0 : index
    %swap3A_14 = tpu.vector_load %arg17[%swap3A] {strides = array<i32>} : memref<16xi32, #tpu.memory_space<vmem>>, vector<16xi32>,
    tpu.vector_store %arg17[%swap3A], %broadcast_in_dim3A {strides = array<i32>} : memref<16xi32, #tpu.memory_space<vmem>>, vector<16xi32>,
    "tpu.region"() ({
      %run_scoped3A = tpu.sem_alloc : memref<!tpu.dma_semaphore, #tpu.memory_space<semaphore_mem>>
      %dma_start3A = arith.constant 0 : i32
      %dma_start3A_15 = tpu.memref_slice %arg8[%add3A, %dma_start3A] : memref<32x16xi32, #tpu.memory_space<hbm>> -> memref<1x16xi32, #tpu.memory_space<hbm>>
      %dma_start3A_16 = tpu.memref_squeeze %dma_start3A_15 : memref<1x16xi32, #tpu.memory_space<hbm>> -> memref<16xi32, #tpu.memory_space<hbm>>
      %dma_start3A_17 = arith.constant 0 : i32
      %dma_start3A_18 = tpu.memref_slice %arg8[%add3A, %dma_start3A_17] : memref<32x16xi32, #tpu.memory_space<hbm>> -> memref<1x16xi32, #tpu.memory_space<hbm>>
      %dma_start3A_19 = tpu.memref_squeeze %dma_start3A_18 : memref<1x16xi32, #tpu.memory_space<hbm>> -> memref<16xi32, #tpu.memory_space<hbm>>
      tpu.enqueue_dma source(%arg17 : memref<16xi32, #tpu.memory_space<vmem>>) target(%dma_start3A_19 : memref<16xi32, #tpu.memory_space<hbm>>) target_semaphore(%run_scoped3A : memref<!tpu.dma_semaphore, #tpu.memory_space<semaphore_mem>>)
      %dma_wait3A = arith.constant 0 : i32
      %dma_wait3A_20 = tpu.memref_slice %arg8[%add3A, %dma_wait3A] : memref<32x16xi32, #tpu.memory_space<hbm>> -> memref<1x16xi32, #tpu.memory_space<hbm>>
      %dma_wait3A_21 = tpu.memref_squeeze %dma_wait3A_20 : memref<1x16xi32, #tpu.memory_space<hbm>> -> memref<16xi32, #tpu.memory_space<hbm>>
      %dma_wait3A_22 = arith.constant 0 : i32
      %dma_wait3A_23 = tpu.memref_slice %arg8[%add3A, %dma_wait3A_22] : memref<32x16xi32, #tpu.memory_space<hbm>> -> memref<1x16xi32, #tpu.memory_space<hbm>>
      %dma_wait3A_24 = tpu.memref_squeeze %dma_wait3A_23 : memref<1x16xi32, #tpu.memory_space<hbm>> -> memref<16xi32, #tpu.memory_space<hbm>>
      tpu.wait_dma2 semaphore(%run_scoped3A : memref<!tpu.dma_semaphore, #tpu.memory_space<semaphore_mem>>) src(%arg17 : memref<16xi32, #tpu.memory_space<vmem>>) dst(%dma_wait3A_24 : memref<16xi32, #tpu.memory_space<hbm>>)
      tpu.yield
    }) : () -> ()
    return
  }
}

#map = affine_map<(d0, d1) -> (0, 0)>
#map1 = affine_map<(d0, d1) -> (0)>
module attributes {stable_mosaic.version = 14 : i64} {
  func.func @_k2(%arg0: i32, %arg1: i32, %arg2: memref<32x16xi32, #tpu.memory_space<hbm>>, %arg3: memref<2097152xf32, #tpu.memory_space<hbm>>, %arg4: memref<2097152xf32, #tpu.memory_space<hbm>>, %arg5: memref<32x32768xf32, #tpu.memory_space<hbm>>, %arg6: memref<32x32768xf32, #tpu.memory_space<hbm>>, %arg7: memref<32x16xi32, #tpu.memory_space<vmem>>, %arg8: memref<48xi32, #tpu.memory_space<vmem>>, %arg9: memref<40xi32, #tpu.memory_space<smem>>, %arg10: memref<40xi32, #tpu.memory_space<smem>>, %arg11: memref<32768xi32, #tpu.memory_space<vmem>>, %arg12: memref<32768xf32, #tpu.memory_space<vmem>>, %arg13: memref<32768xf32, #tpu.memory_space<vmem>>, %arg14: memref<!tpu.dma_semaphore, #tpu.memory_space<semaphore_mem>>, %arg15: memref<!tpu.dma_semaphore, #tpu.memory_space<semaphore_mem>>) attributes {dimension_semantics = [#tpu.dimension_semantics<core_parallel>, #tpu.dimension_semantics<subcore_parallel>], iteration_bounds = array<i64: 2, 16>, scalar_prefetch = 0 : i64, scratch_operands = 9 : i64, tpu.core_type = #tpu.core_type<sc_vector_subcore>, window_params = [{transform_indices = #map}, {transform_indices = #map1}, {transform_indices = #map1}, {transform_indices = #map}, {transform_indices = #map}]} {
    %mul3A = arith.constant 2 : i32
    %mul3A_0 = arith.muli %arg1, %mul3A : i32
    %add3A = arith.addi %mul3A_0, %arg0 : i32
    %mul3A_1 = arith.constant 32768 : i32
    %mul3A_2 = arith.muli %add3A, %mul3A_1 : i32
    "tpu.region"() ({
      %run_scoped3A = tpu.sem_alloc : memref<!tpu.dma_semaphore, #tpu.memory_space<semaphore_mem>>
      tpu.enqueue_dma source(%arg2 : memref<32x16xi32, #tpu.memory_space<hbm>>) target(%arg7 : memref<32x16xi32, #tpu.memory_space<vmem>>) target_semaphore(%run_scoped3A : memref<!tpu.dma_semaphore, #tpu.memory_space<semaphore_mem>>)
      tpu.wait_dma2 semaphore(%run_scoped3A : memref<!tpu.dma_semaphore, #tpu.memory_space<semaphore_mem>>) src(%arg2 : memref<32x16xi32, #tpu.memory_space<hbm>>) dst(%arg7 : memref<32x16xi32, #tpu.memory_space<vmem>>)
      tpu.yield
    }) : () -> ()
    %iota3A = tpu.iota {dimensions = array<i32: 0>} : vector<16xi32>
    %eq3A = arith.constant 0 : i32
    %eq3A_3 = vector.broadcast %eq3A : i32 to vector<16xi32>
    %eq3A_4 = arith.cmpi eq, %iota3A, %eq3A_3 : vector<16xi32>
    %swap3A = arith.constant 0 : i32
    %swap3A_5 = arith.constant 0 : i32
    %swap3A_6 = arith.index_cast %swap3A_5 : i32 to index
    %swap3A_7 = memref.load %arg9[%swap3A_6] : memref<40xi32, #tpu.memory_space<smem>>
    memref.store %swap3A, %arg9[%swap3A_6] : memref<40xi32, #tpu.memory_space<smem>>
    %sub3A = arith.constant 0 : i32
    %sub3A_8 = arith.constant 0 : i32
    %sub3A_9 = arith.subi %sub3A, %sub3A_8 : i32
    %swap3A_10 = arith.constant 0 : i32
    %swap3A_11 = arith.index_cast %swap3A_10 : i32 to index
    %swap3A_12 = memref.load %arg10[%swap3A_11] : memref<40xi32, #tpu.memory_space<smem>>
    memref.store %sub3A_9, %arg10[%swap3A_11] : memref<40xi32, #tpu.memory_space<smem>>
    %broadcast_in_dim3A = arith.constant 0 : i32
    %broadcast_in_dim3A_13 = vector.broadcast %broadcast_in_dim3A : i32 to vector<16xi32>
    %broadcast_in_dim3A_14 = vector.broadcast %sub3A_9 : i32 to vector<16xi32>
    tpu.vector_store_idx %arg8[%broadcast_in_dim3A_13], %broadcast_in_dim3A_14 masked %eq3A_4 : memref<48xi32, #tpu.memory_space<vmem>>[vector<16xi32>], vector<16xi32>, vector<16xi1>
    %get3A = arith.constant 0 : i32
    %get3A_15 = arith.index_cast %get3A : i32 to index
    %get3A_16 = arith.constant 0 : index
    %get3A_17 = tpu.vector_load %arg7[%get3A_15, %get3A_16] {strides = array<i32>} : memref<32x16xi32, #tpu.memory_space<vmem>>, vector<16xi32>,
    %reduce_max3A = arith.constant true
    %reduce_max3A_18 = vector.broadcast %reduce_max3A : i1 to vector<16xi1>
    %reduce_max3A_19 = arith.constant -2147483648 : i32
    %reduce_max3A_20 = vector.broadcast %reduce_max3A_19 : i32 to vector<16xi32>
    %reduce_max3A_21 = arith.xori %get3A_17, %reduce_max3A_20 : vector<16xi32>
    %reduce_max3A_22 = tpu.scan <max>, %reduce_max3A_21 masked %reduce_max3A_18 : vector<16xi32>, vector<16xi1> -> vector<16xi32>
    %reduce_max3A_23 = arith.xori %reduce_max3A_22, %reduce_max3A_20 : vector<16xi32>
    %reduce_max3A_24 = vector.extract %reduce_max3A_23[15] : i32 from vector<16xi32>
    %add3A_25 = arith.constant 0 : i32
    %add3A_26 = arith.addi %add3A_25, %reduce_max3A_24 : i32
    %swap3A_27 = arith.constant 1 : i32
    %swap3A_28 = arith.index_cast %swap3A_27 : i32 to index
    %swap3A_29 = memref.load %arg9[%swap3A_28] : memref<40xi32, #tpu.memory_space<smem>>
    memref.store %add3A_26, %arg9[%swap3A_28] : memref<40xi32, #tpu.memory_space<smem>>
    %sub3A_30 = arith.constant 32768 : i32
    %sub3A_31 = arith.subi %sub3A_30, %add3A_26 : i32
    %swap3A_32 = arith.constant 1 : i32
    %swap3A_33 = arith.index_cast %swap3A_32 : i32 to index
    %swap3A_34 = memref.load %arg10[%swap3A_33] : memref<40xi32, #tpu.memory_space<smem>>
    memref.store %sub3A_31, %arg10[%swap3A_33] : memref<40xi32, #tpu.memory_space<smem>>
    %broadcast_in_dim3A_35 = arith.constant 1 : i32
    %broadcast_in_dim3A_36 = vector.broadcast %broadcast_in_dim3A_35 : i32 to vector<16xi32>
    %broadcast_in_dim3A_37 = vector.broadcast %sub3A_31 : i32 to vector<16xi32>
    tpu.vector_store_idx %arg8[%broadcast_in_dim3A_36], %broadcast_in_dim3A_37 masked %eq3A_4 : memref<48xi32, #tpu.memory_space<vmem>>[vector<16xi32>], vector<16xi32>, vector<16xi1>
    %get3A_38 = arith.constant 1 : i32
    %get3A_39 = arith.index_cast %get3A_38 : i32 to index
    %get3A_40 = arith.constant 0 : index
    %get3A_41 = tpu.vector_load %arg7[%get3A_39, %get3A_40] {strides = array<i32>} : memref<32x16xi32, #tpu.memory_space<vmem>>, vector<16xi32>,
    %reduce_max3A_42 = arith.constant true
    %reduce_max3A_43 = vector.broadcast %reduce_max3A_42 : i1 to vector<16xi1>
    %reduce_max3A_44 = arith.constant -2147483648 : i32
    %reduce_max3A_45 = vector.broadcast %reduce_max3A_44 : i32 to vector<16xi32>
    %reduce_max3A_46 = arith.xori %get3A_41, %reduce_max3A_45 : vector<16xi32>
    %reduce_max3A_47 = tpu.scan <max>, %reduce_max3A_46 masked %reduce_max3A_43 : vector<16xi32>, vector<16xi1> -> vector<16xi32>
    %reduce_max3A_48 = arith.xori %reduce_max3A_47, %reduce_max3A_45 : vector<16xi32>
    %reduce_max3A_49 = vector.extract %reduce_max3A_48[15] : i32 from vector<16xi32>
    %add3A_50 = arith.addi %add3A_26, %reduce_max3A_49 : i32
    %swap3A_51 = arith.constant 2 : i32
    %swap3A_52 = arith.index_cast %swap3A_51 : i32 to index
    %swap3A_53 = memref.load %arg9[%swap3A_52] : memref<40xi32, #tpu.memory_space<smem>>
    memref.store %add3A_50, %arg9[%swap3A_52] : memref<40xi32, #tpu.memory_space<smem>>
    %sub3A_54 = arith.constant 65536 : i32
    %sub3A_55 = arith.subi %sub3A_54, %add3A_50 : i32
    %swap3A_56 = arith.constant 2 : i32
    %swap3A_57 = arith.index_cast %swap3A_56 : i32 to index
    %swap3A_58 = memref.load %arg10[%swap3A_57] : memref<40xi32, #tpu.memory_space<smem>>
    memref.store %sub3A_55, %arg10[%swap3A_57] : memref<40xi32, #tpu.memory_space<smem>>
    %broadcast_in_dim3A_59 = arith.constant 2 : i32
    %broadcast_in_dim3A_60 = vector.broadcast %broadcast_in_dim3A_59 : i32 to vector<16xi32>
    %broadcast_in_dim3A_61 = vector.broadcast %sub3A_55 : i32 to vector<16xi32>
    tpu.vector_store_idx %arg8[%broadcast_in_dim3A_60], %broadcast_in_dim3A_61 masked %eq3A_4 : memref<48xi32, #tpu.memory_space<vmem>>[vector<16xi32>], vector<16xi32>, vector<16xi1>
    %get3A_62 = arith.constant 2 : i32
    %get3A_63 = arith.index_cast %get3A_62 : i32 to index
    %get3A_64 = arith.constant 0 : index
    %get3A_65 = tpu.vector_load %arg7[%get3A_63, %get3A_64] {strides = array<i32>} : memref<32x16xi32, #tpu.memory_space<vmem>>, vector<16xi32>,
    %reduce_max3A_66 = arith.constant true
    %reduce_max3A_67 = vector.broadcast %reduce_max3A_66 : i1 to vector<16xi1>
    %reduce_max3A_68 = arith.constant -2147483648 : i32
    %reduce_max3A_69 = vector.broadcast %reduce_max3A_68 : i32 to vector<16xi32>
    %reduce_max3A_70 = arith.xori %get3A_65, %reduce_max3A_69 : vector<16xi32>
    %reduce_max3A_71 = tpu.scan <max>, %reduce_max3A_70 masked %reduce_max3A_67 : vector<16xi32>, vector<16xi1> -> vector<16xi32>
    %reduce_max3A_72 = arith.xori %reduce_max3A_71, %reduce_max3A_69 : vector<16xi32>
    %reduce_max3A_73 = vector.extract %reduce_max3A_72[15] : i32 from vector<16xi32>
    %add3A_74 = arith.addi %add3A_50, %reduce_max3A_73 : i32
    %swap3A_75 = arith.constant 3 : i32
    %swap3A_76 = arith.index_cast %swap3A_75 : i32 to index
    %swap3A_77 = memref.load %arg9[%swap3A_76] : memref<40xi32, #tpu.memory_space<smem>>
    memref.store %add3A_74, %arg9[%swap3A_76] : memref<40xi32, #tpu.memory_space<smem>>
    %sub3A_78 = arith.constant 98304 : i32
    %sub3A_79 = arith.subi %sub3A_78, %add3A_74 : i32
    %swap3A_80 = arith.constant 3 : i32
    %swap3A_81 = arith.index_cast %swap3A_80 : i32 to index
    %swap3A_82 = memref.load %arg10[%swap3A_81] : memref<40xi32, #tpu.memory_space<smem>>
    memref.store %sub3A_79, %arg10[%swap3A_81] : memref<40xi32, #tpu.memory_space<smem>>
    %broadcast_in_dim3A_83 = arith.constant 3 : i32
    %broadcast_in_dim3A_84 = vector.broadcast %broadcast_in_dim3A_83 : i32 to vector<16xi32>
    %broadcast_in_dim3A_85 = vector.broadcast %sub3A_79 : i32 to vector<16xi32>
    tpu.vector_store_idx %arg8[%broadcast_in_dim3A_84], %broadcast_in_dim3A_85 masked %eq3A_4 : memref<48xi32, #tpu.memory_space<vmem>>[vector<16xi32>], vector<16xi32>, vector<16xi1>
    %get3A_86 = arith.constant 3 : i32
    %get3A_87 = arith.index_cast %get3A_86 : i32 to index
    %get3A_88 = arith.constant 0 : index
    %get3A_89 = tpu.vector_load %arg7[%get3A_87, %get3A_88] {strides = array<i32>} : memref<32x16xi32, #tpu.memory_space<vmem>>, vector<16xi32>,
    %reduce_max3A_90 = arith.constant true
    %reduce_max3A_91 = vector.broadcast %reduce_max3A_90 : i1 to vector<16xi1>
    %reduce_max3A_92 = arith.constant -2147483648 : i32
    %reduce_max3A_93 = vector.broadcast %reduce_max3A_92 : i32 to vector<16xi32>
    %reduce_max3A_94 = arith.xori %get3A_89, %reduce_max3A_93 : vector<16xi32>
    %reduce_max3A_95 = tpu.scan <max>, %reduce_max3A_94 masked %reduce_max3A_91 : vector<16xi32>, vector<16xi1> -> vector<16xi32>
    %reduce_max3A_96 = arith.xori %reduce_max3A_95, %reduce_max3A_93 : vector<16xi32>
    %reduce_max3A_97 = vector.extract %reduce_max3A_96[15] : i32 from vector<16xi32>
    %add3A_98 = arith.addi %add3A_74, %reduce_max3A_97 : i32
    %swap3A_99 = arith.constant 4 : i32
    %swap3A_100 = arith.index_cast %swap3A_99 : i32 to index
    %swap3A_101 = memref.load %arg9[%swap3A_100] : memref<40xi32, #tpu.memory_space<smem>>
    memref.store %add3A_98, %arg9[%swap3A_100] : memref<40xi32, #tpu.memory_space<smem>>
    %sub3A_102 = arith.constant 131072 : i32
    %sub3A_103 = arith.subi %sub3A_102, %add3A_98 : i32
    %swap3A_104 = arith.constant 4 : i32
    %swap3A_105 = arith.index_cast %swap3A_104 : i32 to index
    %swap3A_106 = memref.load %arg10[%swap3A_105] : memref<40xi32, #tpu.memory_space<smem>>
    memref.store %sub3A_103, %arg10[%swap3A_105] : memref<40xi32, #tpu.memory_space<smem>>
    %broadcast_in_dim3A_107 = arith.constant 4 : i32
    %broadcast_in_dim3A_108 = vector.broadcast %broadcast_in_dim3A_107 : i32 to vector<16xi32>
    %broadcast_in_dim3A_109 = vector.broadcast %sub3A_103 : i32 to vector<16xi32>
    tpu.vector_store_idx %arg8[%broadcast_in_dim3A_108], %broadcast_in_dim3A_109 masked %eq3A_4 : memref<48xi32, #tpu.memory_space<vmem>>[vector<16xi32>], vector<16xi32>, vector<16xi1>
    %get3A_110 = arith.constant 4 : i32
    %get3A_111 = arith.index_cast %get3A_110 : i32 to index
    %get3A_112 = arith.constant 0 : index
    %get3A_113 = tpu.vector_load %arg7[%get3A_111, %get3A_112] {strides = array<i32>} : memref<32x16xi32, #tpu.memory_space<vmem>>, vector<16xi32>,
    %reduce_max3A_114 = arith.constant true
    %reduce_max3A_115 = vector.broadcast %reduce_max3A_114 : i1 to vector<16xi1>
    %reduce_max3A_116 = arith.constant -2147483648 : i32
    %reduce_max3A_117 = vector.broadcast %reduce_max3A_116 : i32 to vector<16xi32>
    %reduce_max3A_118 = arith.xori %get3A_113, %reduce_max3A_117 : vector<16xi32>
    %reduce_max3A_119 = tpu.scan <max>, %reduce_max3A_118 masked %reduce_max3A_115 : vector<16xi32>, vector<16xi1> -> vector<16xi32>
    %reduce_max3A_120 = arith.xori %reduce_max3A_119, %reduce_max3A_117 : vector<16xi32>
    %reduce_max3A_121 = vector.extract %reduce_max3A_120[15] : i32 from vector<16xi32>
    %add3A_122 = arith.addi %add3A_98, %reduce_max3A_121 : i32
    %swap3A_123 = arith.constant 5 : i32
    %swap3A_124 = arith.index_cast %swap3A_123 : i32 to index
    %swap3A_125 = memref.load %arg9[%swap3A_124] : memref<40xi32, #tpu.memory_space<smem>>
    memref.store %add3A_122, %arg9[%swap3A_124] : memref<40xi32, #tpu.memory_space<smem>>
    %sub3A_126 = arith.constant 163840 : i32
    %sub3A_127 = arith.subi %sub3A_126, %add3A_122 : i32
    %swap3A_128 = arith.constant 5 : i32
    %swap3A_129 = arith.index_cast %swap3A_128 : i32 to index
    %swap3A_130 = memref.load %arg10[%swap3A_129] : memref<40xi32, #tpu.memory_space<smem>>
    memref.store %sub3A_127, %arg10[%swap3A_129] : memref<40xi32, #tpu.memory_space<smem>>
    %broadcast_in_dim3A_131 = arith.constant 5 : i32
    %broadcast_in_dim3A_132 = vector.broadcast %broadcast_in_dim3A_131 : i32 to vector<16xi32>
    %broadcast_in_dim3A_133 = vector.broadcast %sub3A_127 : i32 to vector<16xi32>
    tpu.vector_store_idx %arg8[%broadcast_in_dim3A_132], %broadcast_in_dim3A_133 masked %eq3A_4 : memref<48xi32, #tpu.memory_space<vmem>>[vector<16xi32>], vector<16xi32>, vector<16xi1>
    %get3A_134 = arith.constant 5 : i32
    %get3A_135 = arith.index_cast %get3A_134 : i32 to index
    %get3A_136 = arith.constant 0 : index
    %get3A_137 = tpu.vector_load %arg7[%get3A_135, %get3A_136] {strides = array<i32>} : memref<32x16xi32, #tpu.memory_space<vmem>>, vector<16xi32>,
    %reduce_max3A_138 = arith.constant true
    %reduce_max3A_139 = vector.broadcast %reduce_max3A_138 : i1 to vector<16xi1>
    %reduce_max3A_140 = arith.constant -2147483648 : i32
    %reduce_max3A_141 = vector.broadcast %reduce_max3A_140 : i32 to vector<16xi32>
    %reduce_max3A_142 = arith.xori %get3A_137, %reduce_max3A_141 : vector<16xi32>
    %reduce_max3A_143 = tpu.scan <max>, %reduce_max3A_142 masked %reduce_max3A_139 : vector<16xi32>, vector<16xi1> -> vector<16xi32>
    %reduce_max3A_144 = arith.xori %reduce_max3A_143, %reduce_max3A_141 : vector<16xi32>
    %reduce_max3A_145 = vector.extract %reduce_max3A_144[15] : i32 from vector<16xi32>
    %add3A_146 = arith.addi %add3A_122, %reduce_max3A_145 : i32
    %swap3A_147 = arith.constant 6 : i32
    %swap3A_148 = arith.index_cast %swap3A_147 : i32 to index
    %swap3A_149 = memref.load %arg9[%swap3A_148] : memref<40xi32, #tpu.memory_space<smem>>
    memref.store %add3A_146, %arg9[%swap3A_148] : memref<40xi32, #tpu.memory_space<smem>>
    %sub3A_150 = arith.constant 196608 : i32
    %sub3A_151 = arith.subi %sub3A_150, %add3A_146 : i32
    %swap3A_152 = arith.constant 6 : i32
    %swap3A_153 = arith.index_cast %swap3A_152 : i32 to index
    %swap3A_154 = memref.load %arg10[%swap3A_153] : memref<40xi32, #tpu.memory_space<smem>>
    memref.store %sub3A_151, %arg10[%swap3A_153] : memref<40xi32, #tpu.memory_space<smem>>
    %broadcast_in_dim3A_155 = arith.constant 6 : i32
    %broadcast_in_dim3A_156 = vector.broadcast %broadcast_in_dim3A_155 : i32 to vector<16xi32>
    %broadcast_in_dim3A_157 = vector.broadcast %sub3A_151 : i32 to vector<16xi32>
    tpu.vector_store_idx %arg8[%broadcast_in_dim3A_156], %broadcast_in_dim3A_157 masked %eq3A_4 : memref<48xi32, #tpu.memory_space<vmem>>[vector<16xi32>], vector<16xi32>, vector<16xi1>
    %get3A_158 = arith.constant 6 : i32
    %get3A_159 = arith.index_cast %get3A_158 : i32 to index
    %get3A_160 = arith.constant 0 : index
    %get3A_161 = tpu.vector_load %arg7[%get3A_159, %get3A_160] {strides = array<i32>} : memref<32x16xi32, #tpu.memory_space<vmem>>, vector<16xi32>,
    %reduce_max3A_162 = arith.constant true
    %reduce_max3A_163 = vector.broadcast %reduce_max3A_162 : i1 to vector<16xi1>
    %reduce_max3A_164 = arith.constant -2147483648 : i32
    %reduce_max3A_165 = vector.broadcast %reduce_max3A_164 : i32 to vector<16xi32>
    %reduce_max3A_166 = arith.xori %get3A_161, %reduce_max3A_165 : vector<16xi32>
    %reduce_max3A_167 = tpu.scan <max>, %reduce_max3A_166 masked %reduce_max3A_163 : vector<16xi32>, vector<16xi1> -> vector<16xi32>
    %reduce_max3A_168 = arith.xori %reduce_max3A_167, %reduce_max3A_165 : vector<16xi32>
    %reduce_max3A_169 = vector.extract %reduce_max3A_168[15] : i32 from vector<16xi32>
    %add3A_170 = arith.addi %add3A_146, %reduce_max3A_169 : i32
    %swap3A_171 = arith.constant 7 : i32
    %swap3A_172 = arith.index_cast %swap3A_171 : i32 to index
    %swap3A_173 = memref.load %arg9[%swap3A_172] : memref<40xi32, #tpu.memory_space<smem>>
    memref.store %add3A_170, %arg9[%swap3A_172] : memref<40xi32, #tpu.memory_space<smem>>
    %sub3A_174 = arith.constant 229376 : i32
    %sub3A_175 = arith.subi %sub3A_174, %add3A_170 : i32
    %swap3A_176 = arith.constant 7 : i32
    %swap3A_177 = arith.index_cast %swap3A_176 : i32 to index
    %swap3A_178 = memref.load %arg10[%swap3A_177] : memref<40xi32, #tpu.memory_space<smem>>
    memref.store %sub3A_175, %arg10[%swap3A_177] : memref<40xi32, #tpu.memory_space<smem>>
    %broadcast_in_dim3A_179 = arith.constant 7 : i32
    %broadcast_in_dim3A_180 = vector.broadcast %broadcast_in_dim3A_179 : i32 to vector<16xi32>
    %broadcast_in_dim3A_181 = vector.broadcast %sub3A_175 : i32 to vector<16xi32>
    tpu.vector_store_idx %arg8[%broadcast_in_dim3A_180], %broadcast_in_dim3A_181 masked %eq3A_4 : memref<48xi32, #tpu.memory_space<vmem>>[vector<16xi32>], vector<16xi32>, vector<16xi1>
    %get3A_182 = arith.constant 7 : i32
    %get3A_183 = arith.index_cast %get3A_182 : i32 to index
    %get3A_184 = arith.constant 0 : index
    %get3A_185 = tpu.vector_load %arg7[%get3A_183, %get3A_184] {strides = array<i32>} : memref<32x16xi32, #tpu.memory_space<vmem>>, vector<16xi32>,
    %reduce_max3A_186 = arith.constant true
    %reduce_max3A_187 = vector.broadcast %reduce_max3A_186 : i1 to vector<16xi1>
    %reduce_max3A_188 = arith.constant -2147483648 : i32
    %reduce_max3A_189 = vector.broadcast %reduce_max3A_188 : i32 to vector<16xi32>
    %reduce_max3A_190 = arith.xori %get3A_185, %reduce_max3A_189 : vector<16xi32>
    %reduce_max3A_191 = tpu.scan <max>, %reduce_max3A_190 masked %reduce_max3A_187 : vector<16xi32>, vector<16xi1> -> vector<16xi32>
    %reduce_max3A_192 = arith.xori %reduce_max3A_191, %reduce_max3A_189 : vector<16xi32>
    %reduce_max3A_193 = vector.extract %reduce_max3A_192[15] : i32 from vector<16xi32>
    %add3A_194 = arith.addi %add3A_170, %reduce_max3A_193 : i32
    %swap3A_195 = arith.constant 8 : i32
    %swap3A_196 = arith.index_cast %swap3A_195 : i32 to index
    %swap3A_197 = memref.load %arg9[%swap3A_196] : memref<40xi32, #tpu.memory_space<smem>>
    memref.store %add3A_194, %arg9[%swap3A_196] : memref<40xi32, #tpu.memory_space<smem>>
    %sub3A_198 = arith.constant 262144 : i32
    %sub3A_199 = arith.subi %sub3A_198, %add3A_194 : i32
    %swap3A_200 = arith.constant 8 : i32
    %swap3A_201 = arith.index_cast %swap3A_200 : i32 to index
    %swap3A_202 = memref.load %arg10[%swap3A_201] : memref<40xi32, #tpu.memory_space<smem>>
    memref.store %sub3A_199, %arg10[%swap3A_201] : memref<40xi32, #tpu.memory_space<smem>>
    %broadcast_in_dim3A_203 = arith.constant 8 : i32
    %broadcast_in_dim3A_204 = vector.broadcast %broadcast_in_dim3A_203 : i32 to vector<16xi32>
    %broadcast_in_dim3A_205 = vector.broadcast %sub3A_199 : i32 to vector<16xi32>
    tpu.vector_store_idx %arg8[%broadcast_in_dim3A_204], %broadcast_in_dim3A_205 masked %eq3A_4 : memref<48xi32, #tpu.memory_space<vmem>>[vector<16xi32>], vector<16xi32>, vector<16xi1>
    %get3A_206 = arith.constant 8 : i32
    %get3A_207 = arith.index_cast %get3A_206 : i32 to index
    %get3A_208 = arith.constant 0 : index
    %get3A_209 = tpu.vector_load %arg7[%get3A_207, %get3A_208] {strides = array<i32>} : memref<32x16xi32, #tpu.memory_space<vmem>>, vector<16xi32>,
    %reduce_max3A_210 = arith.constant true
    %reduce_max3A_211 = vector.broadcast %reduce_max3A_210 : i1 to vector<16xi1>
    %reduce_max3A_212 = arith.constant -2147483648 : i32
    %reduce_max3A_213 = vector.broadcast %reduce_max3A_212 : i32 to vector<16xi32>
    %reduce_max3A_214 = arith.xori %get3A_209, %reduce_max3A_213 : vector<16xi32>
    %reduce_max3A_215 = tpu.scan <max>, %reduce_max3A_214 masked %reduce_max3A_211 : vector<16xi32>, vector<16xi1> -> vector<16xi32>
    %reduce_max3A_216 = arith.xori %reduce_max3A_215, %reduce_max3A_213 : vector<16xi32>
    %reduce_max3A_217 = vector.extract %reduce_max3A_216[15] : i32 from vector<16xi32>
    %add3A_218 = arith.addi %add3A_194, %reduce_max3A_217 : i32
    %swap3A_219 = arith.constant 9 : i32
    %swap3A_220 = arith.index_cast %swap3A_219 : i32 to index
    %swap3A_221 = memref.load %arg9[%swap3A_220] : memref<40xi32, #tpu.memory_space<smem>>
    memref.store %add3A_218, %arg9[%swap3A_220] : memref<40xi32, #tpu.memory_space<smem>>
    %sub3A_222 = arith.constant 294912 : i32
    %sub3A_223 = arith.subi %sub3A_222, %add3A_218 : i32
    %swap3A_224 = arith.constant 9 : i32
    %swap3A_225 = arith.index_cast %swap3A_224 : i32 to index
    %swap3A_226 = memref.load %arg10[%swap3A_225] : memref<40xi32, #tpu.memory_space<smem>>
    memref.store %sub3A_223, %arg10[%swap3A_225] : memref<40xi32, #tpu.memory_space<smem>>
    %broadcast_in_dim3A_227 = arith.constant 9 : i32
    %broadcast_in_dim3A_228 = vector.broadcast %broadcast_in_dim3A_227 : i32 to vector<16xi32>
    %broadcast_in_dim3A_229 = vector.broadcast %sub3A_223 : i32 to vector<16xi32>
    tpu.vector_store_idx %arg8[%broadcast_in_dim3A_228], %broadcast_in_dim3A_229 masked %eq3A_4 : memref<48xi32, #tpu.memory_space<vmem>>[vector<16xi32>], vector<16xi32>, vector<16xi1>
    %get3A_230 = arith.constant 9 : i32
    %get3A_231 = arith.index_cast %get3A_230 : i32 to index
    %get3A_232 = arith.constant 0 : index
    %get3A_233 = tpu.vector_load %arg7[%get3A_231, %get3A_232] {strides = array<i32>} : memref<32x16xi32, #tpu.memory_space<vmem>>, vector<16xi32>,
    %reduce_max3A_234 = arith.constant true
    %reduce_max3A_235 = vector.broadcast %reduce_max3A_234 : i1 to vector<16xi1>
    %reduce_max3A_236 = arith.constant -2147483648 : i32
    %reduce_max3A_237 = vector.broadcast %reduce_max3A_236 : i32 to vector<16xi32>
    %reduce_max3A_238 = arith.xori %get3A_233, %reduce_max3A_237 : vector<16xi32>
    %reduce_max3A_239 = tpu.scan <max>, %reduce_max3A_238 masked %reduce_max3A_235 : vector<16xi32>, vector<16xi1> -> vector<16xi32>
    %reduce_max3A_240 = arith.xori %reduce_max3A_239, %reduce_max3A_237 : vector<16xi32>
    %reduce_max3A_241 = vector.extract %reduce_max3A_240[15] : i32 from vector<16xi32>
    %add3A_242 = arith.addi %add3A_218, %reduce_max3A_241 : i32
    %swap3A_243 = arith.constant 10 : i32
    %swap3A_244 = arith.index_cast %swap3A_243 : i32 to index
    %swap3A_245 = memref.load %arg9[%swap3A_244] : memref<40xi32, #tpu.memory_space<smem>>
    memref.store %add3A_242, %arg9[%swap3A_244] : memref<40xi32, #tpu.memory_space<smem>>
    %sub3A_246 = arith.constant 327680 : i32
    %sub3A_247 = arith.subi %sub3A_246, %add3A_242 : i32
    %swap3A_248 = arith.constant 10 : i32
    %swap3A_249 = arith.index_cast %swap3A_248 : i32 to index
    %swap3A_250 = memref.load %arg10[%swap3A_249] : memref<40xi32, #tpu.memory_space<smem>>
    memref.store %sub3A_247, %arg10[%swap3A_249] : memref<40xi32, #tpu.memory_space<smem>>
    %broadcast_in_dim3A_251 = arith.constant 10 : i32
    %broadcast_in_dim3A_252 = vector.broadcast %broadcast_in_dim3A_251 : i32 to vector<16xi32>
    %broadcast_in_dim3A_253 = vector.broadcast %sub3A_247 : i32 to vector<16xi32>
    tpu.vector_store_idx %arg8[%broadcast_in_dim3A_252], %broadcast_in_dim3A_253 masked %eq3A_4 : memref<48xi32, #tpu.memory_space<vmem>>[vector<16xi32>], vector<16xi32>, vector<16xi1>
    %get3A_254 = arith.constant 10 : i32
    %get3A_255 = arith.index_cast %get3A_254 : i32 to index
    %get3A_256 = arith.constant 0 : index
    %get3A_257 = tpu.vector_load %arg7[%get3A_255, %get3A_256] {strides = array<i32>} : memref<32x16xi32, #tpu.memory_space<vmem>>, vector<16xi32>,
    %reduce_max3A_258 = arith.constant true
    %reduce_max3A_259 = vector.broadcast %reduce_max3A_258 : i1 to vector<16xi1>
    %reduce_max3A_260 = arith.constant -2147483648 : i32
    %reduce_max3A_261 = vector.broadcast %reduce_max3A_260 : i32 to vector<16xi32>
    %reduce_max3A_262 = arith.xori %get3A_257, %reduce_max3A_261 : vector<16xi32>
    %reduce_max3A_263 = tpu.scan <max>, %reduce_max3A_262 masked %reduce_max3A_259 : vector<16xi32>, vector<16xi1> -> vector<16xi32>
    %reduce_max3A_264 = arith.xori %reduce_max3A_263, %reduce_max3A_261 : vector<16xi32>
    %reduce_max3A_265 = vector.extract %reduce_max3A_264[15] : i32 from vector<16xi32>
    %add3A_266 = arith.addi %add3A_242, %reduce_max3A_265 : i32
    %swap3A_267 = arith.constant 11 : i32
    %swap3A_268 = arith.index_cast %swap3A_267 : i32 to index
    %swap3A_269 = memref.load %arg9[%swap3A_268] : memref<40xi32, #tpu.memory_space<smem>>
    memref.store %add3A_266, %arg9[%swap3A_268] : memref<40xi32, #tpu.memory_space<smem>>
    %sub3A_270 = arith.constant 360448 : i32
    %sub3A_271 = arith.subi %sub3A_270, %add3A_266 : i32
    %swap3A_272 = arith.constant 11 : i32
    %swap3A_273 = arith.index_cast %swap3A_272 : i32 to index
    %swap3A_274 = memref.load %arg10[%swap3A_273] : memref<40xi32, #tpu.memory_space<smem>>
    memref.store %sub3A_271, %arg10[%swap3A_273] : memref<40xi32, #tpu.memory_space<smem>>
    %broadcast_in_dim3A_275 = arith.constant 11 : i32
    %broadcast_in_dim3A_276 = vector.broadcast %broadcast_in_dim3A_275 : i32 to vector<16xi32>
    %broadcast_in_dim3A_277 = vector.broadcast %sub3A_271 : i32 to vector<16xi32>
    tpu.vector_store_idx %arg8[%broadcast_in_dim3A_276], %broadcast_in_dim3A_277 masked %eq3A_4 : memref<48xi32, #tpu.memory_space<vmem>>[vector<16xi32>], vector<16xi32>, vector<16xi1>
    %get3A_278 = arith.constant 11 : i32
    %get3A_279 = arith.index_cast %get3A_278 : i32 to index
    %get3A_280 = arith.constant 0 : index
    %get3A_281 = tpu.vector_load %arg7[%get3A_279, %get3A_280] {strides = array<i32>} : memref<32x16xi32, #tpu.memory_space<vmem>>, vector<16xi32>,
    %reduce_max3A_282 = arith.constant true
    %reduce_max3A_283 = vector.broadcast %reduce_max3A_282 : i1 to vector<16xi1>
    %reduce_max3A_284 = arith.constant -2147483648 : i32
    %reduce_max3A_285 = vector.broadcast %reduce_max3A_284 : i32 to vector<16xi32>
    %reduce_max3A_286 = arith.xori %get3A_281, %reduce_max3A_285 : vector<16xi32>
    %reduce_max3A_287 = tpu.scan <max>, %reduce_max3A_286 masked %reduce_max3A_283 : vector<16xi32>, vector<16xi1> -> vector<16xi32>
    %reduce_max3A_288 = arith.xori %reduce_max3A_287, %reduce_max3A_285 : vector<16xi32>
    %reduce_max3A_289 = vector.extract %reduce_max3A_288[15] : i32 from vector<16xi32>
    %add3A_290 = arith.addi %add3A_266, %reduce_max3A_289 : i32
    %swap3A_291 = arith.constant 12 : i32
    %swap3A_292 = arith.index_cast %swap3A_291 : i32 to index
    %swap3A_293 = memref.load %arg9[%swap3A_292] : memref<40xi32, #tpu.memory_space<smem>>
    memref.store %add3A_290, %arg9[%swap3A_292] : memref<40xi32, #tpu.memory_space<smem>>
    %sub3A_294 = arith.constant 393216 : i32
    %sub3A_295 = arith.subi %sub3A_294, %add3A_290 : i32
    %swap3A_296 = arith.constant 12 : i32
    %swap3A_297 = arith.index_cast %swap3A_296 : i32 to index
    %swap3A_298 = memref.load %arg10[%swap3A_297] : memref<40xi32, #tpu.memory_space<smem>>
    memref.store %sub3A_295, %arg10[%swap3A_297] : memref<40xi32, #tpu.memory_space<smem>>
    %broadcast_in_dim3A_299 = arith.constant 12 : i32
    %broadcast_in_dim3A_300 = vector.broadcast %broadcast_in_dim3A_299 : i32 to vector<16xi32>
    %broadcast_in_dim3A_301 = vector.broadcast %sub3A_295 : i32 to vector<16xi32>
    tpu.vector_store_idx %arg8[%broadcast_in_dim3A_300], %broadcast_in_dim3A_301 masked %eq3A_4 : memref<48xi32, #tpu.memory_space<vmem>>[vector<16xi32>], vector<16xi32>, vector<16xi1>
    %get3A_302 = arith.constant 12 : i32
    %get3A_303 = arith.index_cast %get3A_302 : i32 to index
    %get3A_304 = arith.constant 0 : index
    %get3A_305 = tpu.vector_load %arg7[%get3A_303, %get3A_304] {strides = array<i32>} : memref<32x16xi32, #tpu.memory_space<vmem>>, vector<16xi32>,
    %reduce_max3A_306 = arith.constant true
    %reduce_max3A_307 = vector.broadcast %reduce_max3A_306 : i1 to vector<16xi1>
    %reduce_max3A_308 = arith.constant -2147483648 : i32
    %reduce_max3A_309 = vector.broadcast %reduce_max3A_308 : i32 to vector<16xi32>
    %reduce_max3A_310 = arith.xori %get3A_305, %reduce_max3A_309 : vector<16xi32>
    %reduce_max3A_311 = tpu.scan <max>, %reduce_max3A_310 masked %reduce_max3A_307 : vector<16xi32>, vector<16xi1> -> vector<16xi32>
    %reduce_max3A_312 = arith.xori %reduce_max3A_311, %reduce_max3A_309 : vector<16xi32>
    %reduce_max3A_313 = vector.extract %reduce_max3A_312[15] : i32 from vector<16xi32>
    %add3A_314 = arith.addi %add3A_290, %reduce_max3A_313 : i32
    %swap3A_315 = arith.constant 13 : i32
    %swap3A_316 = arith.index_cast %swap3A_315 : i32 to index
    %swap3A_317 = memref.load %arg9[%swap3A_316] : memref<40xi32, #tpu.memory_space<smem>>
    memref.store %add3A_314, %arg9[%swap3A_316] : memref<40xi32, #tpu.memory_space<smem>>
    %sub3A_318 = arith.constant 425984 : i32
    %sub3A_319 = arith.subi %sub3A_318, %add3A_314 : i32
    %swap3A_320 = arith.constant 13 : i32
    %swap3A_321 = arith.index_cast %swap3A_320 : i32 to index
    %swap3A_322 = memref.load %arg10[%swap3A_321] : memref<40xi32, #tpu.memory_space<smem>>
    memref.store %sub3A_319, %arg10[%swap3A_321] : memref<40xi32, #tpu.memory_space<smem>>
    %broadcast_in_dim3A_323 = arith.constant 13 : i32
    %broadcast_in_dim3A_324 = vector.broadcast %broadcast_in_dim3A_323 : i32 to vector<16xi32>
    %broadcast_in_dim3A_325 = vector.broadcast %sub3A_319 : i32 to vector<16xi32>
    tpu.vector_store_idx %arg8[%broadcast_in_dim3A_324], %broadcast_in_dim3A_325 masked %eq3A_4 : memref<48xi32, #tpu.memory_space<vmem>>[vector<16xi32>], vector<16xi32>, vector<16xi1>
    %get3A_326 = arith.constant 13 : i32
    %get3A_327 = arith.index_cast %get3A_326 : i32 to index
    %get3A_328 = arith.constant 0 : index
    %get3A_329 = tpu.vector_load %arg7[%get3A_327, %get3A_328] {strides = array<i32>} : memref<32x16xi32, #tpu.memory_space<vmem>>, vector<16xi32>,
    %reduce_max3A_330 = arith.constant true
    %reduce_max3A_331 = vector.broadcast %reduce_max3A_330 : i1 to vector<16xi1>
    %reduce_max3A_332 = arith.constant -2147483648 : i32
    %reduce_max3A_333 = vector.broadcast %reduce_max3A_332 : i32 to vector<16xi32>
    %reduce_max3A_334 = arith.xori %get3A_329, %reduce_max3A_333 : vector<16xi32>
    %reduce_max3A_335 = tpu.scan <max>, %reduce_max3A_334 masked %reduce_max3A_331 : vector<16xi32>, vector<16xi1> -> vector<16xi32>
    %reduce_max3A_336 = arith.xori %reduce_max3A_335, %reduce_max3A_333 : vector<16xi32>
    %reduce_max3A_337 = vector.extract %reduce_max3A_336[15] : i32 from vector<16xi32>
    %add3A_338 = arith.addi %add3A_314, %reduce_max3A_337 : i32
    %swap3A_339 = arith.constant 14 : i32
    %swap3A_340 = arith.index_cast %swap3A_339 : i32 to index
    %swap3A_341 = memref.load %arg9[%swap3A_340] : memref<40xi32, #tpu.memory_space<smem>>
    memref.store %add3A_338, %arg9[%swap3A_340] : memref<40xi32, #tpu.memory_space<smem>>
    %sub3A_342 = arith.constant 458752 : i32
    %sub3A_343 = arith.subi %sub3A_342, %add3A_338 : i32
    %swap3A_344 = arith.constant 14 : i32
    %swap3A_345 = arith.index_cast %swap3A_344 : i32 to index
    %swap3A_346 = memref.load %arg10[%swap3A_345] : memref<40xi32, #tpu.memory_space<smem>>
    memref.store %sub3A_343, %arg10[%swap3A_345] : memref<40xi32, #tpu.memory_space<smem>>
    %broadcast_in_dim3A_347 = arith.constant 14 : i32
    %broadcast_in_dim3A_348 = vector.broadcast %broadcast_in_dim3A_347 : i32 to vector<16xi32>
    %broadcast_in_dim3A_349 = vector.broadcast %sub3A_343 : i32 to vector<16xi32>
    tpu.vector_store_idx %arg8[%broadcast_in_dim3A_348], %broadcast_in_dim3A_349 masked %eq3A_4 : memref<48xi32, #tpu.memory_space<vmem>>[vector<16xi32>], vector<16xi32>, vector<16xi1>
    %get3A_350 = arith.constant 14 : i32
    %get3A_351 = arith.index_cast %get3A_350 : i32 to index
    %get3A_352 = arith.constant 0 : index
    %get3A_353 = tpu.vector_load %arg7[%get3A_351, %get3A_352] {strides = array<i32>} : memref<32x16xi32, #tpu.memory_space<vmem>>, vector<16xi32>,
    %reduce_max3A_354 = arith.constant true
    %reduce_max3A_355 = vector.broadcast %reduce_max3A_354 : i1 to vector<16xi1>
    %reduce_max3A_356 = arith.constant -2147483648 : i32
    %reduce_max3A_357 = vector.broadcast %reduce_max3A_356 : i32 to vector<16xi32>
    %reduce_max3A_358 = arith.xori %get3A_353, %reduce_max3A_357 : vector<16xi32>
    %reduce_max3A_359 = tpu.scan <max>, %reduce_max3A_358 masked %reduce_max3A_355 : vector<16xi32>, vector<16xi1> -> vector<16xi32>
    %reduce_max3A_360 = arith.xori %reduce_max3A_359, %reduce_max3A_357 : vector<16xi32>
    %reduce_max3A_361 = vector.extract %reduce_max3A_360[15] : i32 from vector<16xi32>
    %add3A_362 = arith.addi %add3A_338, %reduce_max3A_361 : i32
    %swap3A_363 = arith.constant 15 : i32
    %swap3A_364 = arith.index_cast %swap3A_363 : i32 to index
    %swap3A_365 = memref.load %arg9[%swap3A_364] : memref<40xi32, #tpu.memory_space<smem>>
    memref.store %add3A_362, %arg9[%swap3A_364] : memref<40xi32, #tpu.memory_space<smem>>
    %sub3A_366 = arith.constant 491520 : i32
    %sub3A_367 = arith.subi %sub3A_366, %add3A_362 : i32
    %swap3A_368 = arith.constant 15 : i32
    %swap3A_369 = arith.index_cast %swap3A_368 : i32 to index
    %swap3A_370 = memref.load %arg10[%swap3A_369] : memref<40xi32, #tpu.memory_space<smem>>
    memref.store %sub3A_367, %arg10[%swap3A_369] : memref<40xi32, #tpu.memory_space<smem>>
    %broadcast_in_dim3A_371 = arith.constant 15 : i32
    %broadcast_in_dim3A_372 = vector.broadcast %broadcast_in_dim3A_371 : i32 to vector<16xi32>
    %broadcast_in_dim3A_373 = vector.broadcast %sub3A_367 : i32 to vector<16xi32>
    tpu.vector_store_idx %arg8[%broadcast_in_dim3A_372], %broadcast_in_dim3A_373 masked %eq3A_4 : memref<48xi32, #tpu.memory_space<vmem>>[vector<16xi32>], vector<16xi32>, vector<16xi1>
    %get3A_374 = arith.constant 15 : i32
    %get3A_375 = arith.index_cast %get3A_374 : i32 to index
    %get3A_376 = arith.constant 0 : index
    %get3A_377 = tpu.vector_load %arg7[%get3A_375, %get3A_376] {strides = array<i32>} : memref<32x16xi32, #tpu.memory_space<vmem>>, vector<16xi32>,
    %reduce_max3A_378 = arith.constant true
    %reduce_max3A_379 = vector.broadcast %reduce_max3A_378 : i1 to vector<16xi1>
    %reduce_max3A_380 = arith.constant -2147483648 : i32
    %reduce_max3A_381 = vector.broadcast %reduce_max3A_380 : i32 to vector<16xi32>
    %reduce_max3A_382 = arith.xori %get3A_377, %reduce_max3A_381 : vector<16xi32>
    %reduce_max3A_383 = tpu.scan <max>, %reduce_max3A_382 masked %reduce_max3A_379 : vector<16xi32>, vector<16xi1> -> vector<16xi32>
    %reduce_max3A_384 = arith.xori %reduce_max3A_383, %reduce_max3A_381 : vector<16xi32>
    %reduce_max3A_385 = vector.extract %reduce_max3A_384[15] : i32 from vector<16xi32>
    %add3A_386 = arith.addi %add3A_362, %reduce_max3A_385 : i32
    %swap3A_387 = arith.constant 16 : i32
    %swap3A_388 = arith.index_cast %swap3A_387 : i32 to index
    %swap3A_389 = memref.load %arg9[%swap3A_388] : memref<40xi32, #tpu.memory_space<smem>>
    memref.store %add3A_386, %arg9[%swap3A_388] : memref<40xi32, #tpu.memory_space<smem>>
    %sub3A_390 = arith.constant 524288 : i32
    %sub3A_391 = arith.subi %sub3A_390, %add3A_386 : i32
    %swap3A_392 = arith.constant 16 : i32
    %swap3A_393 = arith.index_cast %swap3A_392 : i32 to index
    %swap3A_394 = memref.load %arg10[%swap3A_393] : memref<40xi32, #tpu.memory_space<smem>>
    memref.store %sub3A_391, %arg10[%swap3A_393] : memref<40xi32, #tpu.memory_space<smem>>
    %broadcast_in_dim3A_395 = arith.constant 16 : i32
    %broadcast_in_dim3A_396 = vector.broadcast %broadcast_in_dim3A_395 : i32 to vector<16xi32>
    %broadcast_in_dim3A_397 = vector.broadcast %sub3A_391 : i32 to vector<16xi32>
    tpu.vector_store_idx %arg8[%broadcast_in_dim3A_396], %broadcast_in_dim3A_397 masked %eq3A_4 : memref<48xi32, #tpu.memory_space<vmem>>[vector<16xi32>], vector<16xi32>, vector<16xi1>
    %get3A_398 = arith.constant 16 : i32
    %get3A_399 = arith.index_cast %get3A_398 : i32 to index
    %get3A_400 = arith.constant 0 : index
    %get3A_401 = tpu.vector_load %arg7[%get3A_399, %get3A_400] {strides = array<i32>} : memref<32x16xi32, #tpu.memory_space<vmem>>, vector<16xi32>,
    %reduce_max3A_402 = arith.constant true
    %reduce_max3A_403 = vector.broadcast %reduce_max3A_402 : i1 to vector<16xi1>
    %reduce_max3A_404 = arith.constant -2147483648 : i32
    %reduce_max3A_405 = vector.broadcast %reduce_max3A_404 : i32 to vector<16xi32>
    %reduce_max3A_406 = arith.xori %get3A_401, %reduce_max3A_405 : vector<16xi32>
    %reduce_max3A_407 = tpu.scan <max>, %reduce_max3A_406 masked %reduce_max3A_403 : vector<16xi32>, vector<16xi1> -> vector<16xi32>
    %reduce_max3A_408 = arith.xori %reduce_max3A_407, %reduce_max3A_405 : vector<16xi32>
    %reduce_max3A_409 = vector.extract %reduce_max3A_408[15] : i32 from vector<16xi32>
    %add3A_410 = arith.addi %add3A_386, %reduce_max3A_409 : i32
    %swap3A_411 = arith.constant 17 : i32
    %swap3A_412 = arith.index_cast %swap3A_411 : i32 to index
    %swap3A_413 = memref.load %arg9[%swap3A_412] : memref<40xi32, #tpu.memory_space<smem>>
    memref.store %add3A_410, %arg9[%swap3A_412] : memref<40xi32, #tpu.memory_space<smem>>
    %sub3A_414 = arith.constant 557056 : i32
    %sub3A_415 = arith.subi %sub3A_414, %add3A_410 : i32
    %swap3A_416 = arith.constant 17 : i32
    %swap3A_417 = arith.index_cast %swap3A_416 : i32 to index
    %swap3A_418 = memref.load %arg10[%swap3A_417] : memref<40xi32, #tpu.memory_space<smem>>
    memref.store %sub3A_415, %arg10[%swap3A_417] : memref<40xi32, #tpu.memory_space<smem>>
    %broadcast_in_dim3A_419 = arith.constant 17 : i32
    %broadcast_in_dim3A_420 = vector.broadcast %broadcast_in_dim3A_419 : i32 to vector<16xi32>
    %broadcast_in_dim3A_421 = vector.broadcast %sub3A_415 : i32 to vector<16xi32>
    tpu.vector_store_idx %arg8[%broadcast_in_dim3A_420], %broadcast_in_dim3A_421 masked %eq3A_4 : memref<48xi32, #tpu.memory_space<vmem>>[vector<16xi32>], vector<16xi32>, vector<16xi1>
    %get3A_422 = arith.constant 17 : i32
    %get3A_423 = arith.index_cast %get3A_422 : i32 to index
    %get3A_424 = arith.constant 0 : index
    %get3A_425 = tpu.vector_load %arg7[%get3A_423, %get3A_424] {strides = array<i32>} : memref<32x16xi32, #tpu.memory_space<vmem>>, vector<16xi32>,
    %reduce_max3A_426 = arith.constant true
    %reduce_max3A_427 = vector.broadcast %reduce_max3A_426 : i1 to vector<16xi1>
    %reduce_max3A_428 = arith.constant -2147483648 : i32
    %reduce_max3A_429 = vector.broadcast %reduce_max3A_428 : i32 to vector<16xi32>
    %reduce_max3A_430 = arith.xori %get3A_425, %reduce_max3A_429 : vector<16xi32>
    %reduce_max3A_431 = tpu.scan <max>, %reduce_max3A_430 masked %reduce_max3A_427 : vector<16xi32>, vector<16xi1> -> vector<16xi32>
    %reduce_max3A_432 = arith.xori %reduce_max3A_431, %reduce_max3A_429 : vector<16xi32>
    %reduce_max3A_433 = vector.extract %reduce_max3A_432[15] : i32 from vector<16xi32>
    %add3A_434 = arith.addi %add3A_410, %reduce_max3A_433 : i32
    %swap3A_435 = arith.constant 18 : i32
    %swap3A_436 = arith.index_cast %swap3A_435 : i32 to index
    %swap3A_437 = memref.load %arg9[%swap3A_436] : memref<40xi32, #tpu.memory_space<smem>>
    memref.store %add3A_434, %arg9[%swap3A_436] : memref<40xi32, #tpu.memory_space<smem>>
    %sub3A_438 = arith.constant 589824 : i32
    %sub3A_439 = arith.subi %sub3A_438, %add3A_434 : i32
    %swap3A_440 = arith.constant 18 : i32
    %swap3A_441 = arith.index_cast %swap3A_440 : i32 to index
    %swap3A_442 = memref.load %arg10[%swap3A_441] : memref<40xi32, #tpu.memory_space<smem>>
    memref.store %sub3A_439, %arg10[%swap3A_441] : memref<40xi32, #tpu.memory_space<smem>>
    %broadcast_in_dim3A_443 = arith.constant 18 : i32
    %broadcast_in_dim3A_444 = vector.broadcast %broadcast_in_dim3A_443 : i32 to vector<16xi32>
    %broadcast_in_dim3A_445 = vector.broadcast %sub3A_439 : i32 to vector<16xi32>
    tpu.vector_store_idx %arg8[%broadcast_in_dim3A_444], %broadcast_in_dim3A_445 masked %eq3A_4 : memref<48xi32, #tpu.memory_space<vmem>>[vector<16xi32>], vector<16xi32>, vector<16xi1>
    %get3A_446 = arith.constant 18 : i32
    %get3A_447 = arith.index_cast %get3A_446 : i32 to index
    %get3A_448 = arith.constant 0 : index
    %get3A_449 = tpu.vector_load %arg7[%get3A_447, %get3A_448] {strides = array<i32>} : memref<32x16xi32, #tpu.memory_space<vmem>>, vector<16xi32>,
    %reduce_max3A_450 = arith.constant true
    %reduce_max3A_451 = vector.broadcast %reduce_max3A_450 : i1 to vector<16xi1>
    %reduce_max3A_452 = arith.constant -2147483648 : i32
    %reduce_max3A_453 = vector.broadcast %reduce_max3A_452 : i32 to vector<16xi32>
    %reduce_max3A_454 = arith.xori %get3A_449, %reduce_max3A_453 : vector<16xi32>
    %reduce_max3A_455 = tpu.scan <max>, %reduce_max3A_454 masked %reduce_max3A_451 : vector<16xi32>, vector<16xi1> -> vector<16xi32>
    %reduce_max3A_456 = arith.xori %reduce_max3A_455, %reduce_max3A_453 : vector<16xi32>
    %reduce_max3A_457 = vector.extract %reduce_max3A_456[15] : i32 from vector<16xi32>
    %add3A_458 = arith.addi %add3A_434, %reduce_max3A_457 : i32
    %swap3A_459 = arith.constant 19 : i32
    %swap3A_460 = arith.index_cast %swap3A_459 : i32 to index
    %swap3A_461 = memref.load %arg9[%swap3A_460] : memref<40xi32, #tpu.memory_space<smem>>
    memref.store %add3A_458, %arg9[%swap3A_460] : memref<40xi32, #tpu.memory_space<smem>>
    %sub3A_462 = arith.constant 622592 : i32
    %sub3A_463 = arith.subi %sub3A_462, %add3A_458 : i32
    %swap3A_464 = arith.constant 19 : i32
    %swap3A_465 = arith.index_cast %swap3A_464 : i32 to index
    %swap3A_466 = memref.load %arg10[%swap3A_465] : memref<40xi32, #tpu.memory_space<smem>>
    memref.store %sub3A_463, %arg10[%swap3A_465] : memref<40xi32, #tpu.memory_space<smem>>
    %broadcast_in_dim3A_467 = arith.constant 19 : i32
    %broadcast_in_dim3A_468 = vector.broadcast %broadcast_in_dim3A_467 : i32 to vector<16xi32>
    %broadcast_in_dim3A_469 = vector.broadcast %sub3A_463 : i32 to vector<16xi32>
    tpu.vector_store_idx %arg8[%broadcast_in_dim3A_468], %broadcast_in_dim3A_469 masked %eq3A_4 : memref<48xi32, #tpu.memory_space<vmem>>[vector<16xi32>], vector<16xi32>, vector<16xi1>
    %get3A_470 = arith.constant 19 : i32
    %get3A_471 = arith.index_cast %get3A_470 : i32 to index
    %get3A_472 = arith.constant 0 : index
    %get3A_473 = tpu.vector_load %arg7[%get3A_471, %get3A_472] {strides = array<i32>} : memref<32x16xi32, #tpu.memory_space<vmem>>, vector<16xi32>,
    %reduce_max3A_474 = arith.constant true
    %reduce_max3A_475 = vector.broadcast %reduce_max3A_474 : i1 to vector<16xi1>
    %reduce_max3A_476 = arith.constant -2147483648 : i32
    %reduce_max3A_477 = vector.broadcast %reduce_max3A_476 : i32 to vector<16xi32>
    %reduce_max3A_478 = arith.xori %get3A_473, %reduce_max3A_477 : vector<16xi32>
    %reduce_max3A_479 = tpu.scan <max>, %reduce_max3A_478 masked %reduce_max3A_475 : vector<16xi32>, vector<16xi1> -> vector<16xi32>
    %reduce_max3A_480 = arith.xori %reduce_max3A_479, %reduce_max3A_477 : vector<16xi32>
    %reduce_max3A_481 = vector.extract %reduce_max3A_480[15] : i32 from vector<16xi32>
    %add3A_482 = arith.addi %add3A_458, %reduce_max3A_481 : i32
    %swap3A_483 = arith.constant 20 : i32
    %swap3A_484 = arith.index_cast %swap3A_483 : i32 to index
    %swap3A_485 = memref.load %arg9[%swap3A_484] : memref<40xi32, #tpu.memory_space<smem>>
    memref.store %add3A_482, %arg9[%swap3A_484] : memref<40xi32, #tpu.memory_space<smem>>
    %sub3A_486 = arith.constant 655360 : i32
    %sub3A_487 = arith.subi %sub3A_486, %add3A_482 : i32
    %swap3A_488 = arith.constant 20 : i32
    %swap3A_489 = arith.index_cast %swap3A_488 : i32 to index
    %swap3A_490 = memref.load %arg10[%swap3A_489] : memref<40xi32, #tpu.memory_space<smem>>
    memref.store %sub3A_487, %arg10[%swap3A_489] : memref<40xi32, #tpu.memory_space<smem>>
    %broadcast_in_dim3A_491 = arith.constant 20 : i32
    %broadcast_in_dim3A_492 = vector.broadcast %broadcast_in_dim3A_491 : i32 to vector<16xi32>
    %broadcast_in_dim3A_493 = vector.broadcast %sub3A_487 : i32 to vector<16xi32>
    tpu.vector_store_idx %arg8[%broadcast_in_dim3A_492], %broadcast_in_dim3A_493 masked %eq3A_4 : memref<48xi32, #tpu.memory_space<vmem>>[vector<16xi32>], vector<16xi32>, vector<16xi1>
    %get3A_494 = arith.constant 20 : i32
    %get3A_495 = arith.index_cast %get3A_494 : i32 to index
    %get3A_496 = arith.constant 0 : index
    %get3A_497 = tpu.vector_load %arg7[%get3A_495, %get3A_496] {strides = array<i32>} : memref<32x16xi32, #tpu.memory_space<vmem>>, vector<16xi32>,
    %reduce_max3A_498 = arith.constant true
    %reduce_max3A_499 = vector.broadcast %reduce_max3A_498 : i1 to vector<16xi1>
    %reduce_max3A_500 = arith.constant -2147483648 : i32
    %reduce_max3A_501 = vector.broadcast %reduce_max3A_500 : i32 to vector<16xi32>
    %reduce_max3A_502 = arith.xori %get3A_497, %reduce_max3A_501 : vector<16xi32>
    %reduce_max3A_503 = tpu.scan <max>, %reduce_max3A_502 masked %reduce_max3A_499 : vector<16xi32>, vector<16xi1> -> vector<16xi32>
    %reduce_max3A_504 = arith.xori %reduce_max3A_503, %reduce_max3A_501 : vector<16xi32>
    %reduce_max3A_505 = vector.extract %reduce_max3A_504[15] : i32 from vector<16xi32>
    %add3A_506 = arith.addi %add3A_482, %reduce_max3A_505 : i32
    %swap3A_507 = arith.constant 21 : i32
    %swap3A_508 = arith.index_cast %swap3A_507 : i32 to index
    %swap3A_509 = memref.load %arg9[%swap3A_508] : memref<40xi32, #tpu.memory_space<smem>>
    memref.store %add3A_506, %arg9[%swap3A_508] : memref<40xi32, #tpu.memory_space<smem>>
    %sub3A_510 = arith.constant 688128 : i32
    %sub3A_511 = arith.subi %sub3A_510, %add3A_506 : i32
    %swap3A_512 = arith.constant 21 : i32
    %swap3A_513 = arith.index_cast %swap3A_512 : i32 to index
    %swap3A_514 = memref.load %arg10[%swap3A_513] : memref<40xi32, #tpu.memory_space<smem>>
    memref.store %sub3A_511, %arg10[%swap3A_513] : memref<40xi32, #tpu.memory_space<smem>>
    %broadcast_in_dim3A_515 = arith.constant 21 : i32
    %broadcast_in_dim3A_516 = vector.broadcast %broadcast_in_dim3A_515 : i32 to vector<16xi32>
    %broadcast_in_dim3A_517 = vector.broadcast %sub3A_511 : i32 to vector<16xi32>
    tpu.vector_store_idx %arg8[%broadcast_in_dim3A_516], %broadcast_in_dim3A_517 masked %eq3A_4 : memref<48xi32, #tpu.memory_space<vmem>>[vector<16xi32>], vector<16xi32>, vector<16xi1>
    %get3A_518 = arith.constant 21 : i32
    %get3A_519 = arith.index_cast %get3A_518 : i32 to index
    %get3A_520 = arith.constant 0 : index
    %get3A_521 = tpu.vector_load %arg7[%get3A_519, %get3A_520] {strides = array<i32>} : memref<32x16xi32, #tpu.memory_space<vmem>>, vector<16xi32>,
    %reduce_max3A_522 = arith.constant true
    %reduce_max3A_523 = vector.broadcast %reduce_max3A_522 : i1 to vector<16xi1>
    %reduce_max3A_524 = arith.constant -2147483648 : i32
    %reduce_max3A_525 = vector.broadcast %reduce_max3A_524 : i32 to vector<16xi32>
    %reduce_max3A_526 = arith.xori %get3A_521, %reduce_max3A_525 : vector<16xi32>
    %reduce_max3A_527 = tpu.scan <max>, %reduce_max3A_526 masked %reduce_max3A_523 : vector<16xi32>, vector<16xi1> -> vector<16xi32>
    %reduce_max3A_528 = arith.xori %reduce_max3A_527, %reduce_max3A_525 : vector<16xi32>
    %reduce_max3A_529 = vector.extract %reduce_max3A_528[15] : i32 from vector<16xi32>
    %add3A_530 = arith.addi %add3A_506, %reduce_max3A_529 : i32
    %swap3A_531 = arith.constant 22 : i32
    %swap3A_532 = arith.index_cast %swap3A_531 : i32 to index
    %swap3A_533 = memref.load %arg9[%swap3A_532] : memref<40xi32, #tpu.memory_space<smem>>
    memref.store %add3A_530, %arg9[%swap3A_532] : memref<40xi32, #tpu.memory_space<smem>>
    %sub3A_534 = arith.constant 720896 : i32
    %sub3A_535 = arith.subi %sub3A_534, %add3A_530 : i32
    %swap3A_536 = arith.constant 22 : i32
    %swap3A_537 = arith.index_cast %swap3A_536 : i32 to index
    %swap3A_538 = memref.load %arg10[%swap3A_537] : memref<40xi32, #tpu.memory_space<smem>>
    memref.store %sub3A_535, %arg10[%swap3A_537] : memref<40xi32, #tpu.memory_space<smem>>
    %broadcast_in_dim3A_539 = arith.constant 22 : i32
    %broadcast_in_dim3A_540 = vector.broadcast %broadcast_in_dim3A_539 : i32 to vector<16xi32>
    %broadcast_in_dim3A_541 = vector.broadcast %sub3A_535 : i32 to vector<16xi32>
    tpu.vector_store_idx %arg8[%broadcast_in_dim3A_540], %broadcast_in_dim3A_541 masked %eq3A_4 : memref<48xi32, #tpu.memory_space<vmem>>[vector<16xi32>], vector<16xi32>, vector<16xi1>
    %get3A_542 = arith.constant 22 : i32
    %get3A_543 = arith.index_cast %get3A_542 : i32 to index
    %get3A_544 = arith.constant 0 : index
    %get3A_545 = tpu.vector_load %arg7[%get3A_543, %get3A_544] {strides = array<i32>} : memref<32x16xi32, #tpu.memory_space<vmem>>, vector<16xi32>,
    %reduce_max3A_546 = arith.constant true
    %reduce_max3A_547 = vector.broadcast %reduce_max3A_546 : i1 to vector<16xi1>
    %reduce_max3A_548 = arith.constant -2147483648 : i32
    %reduce_max3A_549 = vector.broadcast %reduce_max3A_548 : i32 to vector<16xi32>
    %reduce_max3A_550 = arith.xori %get3A_545, %reduce_max3A_549 : vector<16xi32>
    %reduce_max3A_551 = tpu.scan <max>, %reduce_max3A_550 masked %reduce_max3A_547 : vector<16xi32>, vector<16xi1> -> vector<16xi32>
    %reduce_max3A_552 = arith.xori %reduce_max3A_551, %reduce_max3A_549 : vector<16xi32>
    %reduce_max3A_553 = vector.extract %reduce_max3A_552[15] : i32 from vector<16xi32>
    %add3A_554 = arith.addi %add3A_530, %reduce_max3A_553 : i32
    %swap3A_555 = arith.constant 23 : i32
    %swap3A_556 = arith.index_cast %swap3A_555 : i32 to index
    %swap3A_557 = memref.load %arg9[%swap3A_556] : memref<40xi32, #tpu.memory_space<smem>>
    memref.store %add3A_554, %arg9[%swap3A_556] : memref<40xi32, #tpu.memory_space<smem>>
    %sub3A_558 = arith.constant 753664 : i32
    %sub3A_559 = arith.subi %sub3A_558, %add3A_554 : i32
    %swap3A_560 = arith.constant 23 : i32
    %swap3A_561 = arith.index_cast %swap3A_560 : i32 to index
    %swap3A_562 = memref.load %arg10[%swap3A_561] : memref<40xi32, #tpu.memory_space<smem>>
    memref.store %sub3A_559, %arg10[%swap3A_561] : memref<40xi32, #tpu.memory_space<smem>>
    %broadcast_in_dim3A_563 = arith.constant 23 : i32
    %broadcast_in_dim3A_564 = vector.broadcast %broadcast_in_dim3A_563 : i32 to vector<16xi32>
    %broadcast_in_dim3A_565 = vector.broadcast %sub3A_559 : i32 to vector<16xi32>
    tpu.vector_store_idx %arg8[%broadcast_in_dim3A_564], %broadcast_in_dim3A_565 masked %eq3A_4 : memref<48xi32, #tpu.memory_space<vmem>>[vector<16xi32>], vector<16xi32>, vector<16xi1>
    %get3A_566 = arith.constant 23 : i32
    %get3A_567 = arith.index_cast %get3A_566 : i32 to index
    %get3A_568 = arith.constant 0 : index
    %get3A_569 = tpu.vector_load %arg7[%get3A_567, %get3A_568] {strides = array<i32>} : memref<32x16xi32, #tpu.memory_space<vmem>>, vector<16xi32>,
    %reduce_max3A_570 = arith.constant true
    %reduce_max3A_571 = vector.broadcast %reduce_max3A_570 : i1 to vector<16xi1>
    %reduce_max3A_572 = arith.constant -2147483648 : i32
    %reduce_max3A_573 = vector.broadcast %reduce_max3A_572 : i32 to vector<16xi32>
    %reduce_max3A_574 = arith.xori %get3A_569, %reduce_max3A_573 : vector<16xi32>
    %reduce_max3A_575 = tpu.scan <max>, %reduce_max3A_574 masked %reduce_max3A_571 : vector<16xi32>, vector<16xi1> -> vector<16xi32>
    %reduce_max3A_576 = arith.xori %reduce_max3A_575, %reduce_max3A_573 : vector<16xi32>
    %reduce_max3A_577 = vector.extract %reduce_max3A_576[15] : i32 from vector<16xi32>
    %add3A_578 = arith.addi %add3A_554, %reduce_max3A_577 : i32
    %swap3A_579 = arith.constant 24 : i32
    %swap3A_580 = arith.index_cast %swap3A_579 : i32 to index
    %swap3A_581 = memref.load %arg9[%swap3A_580] : memref<40xi32, #tpu.memory_space<smem>>
    memref.store %add3A_578, %arg9[%swap3A_580] : memref<40xi32, #tpu.memory_space<smem>>
    %sub3A_582 = arith.constant 786432 : i32
    %sub3A_583 = arith.subi %sub3A_582, %add3A_578 : i32
    %swap3A_584 = arith.constant 24 : i32
    %swap3A_585 = arith.index_cast %swap3A_584 : i32 to index
    %swap3A_586 = memref.load %arg10[%swap3A_585] : memref<40xi32, #tpu.memory_space<smem>>
    memref.store %sub3A_583, %arg10[%swap3A_585] : memref<40xi32, #tpu.memory_space<smem>>
    %broadcast_in_dim3A_587 = arith.constant 24 : i32
    %broadcast_in_dim3A_588 = vector.broadcast %broadcast_in_dim3A_587 : i32 to vector<16xi32>
    %broadcast_in_dim3A_589 = vector.broadcast %sub3A_583 : i32 to vector<16xi32>
    tpu.vector_store_idx %arg8[%broadcast_in_dim3A_588], %broadcast_in_dim3A_589 masked %eq3A_4 : memref<48xi32, #tpu.memory_space<vmem>>[vector<16xi32>], vector<16xi32>, vector<16xi1>
    %get3A_590 = arith.constant 24 : i32
    %get3A_591 = arith.index_cast %get3A_590 : i32 to index
    %get3A_592 = arith.constant 0 : index
    %get3A_593 = tpu.vector_load %arg7[%get3A_591, %get3A_592] {strides = array<i32>} : memref<32x16xi32, #tpu.memory_space<vmem>>, vector<16xi32>,
    %reduce_max3A_594 = arith.constant true
    %reduce_max3A_595 = vector.broadcast %reduce_max3A_594 : i1 to vector<16xi1>
    %reduce_max3A_596 = arith.constant -2147483648 : i32
    %reduce_max3A_597 = vector.broadcast %reduce_max3A_596 : i32 to vector<16xi32>
    %reduce_max3A_598 = arith.xori %get3A_593, %reduce_max3A_597 : vector<16xi32>
    %reduce_max3A_599 = tpu.scan <max>, %reduce_max3A_598 masked %reduce_max3A_595 : vector<16xi32>, vector<16xi1> -> vector<16xi32>
    %reduce_max3A_600 = arith.xori %reduce_max3A_599, %reduce_max3A_597 : vector<16xi32>
    %reduce_max3A_601 = vector.extract %reduce_max3A_600[15] : i32 from vector<16xi32>
    %add3A_602 = arith.addi %add3A_578, %reduce_max3A_601 : i32
    %swap3A_603 = arith.constant 25 : i32
    %swap3A_604 = arith.index_cast %swap3A_603 : i32 to index
    %swap3A_605 = memref.load %arg9[%swap3A_604] : memref<40xi32, #tpu.memory_space<smem>>
    memref.store %add3A_602, %arg9[%swap3A_604] : memref<40xi32, #tpu.memory_space<smem>>
    %sub3A_606 = arith.constant 819200 : i32
    %sub3A_607 = arith.subi %sub3A_606, %add3A_602 : i32
    %swap3A_608 = arith.constant 25 : i32
    %swap3A_609 = arith.index_cast %swap3A_608 : i32 to index
    %swap3A_610 = memref.load %arg10[%swap3A_609] : memref<40xi32, #tpu.memory_space<smem>>
    memref.store %sub3A_607, %arg10[%swap3A_609] : memref<40xi32, #tpu.memory_space<smem>>
    %broadcast_in_dim3A_611 = arith.constant 25 : i32
    %broadcast_in_dim3A_612 = vector.broadcast %broadcast_in_dim3A_611 : i32 to vector<16xi32>
    %broadcast_in_dim3A_613 = vector.broadcast %sub3A_607 : i32 to vector<16xi32>
    tpu.vector_store_idx %arg8[%broadcast_in_dim3A_612], %broadcast_in_dim3A_613 masked %eq3A_4 : memref<48xi32, #tpu.memory_space<vmem>>[vector<16xi32>], vector<16xi32>, vector<16xi1>
    %get3A_614 = arith.constant 25 : i32
    %get3A_615 = arith.index_cast %get3A_614 : i32 to index
    %get3A_616 = arith.constant 0 : index
    %get3A_617 = tpu.vector_load %arg7[%get3A_615, %get3A_616] {strides = array<i32>} : memref<32x16xi32, #tpu.memory_space<vmem>>, vector<16xi32>,
    %reduce_max3A_618 = arith.constant true
    %reduce_max3A_619 = vector.broadcast %reduce_max3A_618 : i1 to vector<16xi1>
    %reduce_max3A_620 = arith.constant -2147483648 : i32
    %reduce_max3A_621 = vector.broadcast %reduce_max3A_620 : i32 to vector<16xi32>
    %reduce_max3A_622 = arith.xori %get3A_617, %reduce_max3A_621 : vector<16xi32>
    %reduce_max3A_623 = tpu.scan <max>, %reduce_max3A_622 masked %reduce_max3A_619 : vector<16xi32>, vector<16xi1> -> vector<16xi32>
    %reduce_max3A_624 = arith.xori %reduce_max3A_623, %reduce_max3A_621 : vector<16xi32>
    %reduce_max3A_625 = vector.extract %reduce_max3A_624[15] : i32 from vector<16xi32>
    %add3A_626 = arith.addi %add3A_602, %reduce_max3A_625 : i32
    %swap3A_627 = arith.constant 26 : i32
    %swap3A_628 = arith.index_cast %swap3A_627 : i32 to index
    %swap3A_629 = memref.load %arg9[%swap3A_628] : memref<40xi32, #tpu.memory_space<smem>>
    memref.store %add3A_626, %arg9[%swap3A_628] : memref<40xi32, #tpu.memory_space<smem>>
    %sub3A_630 = arith.constant 851968 : i32
    %sub3A_631 = arith.subi %sub3A_630, %add3A_626 : i32
    %swap3A_632 = arith.constant 26 : i32
    %swap3A_633 = arith.index_cast %swap3A_632 : i32 to index
    %swap3A_634 = memref.load %arg10[%swap3A_633] : memref<40xi32, #tpu.memory_space<smem>>
    memref.store %sub3A_631, %arg10[%swap3A_633] : memref<40xi32, #tpu.memory_space<smem>>
    %broadcast_in_dim3A_635 = arith.constant 26 : i32
    %broadcast_in_dim3A_636 = vector.broadcast %broadcast_in_dim3A_635 : i32 to vector<16xi32>
    %broadcast_in_dim3A_637 = vector.broadcast %sub3A_631 : i32 to vector<16xi32>
    tpu.vector_store_idx %arg8[%broadcast_in_dim3A_636], %broadcast_in_dim3A_637 masked %eq3A_4 : memref<48xi32, #tpu.memory_space<vmem>>[vector<16xi32>], vector<16xi32>, vector<16xi1>
    %get3A_638 = arith.constant 26 : i32
    %get3A_639 = arith.index_cast %get3A_638 : i32 to index
    %get3A_640 = arith.constant 0 : index
    %get3A_641 = tpu.vector_load %arg7[%get3A_639, %get3A_640] {strides = array<i32>} : memref<32x16xi32, #tpu.memory_space<vmem>>, vector<16xi32>,
    %reduce_max3A_642 = arith.constant true
    %reduce_max3A_643 = vector.broadcast %reduce_max3A_642 : i1 to vector<16xi1>
    %reduce_max3A_644 = arith.constant -2147483648 : i32
    %reduce_max3A_645 = vector.broadcast %reduce_max3A_644 : i32 to vector<16xi32>
    %reduce_max3A_646 = arith.xori %get3A_641, %reduce_max3A_645 : vector<16xi32>
    %reduce_max3A_647 = tpu.scan <max>, %reduce_max3A_646 masked %reduce_max3A_643 : vector<16xi32>, vector<16xi1> -> vector<16xi32>
    %reduce_max3A_648 = arith.xori %reduce_max3A_647, %reduce_max3A_645 : vector<16xi32>
    %reduce_max3A_649 = vector.extract %reduce_max3A_648[15] : i32 from vector<16xi32>
    %add3A_650 = arith.addi %add3A_626, %reduce_max3A_649 : i32
    %swap3A_651 = arith.constant 27 : i32
    %swap3A_652 = arith.index_cast %swap3A_651 : i32 to index
    %swap3A_653 = memref.load %arg9[%swap3A_652] : memref<40xi32, #tpu.memory_space<smem>>
    memref.store %add3A_650, %arg9[%swap3A_652] : memref<40xi32, #tpu.memory_space<smem>>
    %sub3A_654 = arith.constant 884736 : i32
    %sub3A_655 = arith.subi %sub3A_654, %add3A_650 : i32
    %swap3A_656 = arith.constant 27 : i32
    %swap3A_657 = arith.index_cast %swap3A_656 : i32 to index
    %swap3A_658 = memref.load %arg10[%swap3A_657] : memref<40xi32, #tpu.memory_space<smem>>
    memref.store %sub3A_655, %arg10[%swap3A_657] : memref<40xi32, #tpu.memory_space<smem>>
    %broadcast_in_dim3A_659 = arith.constant 27 : i32
    %broadcast_in_dim3A_660 = vector.broadcast %broadcast_in_dim3A_659 : i32 to vector<16xi32>
    %broadcast_in_dim3A_661 = vector.broadcast %sub3A_655 : i32 to vector<16xi32>
    tpu.vector_store_idx %arg8[%broadcast_in_dim3A_660], %broadcast_in_dim3A_661 masked %eq3A_4 : memref<48xi32, #tpu.memory_space<vmem>>[vector<16xi32>], vector<16xi32>, vector<16xi1>
    %get3A_662 = arith.constant 27 : i32
    %get3A_663 = arith.index_cast %get3A_662 : i32 to index
    %get3A_664 = arith.constant 0 : index
    %get3A_665 = tpu.vector_load %arg7[%get3A_663, %get3A_664] {strides = array<i32>} : memref<32x16xi32, #tpu.memory_space<vmem>>, vector<16xi32>,
    %reduce_max3A_666 = arith.constant true
    %reduce_max3A_667 = vector.broadcast %reduce_max3A_666 : i1 to vector<16xi1>
    %reduce_max3A_668 = arith.constant -2147483648 : i32
    %reduce_max3A_669 = vector.broadcast %reduce_max3A_668 : i32 to vector<16xi32>
    %reduce_max3A_670 = arith.xori %get3A_665, %reduce_max3A_669 : vector<16xi32>
    %reduce_max3A_671 = tpu.scan <max>, %reduce_max3A_670 masked %reduce_max3A_667 : vector<16xi32>, vector<16xi1> -> vector<16xi32>
    %reduce_max3A_672 = arith.xori %reduce_max3A_671, %reduce_max3A_669 : vector<16xi32>
    %reduce_max3A_673 = vector.extract %reduce_max3A_672[15] : i32 from vector<16xi32>
    %add3A_674 = arith.addi %add3A_650, %reduce_max3A_673 : i32
    %swap3A_675 = arith.constant 28 : i32
    %swap3A_676 = arith.index_cast %swap3A_675 : i32 to index
    %swap3A_677 = memref.load %arg9[%swap3A_676] : memref<40xi32, #tpu.memory_space<smem>>
    memref.store %add3A_674, %arg9[%swap3A_676] : memref<40xi32, #tpu.memory_space<smem>>
    %sub3A_678 = arith.constant 917504 : i32
    %sub3A_679 = arith.subi %sub3A_678, %add3A_674 : i32
    %swap3A_680 = arith.constant 28 : i32
    %swap3A_681 = arith.index_cast %swap3A_680 : i32 to index
    %swap3A_682 = memref.load %arg10[%swap3A_681] : memref<40xi32, #tpu.memory_space<smem>>
    memref.store %sub3A_679, %arg10[%swap3A_681] : memref<40xi32, #tpu.memory_space<smem>>
    %broadcast_in_dim3A_683 = arith.constant 28 : i32
    %broadcast_in_dim3A_684 = vector.broadcast %broadcast_in_dim3A_683 : i32 to vector<16xi32>
    %broadcast_in_dim3A_685 = vector.broadcast %sub3A_679 : i32 to vector<16xi32>
    tpu.vector_store_idx %arg8[%broadcast_in_dim3A_684], %broadcast_in_dim3A_685 masked %eq3A_4 : memref<48xi32, #tpu.memory_space<vmem>>[vector<16xi32>], vector<16xi32>, vector<16xi1>
    %get3A_686 = arith.constant 28 : i32
    %get3A_687 = arith.index_cast %get3A_686 : i32 to index
    %get3A_688 = arith.constant 0 : index
    %get3A_689 = tpu.vector_load %arg7[%get3A_687, %get3A_688] {strides = array<i32>} : memref<32x16xi32, #tpu.memory_space<vmem>>, vector<16xi32>,
    %reduce_max3A_690 = arith.constant true
    %reduce_max3A_691 = vector.broadcast %reduce_max3A_690 : i1 to vector<16xi1>
    %reduce_max3A_692 = arith.constant -2147483648 : i32
    %reduce_max3A_693 = vector.broadcast %reduce_max3A_692 : i32 to vector<16xi32>
    %reduce_max3A_694 = arith.xori %get3A_689, %reduce_max3A_693 : vector<16xi32>
    %reduce_max3A_695 = tpu.scan <max>, %reduce_max3A_694 masked %reduce_max3A_691 : vector<16xi32>, vector<16xi1> -> vector<16xi32>
    %reduce_max3A_696 = arith.xori %reduce_max3A_695, %reduce_max3A_693 : vector<16xi32>
    %reduce_max3A_697 = vector.extract %reduce_max3A_696[15] : i32 from vector<16xi32>
    %add3A_698 = arith.addi %add3A_674, %reduce_max3A_697 : i32
    %swap3A_699 = arith.constant 29 : i32
    %swap3A_700 = arith.index_cast %swap3A_699 : i32 to index
    %swap3A_701 = memref.load %arg9[%swap3A_700] : memref<40xi32, #tpu.memory_space<smem>>
    memref.store %add3A_698, %arg9[%swap3A_700] : memref<40xi32, #tpu.memory_space<smem>>
    %sub3A_702 = arith.constant 950272 : i32
    %sub3A_703 = arith.subi %sub3A_702, %add3A_698 : i32
    %swap3A_704 = arith.constant 29 : i32
    %swap3A_705 = arith.index_cast %swap3A_704 : i32 to index
    %swap3A_706 = memref.load %arg10[%swap3A_705] : memref<40xi32, #tpu.memory_space<smem>>
    memref.store %sub3A_703, %arg10[%swap3A_705] : memref<40xi32, #tpu.memory_space<smem>>
    %broadcast_in_dim3A_707 = arith.constant 29 : i32
    %broadcast_in_dim3A_708 = vector.broadcast %broadcast_in_dim3A_707 : i32 to vector<16xi32>
    %broadcast_in_dim3A_709 = vector.broadcast %sub3A_703 : i32 to vector<16xi32>
    tpu.vector_store_idx %arg8[%broadcast_in_dim3A_708], %broadcast_in_dim3A_709 masked %eq3A_4 : memref<48xi32, #tpu.memory_space<vmem>>[vector<16xi32>], vector<16xi32>, vector<16xi1>
    %get3A_710 = arith.constant 29 : i32
    %get3A_711 = arith.index_cast %get3A_710 : i32 to index
    %get3A_712 = arith.constant 0 : index
    %get3A_713 = tpu.vector_load %arg7[%get3A_711, %get3A_712] {strides = array<i32>} : memref<32x16xi32, #tpu.memory_space<vmem>>, vector<16xi32>,
    %reduce_max3A_714 = arith.constant true
    %reduce_max3A_715 = vector.broadcast %reduce_max3A_714 : i1 to vector<16xi1>
    %reduce_max3A_716 = arith.constant -2147483648 : i32
    %reduce_max3A_717 = vector.broadcast %reduce_max3A_716 : i32 to vector<16xi32>
    %reduce_max3A_718 = arith.xori %get3A_713, %reduce_max3A_717 : vector<16xi32>
    %reduce_max3A_719 = tpu.scan <max>, %reduce_max3A_718 masked %reduce_max3A_715 : vector<16xi32>, vector<16xi1> -> vector<16xi32>
    %reduce_max3A_720 = arith.xori %reduce_max3A_719, %reduce_max3A_717 : vector<16xi32>
    %reduce_max3A_721 = vector.extract %reduce_max3A_720[15] : i32 from vector<16xi32>
    %add3A_722 = arith.addi %add3A_698, %reduce_max3A_721 : i32
    %swap3A_723 = arith.constant 30 : i32
    %swap3A_724 = arith.index_cast %swap3A_723 : i32 to index
    %swap3A_725 = memref.load %arg9[%swap3A_724] : memref<40xi32, #tpu.memory_space<smem>>
    memref.store %add3A_722, %arg9[%swap3A_724] : memref<40xi32, #tpu.memory_space<smem>>
    %sub3A_726 = arith.constant 983040 : i32
    %sub3A_727 = arith.subi %sub3A_726, %add3A_722 : i32
    %swap3A_728 = arith.constant 30 : i32
    %swap3A_729 = arith.index_cast %swap3A_728 : i32 to index
    %swap3A_730 = memref.load %arg10[%swap3A_729] : memref<40xi32, #tpu.memory_space<smem>>
    memref.store %sub3A_727, %arg10[%swap3A_729] : memref<40xi32, #tpu.memory_space<smem>>
    %broadcast_in_dim3A_731 = arith.constant 30 : i32
    %broadcast_in_dim3A_732 = vector.broadcast %broadcast_in_dim3A_731 : i32 to vector<16xi32>
    %broadcast_in_dim3A_733 = vector.broadcast %sub3A_727 : i32 to vector<16xi32>
    tpu.vector_store_idx %arg8[%broadcast_in_dim3A_732], %broadcast_in_dim3A_733 masked %eq3A_4 : memref<48xi32, #tpu.memory_space<vmem>>[vector<16xi32>], vector<16xi32>, vector<16xi1>
    %get3A_734 = arith.constant 30 : i32
    %get3A_735 = arith.index_cast %get3A_734 : i32 to index
    %get3A_736 = arith.constant 0 : index
    %get3A_737 = tpu.vector_load %arg7[%get3A_735, %get3A_736] {strides = array<i32>} : memref<32x16xi32, #tpu.memory_space<vmem>>, vector<16xi32>,
    %reduce_max3A_738 = arith.constant true
    %reduce_max3A_739 = vector.broadcast %reduce_max3A_738 : i1 to vector<16xi1>
    %reduce_max3A_740 = arith.constant -2147483648 : i32
    %reduce_max3A_741 = vector.broadcast %reduce_max3A_740 : i32 to vector<16xi32>
    %reduce_max3A_742 = arith.xori %get3A_737, %reduce_max3A_741 : vector<16xi32>
    %reduce_max3A_743 = tpu.scan <max>, %reduce_max3A_742 masked %reduce_max3A_739 : vector<16xi32>, vector<16xi1> -> vector<16xi32>
    %reduce_max3A_744 = arith.xori %reduce_max3A_743, %reduce_max3A_741 : vector<16xi32>
    %reduce_max3A_745 = vector.extract %reduce_max3A_744[15] : i32 from vector<16xi32>
    %add3A_746 = arith.addi %add3A_722, %reduce_max3A_745 : i32
    %swap3A_747 = arith.constant 31 : i32
    %swap3A_748 = arith.index_cast %swap3A_747 : i32 to index
    %swap3A_749 = memref.load %arg9[%swap3A_748] : memref<40xi32, #tpu.memory_space<smem>>
    memref.store %add3A_746, %arg9[%swap3A_748] : memref<40xi32, #tpu.memory_space<smem>>
    %sub3A_750 = arith.constant 1015808 : i32
    %sub3A_751 = arith.subi %sub3A_750, %add3A_746 : i32
    %swap3A_752 = arith.constant 31 : i32
    %swap3A_753 = arith.index_cast %swap3A_752 : i32 to index
    %swap3A_754 = memref.load %arg10[%swap3A_753] : memref<40xi32, #tpu.memory_space<smem>>
    memref.store %sub3A_751, %arg10[%swap3A_753] : memref<40xi32, #tpu.memory_space<smem>>
    %broadcast_in_dim3A_755 = arith.constant 31 : i32
    %broadcast_in_dim3A_756 = vector.broadcast %broadcast_in_dim3A_755 : i32 to vector<16xi32>
    %broadcast_in_dim3A_757 = vector.broadcast %sub3A_751 : i32 to vector<16xi32>
    tpu.vector_store_idx %arg8[%broadcast_in_dim3A_756], %broadcast_in_dim3A_757 masked %eq3A_4 : memref<48xi32, #tpu.memory_space<vmem>>[vector<16xi32>], vector<16xi32>, vector<16xi1>
    %get3A_758 = arith.constant 31 : i32
    %get3A_759 = arith.index_cast %get3A_758 : i32 to index
    %get3A_760 = arith.constant 0 : index
    %get3A_761 = tpu.vector_load %arg7[%get3A_759, %get3A_760] {strides = array<i32>} : memref<32x16xi32, #tpu.memory_space<vmem>>, vector<16xi32>,
    %reduce_max3A_762 = arith.constant true
    %reduce_max3A_763 = vector.broadcast %reduce_max3A_762 : i1 to vector<16xi1>
    %reduce_max3A_764 = arith.constant -2147483648 : i32
    %reduce_max3A_765 = vector.broadcast %reduce_max3A_764 : i32 to vector<16xi32>
    %reduce_max3A_766 = arith.xori %get3A_761, %reduce_max3A_765 : vector<16xi32>
    %reduce_max3A_767 = tpu.scan <max>, %reduce_max3A_766 masked %reduce_max3A_763 : vector<16xi32>, vector<16xi1> -> vector<16xi32>
    %reduce_max3A_768 = arith.xori %reduce_max3A_767, %reduce_max3A_765 : vector<16xi32>
    %reduce_max3A_769 = vector.extract %reduce_max3A_768[15] : i32 from vector<16xi32>
    %add3A_770 = arith.addi %add3A_746, %reduce_max3A_769 : i32
    %swap3A_771 = arith.constant 32 : i32
    %swap3A_772 = arith.index_cast %swap3A_771 : i32 to index
    %swap3A_773 = memref.load %arg9[%swap3A_772] : memref<40xi32, #tpu.memory_space<smem>>
    memref.store %add3A_770, %arg9[%swap3A_772] : memref<40xi32, #tpu.memory_space<smem>>
    %sub3A_774 = arith.constant 1048576 : i32
    %sub3A_775 = arith.subi %sub3A_774, %add3A_770 : i32
    %swap3A_776 = arith.constant 32 : i32
    %swap3A_777 = arith.index_cast %swap3A_776 : i32 to index
    %swap3A_778 = memref.load %arg10[%swap3A_777] : memref<40xi32, #tpu.memory_space<smem>>
    memref.store %sub3A_775, %arg10[%swap3A_777] : memref<40xi32, #tpu.memory_space<smem>>
    %broadcast_in_dim3A_779 = arith.constant 32 : i32
    %broadcast_in_dim3A_780 = vector.broadcast %broadcast_in_dim3A_779 : i32 to vector<16xi32>
    %broadcast_in_dim3A_781 = vector.broadcast %sub3A_775 : i32 to vector<16xi32>
    tpu.vector_store_idx %arg8[%broadcast_in_dim3A_780], %broadcast_in_dim3A_781 masked %eq3A_4 : memref<48xi32, #tpu.memory_space<vmem>>[vector<16xi32>], vector<16xi32>, vector<16xi1>
    %swap3A_782 = arith.constant 1048576 : i32
    %swap3A_783 = arith.constant 33 : i32
    %swap3A_784 = arith.index_cast %swap3A_783 : i32 to index
    %swap3A_785 = memref.load %arg9[%swap3A_784] : memref<40xi32, #tpu.memory_space<smem>>
    memref.store %swap3A_782, %arg9[%swap3A_784] : memref<40xi32, #tpu.memory_space<smem>>
    %iota3A_786 = tpu.iota {dimensions = array<i32: 0>} : vector<16xi32>
    %scan3A = arith.constant 0 : i32
    %scan3A_787 = arith.constant 0 : i32
    %scan3A_788 = arith.constant 256 : i32
    %scan3A_789 = arith.addi %scan3A_787, %scan3A_788 : i32
    %scan3A_790 = arith.constant 1 : i32
    %scan3A_791 = scf.for %scan3A_799 = %scan3A_787 to %scan3A_789 step %scan3A_790 iter_args(%scan3A_800 = %scan3A) -> (i32)  : i32 {
      %mul3A_801 = arith.constant 128 : i32
      %mul3A_802 = arith.muli %scan3A_799, %mul3A_801 : i32
      %add3A_803 = arith.addi %mul3A_2, %mul3A_802 : i32
      %while3A = scf.while (%while3A_815 = %scan3A_800) : (i32) -> i32 {
        %lt3A_816 = arith.constant 32 : i32
        %lt3A_817 = arith.cmpi slt, %while3A_815, %lt3A_816 : i32
        %add3A_818 = arith.constant 1 : i32
        %add3A_819 = arith.addi %while3A_815, %add3A_818 : i32
        %get3A_820 = arith.index_cast %add3A_819 : i32 to index
        %get3A_821 = memref.load %arg9[%get3A_820] : memref<40xi32, #tpu.memory_space<smem>>
        %ge3A = arith.cmpi sge, %add3A_803, %get3A_821 : i32
        %and3A = arith.andi %lt3A_817, %ge3A : i1
        scf.condition(%and3A) %while3A_815 : i32
      } do {
      ^bb0(%while3A_815: i32):
        %add3A_816 = arith.constant 1 : i32
        %add3A_817 = arith.addi %while3A_815, %add3A_816 : i32
        scf.yield %add3A_817 : i32
      }
      %add3A_804 = arith.constant 1 : i32
      %add3A_805 = arith.addi %while3A, %add3A_804 : i32
      %get3A_806 = arith.index_cast %add3A_805 : i32 to index
      %get3A_807 = memref.load %arg9[%get3A_806] : memref<40xi32, #tpu.memory_space<smem>>
      %get3A_808 = arith.index_cast %while3A : i32 to index
      %get3A_809 = memref.load %arg10[%get3A_808] : memref<40xi32, #tpu.memory_space<smem>>
      %add3A_810 = arith.constant 127 : i32
      %add3A_811 = arith.addi %add3A_803, %add3A_810 : i32
      %lt3A = arith.cmpi slt, %add3A_811, %get3A_807 : i32
      %convert_element_type3A = arith.extui %lt3A : i1 to i32
      %cond3A = arith.constant 0 : i32
      %cond3A_812 = arith.constant 0 : i32
      %cond3A_813 = arith.cmpi ne, %convert_element_type3A, %cond3A_812 : i32
      %cond3A_814 = scf.if %cond3A_813 -> (i32) {
        %add3A_815 = arith.constant 0 : i32
        %add3A_816 = arith.addi %add3A_803, %add3A_815 : i32
        %add3A_817 = vector.broadcast %add3A_816 : i32 to vector<16xi32>
        %add3A_818 = arith.addi %add3A_817, %iota3A_786 : vector<16xi32>
        %add3A_819 = vector.broadcast %get3A_809 : i32 to vector<16xi32>
        %add3A_820 = arith.addi %add3A_818, %add3A_819 : vector<16xi32>
        %mul3A_821 = arith.constant 128 : i32
        %mul3A_822 = arith.muli %scan3A_799, %mul3A_821 : i32
        %add3A_823 = arith.constant 0 : i32
        %add3A_824 = arith.addi %mul3A_822, %add3A_823 : i32
        %swap3A_825 = arith.index_cast %add3A_824 : i32 to index
        %swap3A_826 = tpu.vector_load %arg11[%swap3A_825] {strides = array<i32>} : memref<32768xi32, #tpu.memory_space<vmem>>, vector<16xi32>,
        tpu.vector_store %arg11[%swap3A_825], %add3A_820 {strides = array<i32>} : memref<32768xi32, #tpu.memory_space<vmem>>, vector<16xi32>,
        %add3A_827 = arith.constant 16 : i32
        %add3A_828 = arith.addi %add3A_803, %add3A_827 : i32
        %add3A_829 = vector.broadcast %add3A_828 : i32 to vector<16xi32>
        %add3A_830 = arith.addi %add3A_829, %iota3A_786 : vector<16xi32>
        %add3A_831 = vector.broadcast %get3A_809 : i32 to vector<16xi32>
        %add3A_832 = arith.addi %add3A_830, %add3A_831 : vector<16xi32>
        %mul3A_833 = arith.constant 128 : i32
        %mul3A_834 = arith.muli %scan3A_799, %mul3A_833 : i32
        %add3A_835 = arith.constant 16 : i32
        %add3A_836 = arith.addi %mul3A_834, %add3A_835 : i32
        %swap3A_837 = arith.index_cast %add3A_836 : i32 to index
        %swap3A_838 = tpu.vector_load %arg11[%swap3A_837] {strides = array<i32>} : memref<32768xi32, #tpu.memory_space<vmem>>, vector<16xi32>,
        tpu.vector_store %arg11[%swap3A_837], %add3A_832 {strides = array<i32>} : memref<32768xi32, #tpu.memory_space<vmem>>, vector<16xi32>,
        %add3A_839 = arith.constant 32 : i32
        %add3A_840 = arith.addi %add3A_803, %add3A_839 : i32
        %add3A_841 = vector.broadcast %add3A_840 : i32 to vector<16xi32>
        %add3A_842 = arith.addi %add3A_841, %iota3A_786 : vector<16xi32>
        %add3A_843 = vector.broadcast %get3A_809 : i32 to vector<16xi32>
        %add3A_844 = arith.addi %add3A_842, %add3A_843 : vector<16xi32>
        %mul3A_845 = arith.constant 128 : i32
        %mul3A_846 = arith.muli %scan3A_799, %mul3A_845 : i32
        %add3A_847 = arith.constant 32 : i32
        %add3A_848 = arith.addi %mul3A_846, %add3A_847 : i32
        %swap3A_849 = arith.index_cast %add3A_848 : i32 to index
        %swap3A_850 = tpu.vector_load %arg11[%swap3A_849] {strides = array<i32>} : memref<32768xi32, #tpu.memory_space<vmem>>, vector<16xi32>,
        tpu.vector_store %arg11[%swap3A_849], %add3A_844 {strides = array<i32>} : memref<32768xi32, #tpu.memory_space<vmem>>, vector<16xi32>,
        %add3A_851 = arith.constant 48 : i32
        %add3A_852 = arith.addi %add3A_803, %add3A_851 : i32
        %add3A_853 = vector.broadcast %add3A_852 : i32 to vector<16xi32>
        %add3A_854 = arith.addi %add3A_853, %iota3A_786 : vector<16xi32>
        %add3A_855 = vector.broadcast %get3A_809 : i32 to vector<16xi32>
        %add3A_856 = arith.addi %add3A_854, %add3A_855 : vector<16xi32>
        %mul3A_857 = arith.constant 128 : i32
        %mul3A_858 = arith.muli %scan3A_799, %mul3A_857 : i32
        %add3A_859 = arith.constant 48 : i32
        %add3A_860 = arith.addi %mul3A_858, %add3A_859 : i32
        %swap3A_861 = arith.index_cast %add3A_860 : i32 to index
        %swap3A_862 = tpu.vector_load %arg11[%swap3A_861] {strides = array<i32>} : memref<32768xi32, #tpu.memory_space<vmem>>, vector<16xi32>,
        tpu.vector_store %arg11[%swap3A_861], %add3A_856 {strides = array<i32>} : memref<32768xi32, #tpu.memory_space<vmem>>, vector<16xi32>,
        %add3A_863 = arith.constant 64 : i32
        %add3A_864 = arith.addi %add3A_803, %add3A_863 : i32
        %add3A_865 = vector.broadcast %add3A_864 : i32 to vector<16xi32>
        %add3A_866 = arith.addi %add3A_865, %iota3A_786 : vector<16xi32>
        %add3A_867 = vector.broadcast %get3A_809 : i32 to vector<16xi32>
        %add3A_868 = arith.addi %add3A_866, %add3A_867 : vector<16xi32>
        %mul3A_869 = arith.constant 128 : i32
        %mul3A_870 = arith.muli %scan3A_799, %mul3A_869 : i32
        %add3A_871 = arith.constant 64 : i32
        %add3A_872 = arith.addi %mul3A_870, %add3A_871 : i32
        %swap3A_873 = arith.index_cast %add3A_872 : i32 to index
        %swap3A_874 = tpu.vector_load %arg11[%swap3A_873] {strides = array<i32>} : memref<32768xi32, #tpu.memory_space<vmem>>, vector<16xi32>,
        tpu.vector_store %arg11[%swap3A_873], %add3A_868 {strides = array<i32>} : memref<32768xi32, #tpu.memory_space<vmem>>, vector<16xi32>,
        %add3A_875 = arith.constant 80 : i32
        %add3A_876 = arith.addi %add3A_803, %add3A_875 : i32
        %add3A_877 = vector.broadcast %add3A_876 : i32 to vector<16xi32>
        %add3A_878 = arith.addi %add3A_877, %iota3A_786 : vector<16xi32>
        %add3A_879 = vector.broadcast %get3A_809 : i32 to vector<16xi32>
        %add3A_880 = arith.addi %add3A_878, %add3A_879 : vector<16xi32>
        %mul3A_881 = arith.constant 128 : i32
        %mul3A_882 = arith.muli %scan3A_799, %mul3A_881 : i32
        %add3A_883 = arith.constant 80 : i32
        %add3A_884 = arith.addi %mul3A_882, %add3A_883 : i32
        %swap3A_885 = arith.index_cast %add3A_884 : i32 to index
        %swap3A_886 = tpu.vector_load %arg11[%swap3A_885] {strides = array<i32>} : memref<32768xi32, #tpu.memory_space<vmem>>, vector<16xi32>,
        tpu.vector_store %arg11[%swap3A_885], %add3A_880 {strides = array<i32>} : memref<32768xi32, #tpu.memory_space<vmem>>, vector<16xi32>,
        %add3A_887 = arith.constant 96 : i32
        %add3A_888 = arith.addi %add3A_803, %add3A_887 : i32
        %add3A_889 = vector.broadcast %add3A_888 : i32 to vector<16xi32>
        %add3A_890 = arith.addi %add3A_889, %iota3A_786 : vector<16xi32>
        %add3A_891 = vector.broadcast %get3A_809 : i32 to vector<16xi32>
        %add3A_892 = arith.addi %add3A_890, %add3A_891 : vector<16xi32>
        %mul3A_893 = arith.constant 128 : i32
        %mul3A_894 = arith.muli %scan3A_799, %mul3A_893 : i32
        %add3A_895 = arith.constant 96 : i32
        %add3A_896 = arith.addi %mul3A_894, %add3A_895 : i32
        %swap3A_897 = arith.index_cast %add3A_896 : i32 to index
        %swap3A_898 = tpu.vector_load %arg11[%swap3A_897] {strides = array<i32>} : memref<32768xi32, #tpu.memory_space<vmem>>, vector<16xi32>,
        tpu.vector_store %arg11[%swap3A_897], %add3A_892 {strides = array<i32>} : memref<32768xi32, #tpu.memory_space<vmem>>, vector<16xi32>,
        %add3A_899 = arith.constant 112 : i32
        %add3A_900 = arith.addi %add3A_803, %add3A_899 : i32
        %add3A_901 = vector.broadcast %add3A_900 : i32 to vector<16xi32>
        %add3A_902 = arith.addi %add3A_901, %iota3A_786 : vector<16xi32>
        %add3A_903 = vector.broadcast %get3A_809 : i32 to vector<16xi32>
        %add3A_904 = arith.addi %add3A_902, %add3A_903 : vector<16xi32>
        %mul3A_905 = arith.constant 128 : i32
        %mul3A_906 = arith.muli %scan3A_799, %mul3A_905 : i32
        %add3A_907 = arith.constant 112 : i32
        %add3A_908 = arith.addi %mul3A_906, %add3A_907 : i32
        %swap3A_909 = arith.index_cast %add3A_908 : i32 to index
        %swap3A_910 = tpu.vector_load %arg11[%swap3A_909] {strides = array<i32>} : memref<32768xi32, #tpu.memory_space<vmem>>, vector<16xi32>,
        tpu.vector_store %arg11[%swap3A_909], %add3A_904 {strides = array<i32>} : memref<32768xi32, #tpu.memory_space<vmem>>, vector<16xi32>,
        %cond3A_911 = arith.constant 0 : i32
        scf.yield %cond3A_911 : i32
      } else {
        %add3A_815 = arith.constant 0 : i32
        %add3A_816 = arith.addi %add3A_803, %add3A_815 : i32
        %add3A_817 = vector.broadcast %add3A_816 : i32 to vector<16xi32>
        %add3A_818 = arith.addi %add3A_817, %iota3A_786 : vector<16xi32>
        %broadcast_in_dim3A_819 = arith.constant 0 : i32
        %broadcast_in_dim3A_820 = vector.broadcast %broadcast_in_dim3A_819 : i32 to vector<16xi32>
        %get3A_821 = arith.constant 1 : i32
        %get3A_822 = arith.index_cast %get3A_821 : i32 to index
        %get3A_823 = memref.load %arg9[%get3A_822] : memref<40xi32, #tpu.memory_space<smem>>
        %ge3A = vector.broadcast %get3A_823 : i32 to vector<16xi32>
        %ge3A_824 = arith.cmpi sge, %add3A_818, %ge3A : vector<16xi32>
        %convert_element_type3A_825 = arith.extui %ge3A_824 : vector<16xi1> to vector<16xi32>
        %add3A_826 = arith.addi %broadcast_in_dim3A_820, %convert_element_type3A_825 : vector<16xi32>
        %get3A_827 = arith.constant 2 : i32
        %get3A_828 = arith.index_cast %get3A_827 : i32 to index
        %get3A_829 = memref.load %arg9[%get3A_828] : memref<40xi32, #tpu.memory_space<smem>>
        %ge3A_830 = vector.broadcast %get3A_829 : i32 to vector<16xi32>
        %ge3A_831 = arith.cmpi sge, %add3A_818, %ge3A_830 : vector<16xi32>
        %convert_element_type3A_832 = arith.extui %ge3A_831 : vector<16xi1> to vector<16xi32>
        %add3A_833 = arith.addi %add3A_826, %convert_element_type3A_832 : vector<16xi32>
        %get3A_834 = arith.constant 3 : i32
        %get3A_835 = arith.index_cast %get3A_834 : i32 to index
        %get3A_836 = memref.load %arg9[%get3A_835] : memref<40xi32, #tpu.memory_space<smem>>
        %ge3A_837 = vector.broadcast %get3A_836 : i32 to vector<16xi32>
        %ge3A_838 = arith.cmpi sge, %add3A_818, %ge3A_837 : vector<16xi32>
        %convert_element_type3A_839 = arith.extui %ge3A_838 : vector<16xi1> to vector<16xi32>
        %add3A_840 = arith.addi %add3A_833, %convert_element_type3A_839 : vector<16xi32>
        %get3A_841 = arith.constant 4 : i32
        %get3A_842 = arith.index_cast %get3A_841 : i32 to index
        %get3A_843 = memref.load %arg9[%get3A_842] : memref<40xi32, #tpu.memory_space<smem>>
        %ge3A_844 = vector.broadcast %get3A_843 : i32 to vector<16xi32>
        %ge3A_845 = arith.cmpi sge, %add3A_818, %ge3A_844 : vector<16xi32>
        %convert_element_type3A_846 = arith.extui %ge3A_845 : vector<16xi1> to vector<16xi32>
        %add3A_847 = arith.addi %add3A_840, %convert_element_type3A_846 : vector<16xi32>
        %get3A_848 = arith.constant 5 : i32
        %get3A_849 = arith.index_cast %get3A_848 : i32 to index
        %get3A_850 = memref.load %arg9[%get3A_849] : memref<40xi32, #tpu.memory_space<smem>>
        %ge3A_851 = vector.broadcast %get3A_850 : i32 to vector<16xi32>
        %ge3A_852 = arith.cmpi sge, %add3A_818, %ge3A_851 : vector<16xi32>
        %convert_element_type3A_853 = arith.extui %ge3A_852 : vector<16xi1> to vector<16xi32>
        %add3A_854 = arith.addi %add3A_847, %convert_element_type3A_853 : vector<16xi32>
        %get3A_855 = arith.constant 6 : i32
        %get3A_856 = arith.index_cast %get3A_855 : i32 to index
        %get3A_857 = memref.load %arg9[%get3A_856] : memref<40xi32, #tpu.memory_space<smem>>
        %ge3A_858 = vector.broadcast %get3A_857 : i32 to vector<16xi32>
        %ge3A_859 = arith.cmpi sge, %add3A_818, %ge3A_858 : vector<16xi32>
        %convert_element_type3A_860 = arith.extui %ge3A_859 : vector<16xi1> to vector<16xi32>
        %add3A_861 = arith.addi %add3A_854, %convert_element_type3A_860 : vector<16xi32>
        %get3A_862 = arith.constant 7 : i32
        %get3A_863 = arith.index_cast %get3A_862 : i32 to index
        %get3A_864 = memref.load %arg9[%get3A_863] : memref<40xi32, #tpu.memory_space<smem>>
        %ge3A_865 = vector.broadcast %get3A_864 : i32 to vector<16xi32>
        %ge3A_866 = arith.cmpi sge, %add3A_818, %ge3A_865 : vector<16xi32>
        %convert_element_type3A_867 = arith.extui %ge3A_866 : vector<16xi1> to vector<16xi32>
        %add3A_868 = arith.addi %add3A_861, %convert_element_type3A_867 : vector<16xi32>
        %get3A_869 = arith.constant 8 : i32
        %get3A_870 = arith.index_cast %get3A_869 : i32 to index
        %get3A_871 = memref.load %arg9[%get3A_870] : memref<40xi32, #tpu.memory_space<smem>>
        %ge3A_872 = vector.broadcast %get3A_871 : i32 to vector<16xi32>
        %ge3A_873 = arith.cmpi sge, %add3A_818, %ge3A_872 : vector<16xi32>
        %convert_element_type3A_874 = arith.extui %ge3A_873 : vector<16xi1> to vector<16xi32>
        %add3A_875 = arith.addi %add3A_868, %convert_element_type3A_874 : vector<16xi32>
        %get3A_876 = arith.constant 9 : i32
        %get3A_877 = arith.index_cast %get3A_876 : i32 to index
        %get3A_878 = memref.load %arg9[%get3A_877] : memref<40xi32, #tpu.memory_space<smem>>
        %ge3A_879 = vector.broadcast %get3A_878 : i32 to vector<16xi32>
        %ge3A_880 = arith.cmpi sge, %add3A_818, %ge3A_879 : vector<16xi32>
        %convert_element_type3A_881 = arith.extui %ge3A_880 : vector<16xi1> to vector<16xi32>
        %add3A_882 = arith.addi %add3A_875, %convert_element_type3A_881 : vector<16xi32>
        %get3A_883 = arith.constant 10 : i32
        %get3A_884 = arith.index_cast %get3A_883 : i32 to index
        %get3A_885 = memref.load %arg9[%get3A_884] : memref<40xi32, #tpu.memory_space<smem>>
        %ge3A_886 = vector.broadcast %get3A_885 : i32 to vector<16xi32>
        %ge3A_887 = arith.cmpi sge, %add3A_818, %ge3A_886 : vector<16xi32>
        %convert_element_type3A_888 = arith.extui %ge3A_887 : vector<16xi1> to vector<16xi32>
        %add3A_889 = arith.addi %add3A_882, %convert_element_type3A_888 : vector<16xi32>
        %get3A_890 = arith.constant 11 : i32
        %get3A_891 = arith.index_cast %get3A_890 : i32 to index
        %get3A_892 = memref.load %arg9[%get3A_891] : memref<40xi32, #tpu.memory_space<smem>>
        %ge3A_893 = vector.broadcast %get3A_892 : i32 to vector<16xi32>
        %ge3A_894 = arith.cmpi sge, %add3A_818, %ge3A_893 : vector<16xi32>
        %convert_element_type3A_895 = arith.extui %ge3A_894 : vector<16xi1> to vector<16xi32>
        %add3A_896 = arith.addi %add3A_889, %convert_element_type3A_895 : vector<16xi32>
        %get3A_897 = arith.constant 12 : i32
        %get3A_898 = arith.index_cast %get3A_897 : i32 to index
        %get3A_899 = memref.load %arg9[%get3A_898] : memref<40xi32, #tpu.memory_space<smem>>
        %ge3A_900 = vector.broadcast %get3A_899 : i32 to vector<16xi32>
        %ge3A_901 = arith.cmpi sge, %add3A_818, %ge3A_900 : vector<16xi32>
        %convert_element_type3A_902 = arith.extui %ge3A_901 : vector<16xi1> to vector<16xi32>
        %add3A_903 = arith.addi %add3A_896, %convert_element_type3A_902 : vector<16xi32>
        %get3A_904 = arith.constant 13 : i32
        %get3A_905 = arith.index_cast %get3A_904 : i32 to index
        %get3A_906 = memref.load %arg9[%get3A_905] : memref<40xi32, #tpu.memory_space<smem>>
        %ge3A_907 = vector.broadcast %get3A_906 : i32 to vector<16xi32>
        %ge3A_908 = arith.cmpi sge, %add3A_818, %ge3A_907 : vector<16xi32>
        %convert_element_type3A_909 = arith.extui %ge3A_908 : vector<16xi1> to vector<16xi32>
        %add3A_910 = arith.addi %add3A_903, %convert_element_type3A_909 : vector<16xi32>
        %get3A_911 = arith.constant 14 : i32
        %get3A_912 = arith.index_cast %get3A_911 : i32 to index
        %get3A_913 = memref.load %arg9[%get3A_912] : memref<40xi32, #tpu.memory_space<smem>>
        %ge3A_914 = vector.broadcast %get3A_913 : i32 to vector<16xi32>
        %ge3A_915 = arith.cmpi sge, %add3A_818, %ge3A_914 : vector<16xi32>
        %convert_element_type3A_916 = arith.extui %ge3A_915 : vector<16xi1> to vector<16xi32>
        %add3A_917 = arith.addi %add3A_910, %convert_element_type3A_916 : vector<16xi32>
        %get3A_918 = arith.constant 15 : i32
        %get3A_919 = arith.index_cast %get3A_918 : i32 to index
        %get3A_920 = memref.load %arg9[%get3A_919] : memref<40xi32, #tpu.memory_space<smem>>
        %ge3A_921 = vector.broadcast %get3A_920 : i32 to vector<16xi32>
        %ge3A_922 = arith.cmpi sge, %add3A_818, %ge3A_921 : vector<16xi32>
        %convert_element_type3A_923 = arith.extui %ge3A_922 : vector<16xi1> to vector<16xi32>
        %add3A_924 = arith.addi %add3A_917, %convert_element_type3A_923 : vector<16xi32>
        %get3A_925 = arith.constant 16 : i32
        %get3A_926 = arith.index_cast %get3A_925 : i32 to index
        %get3A_927 = memref.load %arg9[%get3A_926] : memref<40xi32, #tpu.memory_space<smem>>
        %ge3A_928 = vector.broadcast %get3A_927 : i32 to vector<16xi32>
        %ge3A_929 = arith.cmpi sge, %add3A_818, %ge3A_928 : vector<16xi32>
        %convert_element_type3A_930 = arith.extui %ge3A_929 : vector<16xi1> to vector<16xi32>
        %add3A_931 = arith.addi %add3A_924, %convert_element_type3A_930 : vector<16xi32>
        %get3A_932 = arith.constant 17 : i32
        %get3A_933 = arith.index_cast %get3A_932 : i32 to index
        %get3A_934 = memref.load %arg9[%get3A_933] : memref<40xi32, #tpu.memory_space<smem>>
        %ge3A_935 = vector.broadcast %get3A_934 : i32 to vector<16xi32>
        %ge3A_936 = arith.cmpi sge, %add3A_818, %ge3A_935 : vector<16xi32>
        %convert_element_type3A_937 = arith.extui %ge3A_936 : vector<16xi1> to vector<16xi32>
        %add3A_938 = arith.addi %add3A_931, %convert_element_type3A_937 : vector<16xi32>
        %get3A_939 = arith.constant 18 : i32
        %get3A_940 = arith.index_cast %get3A_939 : i32 to index
        %get3A_941 = memref.load %arg9[%get3A_940] : memref<40xi32, #tpu.memory_space<smem>>
        %ge3A_942 = vector.broadcast %get3A_941 : i32 to vector<16xi32>
        %ge3A_943 = arith.cmpi sge, %add3A_818, %ge3A_942 : vector<16xi32>
        %convert_element_type3A_944 = arith.extui %ge3A_943 : vector<16xi1> to vector<16xi32>
        %add3A_945 = arith.addi %add3A_938, %convert_element_type3A_944 : vector<16xi32>
        %get3A_946 = arith.constant 19 : i32
        %get3A_947 = arith.index_cast %get3A_946 : i32 to index
        %get3A_948 = memref.load %arg9[%get3A_947] : memref<40xi32, #tpu.memory_space<smem>>
        %ge3A_949 = vector.broadcast %get3A_948 : i32 to vector<16xi32>
        %ge3A_950 = arith.cmpi sge, %add3A_818, %ge3A_949 : vector<16xi32>
        %convert_element_type3A_951 = arith.extui %ge3A_950 : vector<16xi1> to vector<16xi32>
        %add3A_952 = arith.addi %add3A_945, %convert_element_type3A_951 : vector<16xi32>
        %get3A_953 = arith.constant 20 : i32
        %get3A_954 = arith.index_cast %get3A_953 : i32 to index
        %get3A_955 = memref.load %arg9[%get3A_954] : memref<40xi32, #tpu.memory_space<smem>>
        %ge3A_956 = vector.broadcast %get3A_955 : i32 to vector<16xi32>
        %ge3A_957 = arith.cmpi sge, %add3A_818, %ge3A_956 : vector<16xi32>
        %convert_element_type3A_958 = arith.extui %ge3A_957 : vector<16xi1> to vector<16xi32>
        %add3A_959 = arith.addi %add3A_952, %convert_element_type3A_958 : vector<16xi32>
        %get3A_960 = arith.constant 21 : i32
        %get3A_961 = arith.index_cast %get3A_960 : i32 to index
        %get3A_962 = memref.load %arg9[%get3A_961] : memref<40xi32, #tpu.memory_space<smem>>
        %ge3A_963 = vector.broadcast %get3A_962 : i32 to vector<16xi32>
        %ge3A_964 = arith.cmpi sge, %add3A_818, %ge3A_963 : vector<16xi32>
        %convert_element_type3A_965 = arith.extui %ge3A_964 : vector<16xi1> to vector<16xi32>
        %add3A_966 = arith.addi %add3A_959, %convert_element_type3A_965 : vector<16xi32>
        %get3A_967 = arith.constant 22 : i32
        %get3A_968 = arith.index_cast %get3A_967 : i32 to index
        %get3A_969 = memref.load %arg9[%get3A_968] : memref<40xi32, #tpu.memory_space<smem>>
        %ge3A_970 = vector.broadcast %get3A_969 : i32 to vector<16xi32>
        %ge3A_971 = arith.cmpi sge, %add3A_818, %ge3A_970 : vector<16xi32>
        %convert_element_type3A_972 = arith.extui %ge3A_971 : vector<16xi1> to vector<16xi32>
        %add3A_973 = arith.addi %add3A_966, %convert_element_type3A_972 : vector<16xi32>
        %get3A_974 = arith.constant 23 : i32
        %get3A_975 = arith.index_cast %get3A_974 : i32 to index
        %get3A_976 = memref.load %arg9[%get3A_975] : memref<40xi32, #tpu.memory_space<smem>>
        %ge3A_977 = vector.broadcast %get3A_976 : i32 to vector<16xi32>
        %ge3A_978 = arith.cmpi sge, %add3A_818, %ge3A_977 : vector<16xi32>
        %convert_element_type3A_979 = arith.extui %ge3A_978 : vector<16xi1> to vector<16xi32>
        %add3A_980 = arith.addi %add3A_973, %convert_element_type3A_979 : vector<16xi32>
        %get3A_981 = arith.constant 24 : i32
        %get3A_982 = arith.index_cast %get3A_981 : i32 to index
        %get3A_983 = memref.load %arg9[%get3A_982] : memref<40xi32, #tpu.memory_space<smem>>
        %ge3A_984 = vector.broadcast %get3A_983 : i32 to vector<16xi32>
        %ge3A_985 = arith.cmpi sge, %add3A_818, %ge3A_984 : vector<16xi32>
        %convert_element_type3A_986 = arith.extui %ge3A_985 : vector<16xi1> to vector<16xi32>
        %add3A_987 = arith.addi %add3A_980, %convert_element_type3A_986 : vector<16xi32>
        %get3A_988 = arith.constant 25 : i32
        %get3A_989 = arith.index_cast %get3A_988 : i32 to index
        %get3A_990 = memref.load %arg9[%get3A_989] : memref<40xi32, #tpu.memory_space<smem>>
        %ge3A_991 = vector.broadcast %get3A_990 : i32 to vector<16xi32>
        %ge3A_992 = arith.cmpi sge, %add3A_818, %ge3A_991 : vector<16xi32>
        %convert_element_type3A_993 = arith.extui %ge3A_992 : vector<16xi1> to vector<16xi32>
        %add3A_994 = arith.addi %add3A_987, %convert_element_type3A_993 : vector<16xi32>
        %get3A_995 = arith.constant 26 : i32
        %get3A_996 = arith.index_cast %get3A_995 : i32 to index
        %get3A_997 = memref.load %arg9[%get3A_996] : memref<40xi32, #tpu.memory_space<smem>>
        %ge3A_998 = vector.broadcast %get3A_997 : i32 to vector<16xi32>
        %ge3A_999 = arith.cmpi sge, %add3A_818, %ge3A_998 : vector<16xi32>
        %convert_element_type3A_1000 = arith.extui %ge3A_999 : vector<16xi1> to vector<16xi32>
        %add3A_1001 = arith.addi %add3A_994, %convert_element_type3A_1000 : vector<16xi32>
        %get3A_1002 = arith.constant 27 : i32
        %get3A_1003 = arith.index_cast %get3A_1002 : i32 to index
        %get3A_1004 = memref.load %arg9[%get3A_1003] : memref<40xi32, #tpu.memory_space<smem>>
        %ge3A_1005 = vector.broadcast %get3A_1004 : i32 to vector<16xi32>
        %ge3A_1006 = arith.cmpi sge, %add3A_818, %ge3A_1005 : vector<16xi32>
        %convert_element_type3A_1007 = arith.extui %ge3A_1006 : vector<16xi1> to vector<16xi32>
        %add3A_1008 = arith.addi %add3A_1001, %convert_element_type3A_1007 : vector<16xi32>
        %get3A_1009 = arith.constant 28 : i32
        %get3A_1010 = arith.index_cast %get3A_1009 : i32 to index
        %get3A_1011 = memref.load %arg9[%get3A_1010] : memref<40xi32, #tpu.memory_space<smem>>
        %ge3A_1012 = vector.broadcast %get3A_1011 : i32 to vector<16xi32>
        %ge3A_1013 = arith.cmpi sge, %add3A_818, %ge3A_1012 : vector<16xi32>
        %convert_element_type3A_1014 = arith.extui %ge3A_1013 : vector<16xi1> to vector<16xi32>
        %add3A_1015 = arith.addi %add3A_1008, %convert_element_type3A_1014 : vector<16xi32>
        %get3A_1016 = arith.constant 29 : i32
        %get3A_1017 = arith.index_cast %get3A_1016 : i32 to index
        %get3A_1018 = memref.load %arg9[%get3A_1017] : memref<40xi32, #tpu.memory_space<smem>>
        %ge3A_1019 = vector.broadcast %get3A_1018 : i32 to vector<16xi32>
        %ge3A_1020 = arith.cmpi sge, %add3A_818, %ge3A_1019 : vector<16xi32>
        %convert_element_type3A_1021 = arith.extui %ge3A_1020 : vector<16xi1> to vector<16xi32>
        %add3A_1022 = arith.addi %add3A_1015, %convert_element_type3A_1021 : vector<16xi32>
        %get3A_1023 = arith.constant 30 : i32
        %get3A_1024 = arith.index_cast %get3A_1023 : i32 to index
        %get3A_1025 = memref.load %arg9[%get3A_1024] : memref<40xi32, #tpu.memory_space<smem>>
        %ge3A_1026 = vector.broadcast %get3A_1025 : i32 to vector<16xi32>
        %ge3A_1027 = arith.cmpi sge, %add3A_818, %ge3A_1026 : vector<16xi32>
        %convert_element_type3A_1028 = arith.extui %ge3A_1027 : vector<16xi1> to vector<16xi32>
        %add3A_1029 = arith.addi %add3A_1022, %convert_element_type3A_1028 : vector<16xi32>
        %get3A_1030 = arith.constant 31 : i32
        %get3A_1031 = arith.index_cast %get3A_1030 : i32 to index
        %get3A_1032 = memref.load %arg9[%get3A_1031] : memref<40xi32, #tpu.memory_space<smem>>
        %ge3A_1033 = vector.broadcast %get3A_1032 : i32 to vector<16xi32>
        %ge3A_1034 = arith.cmpi sge, %add3A_818, %ge3A_1033 : vector<16xi32>
        %convert_element_type3A_1035 = arith.extui %ge3A_1034 : vector<16xi1> to vector<16xi32>
        %add3A_1036 = arith.addi %add3A_1029, %convert_element_type3A_1035 : vector<16xi32>
        %get3A_1037 = arith.constant 32 : i32
        %get3A_1038 = arith.index_cast %get3A_1037 : i32 to index
        %get3A_1039 = memref.load %arg9[%get3A_1038] : memref<40xi32, #tpu.memory_space<smem>>
        %ge3A_1040 = vector.broadcast %get3A_1039 : i32 to vector<16xi32>
        %ge3A_1041 = arith.cmpi sge, %add3A_818, %ge3A_1040 : vector<16xi32>
        %convert_element_type3A_1042 = arith.extui %ge3A_1041 : vector<16xi1> to vector<16xi32>
        %add3A_1043 = arith.addi %add3A_1036, %convert_element_type3A_1042 : vector<16xi32>
        %gather3A = tpu.vector_load_idx %arg8[%add3A_1043] : memref<48xi32, #tpu.memory_space<vmem>>[vector<16xi32>], vector<16xi32>,
        %add3A_1044 = arith.addi %add3A_818, %gather3A : vector<16xi32>
        %mul3A_1045 = arith.constant 128 : i32
        %mul3A_1046 = arith.muli %scan3A_799, %mul3A_1045 : i32
        %add3A_1047 = arith.constant 0 : i32
        %add3A_1048 = arith.addi %mul3A_1046, %add3A_1047 : i32
        %swap3A_1049 = arith.index_cast %add3A_1048 : i32 to index
        %swap3A_1050 = tpu.vector_load %arg11[%swap3A_1049] {strides = array<i32>} : memref<32768xi32, #tpu.memory_space<vmem>>, vector<16xi32>,
        tpu.vector_store %arg11[%swap3A_1049], %add3A_1044 {strides = array<i32>} : memref<32768xi32, #tpu.memory_space<vmem>>, vector<16xi32>,
        %add3A_1051 = arith.constant 16 : i32
        %add3A_1052 = arith.addi %add3A_803, %add3A_1051 : i32
        %add3A_1053 = vector.broadcast %add3A_1052 : i32 to vector<16xi32>
        %add3A_1054 = arith.addi %add3A_1053, %iota3A_786 : vector<16xi32>
        %broadcast_in_dim3A_1055 = arith.constant 0 : i32
        %broadcast_in_dim3A_1056 = vector.broadcast %broadcast_in_dim3A_1055 : i32 to vector<16xi32>
        %get3A_1057 = arith.constant 1 : i32
        %get3A_1058 = arith.index_cast %get3A_1057 : i32 to index
        %get3A_1059 = memref.load %arg9[%get3A_1058] : memref<40xi32, #tpu.memory_space<smem>>
        %ge3A_1060 = vector.broadcast %get3A_1059 : i32 to vector<16xi32>
        %ge3A_1061 = arith.cmpi sge, %add3A_1054, %ge3A_1060 : vector<16xi32>
        %convert_element_type3A_1062 = arith.extui %ge3A_1061 : vector<16xi1> to vector<16xi32>
        %add3A_1063 = arith.addi %broadcast_in_dim3A_1056, %convert_element_type3A_1062 : vector<16xi32>
        %get3A_1064 = arith.constant 2 : i32
        %get3A_1065 = arith.index_cast %get3A_1064 : i32 to index
        %get3A_1066 = memref.load %arg9[%get3A_1065] : memref<40xi32, #tpu.memory_space<smem>>
        %ge3A_1067 = vector.broadcast %get3A_1066 : i32 to vector<16xi32>
        %ge3A_1068 = arith.cmpi sge, %add3A_1054, %ge3A_1067 : vector<16xi32>
        %convert_element_type3A_1069 = arith.extui %ge3A_1068 : vector<16xi1> to vector<16xi32>
        %add3A_1070 = arith.addi %add3A_1063, %convert_element_type3A_1069 : vector<16xi32>
        %get3A_1071 = arith.constant 3 : i32
        %get3A_1072 = arith.index_cast %get3A_1071 : i32 to index
        %get3A_1073 = memref.load %arg9[%get3A_1072] : memref<40xi32, #tpu.memory_space<smem>>
        %ge3A_1074 = vector.broadcast %get3A_1073 : i32 to vector<16xi32>
        %ge3A_1075 = arith.cmpi sge, %add3A_1054, %ge3A_1074 : vector<16xi32>
        %convert_element_type3A_1076 = arith.extui %ge3A_1075 : vector<16xi1> to vector<16xi32>
        %add3A_1077 = arith.addi %add3A_1070, %convert_element_type3A_1076 : vector<16xi32>
        %get3A_1078 = arith.constant 4 : i32
        %get3A_1079 = arith.index_cast %get3A_1078 : i32 to index
        %get3A_1080 = memref.load %arg9[%get3A_1079] : memref<40xi32, #tpu.memory_space<smem>>
        %ge3A_1081 = vector.broadcast %get3A_1080 : i32 to vector<16xi32>
        %ge3A_1082 = arith.cmpi sge, %add3A_1054, %ge3A_1081 : vector<16xi32>
        %convert_element_type3A_1083 = arith.extui %ge3A_1082 : vector<16xi1> to vector<16xi32>
        %add3A_1084 = arith.addi %add3A_1077, %convert_element_type3A_1083 : vector<16xi32>
        %get3A_1085 = arith.constant 5 : i32
        %get3A_1086 = arith.index_cast %get3A_1085 : i32 to index
        %get3A_1087 = memref.load %arg9[%get3A_1086] : memref<40xi32, #tpu.memory_space<smem>>
        %ge3A_1088 = vector.broadcast %get3A_1087 : i32 to vector<16xi32>
        %ge3A_1089 = arith.cmpi sge, %add3A_1054, %ge3A_1088 : vector<16xi32>
        %convert_element_type3A_1090 = arith.extui %ge3A_1089 : vector<16xi1> to vector<16xi32>
        %add3A_1091 = arith.addi %add3A_1084, %convert_element_type3A_1090 : vector<16xi32>
        %get3A_1092 = arith.constant 6 : i32
        %get3A_1093 = arith.index_cast %get3A_1092 : i32 to index
        %get3A_1094 = memref.load %arg9[%get3A_1093] : memref<40xi32, #tpu.memory_space<smem>>
        %ge3A_1095 = vector.broadcast %get3A_1094 : i32 to vector<16xi32>
        %ge3A_1096 = arith.cmpi sge, %add3A_1054, %ge3A_1095 : vector<16xi32>
        %convert_element_type3A_1097 = arith.extui %ge3A_1096 : vector<16xi1> to vector<16xi32>
        %add3A_1098 = arith.addi %add3A_1091, %convert_element_type3A_1097 : vector<16xi32>
        %get3A_1099 = arith.constant 7 : i32
        %get3A_1100 = arith.index_cast %get3A_1099 : i32 to index
        %get3A_1101 = memref.load %arg9[%get3A_1100] : memref<40xi32, #tpu.memory_space<smem>>
        %ge3A_1102 = vector.broadcast %get3A_1101 : i32 to vector<16xi32>
        %ge3A_1103 = arith.cmpi sge, %add3A_1054, %ge3A_1102 : vector<16xi32>
        %convert_element_type3A_1104 = arith.extui %ge3A_1103 : vector<16xi1> to vector<16xi32>
        %add3A_1105 = arith.addi %add3A_1098, %convert_element_type3A_1104 : vector<16xi32>
        %get3A_1106 = arith.constant 8 : i32
        %get3A_1107 = arith.index_cast %get3A_1106 : i32 to index
        %get3A_1108 = memref.load %arg9[%get3A_1107] : memref<40xi32, #tpu.memory_space<smem>>
        %ge3A_1109 = vector.broadcast %get3A_1108 : i32 to vector<16xi32>
        %ge3A_1110 = arith.cmpi sge, %add3A_1054, %ge3A_1109 : vector<16xi32>
        %convert_element_type3A_1111 = arith.extui %ge3A_1110 : vector<16xi1> to vector<16xi32>
        %add3A_1112 = arith.addi %add3A_1105, %convert_element_type3A_1111 : vector<16xi32>
        %get3A_1113 = arith.constant 9 : i32
        %get3A_1114 = arith.index_cast %get3A_1113 : i32 to index
        %get3A_1115 = memref.load %arg9[%get3A_1114] : memref<40xi32, #tpu.memory_space<smem>>
        %ge3A_1116 = vector.broadcast %get3A_1115 : i32 to vector<16xi32>
        %ge3A_1117 = arith.cmpi sge, %add3A_1054, %ge3A_1116 : vector<16xi32>
        %convert_element_type3A_1118 = arith.extui %ge3A_1117 : vector<16xi1> to vector<16xi32>
        %add3A_1119 = arith.addi %add3A_1112, %convert_element_type3A_1118 : vector<16xi32>
        %get3A_1120 = arith.constant 10 : i32
        %get3A_1121 = arith.index_cast %get3A_1120 : i32 to index
        %get3A_1122 = memref.load %arg9[%get3A_1121] : memref<40xi32, #tpu.memory_space<smem>>
        %ge3A_1123 = vector.broadcast %get3A_1122 : i32 to vector<16xi32>
        %ge3A_1124 = arith.cmpi sge, %add3A_1054, %ge3A_1123 : vector<16xi32>
        %convert_element_type3A_1125 = arith.extui %ge3A_1124 : vector<16xi1> to vector<16xi32>
        %add3A_1126 = arith.addi %add3A_1119, %convert_element_type3A_1125 : vector<16xi32>
        %get3A_1127 = arith.constant 11 : i32
        %get3A_1128 = arith.index_cast %get3A_1127 : i32 to index
        %get3A_1129 = memref.load %arg9[%get3A_1128] : memref<40xi32, #tpu.memory_space<smem>>
        %ge3A_1130 = vector.broadcast %get3A_1129 : i32 to vector<16xi32>
        %ge3A_1131 = arith.cmpi sge, %add3A_1054, %ge3A_1130 : vector<16xi32>
        %convert_element_type3A_1132 = arith.extui %ge3A_1131 : vector<16xi1> to vector<16xi32>
        %add3A_1133 = arith.addi %add3A_1126, %convert_element_type3A_1132 : vector<16xi32>
        %get3A_1134 = arith.constant 12 : i32
        %get3A_1135 = arith.index_cast %get3A_1134 : i32 to index
        %get3A_1136 = memref.load %arg9[%get3A_1135] : memref<40xi32, #tpu.memory_space<smem>>
        %ge3A_1137 = vector.broadcast %get3A_1136 : i32 to vector<16xi32>
        %ge3A_1138 = arith.cmpi sge, %add3A_1054, %ge3A_1137 : vector<16xi32>
        %convert_element_type3A_1139 = arith.extui %ge3A_1138 : vector<16xi1> to vector<16xi32>
        %add3A_1140 = arith.addi %add3A_1133, %convert_element_type3A_1139 : vector<16xi32>
        %get3A_1141 = arith.constant 13 : i32
        %get3A_1142 = arith.index_cast %get3A_1141 : i32 to index
        %get3A_1143 = memref.load %arg9[%get3A_1142] : memref<40xi32, #tpu.memory_space<smem>>
        %ge3A_1144 = vector.broadcast %get3A_1143 : i32 to vector<16xi32>
        %ge3A_1145 = arith.cmpi sge, %add3A_1054, %ge3A_1144 : vector<16xi32>
        %convert_element_type3A_1146 = arith.extui %ge3A_1145 : vector<16xi1> to vector<16xi32>
        %add3A_1147 = arith.addi %add3A_1140, %convert_element_type3A_1146 : vector<16xi32>
        %get3A_1148 = arith.constant 14 : i32
        %get3A_1149 = arith.index_cast %get3A_1148 : i32 to index
        %get3A_1150 = memref.load %arg9[%get3A_1149] : memref<40xi32, #tpu.memory_space<smem>>
        %ge3A_1151 = vector.broadcast %get3A_1150 : i32 to vector<16xi32>
        %ge3A_1152 = arith.cmpi sge, %add3A_1054, %ge3A_1151 : vector<16xi32>
        %convert_element_type3A_1153 = arith.extui %ge3A_1152 : vector<16xi1> to vector<16xi32>
        %add3A_1154 = arith.addi %add3A_1147, %convert_element_type3A_1153 : vector<16xi32>
        %get3A_1155 = arith.constant 15 : i32
        %get3A_1156 = arith.index_cast %get3A_1155 : i32 to index
        %get3A_1157 = memref.load %arg9[%get3A_1156] : memref<40xi32, #tpu.memory_space<smem>>
        %ge3A_1158 = vector.broadcast %get3A_1157 : i32 to vector<16xi32>
        %ge3A_1159 = arith.cmpi sge, %add3A_1054, %ge3A_1158 : vector<16xi32>
        %convert_element_type3A_1160 = arith.extui %ge3A_1159 : vector<16xi1> to vector<16xi32>
        %add3A_1161 = arith.addi %add3A_1154, %convert_element_type3A_1160 : vector<16xi32>
        %get3A_1162 = arith.constant 16 : i32
        %get3A_1163 = arith.index_cast %get3A_1162 : i32 to index
        %get3A_1164 = memref.load %arg9[%get3A_1163] : memref<40xi32, #tpu.memory_space<smem>>
        %ge3A_1165 = vector.broadcast %get3A_1164 : i32 to vector<16xi32>
        %ge3A_1166 = arith.cmpi sge, %add3A_1054, %ge3A_1165 : vector<16xi32>
        %convert_element_type3A_1167 = arith.extui %ge3A_1166 : vector<16xi1> to vector<16xi32>
        %add3A_1168 = arith.addi %add3A_1161, %convert_element_type3A_1167 : vector<16xi32>
        %get3A_1169 = arith.constant 17 : i32
        %get3A_1170 = arith.index_cast %get3A_1169 : i32 to index
        %get3A_1171 = memref.load %arg9[%get3A_1170] : memref<40xi32, #tpu.memory_space<smem>>
        %ge3A_1172 = vector.broadcast %get3A_1171 : i32 to vector<16xi32>
        %ge3A_1173 = arith.cmpi sge, %add3A_1054, %ge3A_1172 : vector<16xi32>
        %convert_element_type3A_1174 = arith.extui %ge3A_1173 : vector<16xi1> to vector<16xi32>
        %add3A_1175 = arith.addi %add3A_1168, %convert_element_type3A_1174 : vector<16xi32>
        %get3A_1176 = arith.constant 18 : i32
        %get3A_1177 = arith.index_cast %get3A_1176 : i32 to index
        %get3A_1178 = memref.load %arg9[%get3A_1177] : memref<40xi32, #tpu.memory_space<smem>>
        %ge3A_1179 = vector.broadcast %get3A_1178 : i32 to vector<16xi32>
        %ge3A_1180 = arith.cmpi sge, %add3A_1054, %ge3A_1179 : vector<16xi32>
        %convert_element_type3A_1181 = arith.extui %ge3A_1180 : vector<16xi1> to vector<16xi32>
        %add3A_1182 = arith.addi %add3A_1175, %convert_element_type3A_1181 : vector<16xi32>
        %get3A_1183 = arith.constant 19 : i32
        %get3A_1184 = arith.index_cast %get3A_1183 : i32 to index
        %get3A_1185 = memref.load %arg9[%get3A_1184] : memref<40xi32, #tpu.memory_space<smem>>
        %ge3A_1186 = vector.broadcast %get3A_1185 : i32 to vector<16xi32>
        %ge3A_1187 = arith.cmpi sge, %add3A_1054, %ge3A_1186 : vector<16xi32>
        %convert_element_type3A_1188 = arith.extui %ge3A_1187 : vector<16xi1> to vector<16xi32>
        %add3A_1189 = arith.addi %add3A_1182, %convert_element_type3A_1188 : vector<16xi32>
        %get3A_1190 = arith.constant 20 : i32
        %get3A_1191 = arith.index_cast %get3A_1190 : i32 to index
        %get3A_1192 = memref.load %arg9[%get3A_1191] : memref<40xi32, #tpu.memory_space<smem>>
        %ge3A_1193 = vector.broadcast %get3A_1192 : i32 to vector<16xi32>
        %ge3A_1194 = arith.cmpi sge, %add3A_1054, %ge3A_1193 : vector<16xi32>
        %convert_element_type3A_1195 = arith.extui %ge3A_1194 : vector<16xi1> to vector<16xi32>
        %add3A_1196 = arith.addi %add3A_1189, %convert_element_type3A_1195 : vector<16xi32>
        %get3A_1197 = arith.constant 21 : i32
        %get3A_1198 = arith.index_cast %get3A_1197 : i32 to index
        %get3A_1199 = memref.load %arg9[%get3A_1198] : memref<40xi32, #tpu.memory_space<smem>>
        %ge3A_1200 = vector.broadcast %get3A_1199 : i32 to vector<16xi32>
        %ge3A_1201 = arith.cmpi sge, %add3A_1054, %ge3A_1200 : vector<16xi32>
        %convert_element_type3A_1202 = arith.extui %ge3A_1201 : vector<16xi1> to vector<16xi32>
        %add3A_1203 = arith.addi %add3A_1196, %convert_element_type3A_1202 : vector<16xi32>
        %get3A_1204 = arith.constant 22 : i32
        %get3A_1205 = arith.index_cast %get3A_1204 : i32 to index
        %get3A_1206 = memref.load %arg9[%get3A_1205] : memref<40xi32, #tpu.memory_space<smem>>
        %ge3A_1207 = vector.broadcast %get3A_1206 : i32 to vector<16xi32>
        %ge3A_1208 = arith.cmpi sge, %add3A_1054, %ge3A_1207 : vector<16xi32>
        %convert_element_type3A_1209 = arith.extui %ge3A_1208 : vector<16xi1> to vector<16xi32>
        %add3A_1210 = arith.addi %add3A_1203, %convert_element_type3A_1209 : vector<16xi32>
        %get3A_1211 = arith.constant 23 : i32
        %get3A_1212 = arith.index_cast %get3A_1211 : i32 to index
        %get3A_1213 = memref.load %arg9[%get3A_1212] : memref<40xi32, #tpu.memory_space<smem>>
        %ge3A_1214 = vector.broadcast %get3A_1213 : i32 to vector<16xi32>
        %ge3A_1215 = arith.cmpi sge, %add3A_1054, %ge3A_1214 : vector<16xi32>
        %convert_element_type3A_1216 = arith.extui %ge3A_1215 : vector<16xi1> to vector<16xi32>
        %add3A_1217 = arith.addi %add3A_1210, %convert_element_type3A_1216 : vector<16xi32>
        %get3A_1218 = arith.constant 24 : i32
        %get3A_1219 = arith.index_cast %get3A_1218 : i32 to index
        %get3A_1220 = memref.load %arg9[%get3A_1219] : memref<40xi32, #tpu.memory_space<smem>>
        %ge3A_1221 = vector.broadcast %get3A_1220 : i32 to vector<16xi32>
        %ge3A_1222 = arith.cmpi sge, %add3A_1054, %ge3A_1221 : vector<16xi32>
        %convert_element_type3A_1223 = arith.extui %ge3A_1222 : vector<16xi1> to vector<16xi32>
        %add3A_1224 = arith.addi %add3A_1217, %convert_element_type3A_1223 : vector<16xi32>
        %get3A_1225 = arith.constant 25 : i32
        %get3A_1226 = arith.index_cast %get3A_1225 : i32 to index
        %get3A_1227 = memref.load %arg9[%get3A_1226] : memref<40xi32, #tpu.memory_space<smem>>
        %ge3A_1228 = vector.broadcast %get3A_1227 : i32 to vector<16xi32>
        %ge3A_1229 = arith.cmpi sge, %add3A_1054, %ge3A_1228 : vector<16xi32>
        %convert_element_type3A_1230 = arith.extui %ge3A_1229 : vector<16xi1> to vector<16xi32>
        %add3A_1231 = arith.addi %add3A_1224, %convert_element_type3A_1230 : vector<16xi32>
        %get3A_1232 = arith.constant 26 : i32
        %get3A_1233 = arith.index_cast %get3A_1232 : i32 to index
        %get3A_1234 = memref.load %arg9[%get3A_1233] : memref<40xi32, #tpu.memory_space<smem>>
        %ge3A_1235 = vector.broadcast %get3A_1234 : i32 to vector<16xi32>
        %ge3A_1236 = arith.cmpi sge, %add3A_1054, %ge3A_1235 : vector<16xi32>
        %convert_element_type3A_1237 = arith.extui %ge3A_1236 : vector<16xi1> to vector<16xi32>
        %add3A_1238 = arith.addi %add3A_1231, %convert_element_type3A_1237 : vector<16xi32>
        %get3A_1239 = arith.constant 27 : i32
        %get3A_1240 = arith.index_cast %get3A_1239 : i32 to index
        %get3A_1241 = memref.load %arg9[%get3A_1240] : memref<40xi32, #tpu.memory_space<smem>>
        %ge3A_1242 = vector.broadcast %get3A_1241 : i32 to vector<16xi32>
        %ge3A_1243 = arith.cmpi sge, %add3A_1054, %ge3A_1242 : vector<16xi32>
        %convert_element_type3A_1244 = arith.extui %ge3A_1243 : vector<16xi1> to vector<16xi32>
        %add3A_1245 = arith.addi %add3A_1238, %convert_element_type3A_1244 : vector<16xi32>
        %get3A_1246 = arith.constant 28 : i32
        %get3A_1247 = arith.index_cast %get3A_1246 : i32 to index
        %get3A_1248 = memref.load %arg9[%get3A_1247] : memref<40xi32, #tpu.memory_space<smem>>
        %ge3A_1249 = vector.broadcast %get3A_1248 : i32 to vector<16xi32>
        %ge3A_1250 = arith.cmpi sge, %add3A_1054, %ge3A_1249 : vector<16xi32>
        %convert_element_type3A_1251 = arith.extui %ge3A_1250 : vector<16xi1> to vector<16xi32>
        %add3A_1252 = arith.addi %add3A_1245, %convert_element_type3A_1251 : vector<16xi32>
        %get3A_1253 = arith.constant 29 : i32
        %get3A_1254 = arith.index_cast %get3A_1253 : i32 to index
        %get3A_1255 = memref.load %arg9[%get3A_1254] : memref<40xi32, #tpu.memory_space<smem>>
        %ge3A_1256 = vector.broadcast %get3A_1255 : i32 to vector<16xi32>
        %ge3A_1257 = arith.cmpi sge, %add3A_1054, %ge3A_1256 : vector<16xi32>
        %convert_element_type3A_1258 = arith.extui %ge3A_1257 : vector<16xi1> to vector<16xi32>
        %add3A_1259 = arith.addi %add3A_1252, %convert_element_type3A_1258 : vector<16xi32>
        %get3A_1260 = arith.constant 30 : i32
        %get3A_1261 = arith.index_cast %get3A_1260 : i32 to index
        %get3A_1262 = memref.load %arg9[%get3A_1261] : memref<40xi32, #tpu.memory_space<smem>>
        %ge3A_1263 = vector.broadcast %get3A_1262 : i32 to vector<16xi32>
        %ge3A_1264 = arith.cmpi sge, %add3A_1054, %ge3A_1263 : vector<16xi32>
        %convert_element_type3A_1265 = arith.extui %ge3A_1264 : vector<16xi1> to vector<16xi32>
        %add3A_1266 = arith.addi %add3A_1259, %convert_element_type3A_1265 : vector<16xi32>
        %get3A_1267 = arith.constant 31 : i32
        %get3A_1268 = arith.index_cast %get3A_1267 : i32 to index
        %get3A_1269 = memref.load %arg9[%get3A_1268] : memref<40xi32, #tpu.memory_space<smem>>
        %ge3A_1270 = vector.broadcast %get3A_1269 : i32 to vector<16xi32>
        %ge3A_1271 = arith.cmpi sge, %add3A_1054, %ge3A_1270 : vector<16xi32>
        %convert_element_type3A_1272 = arith.extui %ge3A_1271 : vector<16xi1> to vector<16xi32>
        %add3A_1273 = arith.addi %add3A_1266, %convert_element_type3A_1272 : vector<16xi32>
        %get3A_1274 = arith.constant 32 : i32
        %get3A_1275 = arith.index_cast %get3A_1274 : i32 to index
        %get3A_1276 = memref.load %arg9[%get3A_1275] : memref<40xi32, #tpu.memory_space<smem>>
        %ge3A_1277 = vector.broadcast %get3A_1276 : i32 to vector<16xi32>
        %ge3A_1278 = arith.cmpi sge, %add3A_1054, %ge3A_1277 : vector<16xi32>
        %convert_element_type3A_1279 = arith.extui %ge3A_1278 : vector<16xi1> to vector<16xi32>
        %add3A_1280 = arith.addi %add3A_1273, %convert_element_type3A_1279 : vector<16xi32>
        %gather3A_1281 = tpu.vector_load_idx %arg8[%add3A_1280] : memref<48xi32, #tpu.memory_space<vmem>>[vector<16xi32>], vector<16xi32>,
        %add3A_1282 = arith.addi %add3A_1054, %gather3A_1281 : vector<16xi32>
        %mul3A_1283 = arith.constant 128 : i32
        %mul3A_1284 = arith.muli %scan3A_799, %mul3A_1283 : i32
        %add3A_1285 = arith.constant 16 : i32
        %add3A_1286 = arith.addi %mul3A_1284, %add3A_1285 : i32
        %swap3A_1287 = arith.index_cast %add3A_1286 : i32 to index
        %swap3A_1288 = tpu.vector_load %arg11[%swap3A_1287] {strides = array<i32>} : memref<32768xi32, #tpu.memory_space<vmem>>, vector<16xi32>,
        tpu.vector_store %arg11[%swap3A_1287], %add3A_1282 {strides = array<i32>} : memref<32768xi32, #tpu.memory_space<vmem>>, vector<16xi32>,
        %add3A_1289 = arith.constant 32 : i32
        %add3A_1290 = arith.addi %add3A_803, %add3A_1289 : i32
        %add3A_1291 = vector.broadcast %add3A_1290 : i32 to vector<16xi32>
        %add3A_1292 = arith.addi %add3A_1291, %iota3A_786 : vector<16xi32>
        %broadcast_in_dim3A_1293 = arith.constant 0 : i32
        %broadcast_in_dim3A_1294 = vector.broadcast %broadcast_in_dim3A_1293 : i32 to vector<16xi32>
        %get3A_1295 = arith.constant 1 : i32
        %get3A_1296 = arith.index_cast %get3A_1295 : i32 to index
        %get3A_1297 = memref.load %arg9[%get3A_1296] : memref<40xi32, #tpu.memory_space<smem>>
        %ge3A_1298 = vector.broadcast %get3A_1297 : i32 to vector<16xi32>
        %ge3A_1299 = arith.cmpi sge, %add3A_1292, %ge3A_1298 : vector<16xi32>
        %convert_element_type3A_1300 = arith.extui %ge3A_1299 : vector<16xi1> to vector<16xi32>
        %add3A_1301 = arith.addi %broadcast_in_dim3A_1294, %convert_element_type3A_1300 : vector<16xi32>
        %get3A_1302 = arith.constant 2 : i32
        %get3A_1303 = arith.index_cast %get3A_1302 : i32 to index
        %get3A_1304 = memref.load %arg9[%get3A_1303] : memref<40xi32, #tpu.memory_space<smem>>
        %ge3A_1305 = vector.broadcast %get3A_1304 : i32 to vector<16xi32>
        %ge3A_1306 = arith.cmpi sge, %add3A_1292, %ge3A_1305 : vector<16xi32>
        %convert_element_type3A_1307 = arith.extui %ge3A_1306 : vector<16xi1> to vector<16xi32>
        %add3A_1308 = arith.addi %add3A_1301, %convert_element_type3A_1307 : vector<16xi32>
        %get3A_1309 = arith.constant 3 : i32
        %get3A_1310 = arith.index_cast %get3A_1309 : i32 to index
        %get3A_1311 = memref.load %arg9[%get3A_1310] : memref<40xi32, #tpu.memory_space<smem>>
        %ge3A_1312 = vector.broadcast %get3A_1311 : i32 to vector<16xi32>
        %ge3A_1313 = arith.cmpi sge, %add3A_1292, %ge3A_1312 : vector<16xi32>
        %convert_element_type3A_1314 = arith.extui %ge3A_1313 : vector<16xi1> to vector<16xi32>
        %add3A_1315 = arith.addi %add3A_1308, %convert_element_type3A_1314 : vector<16xi32>
        %get3A_1316 = arith.constant 4 : i32
        %get3A_1317 = arith.index_cast %get3A_1316 : i32 to index
        %get3A_1318 = memref.load %arg9[%get3A_1317] : memref<40xi32, #tpu.memory_space<smem>>
        %ge3A_1319 = vector.broadcast %get3A_1318 : i32 to vector<16xi32>
        %ge3A_1320 = arith.cmpi sge, %add3A_1292, %ge3A_1319 : vector<16xi32>
        %convert_element_type3A_1321 = arith.extui %ge3A_1320 : vector<16xi1> to vector<16xi32>
        %add3A_1322 = arith.addi %add3A_1315, %convert_element_type3A_1321 : vector<16xi32>
        %get3A_1323 = arith.constant 5 : i32
        %get3A_1324 = arith.index_cast %get3A_1323 : i32 to index
        %get3A_1325 = memref.load %arg9[%get3A_1324] : memref<40xi32, #tpu.memory_space<smem>>
        %ge3A_1326 = vector.broadcast %get3A_1325 : i32 to vector<16xi32>
        %ge3A_1327 = arith.cmpi sge, %add3A_1292, %ge3A_1326 : vector<16xi32>
        %convert_element_type3A_1328 = arith.extui %ge3A_1327 : vector<16xi1> to vector<16xi32>
        %add3A_1329 = arith.addi %add3A_1322, %convert_element_type3A_1328 : vector<16xi32>
        %get3A_1330 = arith.constant 6 : i32
        %get3A_1331 = arith.index_cast %get3A_1330 : i32 to index
        %get3A_1332 = memref.load %arg9[%get3A_1331] : memref<40xi32, #tpu.memory_space<smem>>
        %ge3A_1333 = vector.broadcast %get3A_1332 : i32 to vector<16xi32>
        %ge3A_1334 = arith.cmpi sge, %add3A_1292, %ge3A_1333 : vector<16xi32>
        %convert_element_type3A_1335 = arith.extui %ge3A_1334 : vector<16xi1> to vector<16xi32>
        %add3A_1336 = arith.addi %add3A_1329, %convert_element_type3A_1335 : vector<16xi32>
        %get3A_1337 = arith.constant 7 : i32
        %get3A_1338 = arith.index_cast %get3A_1337 : i32 to index
        %get3A_1339 = memref.load %arg9[%get3A_1338] : memref<40xi32, #tpu.memory_space<smem>>
        %ge3A_1340 = vector.broadcast %get3A_1339 : i32 to vector<16xi32>
        %ge3A_1341 = arith.cmpi sge, %add3A_1292, %ge3A_1340 : vector<16xi32>
        %convert_element_type3A_1342 = arith.extui %ge3A_1341 : vector<16xi1> to vector<16xi32>
        %add3A_1343 = arith.addi %add3A_1336, %convert_element_type3A_1342 : vector<16xi32>
        %get3A_1344 = arith.constant 8 : i32
        %get3A_1345 = arith.index_cast %get3A_1344 : i32 to index
        %get3A_1346 = memref.load %arg9[%get3A_1345] : memref<40xi32, #tpu.memory_space<smem>>
        %ge3A_1347 = vector.broadcast %get3A_1346 : i32 to vector<16xi32>
        %ge3A_1348 = arith.cmpi sge, %add3A_1292, %ge3A_1347 : vector<16xi32>
        %convert_element_type3A_1349 = arith.extui %ge3A_1348 : vector<16xi1> to vector<16xi32>
        %add3A_1350 = arith.addi %add3A_1343, %convert_element_type3A_1349 : vector<16xi32>
        %get3A_1351 = arith.constant 9 : i32
        %get3A_1352 = arith.index_cast %get3A_1351 : i32 to index
        %get3A_1353 = memref.load %arg9[%get3A_1352] : memref<40xi32, #tpu.memory_space<smem>>
        %ge3A_1354 = vector.broadcast %get3A_1353 : i32 to vector<16xi32>
        %ge3A_1355 = arith.cmpi sge, %add3A_1292, %ge3A_1354 : vector<16xi32>
        %convert_element_type3A_1356 = arith.extui %ge3A_1355 : vector<16xi1> to vector<16xi32>
        %add3A_1357 = arith.addi %add3A_1350, %convert_element_type3A_1356 : vector<16xi32>
        %get3A_1358 = arith.constant 10 : i32
        %get3A_1359 = arith.index_cast %get3A_1358 : i32 to index
        %get3A_1360 = memref.load %arg9[%get3A_1359] : memref<40xi32, #tpu.memory_space<smem>>
        %ge3A_1361 = vector.broadcast %get3A_1360 : i32 to vector<16xi32>
        %ge3A_1362 = arith.cmpi sge, %add3A_1292, %ge3A_1361 : vector<16xi32>
        %convert_element_type3A_1363 = arith.extui %ge3A_1362 : vector<16xi1> to vector<16xi32>
        %add3A_1364 = arith.addi %add3A_1357, %convert_element_type3A_1363 : vector<16xi32>
        %get3A_1365 = arith.constant 11 : i32
        %get3A_1366 = arith.index_cast %get3A_1365 : i32 to index
        %get3A_1367 = memref.load %arg9[%get3A_1366] : memref<40xi32, #tpu.memory_space<smem>>
        %ge3A_1368 = vector.broadcast %get3A_1367 : i32 to vector<16xi32>
        %ge3A_1369 = arith.cmpi sge, %add3A_1292, %ge3A_1368 : vector<16xi32>
        %convert_element_type3A_1370 = arith.extui %ge3A_1369 : vector<16xi1> to vector<16xi32>
        %add3A_1371 = arith.addi %add3A_1364, %convert_element_type3A_1370 : vector<16xi32>
        %get3A_1372 = arith.constant 12 : i32
        %get3A_1373 = arith.index_cast %get3A_1372 : i32 to index
        %get3A_1374 = memref.load %arg9[%get3A_1373] : memref<40xi32, #tpu.memory_space<smem>>
        %ge3A_1375 = vector.broadcast %get3A_1374 : i32 to vector<16xi32>
        %ge3A_1376 = arith.cmpi sge, %add3A_1292, %ge3A_1375 : vector<16xi32>
        %convert_element_type3A_1377 = arith.extui %ge3A_1376 : vector<16xi1> to vector<16xi32>
        %add3A_1378 = arith.addi %add3A_1371, %convert_element_type3A_1377 : vector<16xi32>
        %get3A_1379 = arith.constant 13 : i32
        %get3A_1380 = arith.index_cast %get3A_1379 : i32 to index
        %get3A_1381 = memref.load %arg9[%get3A_1380] : memref<40xi32, #tpu.memory_space<smem>>
        %ge3A_1382 = vector.broadcast %get3A_1381 : i32 to vector<16xi32>
        %ge3A_1383 = arith.cmpi sge, %add3A_1292, %ge3A_1382 : vector<16xi32>
        %convert_element_type3A_1384 = arith.extui %ge3A_1383 : vector<16xi1> to vector<16xi32>
        %add3A_1385 = arith.addi %add3A_1378, %convert_element_type3A_1384 : vector<16xi32>
        %get3A_1386 = arith.constant 14 : i32
        %get3A_1387 = arith.index_cast %get3A_1386 : i32 to index
        %get3A_1388 = memref.load %arg9[%get3A_1387] : memref<40xi32, #tpu.memory_space<smem>>
        %ge3A_1389 = vector.broadcast %get3A_1388 : i32 to vector<16xi32>
        %ge3A_1390 = arith.cmpi sge, %add3A_1292, %ge3A_1389 : vector<16xi32>
        %convert_element_type3A_1391 = arith.extui %ge3A_1390 : vector<16xi1> to vector<16xi32>
        %add3A_1392 = arith.addi %add3A_1385, %convert_element_type3A_1391 : vector<16xi32>
        %get3A_1393 = arith.constant 15 : i32
        %get3A_1394 = arith.index_cast %get3A_1393 : i32 to index
        %get3A_1395 = memref.load %arg9[%get3A_1394] : memref<40xi32, #tpu.memory_space<smem>>
        %ge3A_1396 = vector.broadcast %get3A_1395 : i32 to vector<16xi32>
        %ge3A_1397 = arith.cmpi sge, %add3A_1292, %ge3A_1396 : vector<16xi32>
        %convert_element_type3A_1398 = arith.extui %ge3A_1397 : vector<16xi1> to vector<16xi32>
        %add3A_1399 = arith.addi %add3A_1392, %convert_element_type3A_1398 : vector<16xi32>
        %get3A_1400 = arith.constant 16 : i32
        %get3A_1401 = arith.index_cast %get3A_1400 : i32 to index
        %get3A_1402 = memref.load %arg9[%get3A_1401] : memref<40xi32, #tpu.memory_space<smem>>
        %ge3A_1403 = vector.broadcast %get3A_1402 : i32 to vector<16xi32>
        %ge3A_1404 = arith.cmpi sge, %add3A_1292, %ge3A_1403 : vector<16xi32>
        %convert_element_type3A_1405 = arith.extui %ge3A_1404 : vector<16xi1> to vector<16xi32>
        %add3A_1406 = arith.addi %add3A_1399, %convert_element_type3A_1405 : vector<16xi32>
        %get3A_1407 = arith.constant 17 : i32
        %get3A_1408 = arith.index_cast %get3A_1407 : i32 to index
        %get3A_1409 = memref.load %arg9[%get3A_1408] : memref<40xi32, #tpu.memory_space<smem>>
        %ge3A_1410 = vector.broadcast %get3A_1409 : i32 to vector<16xi32>
        %ge3A_1411 = arith.cmpi sge, %add3A_1292, %ge3A_1410 : vector<16xi32>
        %convert_element_type3A_1412 = arith.extui %ge3A_1411 : vector<16xi1> to vector<16xi32>
        %add3A_1413 = arith.addi %add3A_1406, %convert_element_type3A_1412 : vector<16xi32>
        %get3A_1414 = arith.constant 18 : i32
        %get3A_1415 = arith.index_cast %get3A_1414 : i32 to index
        %get3A_1416 = memref.load %arg9[%get3A_1415] : memref<40xi32, #tpu.memory_space<smem>>
        %ge3A_1417 = vector.broadcast %get3A_1416 : i32 to vector<16xi32>
        %ge3A_1418 = arith.cmpi sge, %add3A_1292, %ge3A_1417 : vector<16xi32>
        %convert_element_type3A_1419 = arith.extui %ge3A_1418 : vector<16xi1> to vector<16xi32>
        %add3A_1420 = arith.addi %add3A_1413, %convert_element_type3A_1419 : vector<16xi32>
        %get3A_1421 = arith.constant 19 : i32
        %get3A_1422 = arith.index_cast %get3A_1421 : i32 to index
        %get3A_1423 = memref.load %arg9[%get3A_1422] : memref<40xi32, #tpu.memory_space<smem>>
        %ge3A_1424 = vector.broadcast %get3A_1423 : i32 to vector<16xi32>
        %ge3A_1425 = arith.cmpi sge, %add3A_1292, %ge3A_1424 : vector<16xi32>
        %convert_element_type3A_1426 = arith.extui %ge3A_1425 : vector<16xi1> to vector<16xi32>
        %add3A_1427 = arith.addi %add3A_1420, %convert_element_type3A_1426 : vector<16xi32>
        %get3A_1428 = arith.constant 20 : i32
        %get3A_1429 = arith.index_cast %get3A_1428 : i32 to index
        %get3A_1430 = memref.load %arg9[%get3A_1429] : memref<40xi32, #tpu.memory_space<smem>>
        %ge3A_1431 = vector.broadcast %get3A_1430 : i32 to vector<16xi32>
        %ge3A_1432 = arith.cmpi sge, %add3A_1292, %ge3A_1431 : vector<16xi32>
        %convert_element_type3A_1433 = arith.extui %ge3A_1432 : vector<16xi1> to vector<16xi32>
        %add3A_1434 = arith.addi %add3A_1427, %convert_element_type3A_1433 : vector<16xi32>
        %get3A_1435 = arith.constant 21 : i32
        %get3A_1436 = arith.index_cast %get3A_1435 : i32 to index
        %get3A_1437 = memref.load %arg9[%get3A_1436] : memref<40xi32, #tpu.memory_space<smem>>
        %ge3A_1438 = vector.broadcast %get3A_1437 : i32 to vector<16xi32>
        %ge3A_1439 = arith.cmpi sge, %add3A_1292, %ge3A_1438 : vector<16xi32>
        %convert_element_type3A_1440 = arith.extui %ge3A_1439 : vector<16xi1> to vector<16xi32>
        %add3A_1441 = arith.addi %add3A_1434, %convert_element_type3A_1440 : vector<16xi32>
        %get3A_1442 = arith.constant 22 : i32
        %get3A_1443 = arith.index_cast %get3A_1442 : i32 to index
        %get3A_1444 = memref.load %arg9[%get3A_1443] : memref<40xi32, #tpu.memory_space<smem>>
        %ge3A_1445 = vector.broadcast %get3A_1444 : i32 to vector<16xi32>
        %ge3A_1446 = arith.cmpi sge, %add3A_1292, %ge3A_1445 : vector<16xi32>
        %convert_element_type3A_1447 = arith.extui %ge3A_1446 : vector<16xi1> to vector<16xi32>
        %add3A_1448 = arith.addi %add3A_1441, %convert_element_type3A_1447 : vector<16xi32>
        %get3A_1449 = arith.constant 23 : i32
        %get3A_1450 = arith.index_cast %get3A_1449 : i32 to index
        %get3A_1451 = memref.load %arg9[%get3A_1450] : memref<40xi32, #tpu.memory_space<smem>>
        %ge3A_1452 = vector.broadcast %get3A_1451 : i32 to vector<16xi32>
        %ge3A_1453 = arith.cmpi sge, %add3A_1292, %ge3A_1452 : vector<16xi32>
        %convert_element_type3A_1454 = arith.extui %ge3A_1453 : vector<16xi1> to vector<16xi32>
        %add3A_1455 = arith.addi %add3A_1448, %convert_element_type3A_1454 : vector<16xi32>
        %get3A_1456 = arith.constant 24 : i32
        %get3A_1457 = arith.index_cast %get3A_1456 : i32 to index
        %get3A_1458 = memref.load %arg9[%get3A_1457] : memref<40xi32, #tpu.memory_space<smem>>
        %ge3A_1459 = vector.broadcast %get3A_1458 : i32 to vector<16xi32>
        %ge3A_1460 = arith.cmpi sge, %add3A_1292, %ge3A_1459 : vector<16xi32>
        %convert_element_type3A_1461 = arith.extui %ge3A_1460 : vector<16xi1> to vector<16xi32>
        %add3A_1462 = arith.addi %add3A_1455, %convert_element_type3A_1461 : vector<16xi32>
        %get3A_1463 = arith.constant 25 : i32
        %get3A_1464 = arith.index_cast %get3A_1463 : i32 to index
        %get3A_1465 = memref.load %arg9[%get3A_1464] : memref<40xi32, #tpu.memory_space<smem>>
        %ge3A_1466 = vector.broadcast %get3A_1465 : i32 to vector<16xi32>
        %ge3A_1467 = arith.cmpi sge, %add3A_1292, %ge3A_1466 : vector<16xi32>
        %convert_element_type3A_1468 = arith.extui %ge3A_1467 : vector<16xi1> to vector<16xi32>
        %add3A_1469 = arith.addi %add3A_1462, %convert_element_type3A_1468 : vector<16xi32>
        %get3A_1470 = arith.constant 26 : i32
        %get3A_1471 = arith.index_cast %get3A_1470 : i32 to index
        %get3A_1472 = memref.load %arg9[%get3A_1471] : memref<40xi32, #tpu.memory_space<smem>>
        %ge3A_1473 = vector.broadcast %get3A_1472 : i32 to vector<16xi32>
        %ge3A_1474 = arith.cmpi sge, %add3A_1292, %ge3A_1473 : vector<16xi32>
        %convert_element_type3A_1475 = arith.extui %ge3A_1474 : vector<16xi1> to vector<16xi32>
        %add3A_1476 = arith.addi %add3A_1469, %convert_element_type3A_1475 : vector<16xi32>
        %get3A_1477 = arith.constant 27 : i32
        %get3A_1478 = arith.index_cast %get3A_1477 : i32 to index
        %get3A_1479 = memref.load %arg9[%get3A_1478] : memref<40xi32, #tpu.memory_space<smem>>
        %ge3A_1480 = vector.broadcast %get3A_1479 : i32 to vector<16xi32>
        %ge3A_1481 = arith.cmpi sge, %add3A_1292, %ge3A_1480 : vector<16xi32>
        %convert_element_type3A_1482 = arith.extui %ge3A_1481 : vector<16xi1> to vector<16xi32>
        %add3A_1483 = arith.addi %add3A_1476, %convert_element_type3A_1482 : vector<16xi32>
        %get3A_1484 = arith.constant 28 : i32
        %get3A_1485 = arith.index_cast %get3A_1484 : i32 to index
        %get3A_1486 = memref.load %arg9[%get3A_1485] : memref<40xi32, #tpu.memory_space<smem>>
        %ge3A_1487 = vector.broadcast %get3A_1486 : i32 to vector<16xi32>
        %ge3A_1488 = arith.cmpi sge, %add3A_1292, %ge3A_1487 : vector<16xi32>
        %convert_element_type3A_1489 = arith.extui %ge3A_1488 : vector<16xi1> to vector<16xi32>
        %add3A_1490 = arith.addi %add3A_1483, %convert_element_type3A_1489 : vector<16xi32>
        %get3A_1491 = arith.constant 29 : i32
        %get3A_1492 = arith.index_cast %get3A_1491 : i32 to index
        %get3A_1493 = memref.load %arg9[%get3A_1492] : memref<40xi32, #tpu.memory_space<smem>>
        %ge3A_1494 = vector.broadcast %get3A_1493 : i32 to vector<16xi32>
        %ge3A_1495 = arith.cmpi sge, %add3A_1292, %ge3A_1494 : vector<16xi32>
        %convert_element_type3A_1496 = arith.extui %ge3A_1495 : vector<16xi1> to vector<16xi32>
        %add3A_1497 = arith.addi %add3A_1490, %convert_element_type3A_1496 : vector<16xi32>
        %get3A_1498 = arith.constant 30 : i32
        %get3A_1499 = arith.index_cast %get3A_1498 : i32 to index
        %get3A_1500 = memref.load %arg9[%get3A_1499] : memref<40xi32, #tpu.memory_space<smem>>
        %ge3A_1501 = vector.broadcast %get3A_1500 : i32 to vector<16xi32>
        %ge3A_1502 = arith.cmpi sge, %add3A_1292, %ge3A_1501 : vector<16xi32>
        %convert_element_type3A_1503 = arith.extui %ge3A_1502 : vector<16xi1> to vector<16xi32>
        %add3A_1504 = arith.addi %add3A_1497, %convert_element_type3A_1503 : vector<16xi32>
        %get3A_1505 = arith.constant 31 : i32
        %get3A_1506 = arith.index_cast %get3A_1505 : i32 to index
        %get3A_1507 = memref.load %arg9[%get3A_1506] : memref<40xi32, #tpu.memory_space<smem>>
        %ge3A_1508 = vector.broadcast %get3A_1507 : i32 to vector<16xi32>
        %ge3A_1509 = arith.cmpi sge, %add3A_1292, %ge3A_1508 : vector<16xi32>
        %convert_element_type3A_1510 = arith.extui %ge3A_1509 : vector<16xi1> to vector<16xi32>
        %add3A_1511 = arith.addi %add3A_1504, %convert_element_type3A_1510 : vector<16xi32>
        %get3A_1512 = arith.constant 32 : i32
        %get3A_1513 = arith.index_cast %get3A_1512 : i32 to index
        %get3A_1514 = memref.load %arg9[%get3A_1513] : memref<40xi32, #tpu.memory_space<smem>>
        %ge3A_1515 = vector.broadcast %get3A_1514 : i32 to vector<16xi32>
        %ge3A_1516 = arith.cmpi sge, %add3A_1292, %ge3A_1515 : vector<16xi32>
        %convert_element_type3A_1517 = arith.extui %ge3A_1516 : vector<16xi1> to vector<16xi32>
        %add3A_1518 = arith.addi %add3A_1511, %convert_element_type3A_1517 : vector<16xi32>
        %gather3A_1519 = tpu.vector_load_idx %arg8[%add3A_1518] : memref<48xi32, #tpu.memory_space<vmem>>[vector<16xi32>], vector<16xi32>,
        %add3A_1520 = arith.addi %add3A_1292, %gather3A_1519 : vector<16xi32>
        %mul3A_1521 = arith.constant 128 : i32
        %mul3A_1522 = arith.muli %scan3A_799, %mul3A_1521 : i32
        %add3A_1523 = arith.constant 32 : i32
        %add3A_1524 = arith.addi %mul3A_1522, %add3A_1523 : i32
        %swap3A_1525 = arith.index_cast %add3A_1524 : i32 to index
        %swap3A_1526 = tpu.vector_load %arg11[%swap3A_1525] {strides = array<i32>} : memref<32768xi32, #tpu.memory_space<vmem>>, vector<16xi32>,
        tpu.vector_store %arg11[%swap3A_1525], %add3A_1520 {strides = array<i32>} : memref<32768xi32, #tpu.memory_space<vmem>>, vector<16xi32>,
        %add3A_1527 = arith.constant 48 : i32
        %add3A_1528 = arith.addi %add3A_803, %add3A_1527 : i32
        %add3A_1529 = vector.broadcast %add3A_1528 : i32 to vector<16xi32>
        %add3A_1530 = arith.addi %add3A_1529, %iota3A_786 : vector<16xi32>
        %broadcast_in_dim3A_1531 = arith.constant 0 : i32
        %broadcast_in_dim3A_1532 = vector.broadcast %broadcast_in_dim3A_1531 : i32 to vector<16xi32>
        %get3A_1533 = arith.constant 1 : i32
        %get3A_1534 = arith.index_cast %get3A_1533 : i32 to index
        %get3A_1535 = memref.load %arg9[%get3A_1534] : memref<40xi32, #tpu.memory_space<smem>>
        %ge3A_1536 = vector.broadcast %get3A_1535 : i32 to vector<16xi32>
        %ge3A_1537 = arith.cmpi sge, %add3A_1530, %ge3A_1536 : vector<16xi32>
        %convert_element_type3A_1538 = arith.extui %ge3A_1537 : vector<16xi1> to vector<16xi32>
        %add3A_1539 = arith.addi %broadcast_in_dim3A_1532, %convert_element_type3A_1538 : vector<16xi32>
        %get3A_1540 = arith.constant 2 : i32
        %get3A_1541 = arith.index_cast %get3A_1540 : i32 to index
        %get3A_1542 = memref.load %arg9[%get3A_1541] : memref<40xi32, #tpu.memory_space<smem>>
        %ge3A_1543 = vector.broadcast %get3A_1542 : i32 to vector<16xi32>
        %ge3A_1544 = arith.cmpi sge, %add3A_1530, %ge3A_1543 : vector<16xi32>
        %convert_element_type3A_1545 = arith.extui %ge3A_1544 : vector<16xi1> to vector<16xi32>
        %add3A_1546 = arith.addi %add3A_1539, %convert_element_type3A_1545 : vector<16xi32>
        %get3A_1547 = arith.constant 3 : i32
        %get3A_1548 = arith.index_cast %get3A_1547 : i32 to index
        %get3A_1549 = memref.load %arg9[%get3A_1548] : memref<40xi32, #tpu.memory_space<smem>>
        %ge3A_1550 = vector.broadcast %get3A_1549 : i32 to vector<16xi32>
        %ge3A_1551 = arith.cmpi sge, %add3A_1530, %ge3A_1550 : vector<16xi32>
        %convert_element_type3A_1552 = arith.extui %ge3A_1551 : vector<16xi1> to vector<16xi32>
        %add3A_1553 = arith.addi %add3A_1546, %convert_element_type3A_1552 : vector<16xi32>
        %get3A_1554 = arith.constant 4 : i32
        %get3A_1555 = arith.index_cast %get3A_1554 : i32 to index
        %get3A_1556 = memref.load %arg9[%get3A_1555] : memref<40xi32, #tpu.memory_space<smem>>
        %ge3A_1557 = vector.broadcast %get3A_1556 : i32 to vector<16xi32>
        %ge3A_1558 = arith.cmpi sge, %add3A_1530, %ge3A_1557 : vector<16xi32>
        %convert_element_type3A_1559 = arith.extui %ge3A_1558 : vector<16xi1> to vector<16xi32>
        %add3A_1560 = arith.addi %add3A_1553, %convert_element_type3A_1559 : vector<16xi32>
        %get3A_1561 = arith.constant 5 : i32
        %get3A_1562 = arith.index_cast %get3A_1561 : i32 to index
        %get3A_1563 = memref.load %arg9[%get3A_1562] : memref<40xi32, #tpu.memory_space<smem>>
        %ge3A_1564 = vector.broadcast %get3A_1563 : i32 to vector<16xi32>
        %ge3A_1565 = arith.cmpi sge, %add3A_1530, %ge3A_1564 : vector<16xi32>
        %convert_element_type3A_1566 = arith.extui %ge3A_1565 : vector<16xi1> to vector<16xi32>
        %add3A_1567 = arith.addi %add3A_1560, %convert_element_type3A_1566 : vector<16xi32>
        %get3A_1568 = arith.constant 6 : i32
        %get3A_1569 = arith.index_cast %get3A_1568 : i32 to index
        %get3A_1570 = memref.load %arg9[%get3A_1569] : memref<40xi32, #tpu.memory_space<smem>>
        %ge3A_1571 = vector.broadcast %get3A_1570 : i32 to vector<16xi32>
        %ge3A_1572 = arith.cmpi sge, %add3A_1530, %ge3A_1571 : vector<16xi32>
        %convert_element_type3A_1573 = arith.extui %ge3A_1572 : vector<16xi1> to vector<16xi32>
        %add3A_1574 = arith.addi %add3A_1567, %convert_element_type3A_1573 : vector<16xi32>
        %get3A_1575 = arith.constant 7 : i32
        %get3A_1576 = arith.index_cast %get3A_1575 : i32 to index
        %get3A_1577 = memref.load %arg9[%get3A_1576] : memref<40xi32, #tpu.memory_space<smem>>
        %ge3A_1578 = vector.broadcast %get3A_1577 : i32 to vector<16xi32>
        %ge3A_1579 = arith.cmpi sge, %add3A_1530, %ge3A_1578 : vector<16xi32>
        %convert_element_type3A_1580 = arith.extui %ge3A_1579 : vector<16xi1> to vector<16xi32>
        %add3A_1581 = arith.addi %add3A_1574, %convert_element_type3A_1580 : vector<16xi32>
        %get3A_1582 = arith.constant 8 : i32
        %get3A_1583 = arith.index_cast %get3A_1582 : i32 to index
        %get3A_1584 = memref.load %arg9[%get3A_1583] : memref<40xi32, #tpu.memory_space<smem>>
        %ge3A_1585 = vector.broadcast %get3A_1584 : i32 to vector<16xi32>
        %ge3A_1586 = arith.cmpi sge, %add3A_1530, %ge3A_1585 : vector<16xi32>
        %convert_element_type3A_1587 = arith.extui %ge3A_1586 : vector<16xi1> to vector<16xi32>
        %add3A_1588 = arith.addi %add3A_1581, %convert_element_type3A_1587 : vector<16xi32>
        %get3A_1589 = arith.constant 9 : i32
        %get3A_1590 = arith.index_cast %get3A_1589 : i32 to index
        %get3A_1591 = memref.load %arg9[%get3A_1590] : memref<40xi32, #tpu.memory_space<smem>>
        %ge3A_1592 = vector.broadcast %get3A_1591 : i32 to vector<16xi32>
        %ge3A_1593 = arith.cmpi sge, %add3A_1530, %ge3A_1592 : vector<16xi32>
        %convert_element_type3A_1594 = arith.extui %ge3A_1593 : vector<16xi1> to vector<16xi32>
        %add3A_1595 = arith.addi %add3A_1588, %convert_element_type3A_1594 : vector<16xi32>
        %get3A_1596 = arith.constant 10 : i32
        %get3A_1597 = arith.index_cast %get3A_1596 : i32 to index
        %get3A_1598 = memref.load %arg9[%get3A_1597] : memref<40xi32, #tpu.memory_space<smem>>
        %ge3A_1599 = vector.broadcast %get3A_1598 : i32 to vector<16xi32>
        %ge3A_1600 = arith.cmpi sge, %add3A_1530, %ge3A_1599 : vector<16xi32>
        %convert_element_type3A_1601 = arith.extui %ge3A_1600 : vector<16xi1> to vector<16xi32>
        %add3A_1602 = arith.addi %add3A_1595, %convert_element_type3A_1601 : vector<16xi32>
        %get3A_1603 = arith.constant 11 : i32
        %get3A_1604 = arith.index_cast %get3A_1603 : i32 to index
        %get3A_1605 = memref.load %arg9[%get3A_1604] : memref<40xi32, #tpu.memory_space<smem>>
        %ge3A_1606 = vector.broadcast %get3A_1605 : i32 to vector<16xi32>
        %ge3A_1607 = arith.cmpi sge, %add3A_1530, %ge3A_1606 : vector<16xi32>
        %convert_element_type3A_1608 = arith.extui %ge3A_1607 : vector<16xi1> to vector<16xi32>
        %add3A_1609 = arith.addi %add3A_1602, %convert_element_type3A_1608 : vector<16xi32>
        %get3A_1610 = arith.constant 12 : i32
        %get3A_1611 = arith.index_cast %get3A_1610 : i32 to index
        %get3A_1612 = memref.load %arg9[%get3A_1611] : memref<40xi32, #tpu.memory_space<smem>>
        %ge3A_1613 = vector.broadcast %get3A_1612 : i32 to vector<16xi32>
        %ge3A_1614 = arith.cmpi sge, %add3A_1530, %ge3A_1613 : vector<16xi32>
        %convert_element_type3A_1615 = arith.extui %ge3A_1614 : vector<16xi1> to vector<16xi32>
        %add3A_1616 = arith.addi %add3A_1609, %convert_element_type3A_1615 : vector<16xi32>
        %get3A_1617 = arith.constant 13 : i32
        %get3A_1618 = arith.index_cast %get3A_1617 : i32 to index
        %get3A_1619 = memref.load %arg9[%get3A_1618] : memref<40xi32, #tpu.memory_space<smem>>
        %ge3A_1620 = vector.broadcast %get3A_1619 : i32 to vector<16xi32>
        %ge3A_1621 = arith.cmpi sge, %add3A_1530, %ge3A_1620 : vector<16xi32>
        %convert_element_type3A_1622 = arith.extui %ge3A_1621 : vector<16xi1> to vector<16xi32>
        %add3A_1623 = arith.addi %add3A_1616, %convert_element_type3A_1622 : vector<16xi32>
        %get3A_1624 = arith.constant 14 : i32
        %get3A_1625 = arith.index_cast %get3A_1624 : i32 to index
        %get3A_1626 = memref.load %arg9[%get3A_1625] : memref<40xi32, #tpu.memory_space<smem>>
        %ge3A_1627 = vector.broadcast %get3A_1626 : i32 to vector<16xi32>
        %ge3A_1628 = arith.cmpi sge, %add3A_1530, %ge3A_1627 : vector<16xi32>
        %convert_element_type3A_1629 = arith.extui %ge3A_1628 : vector<16xi1> to vector<16xi32>
        %add3A_1630 = arith.addi %add3A_1623, %convert_element_type3A_1629 : vector<16xi32>
        %get3A_1631 = arith.constant 15 : i32
        %get3A_1632 = arith.index_cast %get3A_1631 : i32 to index
        %get3A_1633 = memref.load %arg9[%get3A_1632] : memref<40xi32, #tpu.memory_space<smem>>
        %ge3A_1634 = vector.broadcast %get3A_1633 : i32 to vector<16xi32>
        %ge3A_1635 = arith.cmpi sge, %add3A_1530, %ge3A_1634 : vector<16xi32>
        %convert_element_type3A_1636 = arith.extui %ge3A_1635 : vector<16xi1> to vector<16xi32>
        %add3A_1637 = arith.addi %add3A_1630, %convert_element_type3A_1636 : vector<16xi32>
        %get3A_1638 = arith.constant 16 : i32
        %get3A_1639 = arith.index_cast %get3A_1638 : i32 to index
        %get3A_1640 = memref.load %arg9[%get3A_1639] : memref<40xi32, #tpu.memory_space<smem>>
        %ge3A_1641 = vector.broadcast %get3A_1640 : i32 to vector<16xi32>
        %ge3A_1642 = arith.cmpi sge, %add3A_1530, %ge3A_1641 : vector<16xi32>
        %convert_element_type3A_1643 = arith.extui %ge3A_1642 : vector<16xi1> to vector<16xi32>
        %add3A_1644 = arith.addi %add3A_1637, %convert_element_type3A_1643 : vector<16xi32>
        %get3A_1645 = arith.constant 17 : i32
        %get3A_1646 = arith.index_cast %get3A_1645 : i32 to index
        %get3A_1647 = memref.load %arg9[%get3A_1646] : memref<40xi32, #tpu.memory_space<smem>>
        %ge3A_1648 = vector.broadcast %get3A_1647 : i32 to vector<16xi32>
        %ge3A_1649 = arith.cmpi sge, %add3A_1530, %ge3A_1648 : vector<16xi32>
        %convert_element_type3A_1650 = arith.extui %ge3A_1649 : vector<16xi1> to vector<16xi32>
        %add3A_1651 = arith.addi %add3A_1644, %convert_element_type3A_1650 : vector<16xi32>
        %get3A_1652 = arith.constant 18 : i32
        %get3A_1653 = arith.index_cast %get3A_1652 : i32 to index
        %get3A_1654 = memref.load %arg9[%get3A_1653] : memref<40xi32, #tpu.memory_space<smem>>
        %ge3A_1655 = vector.broadcast %get3A_1654 : i32 to vector<16xi32>
        %ge3A_1656 = arith.cmpi sge, %add3A_1530, %ge3A_1655 : vector<16xi32>
        %convert_element_type3A_1657 = arith.extui %ge3A_1656 : vector<16xi1> to vector<16xi32>
        %add3A_1658 = arith.addi %add3A_1651, %convert_element_type3A_1657 : vector<16xi32>
        %get3A_1659 = arith.constant 19 : i32
        %get3A_1660 = arith.index_cast %get3A_1659 : i32 to index
        %get3A_1661 = memref.load %arg9[%get3A_1660] : memref<40xi32, #tpu.memory_space<smem>>
        %ge3A_1662 = vector.broadcast %get3A_1661 : i32 to vector<16xi32>
        %ge3A_1663 = arith.cmpi sge, %add3A_1530, %ge3A_1662 : vector<16xi32>
        %convert_element_type3A_1664 = arith.extui %ge3A_1663 : vector<16xi1> to vector<16xi32>
        %add3A_1665 = arith.addi %add3A_1658, %convert_element_type3A_1664 : vector<16xi32>
        %get3A_1666 = arith.constant 20 : i32
        %get3A_1667 = arith.index_cast %get3A_1666 : i32 to index
        %get3A_1668 = memref.load %arg9[%get3A_1667] : memref<40xi32, #tpu.memory_space<smem>>
        %ge3A_1669 = vector.broadcast %get3A_1668 : i32 to vector<16xi32>
        %ge3A_1670 = arith.cmpi sge, %add3A_1530, %ge3A_1669 : vector<16xi32>
        %convert_element_type3A_1671 = arith.extui %ge3A_1670 : vector<16xi1> to vector<16xi32>
        %add3A_1672 = arith.addi %add3A_1665, %convert_element_type3A_1671 : vector<16xi32>
        %get3A_1673 = arith.constant 21 : i32
        %get3A_1674 = arith.index_cast %get3A_1673 : i32 to index
        %get3A_1675 = memref.load %arg9[%get3A_1674] : memref<40xi32, #tpu.memory_space<smem>>
        %ge3A_1676 = vector.broadcast %get3A_1675 : i32 to vector<16xi32>
        %ge3A_1677 = arith.cmpi sge, %add3A_1530, %ge3A_1676 : vector<16xi32>
        %convert_element_type3A_1678 = arith.extui %ge3A_1677 : vector<16xi1> to vector<16xi32>
        %add3A_1679 = arith.addi %add3A_1672, %convert_element_type3A_1678 : vector<16xi32>
        %get3A_1680 = arith.constant 22 : i32
        %get3A_1681 = arith.index_cast %get3A_1680 : i32 to index
        %get3A_1682 = memref.load %arg9[%get3A_1681] : memref<40xi32, #tpu.memory_space<smem>>
        %ge3A_1683 = vector.broadcast %get3A_1682 : i32 to vector<16xi32>
        %ge3A_1684 = arith.cmpi sge, %add3A_1530, %ge3A_1683 : vector<16xi32>
        %convert_element_type3A_1685 = arith.extui %ge3A_1684 : vector<16xi1> to vector<16xi32>
        %add3A_1686 = arith.addi %add3A_1679, %convert_element_type3A_1685 : vector<16xi32>
        %get3A_1687 = arith.constant 23 : i32
        %get3A_1688 = arith.index_cast %get3A_1687 : i32 to index
        %get3A_1689 = memref.load %arg9[%get3A_1688] : memref<40xi32, #tpu.memory_space<smem>>
        %ge3A_1690 = vector.broadcast %get3A_1689 : i32 to vector<16xi32>
        %ge3A_1691 = arith.cmpi sge, %add3A_1530, %ge3A_1690 : vector<16xi32>
        %convert_element_type3A_1692 = arith.extui %ge3A_1691 : vector<16xi1> to vector<16xi32>
        %add3A_1693 = arith.addi %add3A_1686, %convert_element_type3A_1692 : vector<16xi32>
        %get3A_1694 = arith.constant 24 : i32
        %get3A_1695 = arith.index_cast %get3A_1694 : i32 to index
        %get3A_1696 = memref.load %arg9[%get3A_1695] : memref<40xi32, #tpu.memory_space<smem>>
        %ge3A_1697 = vector.broadcast %get3A_1696 : i32 to vector<16xi32>
        %ge3A_1698 = arith.cmpi sge, %add3A_1530, %ge3A_1697 : vector<16xi32>
        %convert_element_type3A_1699 = arith.extui %ge3A_1698 : vector<16xi1> to vector<16xi32>
        %add3A_1700 = arith.addi %add3A_1693, %convert_element_type3A_1699 : vector<16xi32>
        %get3A_1701 = arith.constant 25 : i32
        %get3A_1702 = arith.index_cast %get3A_1701 : i32 to index
        %get3A_1703 = memref.load %arg9[%get3A_1702] : memref<40xi32, #tpu.memory_space<smem>>
        %ge3A_1704 = vector.broadcast %get3A_1703 : i32 to vector<16xi32>
        %ge3A_1705 = arith.cmpi sge, %add3A_1530, %ge3A_1704 : vector<16xi32>
        %convert_element_type3A_1706 = arith.extui %ge3A_1705 : vector<16xi1> to vector<16xi32>
        %add3A_1707 = arith.addi %add3A_1700, %convert_element_type3A_1706 : vector<16xi32>
        %get3A_1708 = arith.constant 26 : i32
        %get3A_1709 = arith.index_cast %get3A_1708 : i32 to index
        %get3A_1710 = memref.load %arg9[%get3A_1709] : memref<40xi32, #tpu.memory_space<smem>>
        %ge3A_1711 = vector.broadcast %get3A_1710 : i32 to vector<16xi32>
        %ge3A_1712 = arith.cmpi sge, %add3A_1530, %ge3A_1711 : vector<16xi32>
        %convert_element_type3A_1713 = arith.extui %ge3A_1712 : vector<16xi1> to vector<16xi32>
        %add3A_1714 = arith.addi %add3A_1707, %convert_element_type3A_1713 : vector<16xi32>
        %get3A_1715 = arith.constant 27 : i32
        %get3A_1716 = arith.index_cast %get3A_1715 : i32 to index
        %get3A_1717 = memref.load %arg9[%get3A_1716] : memref<40xi32, #tpu.memory_space<smem>>
        %ge3A_1718 = vector.broadcast %get3A_1717 : i32 to vector<16xi32>
        %ge3A_1719 = arith.cmpi sge, %add3A_1530, %ge3A_1718 : vector<16xi32>
        %convert_element_type3A_1720 = arith.extui %ge3A_1719 : vector<16xi1> to vector<16xi32>
        %add3A_1721 = arith.addi %add3A_1714, %convert_element_type3A_1720 : vector<16xi32>
        %get3A_1722 = arith.constant 28 : i32
        %get3A_1723 = arith.index_cast %get3A_1722 : i32 to index
        %get3A_1724 = memref.load %arg9[%get3A_1723] : memref<40xi32, #tpu.memory_space<smem>>
        %ge3A_1725 = vector.broadcast %get3A_1724 : i32 to vector<16xi32>
        %ge3A_1726 = arith.cmpi sge, %add3A_1530, %ge3A_1725 : vector<16xi32>
        %convert_element_type3A_1727 = arith.extui %ge3A_1726 : vector<16xi1> to vector<16xi32>
        %add3A_1728 = arith.addi %add3A_1721, %convert_element_type3A_1727 : vector<16xi32>
        %get3A_1729 = arith.constant 29 : i32
        %get3A_1730 = arith.index_cast %get3A_1729 : i32 to index
        %get3A_1731 = memref.load %arg9[%get3A_1730] : memref<40xi32, #tpu.memory_space<smem>>
        %ge3A_1732 = vector.broadcast %get3A_1731 : i32 to vector<16xi32>
        %ge3A_1733 = arith.cmpi sge, %add3A_1530, %ge3A_1732 : vector<16xi32>
        %convert_element_type3A_1734 = arith.extui %ge3A_1733 : vector<16xi1> to vector<16xi32>
        %add3A_1735 = arith.addi %add3A_1728, %convert_element_type3A_1734 : vector<16xi32>
        %get3A_1736 = arith.constant 30 : i32
        %get3A_1737 = arith.index_cast %get3A_1736 : i32 to index
        %get3A_1738 = memref.load %arg9[%get3A_1737] : memref<40xi32, #tpu.memory_space<smem>>
        %ge3A_1739 = vector.broadcast %get3A_1738 : i32 to vector<16xi32>
        %ge3A_1740 = arith.cmpi sge, %add3A_1530, %ge3A_1739 : vector<16xi32>
        %convert_element_type3A_1741 = arith.extui %ge3A_1740 : vector<16xi1> to vector<16xi32>
        %add3A_1742 = arith.addi %add3A_1735, %convert_element_type3A_1741 : vector<16xi32>
        %get3A_1743 = arith.constant 31 : i32
        %get3A_1744 = arith.index_cast %get3A_1743 : i32 to index
        %get3A_1745 = memref.load %arg9[%get3A_1744] : memref<40xi32, #tpu.memory_space<smem>>
        %ge3A_1746 = vector.broadcast %get3A_1745 : i32 to vector<16xi32>
        %ge3A_1747 = arith.cmpi sge, %add3A_1530, %ge3A_1746 : vector<16xi32>
        %convert_element_type3A_1748 = arith.extui %ge3A_1747 : vector<16xi1> to vector<16xi32>
        %add3A_1749 = arith.addi %add3A_1742, %convert_element_type3A_1748 : vector<16xi32>
        %get3A_1750 = arith.constant 32 : i32
        %get3A_1751 = arith.index_cast %get3A_1750 : i32 to index
        %get3A_1752 = memref.load %arg9[%get3A_1751] : memref<40xi32, #tpu.memory_space<smem>>
        %ge3A_1753 = vector.broadcast %get3A_1752 : i32 to vector<16xi32>
        %ge3A_1754 = arith.cmpi sge, %add3A_1530, %ge3A_1753 : vector<16xi32>
        %convert_element_type3A_1755 = arith.extui %ge3A_1754 : vector<16xi1> to vector<16xi32>
        %add3A_1756 = arith.addi %add3A_1749, %convert_element_type3A_1755 : vector<16xi32>
        %gather3A_1757 = tpu.vector_load_idx %arg8[%add3A_1756] : memref<48xi32, #tpu.memory_space<vmem>>[vector<16xi32>], vector<16xi32>,
        %add3A_1758 = arith.addi %add3A_1530, %gather3A_1757 : vector<16xi32>
        %mul3A_1759 = arith.constant 128 : i32
        %mul3A_1760 = arith.muli %scan3A_799, %mul3A_1759 : i32
        %add3A_1761 = arith.constant 48 : i32
        %add3A_1762 = arith.addi %mul3A_1760, %add3A_1761 : i32
        %swap3A_1763 = arith.index_cast %add3A_1762 : i32 to index
        %swap3A_1764 = tpu.vector_load %arg11[%swap3A_1763] {strides = array<i32>} : memref<32768xi32, #tpu.memory_space<vmem>>, vector<16xi32>,
        tpu.vector_store %arg11[%swap3A_1763], %add3A_1758 {strides = array<i32>} : memref<32768xi32, #tpu.memory_space<vmem>>, vector<16xi32>,
        %add3A_1765 = arith.constant 64 : i32
        %add3A_1766 = arith.addi %add3A_803, %add3A_1765 : i32
        %add3A_1767 = vector.broadcast %add3A_1766 : i32 to vector<16xi32>
        %add3A_1768 = arith.addi %add3A_1767, %iota3A_786 : vector<16xi32>
        %broadcast_in_dim3A_1769 = arith.constant 0 : i32
        %broadcast_in_dim3A_1770 = vector.broadcast %broadcast_in_dim3A_1769 : i32 to vector<16xi32>
        %get3A_1771 = arith.constant 1 : i32
        %get3A_1772 = arith.index_cast %get3A_1771 : i32 to index
        %get3A_1773 = memref.load %arg9[%get3A_1772] : memref<40xi32, #tpu.memory_space<smem>>
        %ge3A_1774 = vector.broadcast %get3A_1773 : i32 to vector<16xi32>
        %ge3A_1775 = arith.cmpi sge, %add3A_1768, %ge3A_1774 : vector<16xi32>
        %convert_element_type3A_1776 = arith.extui %ge3A_1775 : vector<16xi1> to vector<16xi32>
        %add3A_1777 = arith.addi %broadcast_in_dim3A_1770, %convert_element_type3A_1776 : vector<16xi32>
        %get3A_1778 = arith.constant 2 : i32
        %get3A_1779 = arith.index_cast %get3A_1778 : i32 to index
        %get3A_1780 = memref.load %arg9[%get3A_1779] : memref<40xi32, #tpu.memory_space<smem>>
        %ge3A_1781 = vector.broadcast %get3A_1780 : i32 to vector<16xi32>
        %ge3A_1782 = arith.cmpi sge, %add3A_1768, %ge3A_1781 : vector<16xi32>
        %convert_element_type3A_1783 = arith.extui %ge3A_1782 : vector<16xi1> to vector<16xi32>
        %add3A_1784 = arith.addi %add3A_1777, %convert_element_type3A_1783 : vector<16xi32>
        %get3A_1785 = arith.constant 3 : i32
        %get3A_1786 = arith.index_cast %get3A_1785 : i32 to index
        %get3A_1787 = memref.load %arg9[%get3A_1786] : memref<40xi32, #tpu.memory_space<smem>>
        %ge3A_1788 = vector.broadcast %get3A_1787 : i32 to vector<16xi32>
        %ge3A_1789 = arith.cmpi sge, %add3A_1768, %ge3A_1788 : vector<16xi32>
        %convert_element_type3A_1790 = arith.extui %ge3A_1789 : vector<16xi1> to vector<16xi32>
        %add3A_1791 = arith.addi %add3A_1784, %convert_element_type3A_1790 : vector<16xi32>
        %get3A_1792 = arith.constant 4 : i32
        %get3A_1793 = arith.index_cast %get3A_1792 : i32 to index
        %get3A_1794 = memref.load %arg9[%get3A_1793] : memref<40xi32, #tpu.memory_space<smem>>
        %ge3A_1795 = vector.broadcast %get3A_1794 : i32 to vector<16xi32>
        %ge3A_1796 = arith.cmpi sge, %add3A_1768, %ge3A_1795 : vector<16xi32>
        %convert_element_type3A_1797 = arith.extui %ge3A_1796 : vector<16xi1> to vector<16xi32>
        %add3A_1798 = arith.addi %add3A_1791, %convert_element_type3A_1797 : vector<16xi32>
        %get3A_1799 = arith.constant 5 : i32
        %get3A_1800 = arith.index_cast %get3A_1799 : i32 to index
        %get3A_1801 = memref.load %arg9[%get3A_1800] : memref<40xi32, #tpu.memory_space<smem>>
        %ge3A_1802 = vector.broadcast %get3A_1801 : i32 to vector<16xi32>
        %ge3A_1803 = arith.cmpi sge, %add3A_1768, %ge3A_1802 : vector<16xi32>
        %convert_element_type3A_1804 = arith.extui %ge3A_1803 : vector<16xi1> to vector<16xi32>
        %add3A_1805 = arith.addi %add3A_1798, %convert_element_type3A_1804 : vector<16xi32>
        %get3A_1806 = arith.constant 6 : i32
        %get3A_1807 = arith.index_cast %get3A_1806 : i32 to index
        %get3A_1808 = memref.load %arg9[%get3A_1807] : memref<40xi32, #tpu.memory_space<smem>>
        %ge3A_1809 = vector.broadcast %get3A_1808 : i32 to vector<16xi32>
        %ge3A_1810 = arith.cmpi sge, %add3A_1768, %ge3A_1809 : vector<16xi32>
        %convert_element_type3A_1811 = arith.extui %ge3A_1810 : vector<16xi1> to vector<16xi32>
        %add3A_1812 = arith.addi %add3A_1805, %convert_element_type3A_1811 : vector<16xi32>
        %get3A_1813 = arith.constant 7 : i32
        %get3A_1814 = arith.index_cast %get3A_1813 : i32 to index
        %get3A_1815 = memref.load %arg9[%get3A_1814] : memref<40xi32, #tpu.memory_space<smem>>
        %ge3A_1816 = vector.broadcast %get3A_1815 : i32 to vector<16xi32>
        %ge3A_1817 = arith.cmpi sge, %add3A_1768, %ge3A_1816 : vector<16xi32>
        %convert_element_type3A_1818 = arith.extui %ge3A_1817 : vector<16xi1> to vector<16xi32>
        %add3A_1819 = arith.addi %add3A_1812, %convert_element_type3A_1818 : vector<16xi32>
        %get3A_1820 = arith.constant 8 : i32
        %get3A_1821 = arith.index_cast %get3A_1820 : i32 to index
        %get3A_1822 = memref.load %arg9[%get3A_1821] : memref<40xi32, #tpu.memory_space<smem>>
        %ge3A_1823 = vector.broadcast %get3A_1822 : i32 to vector<16xi32>
        %ge3A_1824 = arith.cmpi sge, %add3A_1768, %ge3A_1823 : vector<16xi32>
        %convert_element_type3A_1825 = arith.extui %ge3A_1824 : vector<16xi1> to vector<16xi32>
        %add3A_1826 = arith.addi %add3A_1819, %convert_element_type3A_1825 : vector<16xi32>
        %get3A_1827 = arith.constant 9 : i32
        %get3A_1828 = arith.index_cast %get3A_1827 : i32 to index
        %get3A_1829 = memref.load %arg9[%get3A_1828] : memref<40xi32, #tpu.memory_space<smem>>
        %ge3A_1830 = vector.broadcast %get3A_1829 : i32 to vector<16xi32>
        %ge3A_1831 = arith.cmpi sge, %add3A_1768, %ge3A_1830 : vector<16xi32>
        %convert_element_type3A_1832 = arith.extui %ge3A_1831 : vector<16xi1> to vector<16xi32>
        %add3A_1833 = arith.addi %add3A_1826, %convert_element_type3A_1832 : vector<16xi32>
        %get3A_1834 = arith.constant 10 : i32
        %get3A_1835 = arith.index_cast %get3A_1834 : i32 to index
        %get3A_1836 = memref.load %arg9[%get3A_1835] : memref<40xi32, #tpu.memory_space<smem>>
        %ge3A_1837 = vector.broadcast %get3A_1836 : i32 to vector<16xi32>
        %ge3A_1838 = arith.cmpi sge, %add3A_1768, %ge3A_1837 : vector<16xi32>
        %convert_element_type3A_1839 = arith.extui %ge3A_1838 : vector<16xi1> to vector<16xi32>
        %add3A_1840 = arith.addi %add3A_1833, %convert_element_type3A_1839 : vector<16xi32>
        %get3A_1841 = arith.constant 11 : i32
        %get3A_1842 = arith.index_cast %get3A_1841 : i32 to index
        %get3A_1843 = memref.load %arg9[%get3A_1842] : memref<40xi32, #tpu.memory_space<smem>>
        %ge3A_1844 = vector.broadcast %get3A_1843 : i32 to vector<16xi32>
        %ge3A_1845 = arith.cmpi sge, %add3A_1768, %ge3A_1844 : vector<16xi32>
        %convert_element_type3A_1846 = arith.extui %ge3A_1845 : vector<16xi1> to vector<16xi32>
        %add3A_1847 = arith.addi %add3A_1840, %convert_element_type3A_1846 : vector<16xi32>
        %get3A_1848 = arith.constant 12 : i32
        %get3A_1849 = arith.index_cast %get3A_1848 : i32 to index
        %get3A_1850 = memref.load %arg9[%get3A_1849] : memref<40xi32, #tpu.memory_space<smem>>
        %ge3A_1851 = vector.broadcast %get3A_1850 : i32 to vector<16xi32>
        %ge3A_1852 = arith.cmpi sge, %add3A_1768, %ge3A_1851 : vector<16xi32>
        %convert_element_type3A_1853 = arith.extui %ge3A_1852 : vector<16xi1> to vector<16xi32>
        %add3A_1854 = arith.addi %add3A_1847, %convert_element_type3A_1853 : vector<16xi32>
        %get3A_1855 = arith.constant 13 : i32
        %get3A_1856 = arith.index_cast %get3A_1855 : i32 to index
        %get3A_1857 = memref.load %arg9[%get3A_1856] : memref<40xi32, #tpu.memory_space<smem>>
        %ge3A_1858 = vector.broadcast %get3A_1857 : i32 to vector<16xi32>
        %ge3A_1859 = arith.cmpi sge, %add3A_1768, %ge3A_1858 : vector<16xi32>
        %convert_element_type3A_1860 = arith.extui %ge3A_1859 : vector<16xi1> to vector<16xi32>
        %add3A_1861 = arith.addi %add3A_1854, %convert_element_type3A_1860 : vector<16xi32>
        %get3A_1862 = arith.constant 14 : i32
        %get3A_1863 = arith.index_cast %get3A_1862 : i32 to index
        %get3A_1864 = memref.load %arg9[%get3A_1863] : memref<40xi32, #tpu.memory_space<smem>>
        %ge3A_1865 = vector.broadcast %get3A_1864 : i32 to vector<16xi32>
        %ge3A_1866 = arith.cmpi sge, %add3A_1768, %ge3A_1865 : vector<16xi32>
        %convert_element_type3A_1867 = arith.extui %ge3A_1866 : vector<16xi1> to vector<16xi32>
        %add3A_1868 = arith.addi %add3A_1861, %convert_element_type3A_1867 : vector<16xi32>
        %get3A_1869 = arith.constant 15 : i32
        %get3A_1870 = arith.index_cast %get3A_1869 : i32 to index
        %get3A_1871 = memref.load %arg9[%get3A_1870] : memref<40xi32, #tpu.memory_space<smem>>
        %ge3A_1872 = vector.broadcast %get3A_1871 : i32 to vector<16xi32>
        %ge3A_1873 = arith.cmpi sge, %add3A_1768, %ge3A_1872 : vector<16xi32>
        %convert_element_type3A_1874 = arith.extui %ge3A_1873 : vector<16xi1> to vector<16xi32>
        %add3A_1875 = arith.addi %add3A_1868, %convert_element_type3A_1874 : vector<16xi32>
        %get3A_1876 = arith.constant 16 : i32
        %get3A_1877 = arith.index_cast %get3A_1876 : i32 to index
        %get3A_1878 = memref.load %arg9[%get3A_1877] : memref<40xi32, #tpu.memory_space<smem>>
        %ge3A_1879 = vector.broadcast %get3A_1878 : i32 to vector<16xi32>
        %ge3A_1880 = arith.cmpi sge, %add3A_1768, %ge3A_1879 : vector<16xi32>
        %convert_element_type3A_1881 = arith.extui %ge3A_1880 : vector<16xi1> to vector<16xi32>
        %add3A_1882 = arith.addi %add3A_1875, %convert_element_type3A_1881 : vector<16xi32>
        %get3A_1883 = arith.constant 17 : i32
        %get3A_1884 = arith.index_cast %get3A_1883 : i32 to index
        %get3A_1885 = memref.load %arg9[%get3A_1884] : memref<40xi32, #tpu.memory_space<smem>>
        %ge3A_1886 = vector.broadcast %get3A_1885 : i32 to vector<16xi32>
        %ge3A_1887 = arith.cmpi sge, %add3A_1768, %ge3A_1886 : vector<16xi32>
        %convert_element_type3A_1888 = arith.extui %ge3A_1887 : vector<16xi1> to vector<16xi32>
        %add3A_1889 = arith.addi %add3A_1882, %convert_element_type3A_1888 : vector<16xi32>
        %get3A_1890 = arith.constant 18 : i32
        %get3A_1891 = arith.index_cast %get3A_1890 : i32 to index
        %get3A_1892 = memref.load %arg9[%get3A_1891] : memref<40xi32, #tpu.memory_space<smem>>
        %ge3A_1893 = vector.broadcast %get3A_1892 : i32 to vector<16xi32>
        %ge3A_1894 = arith.cmpi sge, %add3A_1768, %ge3A_1893 : vector<16xi32>
        %convert_element_type3A_1895 = arith.extui %ge3A_1894 : vector<16xi1> to vector<16xi32>
        %add3A_1896 = arith.addi %add3A_1889, %convert_element_type3A_1895 : vector<16xi32>
        %get3A_1897 = arith.constant 19 : i32
        %get3A_1898 = arith.index_cast %get3A_1897 : i32 to index
        %get3A_1899 = memref.load %arg9[%get3A_1898] : memref<40xi32, #tpu.memory_space<smem>>
        %ge3A_1900 = vector.broadcast %get3A_1899 : i32 to vector<16xi32>
        %ge3A_1901 = arith.cmpi sge, %add3A_1768, %ge3A_1900 : vector<16xi32>
        %convert_element_type3A_1902 = arith.extui %ge3A_1901 : vector<16xi1> to vector<16xi32>
        %add3A_1903 = arith.addi %add3A_1896, %convert_element_type3A_1902 : vector<16xi32>
        %get3A_1904 = arith.constant 20 : i32
        %get3A_1905 = arith.index_cast %get3A_1904 : i32 to index
        %get3A_1906 = memref.load %arg9[%get3A_1905] : memref<40xi32, #tpu.memory_space<smem>>
        %ge3A_1907 = vector.broadcast %get3A_1906 : i32 to vector<16xi32>
        %ge3A_1908 = arith.cmpi sge, %add3A_1768, %ge3A_1907 : vector<16xi32>
        %convert_element_type3A_1909 = arith.extui %ge3A_1908 : vector<16xi1> to vector<16xi32>
        %add3A_1910 = arith.addi %add3A_1903, %convert_element_type3A_1909 : vector<16xi32>
        %get3A_1911 = arith.constant 21 : i32
        %get3A_1912 = arith.index_cast %get3A_1911 : i32 to index
        %get3A_1913 = memref.load %arg9[%get3A_1912] : memref<40xi32, #tpu.memory_space<smem>>
        %ge3A_1914 = vector.broadcast %get3A_1913 : i32 to vector<16xi32>
        %ge3A_1915 = arith.cmpi sge, %add3A_1768, %ge3A_1914 : vector<16xi32>
        %convert_element_type3A_1916 = arith.extui %ge3A_1915 : vector<16xi1> to vector<16xi32>
        %add3A_1917 = arith.addi %add3A_1910, %convert_element_type3A_1916 : vector<16xi32>
        %get3A_1918 = arith.constant 22 : i32
        %get3A_1919 = arith.index_cast %get3A_1918 : i32 to index
        %get3A_1920 = memref.load %arg9[%get3A_1919] : memref<40xi32, #tpu.memory_space<smem>>
        %ge3A_1921 = vector.broadcast %get3A_1920 : i32 to vector<16xi32>
        %ge3A_1922 = arith.cmpi sge, %add3A_1768, %ge3A_1921 : vector<16xi32>
        %convert_element_type3A_1923 = arith.extui %ge3A_1922 : vector<16xi1> to vector<16xi32>
        %add3A_1924 = arith.addi %add3A_1917, %convert_element_type3A_1923 : vector<16xi32>
        %get3A_1925 = arith.constant 23 : i32
        %get3A_1926 = arith.index_cast %get3A_1925 : i32 to index
        %get3A_1927 = memref.load %arg9[%get3A_1926] : memref<40xi32, #tpu.memory_space<smem>>
        %ge3A_1928 = vector.broadcast %get3A_1927 : i32 to vector<16xi32>
        %ge3A_1929 = arith.cmpi sge, %add3A_1768, %ge3A_1928 : vector<16xi32>
        %convert_element_type3A_1930 = arith.extui %ge3A_1929 : vector<16xi1> to vector<16xi32>
        %add3A_1931 = arith.addi %add3A_1924, %convert_element_type3A_1930 : vector<16xi32>
        %get3A_1932 = arith.constant 24 : i32
        %get3A_1933 = arith.index_cast %get3A_1932 : i32 to index
        %get3A_1934 = memref.load %arg9[%get3A_1933] : memref<40xi32, #tpu.memory_space<smem>>
        %ge3A_1935 = vector.broadcast %get3A_1934 : i32 to vector<16xi32>
        %ge3A_1936 = arith.cmpi sge, %add3A_1768, %ge3A_1935 : vector<16xi32>
        %convert_element_type3A_1937 = arith.extui %ge3A_1936 : vector<16xi1> to vector<16xi32>
        %add3A_1938 = arith.addi %add3A_1931, %convert_element_type3A_1937 : vector<16xi32>
        %get3A_1939 = arith.constant 25 : i32
        %get3A_1940 = arith.index_cast %get3A_1939 : i32 to index
        %get3A_1941 = memref.load %arg9[%get3A_1940] : memref<40xi32, #tpu.memory_space<smem>>
        %ge3A_1942 = vector.broadcast %get3A_1941 : i32 to vector<16xi32>
        %ge3A_1943 = arith.cmpi sge, %add3A_1768, %ge3A_1942 : vector<16xi32>
        %convert_element_type3A_1944 = arith.extui %ge3A_1943 : vector<16xi1> to vector<16xi32>
        %add3A_1945 = arith.addi %add3A_1938, %convert_element_type3A_1944 : vector<16xi32>
        %get3A_1946 = arith.constant 26 : i32
        %get3A_1947 = arith.index_cast %get3A_1946 : i32 to index
        %get3A_1948 = memref.load %arg9[%get3A_1947] : memref<40xi32, #tpu.memory_space<smem>>
        %ge3A_1949 = vector.broadcast %get3A_1948 : i32 to vector<16xi32>
        %ge3A_1950 = arith.cmpi sge, %add3A_1768, %ge3A_1949 : vector<16xi32>
        %convert_element_type3A_1951 = arith.extui %ge3A_1950 : vector<16xi1> to vector<16xi32>
        %add3A_1952 = arith.addi %add3A_1945, %convert_element_type3A_1951 : vector<16xi32>
        %get3A_1953 = arith.constant 27 : i32
        %get3A_1954 = arith.index_cast %get3A_1953 : i32 to index
        %get3A_1955 = memref.load %arg9[%get3A_1954] : memref<40xi32, #tpu.memory_space<smem>>
        %ge3A_1956 = vector.broadcast %get3A_1955 : i32 to vector<16xi32>
        %ge3A_1957 = arith.cmpi sge, %add3A_1768, %ge3A_1956 : vector<16xi32>
        %convert_element_type3A_1958 = arith.extui %ge3A_1957 : vector<16xi1> to vector<16xi32>
        %add3A_1959 = arith.addi %add3A_1952, %convert_element_type3A_1958 : vector<16xi32>
        %get3A_1960 = arith.constant 28 : i32
        %get3A_1961 = arith.index_cast %get3A_1960 : i32 to index
        %get3A_1962 = memref.load %arg9[%get3A_1961] : memref<40xi32, #tpu.memory_space<smem>>
        %ge3A_1963 = vector.broadcast %get3A_1962 : i32 to vector<16xi32>
        %ge3A_1964 = arith.cmpi sge, %add3A_1768, %ge3A_1963 : vector<16xi32>
        %convert_element_type3A_1965 = arith.extui %ge3A_1964 : vector<16xi1> to vector<16xi32>
        %add3A_1966 = arith.addi %add3A_1959, %convert_element_type3A_1965 : vector<16xi32>
        %get3A_1967 = arith.constant 29 : i32
        %get3A_1968 = arith.index_cast %get3A_1967 : i32 to index
        %get3A_1969 = memref.load %arg9[%get3A_1968] : memref<40xi32, #tpu.memory_space<smem>>
        %ge3A_1970 = vector.broadcast %get3A_1969 : i32 to vector<16xi32>
        %ge3A_1971 = arith.cmpi sge, %add3A_1768, %ge3A_1970 : vector<16xi32>
        %convert_element_type3A_1972 = arith.extui %ge3A_1971 : vector<16xi1> to vector<16xi32>
        %add3A_1973 = arith.addi %add3A_1966, %convert_element_type3A_1972 : vector<16xi32>
        %get3A_1974 = arith.constant 30 : i32
        %get3A_1975 = arith.index_cast %get3A_1974 : i32 to index
        %get3A_1976 = memref.load %arg9[%get3A_1975] : memref<40xi32, #tpu.memory_space<smem>>
        %ge3A_1977 = vector.broadcast %get3A_1976 : i32 to vector<16xi32>
        %ge3A_1978 = arith.cmpi sge, %add3A_1768, %ge3A_1977 : vector<16xi32>
        %convert_element_type3A_1979 = arith.extui %ge3A_1978 : vector<16xi1> to vector<16xi32>
        %add3A_1980 = arith.addi %add3A_1973, %convert_element_type3A_1979 : vector<16xi32>
        %get3A_1981 = arith.constant 31 : i32
        %get3A_1982 = arith.index_cast %get3A_1981 : i32 to index
        %get3A_1983 = memref.load %arg9[%get3A_1982] : memref<40xi32, #tpu.memory_space<smem>>
        %ge3A_1984 = vector.broadcast %get3A_1983 : i32 to vector<16xi32>
        %ge3A_1985 = arith.cmpi sge, %add3A_1768, %ge3A_1984 : vector<16xi32>
        %convert_element_type3A_1986 = arith.extui %ge3A_1985 : vector<16xi1> to vector<16xi32>
        %add3A_1987 = arith.addi %add3A_1980, %convert_element_type3A_1986 : vector<16xi32>
        %get3A_1988 = arith.constant 32 : i32
        %get3A_1989 = arith.index_cast %get3A_1988 : i32 to index
        %get3A_1990 = memref.load %arg9[%get3A_1989] : memref<40xi32, #tpu.memory_space<smem>>
        %ge3A_1991 = vector.broadcast %get3A_1990 : i32 to vector<16xi32>
        %ge3A_1992 = arith.cmpi sge, %add3A_1768, %ge3A_1991 : vector<16xi32>
        %convert_element_type3A_1993 = arith.extui %ge3A_1992 : vector<16xi1> to vector<16xi32>
        %add3A_1994 = arith.addi %add3A_1987, %convert_element_type3A_1993 : vector<16xi32>
        %gather3A_1995 = tpu.vector_load_idx %arg8[%add3A_1994] : memref<48xi32, #tpu.memory_space<vmem>>[vector<16xi32>], vector<16xi32>,
        %add3A_1996 = arith.addi %add3A_1768, %gather3A_1995 : vector<16xi32>
        %mul3A_1997 = arith.constant 128 : i32
        %mul3A_1998 = arith.muli %scan3A_799, %mul3A_1997 : i32
        %add3A_1999 = arith.constant 64 : i32
        %add3A_2000 = arith.addi %mul3A_1998, %add3A_1999 : i32
        %swap3A_2001 = arith.index_cast %add3A_2000 : i32 to index
        %swap3A_2002 = tpu.vector_load %arg11[%swap3A_2001] {strides = array<i32>} : memref<32768xi32, #tpu.memory_space<vmem>>, vector<16xi32>,
        tpu.vector_store %arg11[%swap3A_2001], %add3A_1996 {strides = array<i32>} : memref<32768xi32, #tpu.memory_space<vmem>>, vector<16xi32>,
        %add3A_2003 = arith.constant 80 : i32
        %add3A_2004 = arith.addi %add3A_803, %add3A_2003 : i32
        %add3A_2005 = vector.broadcast %add3A_2004 : i32 to vector<16xi32>
        %add3A_2006 = arith.addi %add3A_2005, %iota3A_786 : vector<16xi32>
        %broadcast_in_dim3A_2007 = arith.constant 0 : i32
        %broadcast_in_dim3A_2008 = vector.broadcast %broadcast_in_dim3A_2007 : i32 to vector<16xi32>
        %get3A_2009 = arith.constant 1 : i32
        %get3A_2010 = arith.index_cast %get3A_2009 : i32 to index
        %get3A_2011 = memref.load %arg9[%get3A_2010] : memref<40xi32, #tpu.memory_space<smem>>
        %ge3A_2012 = vector.broadcast %get3A_2011 : i32 to vector<16xi32>
        %ge3A_2013 = arith.cmpi sge, %add3A_2006, %ge3A_2012 : vector<16xi32>
        %convert_element_type3A_2014 = arith.extui %ge3A_2013 : vector<16xi1> to vector<16xi32>
        %add3A_2015 = arith.addi %broadcast_in_dim3A_2008, %convert_element_type3A_2014 : vector<16xi32>
        %get3A_2016 = arith.constant 2 : i32
        %get3A_2017 = arith.index_cast %get3A_2016 : i32 to index
        %get3A_2018 = memref.load %arg9[%get3A_2017] : memref<40xi32, #tpu.memory_space<smem>>
        %ge3A_2019 = vector.broadcast %get3A_2018 : i32 to vector<16xi32>
        %ge3A_2020 = arith.cmpi sge, %add3A_2006, %ge3A_2019 : vector<16xi32>
        %convert_element_type3A_2021 = arith.extui %ge3A_2020 : vector<16xi1> to vector<16xi32>
        %add3A_2022 = arith.addi %add3A_2015, %convert_element_type3A_2021 : vector<16xi32>
        %get3A_2023 = arith.constant 3 : i32
        %get3A_2024 = arith.index_cast %get3A_2023 : i32 to index
        %get3A_2025 = memref.load %arg9[%get3A_2024] : memref<40xi32, #tpu.memory_space<smem>>
        %ge3A_2026 = vector.broadcast %get3A_2025 : i32 to vector<16xi32>
        %ge3A_2027 = arith.cmpi sge, %add3A_2006, %ge3A_2026 : vector<16xi32>
        %convert_element_type3A_2028 = arith.extui %ge3A_2027 : vector<16xi1> to vector<16xi32>
        %add3A_2029 = arith.addi %add3A_2022, %convert_element_type3A_2028 : vector<16xi32>
        %get3A_2030 = arith.constant 4 : i32
        %get3A_2031 = arith.index_cast %get3A_2030 : i32 to index
        %get3A_2032 = memref.load %arg9[%get3A_2031] : memref<40xi32, #tpu.memory_space<smem>>
        %ge3A_2033 = vector.broadcast %get3A_2032 : i32 to vector<16xi32>
        %ge3A_2034 = arith.cmpi sge, %add3A_2006, %ge3A_2033 : vector<16xi32>
        %convert_element_type3A_2035 = arith.extui %ge3A_2034 : vector<16xi1> to vector<16xi32>
        %add3A_2036 = arith.addi %add3A_2029, %convert_element_type3A_2035 : vector<16xi32>
        %get3A_2037 = arith.constant 5 : i32
        %get3A_2038 = arith.index_cast %get3A_2037 : i32 to index
        %get3A_2039 = memref.load %arg9[%get3A_2038] : memref<40xi32, #tpu.memory_space<smem>>
        %ge3A_2040 = vector.broadcast %get3A_2039 : i32 to vector<16xi32>
        %ge3A_2041 = arith.cmpi sge, %add3A_2006, %ge3A_2040 : vector<16xi32>
        %convert_element_type3A_2042 = arith.extui %ge3A_2041 : vector<16xi1> to vector<16xi32>
        %add3A_2043 = arith.addi %add3A_2036, %convert_element_type3A_2042 : vector<16xi32>
        %get3A_2044 = arith.constant 6 : i32
        %get3A_2045 = arith.index_cast %get3A_2044 : i32 to index
        %get3A_2046 = memref.load %arg9[%get3A_2045] : memref<40xi32, #tpu.memory_space<smem>>
        %ge3A_2047 = vector.broadcast %get3A_2046 : i32 to vector<16xi32>
        %ge3A_2048 = arith.cmpi sge, %add3A_2006, %ge3A_2047 : vector<16xi32>
        %convert_element_type3A_2049 = arith.extui %ge3A_2048 : vector<16xi1> to vector<16xi32>
        %add3A_2050 = arith.addi %add3A_2043, %convert_element_type3A_2049 : vector<16xi32>
        %get3A_2051 = arith.constant 7 : i32
        %get3A_2052 = arith.index_cast %get3A_2051 : i32 to index
        %get3A_2053 = memref.load %arg9[%get3A_2052] : memref<40xi32, #tpu.memory_space<smem>>
        %ge3A_2054 = vector.broadcast %get3A_2053 : i32 to vector<16xi32>
        %ge3A_2055 = arith.cmpi sge, %add3A_2006, %ge3A_2054 : vector<16xi32>
        %convert_element_type3A_2056 = arith.extui %ge3A_2055 : vector<16xi1> to vector<16xi32>
        %add3A_2057 = arith.addi %add3A_2050, %convert_element_type3A_2056 : vector<16xi32>
        %get3A_2058 = arith.constant 8 : i32
        %get3A_2059 = arith.index_cast %get3A_2058 : i32 to index
        %get3A_2060 = memref.load %arg9[%get3A_2059] : memref<40xi32, #tpu.memory_space<smem>>
        %ge3A_2061 = vector.broadcast %get3A_2060 : i32 to vector<16xi32>
        %ge3A_2062 = arith.cmpi sge, %add3A_2006, %ge3A_2061 : vector<16xi32>
        %convert_element_type3A_2063 = arith.extui %ge3A_2062 : vector<16xi1> to vector<16xi32>
        %add3A_2064 = arith.addi %add3A_2057, %convert_element_type3A_2063 : vector<16xi32>
        %get3A_2065 = arith.constant 9 : i32
        %get3A_2066 = arith.index_cast %get3A_2065 : i32 to index
        %get3A_2067 = memref.load %arg9[%get3A_2066] : memref<40xi32, #tpu.memory_space<smem>>
        %ge3A_2068 = vector.broadcast %get3A_2067 : i32 to vector<16xi32>
        %ge3A_2069 = arith.cmpi sge, %add3A_2006, %ge3A_2068 : vector<16xi32>
        %convert_element_type3A_2070 = arith.extui %ge3A_2069 : vector<16xi1> to vector<16xi32>
        %add3A_2071 = arith.addi %add3A_2064, %convert_element_type3A_2070 : vector<16xi32>
        %get3A_2072 = arith.constant 10 : i32
        %get3A_2073 = arith.index_cast %get3A_2072 : i32 to index
        %get3A_2074 = memref.load %arg9[%get3A_2073] : memref<40xi32, #tpu.memory_space<smem>>
        %ge3A_2075 = vector.broadcast %get3A_2074 : i32 to vector<16xi32>
        %ge3A_2076 = arith.cmpi sge, %add3A_2006, %ge3A_2075 : vector<16xi32>
        %convert_element_type3A_2077 = arith.extui %ge3A_2076 : vector<16xi1> to vector<16xi32>
        %add3A_2078 = arith.addi %add3A_2071, %convert_element_type3A_2077 : vector<16xi32>
        %get3A_2079 = arith.constant 11 : i32
        %get3A_2080 = arith.index_cast %get3A_2079 : i32 to index
        %get3A_2081 = memref.load %arg9[%get3A_2080] : memref<40xi32, #tpu.memory_space<smem>>
        %ge3A_2082 = vector.broadcast %get3A_2081 : i32 to vector<16xi32>
        %ge3A_2083 = arith.cmpi sge, %add3A_2006, %ge3A_2082 : vector<16xi32>
        %convert_element_type3A_2084 = arith.extui %ge3A_2083 : vector<16xi1> to vector<16xi32>
        %add3A_2085 = arith.addi %add3A_2078, %convert_element_type3A_2084 : vector<16xi32>
        %get3A_2086 = arith.constant 12 : i32
        %get3A_2087 = arith.index_cast %get3A_2086 : i32 to index
        %get3A_2088 = memref.load %arg9[%get3A_2087] : memref<40xi32, #tpu.memory_space<smem>>
        %ge3A_2089 = vector.broadcast %get3A_2088 : i32 to vector<16xi32>
        %ge3A_2090 = arith.cmpi sge, %add3A_2006, %ge3A_2089 : vector<16xi32>
        %convert_element_type3A_2091 = arith.extui %ge3A_2090 : vector<16xi1> to vector<16xi32>
        %add3A_2092 = arith.addi %add3A_2085, %convert_element_type3A_2091 : vector<16xi32>
        %get3A_2093 = arith.constant 13 : i32
        %get3A_2094 = arith.index_cast %get3A_2093 : i32 to index
        %get3A_2095 = memref.load %arg9[%get3A_2094] : memref<40xi32, #tpu.memory_space<smem>>
        %ge3A_2096 = vector.broadcast %get3A_2095 : i32 to vector<16xi32>
        %ge3A_2097 = arith.cmpi sge, %add3A_2006, %ge3A_2096 : vector<16xi32>
        %convert_element_type3A_2098 = arith.extui %ge3A_2097 : vector<16xi1> to vector<16xi32>
        %add3A_2099 = arith.addi %add3A_2092, %convert_element_type3A_2098 : vector<16xi32>
        %get3A_2100 = arith.constant 14 : i32
        %get3A_2101 = arith.index_cast %get3A_2100 : i32 to index
        %get3A_2102 = memref.load %arg9[%get3A_2101] : memref<40xi32, #tpu.memory_space<smem>>
        %ge3A_2103 = vector.broadcast %get3A_2102 : i32 to vector<16xi32>
        %ge3A_2104 = arith.cmpi sge, %add3A_2006, %ge3A_2103 : vector<16xi32>
        %convert_element_type3A_2105 = arith.extui %ge3A_2104 : vector<16xi1> to vector<16xi32>
        %add3A_2106 = arith.addi %add3A_2099, %convert_element_type3A_2105 : vector<16xi32>
        %get3A_2107 = arith.constant 15 : i32
        %get3A_2108 = arith.index_cast %get3A_2107 : i32 to index
        %get3A_2109 = memref.load %arg9[%get3A_2108] : memref<40xi32, #tpu.memory_space<smem>>
        %ge3A_2110 = vector.broadcast %get3A_2109 : i32 to vector<16xi32>
        %ge3A_2111 = arith.cmpi sge, %add3A_2006, %ge3A_2110 : vector<16xi32>
        %convert_element_type3A_2112 = arith.extui %ge3A_2111 : vector<16xi1> to vector<16xi32>
        %add3A_2113 = arith.addi %add3A_2106, %convert_element_type3A_2112 : vector<16xi32>
        %get3A_2114 = arith.constant 16 : i32
        %get3A_2115 = arith.index_cast %get3A_2114 : i32 to index
        %get3A_2116 = memref.load %arg9[%get3A_2115] : memref<40xi32, #tpu.memory_space<smem>>
        %ge3A_2117 = vector.broadcast %get3A_2116 : i32 to vector<16xi32>
        %ge3A_2118 = arith.cmpi sge, %add3A_2006, %ge3A_2117 : vector<16xi32>
        %convert_element_type3A_2119 = arith.extui %ge3A_2118 : vector<16xi1> to vector<16xi32>
        %add3A_2120 = arith.addi %add3A_2113, %convert_element_type3A_2119 : vector<16xi32>
        %get3A_2121 = arith.constant 17 : i32
        %get3A_2122 = arith.index_cast %get3A_2121 : i32 to index
        %get3A_2123 = memref.load %arg9[%get3A_2122] : memref<40xi32, #tpu.memory_space<smem>>
        %ge3A_2124 = vector.broadcast %get3A_2123 : i32 to vector<16xi32>
        %ge3A_2125 = arith.cmpi sge, %add3A_2006, %ge3A_2124 : vector<16xi32>
        %convert_element_type3A_2126 = arith.extui %ge3A_2125 : vector<16xi1> to vector<16xi32>
        %add3A_2127 = arith.addi %add3A_2120, %convert_element_type3A_2126 : vector<16xi32>
        %get3A_2128 = arith.constant 18 : i32
        %get3A_2129 = arith.index_cast %get3A_2128 : i32 to index
        %get3A_2130 = memref.load %arg9[%get3A_2129] : memref<40xi32, #tpu.memory_space<smem>>
        %ge3A_2131 = vector.broadcast %get3A_2130 : i32 to vector<16xi32>
        %ge3A_2132 = arith.cmpi sge, %add3A_2006, %ge3A_2131 : vector<16xi32>
        %convert_element_type3A_2133 = arith.extui %ge3A_2132 : vector<16xi1> to vector<16xi32>
        %add3A_2134 = arith.addi %add3A_2127, %convert_element_type3A_2133 : vector<16xi32>
        %get3A_2135 = arith.constant 19 : i32
        %get3A_2136 = arith.index_cast %get3A_2135 : i32 to index
        %get3A_2137 = memref.load %arg9[%get3A_2136] : memref<40xi32, #tpu.memory_space<smem>>
        %ge3A_2138 = vector.broadcast %get3A_2137 : i32 to vector<16xi32>
        %ge3A_2139 = arith.cmpi sge, %add3A_2006, %ge3A_2138 : vector<16xi32>
        %convert_element_type3A_2140 = arith.extui %ge3A_2139 : vector<16xi1> to vector<16xi32>
        %add3A_2141 = arith.addi %add3A_2134, %convert_element_type3A_2140 : vector<16xi32>
        %get3A_2142 = arith.constant 20 : i32
        %get3A_2143 = arith.index_cast %get3A_2142 : i32 to index
        %get3A_2144 = memref.load %arg9[%get3A_2143] : memref<40xi32, #tpu.memory_space<smem>>
        %ge3A_2145 = vector.broadcast %get3A_2144 : i32 to vector<16xi32>
        %ge3A_2146 = arith.cmpi sge, %add3A_2006, %ge3A_2145 : vector<16xi32>
        %convert_element_type3A_2147 = arith.extui %ge3A_2146 : vector<16xi1> to vector<16xi32>
        %add3A_2148 = arith.addi %add3A_2141, %convert_element_type3A_2147 : vector<16xi32>
        %get3A_2149 = arith.constant 21 : i32
        %get3A_2150 = arith.index_cast %get3A_2149 : i32 to index
        %get3A_2151 = memref.load %arg9[%get3A_2150] : memref<40xi32, #tpu.memory_space<smem>>
        %ge3A_2152 = vector.broadcast %get3A_2151 : i32 to vector<16xi32>
        %ge3A_2153 = arith.cmpi sge, %add3A_2006, %ge3A_2152 : vector<16xi32>
        %convert_element_type3A_2154 = arith.extui %ge3A_2153 : vector<16xi1> to vector<16xi32>
        %add3A_2155 = arith.addi %add3A_2148, %convert_element_type3A_2154 : vector<16xi32>
        %get3A_2156 = arith.constant 22 : i32
        %get3A_2157 = arith.index_cast %get3A_2156 : i32 to index
        %get3A_2158 = memref.load %arg9[%get3A_2157] : memref<40xi32, #tpu.memory_space<smem>>
        %ge3A_2159 = vector.broadcast %get3A_2158 : i32 to vector<16xi32>
        %ge3A_2160 = arith.cmpi sge, %add3A_2006, %ge3A_2159 : vector<16xi32>
        %convert_element_type3A_2161 = arith.extui %ge3A_2160 : vector<16xi1> to vector<16xi32>
        %add3A_2162 = arith.addi %add3A_2155, %convert_element_type3A_2161 : vector<16xi32>
        %get3A_2163 = arith.constant 23 : i32
        %get3A_2164 = arith.index_cast %get3A_2163 : i32 to index
        %get3A_2165 = memref.load %arg9[%get3A_2164] : memref<40xi32, #tpu.memory_space<smem>>
        %ge3A_2166 = vector.broadcast %get3A_2165 : i32 to vector<16xi32>
        %ge3A_2167 = arith.cmpi sge, %add3A_2006, %ge3A_2166 : vector<16xi32>
        %convert_element_type3A_2168 = arith.extui %ge3A_2167 : vector<16xi1> to vector<16xi32>
        %add3A_2169 = arith.addi %add3A_2162, %convert_element_type3A_2168 : vector<16xi32>
        %get3A_2170 = arith.constant 24 : i32
        %get3A_2171 = arith.index_cast %get3A_2170 : i32 to index
        %get3A_2172 = memref.load %arg9[%get3A_2171] : memref<40xi32, #tpu.memory_space<smem>>
        %ge3A_2173 = vector.broadcast %get3A_2172 : i32 to vector<16xi32>
        %ge3A_2174 = arith.cmpi sge, %add3A_2006, %ge3A_2173 : vector<16xi32>
        %convert_element_type3A_2175 = arith.extui %ge3A_2174 : vector<16xi1> to vector<16xi32>
        %add3A_2176 = arith.addi %add3A_2169, %convert_element_type3A_2175 : vector<16xi32>
        %get3A_2177 = arith.constant 25 : i32
        %get3A_2178 = arith.index_cast %get3A_2177 : i32 to index
        %get3A_2179 = memref.load %arg9[%get3A_2178] : memref<40xi32, #tpu.memory_space<smem>>
        %ge3A_2180 = vector.broadcast %get3A_2179 : i32 to vector<16xi32>
        %ge3A_2181 = arith.cmpi sge, %add3A_2006, %ge3A_2180 : vector<16xi32>
        %convert_element_type3A_2182 = arith.extui %ge3A_2181 : vector<16xi1> to vector<16xi32>
        %add3A_2183 = arith.addi %add3A_2176, %convert_element_type3A_2182 : vector<16xi32>
        %get3A_2184 = arith.constant 26 : i32
        %get3A_2185 = arith.index_cast %get3A_2184 : i32 to index
        %get3A_2186 = memref.load %arg9[%get3A_2185] : memref<40xi32, #tpu.memory_space<smem>>
        %ge3A_2187 = vector.broadcast %get3A_2186 : i32 to vector<16xi32>
        %ge3A_2188 = arith.cmpi sge, %add3A_2006, %ge3A_2187 : vector<16xi32>
        %convert_element_type3A_2189 = arith.extui %ge3A_2188 : vector<16xi1> to vector<16xi32>
        %add3A_2190 = arith.addi %add3A_2183, %convert_element_type3A_2189 : vector<16xi32>
        %get3A_2191 = arith.constant 27 : i32
        %get3A_2192 = arith.index_cast %get3A_2191 : i32 to index
        %get3A_2193 = memref.load %arg9[%get3A_2192] : memref<40xi32, #tpu.memory_space<smem>>
        %ge3A_2194 = vector.broadcast %get3A_2193 : i32 to vector<16xi32>
        %ge3A_2195 = arith.cmpi sge, %add3A_2006, %ge3A_2194 : vector<16xi32>
        %convert_element_type3A_2196 = arith.extui %ge3A_2195 : vector<16xi1> to vector<16xi32>
        %add3A_2197 = arith.addi %add3A_2190, %convert_element_type3A_2196 : vector<16xi32>
        %get3A_2198 = arith.constant 28 : i32
        %get3A_2199 = arith.index_cast %get3A_2198 : i32 to index
        %get3A_2200 = memref.load %arg9[%get3A_2199] : memref<40xi32, #tpu.memory_space<smem>>
        %ge3A_2201 = vector.broadcast %get3A_2200 : i32 to vector<16xi32>
        %ge3A_2202 = arith.cmpi sge, %add3A_2006, %ge3A_2201 : vector<16xi32>
        %convert_element_type3A_2203 = arith.extui %ge3A_2202 : vector<16xi1> to vector<16xi32>
        %add3A_2204 = arith.addi %add3A_2197, %convert_element_type3A_2203 : vector<16xi32>
        %get3A_2205 = arith.constant 29 : i32
        %get3A_2206 = arith.index_cast %get3A_2205 : i32 to index
        %get3A_2207 = memref.load %arg9[%get3A_2206] : memref<40xi32, #tpu.memory_space<smem>>
        %ge3A_2208 = vector.broadcast %get3A_2207 : i32 to vector<16xi32>
        %ge3A_2209 = arith.cmpi sge, %add3A_2006, %ge3A_2208 : vector<16xi32>
        %convert_element_type3A_2210 = arith.extui %ge3A_2209 : vector<16xi1> to vector<16xi32>
        %add3A_2211 = arith.addi %add3A_2204, %convert_element_type3A_2210 : vector<16xi32>
        %get3A_2212 = arith.constant 30 : i32
        %get3A_2213 = arith.index_cast %get3A_2212 : i32 to index
        %get3A_2214 = memref.load %arg9[%get3A_2213] : memref<40xi32, #tpu.memory_space<smem>>
        %ge3A_2215 = vector.broadcast %get3A_2214 : i32 to vector<16xi32>
        %ge3A_2216 = arith.cmpi sge, %add3A_2006, %ge3A_2215 : vector<16xi32>
        %convert_element_type3A_2217 = arith.extui %ge3A_2216 : vector<16xi1> to vector<16xi32>
        %add3A_2218 = arith.addi %add3A_2211, %convert_element_type3A_2217 : vector<16xi32>
        %get3A_2219 = arith.constant 31 : i32
        %get3A_2220 = arith.index_cast %get3A_2219 : i32 to index
        %get3A_2221 = memref.load %arg9[%get3A_2220] : memref<40xi32, #tpu.memory_space<smem>>
        %ge3A_2222 = vector.broadcast %get3A_2221 : i32 to vector<16xi32>
        %ge3A_2223 = arith.cmpi sge, %add3A_2006, %ge3A_2222 : vector<16xi32>
        %convert_element_type3A_2224 = arith.extui %ge3A_2223 : vector<16xi1> to vector<16xi32>
        %add3A_2225 = arith.addi %add3A_2218, %convert_element_type3A_2224 : vector<16xi32>
        %get3A_2226 = arith.constant 32 : i32
        %get3A_2227 = arith.index_cast %get3A_2226 : i32 to index
        %get3A_2228 = memref.load %arg9[%get3A_2227] : memref<40xi32, #tpu.memory_space<smem>>
        %ge3A_2229 = vector.broadcast %get3A_2228 : i32 to vector<16xi32>
        %ge3A_2230 = arith.cmpi sge, %add3A_2006, %ge3A_2229 : vector<16xi32>
        %convert_element_type3A_2231 = arith.extui %ge3A_2230 : vector<16xi1> to vector<16xi32>
        %add3A_2232 = arith.addi %add3A_2225, %convert_element_type3A_2231 : vector<16xi32>
        %gather3A_2233 = tpu.vector_load_idx %arg8[%add3A_2232] : memref<48xi32, #tpu.memory_space<vmem>>[vector<16xi32>], vector<16xi32>,
        %add3A_2234 = arith.addi %add3A_2006, %gather3A_2233 : vector<16xi32>
        %mul3A_2235 = arith.constant 128 : i32
        %mul3A_2236 = arith.muli %scan3A_799, %mul3A_2235 : i32
        %add3A_2237 = arith.constant 80 : i32
        %add3A_2238 = arith.addi %mul3A_2236, %add3A_2237 : i32
        %swap3A_2239 = arith.index_cast %add3A_2238 : i32 to index
        %swap3A_2240 = tpu.vector_load %arg11[%swap3A_2239] {strides = array<i32>} : memref<32768xi32, #tpu.memory_space<vmem>>, vector<16xi32>,
        tpu.vector_store %arg11[%swap3A_2239], %add3A_2234 {strides = array<i32>} : memref<32768xi32, #tpu.memory_space<vmem>>, vector<16xi32>,
        %add3A_2241 = arith.constant 96 : i32
        %add3A_2242 = arith.addi %add3A_803, %add3A_2241 : i32
        %add3A_2243 = vector.broadcast %add3A_2242 : i32 to vector<16xi32>
        %add3A_2244 = arith.addi %add3A_2243, %iota3A_786 : vector<16xi32>
        %broadcast_in_dim3A_2245 = arith.constant 0 : i32
        %broadcast_in_dim3A_2246 = vector.broadcast %broadcast_in_dim3A_2245 : i32 to vector<16xi32>
        %get3A_2247 = arith.constant 1 : i32
        %get3A_2248 = arith.index_cast %get3A_2247 : i32 to index
        %get3A_2249 = memref.load %arg9[%get3A_2248] : memref<40xi32, #tpu.memory_space<smem>>
        %ge3A_2250 = vector.broadcast %get3A_2249 : i32 to vector<16xi32>
        %ge3A_2251 = arith.cmpi sge, %add3A_2244, %ge3A_2250 : vector<16xi32>
        %convert_element_type3A_2252 = arith.extui %ge3A_2251 : vector<16xi1> to vector<16xi32>
        %add3A_2253 = arith.addi %broadcast_in_dim3A_2246, %convert_element_type3A_2252 : vector<16xi32>
        %get3A_2254 = arith.constant 2 : i32
        %get3A_2255 = arith.index_cast %get3A_2254 : i32 to index
        %get3A_2256 = memref.load %arg9[%get3A_2255] : memref<40xi32, #tpu.memory_space<smem>>
        %ge3A_2257 = vector.broadcast %get3A_2256 : i32 to vector<16xi32>
        %ge3A_2258 = arith.cmpi sge, %add3A_2244, %ge3A_2257 : vector<16xi32>
        %convert_element_type3A_2259 = arith.extui %ge3A_2258 : vector<16xi1> to vector<16xi32>
        %add3A_2260 = arith.addi %add3A_2253, %convert_element_type3A_2259 : vector<16xi32>
        %get3A_2261 = arith.constant 3 : i32
        %get3A_2262 = arith.index_cast %get3A_2261 : i32 to index
        %get3A_2263 = memref.load %arg9[%get3A_2262] : memref<40xi32, #tpu.memory_space<smem>>
        %ge3A_2264 = vector.broadcast %get3A_2263 : i32 to vector<16xi32>
        %ge3A_2265 = arith.cmpi sge, %add3A_2244, %ge3A_2264 : vector<16xi32>
        %convert_element_type3A_2266 = arith.extui %ge3A_2265 : vector<16xi1> to vector<16xi32>
        %add3A_2267 = arith.addi %add3A_2260, %convert_element_type3A_2266 : vector<16xi32>
        %get3A_2268 = arith.constant 4 : i32
        %get3A_2269 = arith.index_cast %get3A_2268 : i32 to index
        %get3A_2270 = memref.load %arg9[%get3A_2269] : memref<40xi32, #tpu.memory_space<smem>>
        %ge3A_2271 = vector.broadcast %get3A_2270 : i32 to vector<16xi32>
        %ge3A_2272 = arith.cmpi sge, %add3A_2244, %ge3A_2271 : vector<16xi32>
        %convert_element_type3A_2273 = arith.extui %ge3A_2272 : vector<16xi1> to vector<16xi32>
        %add3A_2274 = arith.addi %add3A_2267, %convert_element_type3A_2273 : vector<16xi32>
        %get3A_2275 = arith.constant 5 : i32
        %get3A_2276 = arith.index_cast %get3A_2275 : i32 to index
        %get3A_2277 = memref.load %arg9[%get3A_2276] : memref<40xi32, #tpu.memory_space<smem>>
        %ge3A_2278 = vector.broadcast %get3A_2277 : i32 to vector<16xi32>
        %ge3A_2279 = arith.cmpi sge, %add3A_2244, %ge3A_2278 : vector<16xi32>
        %convert_element_type3A_2280 = arith.extui %ge3A_2279 : vector<16xi1> to vector<16xi32>
        %add3A_2281 = arith.addi %add3A_2274, %convert_element_type3A_2280 : vector<16xi32>
        %get3A_2282 = arith.constant 6 : i32
        %get3A_2283 = arith.index_cast %get3A_2282 : i32 to index
        %get3A_2284 = memref.load %arg9[%get3A_2283] : memref<40xi32, #tpu.memory_space<smem>>
        %ge3A_2285 = vector.broadcast %get3A_2284 : i32 to vector<16xi32>
        %ge3A_2286 = arith.cmpi sge, %add3A_2244, %ge3A_2285 : vector<16xi32>
        %convert_element_type3A_2287 = arith.extui %ge3A_2286 : vector<16xi1> to vector<16xi32>
        %add3A_2288 = arith.addi %add3A_2281, %convert_element_type3A_2287 : vector<16xi32>
        %get3A_2289 = arith.constant 7 : i32
        %get3A_2290 = arith.index_cast %get3A_2289 : i32 to index
        %get3A_2291 = memref.load %arg9[%get3A_2290] : memref<40xi32, #tpu.memory_space<smem>>
        %ge3A_2292 = vector.broadcast %get3A_2291 : i32 to vector<16xi32>
        %ge3A_2293 = arith.cmpi sge, %add3A_2244, %ge3A_2292 : vector<16xi32>
        %convert_element_type3A_2294 = arith.extui %ge3A_2293 : vector<16xi1> to vector<16xi32>
        %add3A_2295 = arith.addi %add3A_2288, %convert_element_type3A_2294 : vector<16xi32>
        %get3A_2296 = arith.constant 8 : i32
        %get3A_2297 = arith.index_cast %get3A_2296 : i32 to index
        %get3A_2298 = memref.load %arg9[%get3A_2297] : memref<40xi32, #tpu.memory_space<smem>>
        %ge3A_2299 = vector.broadcast %get3A_2298 : i32 to vector<16xi32>
        %ge3A_2300 = arith.cmpi sge, %add3A_2244, %ge3A_2299 : vector<16xi32>
        %convert_element_type3A_2301 = arith.extui %ge3A_2300 : vector<16xi1> to vector<16xi32>
        %add3A_2302 = arith.addi %add3A_2295, %convert_element_type3A_2301 : vector<16xi32>
        %get3A_2303 = arith.constant 9 : i32
        %get3A_2304 = arith.index_cast %get3A_2303 : i32 to index
        %get3A_2305 = memref.load %arg9[%get3A_2304] : memref<40xi32, #tpu.memory_space<smem>>
        %ge3A_2306 = vector.broadcast %get3A_2305 : i32 to vector<16xi32>
        %ge3A_2307 = arith.cmpi sge, %add3A_2244, %ge3A_2306 : vector<16xi32>
        %convert_element_type3A_2308 = arith.extui %ge3A_2307 : vector<16xi1> to vector<16xi32>
        %add3A_2309 = arith.addi %add3A_2302, %convert_element_type3A_2308 : vector<16xi32>
        %get3A_2310 = arith.constant 10 : i32
        %get3A_2311 = arith.index_cast %get3A_2310 : i32 to index
        %get3A_2312 = memref.load %arg9[%get3A_2311] : memref<40xi32, #tpu.memory_space<smem>>
        %ge3A_2313 = vector.broadcast %get3A_2312 : i32 to vector<16xi32>
        %ge3A_2314 = arith.cmpi sge, %add3A_2244, %ge3A_2313 : vector<16xi32>
        %convert_element_type3A_2315 = arith.extui %ge3A_2314 : vector<16xi1> to vector<16xi32>
        %add3A_2316 = arith.addi %add3A_2309, %convert_element_type3A_2315 : vector<16xi32>
        %get3A_2317 = arith.constant 11 : i32
        %get3A_2318 = arith.index_cast %get3A_2317 : i32 to index
        %get3A_2319 = memref.load %arg9[%get3A_2318] : memref<40xi32, #tpu.memory_space<smem>>
        %ge3A_2320 = vector.broadcast %get3A_2319 : i32 to vector<16xi32>
        %ge3A_2321 = arith.cmpi sge, %add3A_2244, %ge3A_2320 : vector<16xi32>
        %convert_element_type3A_2322 = arith.extui %ge3A_2321 : vector<16xi1> to vector<16xi32>
        %add3A_2323 = arith.addi %add3A_2316, %convert_element_type3A_2322 : vector<16xi32>
        %get3A_2324 = arith.constant 12 : i32
        %get3A_2325 = arith.index_cast %get3A_2324 : i32 to index
        %get3A_2326 = memref.load %arg9[%get3A_2325] : memref<40xi32, #tpu.memory_space<smem>>
        %ge3A_2327 = vector.broadcast %get3A_2326 : i32 to vector<16xi32>
        %ge3A_2328 = arith.cmpi sge, %add3A_2244, %ge3A_2327 : vector<16xi32>
        %convert_element_type3A_2329 = arith.extui %ge3A_2328 : vector<16xi1> to vector<16xi32>
        %add3A_2330 = arith.addi %add3A_2323, %convert_element_type3A_2329 : vector<16xi32>
        %get3A_2331 = arith.constant 13 : i32
        %get3A_2332 = arith.index_cast %get3A_2331 : i32 to index
        %get3A_2333 = memref.load %arg9[%get3A_2332] : memref<40xi32, #tpu.memory_space<smem>>
        %ge3A_2334 = vector.broadcast %get3A_2333 : i32 to vector<16xi32>
        %ge3A_2335 = arith.cmpi sge, %add3A_2244, %ge3A_2334 : vector<16xi32>
        %convert_element_type3A_2336 = arith.extui %ge3A_2335 : vector<16xi1> to vector<16xi32>
        %add3A_2337 = arith.addi %add3A_2330, %convert_element_type3A_2336 : vector<16xi32>
        %get3A_2338 = arith.constant 14 : i32
        %get3A_2339 = arith.index_cast %get3A_2338 : i32 to index
        %get3A_2340 = memref.load %arg9[%get3A_2339] : memref<40xi32, #tpu.memory_space<smem>>
        %ge3A_2341 = vector.broadcast %get3A_2340 : i32 to vector<16xi32>
        %ge3A_2342 = arith.cmpi sge, %add3A_2244, %ge3A_2341 : vector<16xi32>
        %convert_element_type3A_2343 = arith.extui %ge3A_2342 : vector<16xi1> to vector<16xi32>
        %add3A_2344 = arith.addi %add3A_2337, %convert_element_type3A_2343 : vector<16xi32>
        %get3A_2345 = arith.constant 15 : i32
        %get3A_2346 = arith.index_cast %get3A_2345 : i32 to index
        %get3A_2347 = memref.load %arg9[%get3A_2346] : memref<40xi32, #tpu.memory_space<smem>>
        %ge3A_2348 = vector.broadcast %get3A_2347 : i32 to vector<16xi32>
        %ge3A_2349 = arith.cmpi sge, %add3A_2244, %ge3A_2348 : vector<16xi32>
        %convert_element_type3A_2350 = arith.extui %ge3A_2349 : vector<16xi1> to vector<16xi32>
        %add3A_2351 = arith.addi %add3A_2344, %convert_element_type3A_2350 : vector<16xi32>
        %get3A_2352 = arith.constant 16 : i32
        %get3A_2353 = arith.index_cast %get3A_2352 : i32 to index
        %get3A_2354 = memref.load %arg9[%get3A_2353] : memref<40xi32, #tpu.memory_space<smem>>
        %ge3A_2355 = vector.broadcast %get3A_2354 : i32 to vector<16xi32>
        %ge3A_2356 = arith.cmpi sge, %add3A_2244, %ge3A_2355 : vector<16xi32>
        %convert_element_type3A_2357 = arith.extui %ge3A_2356 : vector<16xi1> to vector<16xi32>
        %add3A_2358 = arith.addi %add3A_2351, %convert_element_type3A_2357 : vector<16xi32>
        %get3A_2359 = arith.constant 17 : i32
        %get3A_2360 = arith.index_cast %get3A_2359 : i32 to index
        %get3A_2361 = memref.load %arg9[%get3A_2360] : memref<40xi32, #tpu.memory_space<smem>>
        %ge3A_2362 = vector.broadcast %get3A_2361 : i32 to vector<16xi32>
        %ge3A_2363 = arith.cmpi sge, %add3A_2244, %ge3A_2362 : vector<16xi32>
        %convert_element_type3A_2364 = arith.extui %ge3A_2363 : vector<16xi1> to vector<16xi32>
        %add3A_2365 = arith.addi %add3A_2358, %convert_element_type3A_2364 : vector<16xi32>
        %get3A_2366 = arith.constant 18 : i32
        %get3A_2367 = arith.index_cast %get3A_2366 : i32 to index
        %get3A_2368 = memref.load %arg9[%get3A_2367] : memref<40xi32, #tpu.memory_space<smem>>
        %ge3A_2369 = vector.broadcast %get3A_2368 : i32 to vector<16xi32>
        %ge3A_2370 = arith.cmpi sge, %add3A_2244, %ge3A_2369 : vector<16xi32>
        %convert_element_type3A_2371 = arith.extui %ge3A_2370 : vector<16xi1> to vector<16xi32>
        %add3A_2372 = arith.addi %add3A_2365, %convert_element_type3A_2371 : vector<16xi32>
        %get3A_2373 = arith.constant 19 : i32
        %get3A_2374 = arith.index_cast %get3A_2373 : i32 to index
        %get3A_2375 = memref.load %arg9[%get3A_2374] : memref<40xi32, #tpu.memory_space<smem>>
        %ge3A_2376 = vector.broadcast %get3A_2375 : i32 to vector<16xi32>
        %ge3A_2377 = arith.cmpi sge, %add3A_2244, %ge3A_2376 : vector<16xi32>
        %convert_element_type3A_2378 = arith.extui %ge3A_2377 : vector<16xi1> to vector<16xi32>
        %add3A_2379 = arith.addi %add3A_2372, %convert_element_type3A_2378 : vector<16xi32>
        %get3A_2380 = arith.constant 20 : i32
        %get3A_2381 = arith.index_cast %get3A_2380 : i32 to index
        %get3A_2382 = memref.load %arg9[%get3A_2381] : memref<40xi32, #tpu.memory_space<smem>>
        %ge3A_2383 = vector.broadcast %get3A_2382 : i32 to vector<16xi32>
        %ge3A_2384 = arith.cmpi sge, %add3A_2244, %ge3A_2383 : vector<16xi32>
        %convert_element_type3A_2385 = arith.extui %ge3A_2384 : vector<16xi1> to vector<16xi32>
        %add3A_2386 = arith.addi %add3A_2379, %convert_element_type3A_2385 : vector<16xi32>
        %get3A_2387 = arith.constant 21 : i32
        %get3A_2388 = arith.index_cast %get3A_2387 : i32 to index
        %get3A_2389 = memref.load %arg9[%get3A_2388] : memref<40xi32, #tpu.memory_space<smem>>
        %ge3A_2390 = vector.broadcast %get3A_2389 : i32 to vector<16xi32>
        %ge3A_2391 = arith.cmpi sge, %add3A_2244, %ge3A_2390 : vector<16xi32>
        %convert_element_type3A_2392 = arith.extui %ge3A_2391 : vector<16xi1> to vector<16xi32>
        %add3A_2393 = arith.addi %add3A_2386, %convert_element_type3A_2392 : vector<16xi32>
        %get3A_2394 = arith.constant 22 : i32
        %get3A_2395 = arith.index_cast %get3A_2394 : i32 to index
        %get3A_2396 = memref.load %arg9[%get3A_2395] : memref<40xi32, #tpu.memory_space<smem>>
        %ge3A_2397 = vector.broadcast %get3A_2396 : i32 to vector<16xi32>
        %ge3A_2398 = arith.cmpi sge, %add3A_2244, %ge3A_2397 : vector<16xi32>
        %convert_element_type3A_2399 = arith.extui %ge3A_2398 : vector<16xi1> to vector<16xi32>
        %add3A_2400 = arith.addi %add3A_2393, %convert_element_type3A_2399 : vector<16xi32>
        %get3A_2401 = arith.constant 23 : i32
        %get3A_2402 = arith.index_cast %get3A_2401 : i32 to index
        %get3A_2403 = memref.load %arg9[%get3A_2402] : memref<40xi32, #tpu.memory_space<smem>>
        %ge3A_2404 = vector.broadcast %get3A_2403 : i32 to vector<16xi32>
        %ge3A_2405 = arith.cmpi sge, %add3A_2244, %ge3A_2404 : vector<16xi32>
        %convert_element_type3A_2406 = arith.extui %ge3A_2405 : vector<16xi1> to vector<16xi32>
        %add3A_2407 = arith.addi %add3A_2400, %convert_element_type3A_2406 : vector<16xi32>
        %get3A_2408 = arith.constant 24 : i32
        %get3A_2409 = arith.index_cast %get3A_2408 : i32 to index
        %get3A_2410 = memref.load %arg9[%get3A_2409] : memref<40xi32, #tpu.memory_space<smem>>
        %ge3A_2411 = vector.broadcast %get3A_2410 : i32 to vector<16xi32>
        %ge3A_2412 = arith.cmpi sge, %add3A_2244, %ge3A_2411 : vector<16xi32>
        %convert_element_type3A_2413 = arith.extui %ge3A_2412 : vector<16xi1> to vector<16xi32>
        %add3A_2414 = arith.addi %add3A_2407, %convert_element_type3A_2413 : vector<16xi32>
        %get3A_2415 = arith.constant 25 : i32
        %get3A_2416 = arith.index_cast %get3A_2415 : i32 to index
        %get3A_2417 = memref.load %arg9[%get3A_2416] : memref<40xi32, #tpu.memory_space<smem>>
        %ge3A_2418 = vector.broadcast %get3A_2417 : i32 to vector<16xi32>
        %ge3A_2419 = arith.cmpi sge, %add3A_2244, %ge3A_2418 : vector<16xi32>
        %convert_element_type3A_2420 = arith.extui %ge3A_2419 : vector<16xi1> to vector<16xi32>
        %add3A_2421 = arith.addi %add3A_2414, %convert_element_type3A_2420 : vector<16xi32>
        %get3A_2422 = arith.constant 26 : i32
        %get3A_2423 = arith.index_cast %get3A_2422 : i32 to index
        %get3A_2424 = memref.load %arg9[%get3A_2423] : memref<40xi32, #tpu.memory_space<smem>>
        %ge3A_2425 = vector.broadcast %get3A_2424 : i32 to vector<16xi32>
        %ge3A_2426 = arith.cmpi sge, %add3A_2244, %ge3A_2425 : vector<16xi32>
        %convert_element_type3A_2427 = arith.extui %ge3A_2426 : vector<16xi1> to vector<16xi32>
        %add3A_2428 = arith.addi %add3A_2421, %convert_element_type3A_2427 : vector<16xi32>
        %get3A_2429 = arith.constant 27 : i32
        %get3A_2430 = arith.index_cast %get3A_2429 : i32 to index
        %get3A_2431 = memref.load %arg9[%get3A_2430] : memref<40xi32, #tpu.memory_space<smem>>
        %ge3A_2432 = vector.broadcast %get3A_2431 : i32 to vector<16xi32>
        %ge3A_2433 = arith.cmpi sge, %add3A_2244, %ge3A_2432 : vector<16xi32>
        %convert_element_type3A_2434 = arith.extui %ge3A_2433 : vector<16xi1> to vector<16xi32>
        %add3A_2435 = arith.addi %add3A_2428, %convert_element_type3A_2434 : vector<16xi32>
        %get3A_2436 = arith.constant 28 : i32
        %get3A_2437 = arith.index_cast %get3A_2436 : i32 to index
        %get3A_2438 = memref.load %arg9[%get3A_2437] : memref<40xi32, #tpu.memory_space<smem>>
        %ge3A_2439 = vector.broadcast %get3A_2438 : i32 to vector<16xi32>
        %ge3A_2440 = arith.cmpi sge, %add3A_2244, %ge3A_2439 : vector<16xi32>
        %convert_element_type3A_2441 = arith.extui %ge3A_2440 : vector<16xi1> to vector<16xi32>
        %add3A_2442 = arith.addi %add3A_2435, %convert_element_type3A_2441 : vector<16xi32>
        %get3A_2443 = arith.constant 29 : i32
        %get3A_2444 = arith.index_cast %get3A_2443 : i32 to index
        %get3A_2445 = memref.load %arg9[%get3A_2444] : memref<40xi32, #tpu.memory_space<smem>>
        %ge3A_2446 = vector.broadcast %get3A_2445 : i32 to vector<16xi32>
        %ge3A_2447 = arith.cmpi sge, %add3A_2244, %ge3A_2446 : vector<16xi32>
        %convert_element_type3A_2448 = arith.extui %ge3A_2447 : vector<16xi1> to vector<16xi32>
        %add3A_2449 = arith.addi %add3A_2442, %convert_element_type3A_2448 : vector<16xi32>
        %get3A_2450 = arith.constant 30 : i32
        %get3A_2451 = arith.index_cast %get3A_2450 : i32 to index
        %get3A_2452 = memref.load %arg9[%get3A_2451] : memref<40xi32, #tpu.memory_space<smem>>
        %ge3A_2453 = vector.broadcast %get3A_2452 : i32 to vector<16xi32>
        %ge3A_2454 = arith.cmpi sge, %add3A_2244, %ge3A_2453 : vector<16xi32>
        %convert_element_type3A_2455 = arith.extui %ge3A_2454 : vector<16xi1> to vector<16xi32>
        %add3A_2456 = arith.addi %add3A_2449, %convert_element_type3A_2455 : vector<16xi32>
        %get3A_2457 = arith.constant 31 : i32
        %get3A_2458 = arith.index_cast %get3A_2457 : i32 to index
        %get3A_2459 = memref.load %arg9[%get3A_2458] : memref<40xi32, #tpu.memory_space<smem>>
        %ge3A_2460 = vector.broadcast %get3A_2459 : i32 to vector<16xi32>
        %ge3A_2461 = arith.cmpi sge, %add3A_2244, %ge3A_2460 : vector<16xi32>
        %convert_element_type3A_2462 = arith.extui %ge3A_2461 : vector<16xi1> to vector<16xi32>
        %add3A_2463 = arith.addi %add3A_2456, %convert_element_type3A_2462 : vector<16xi32>
        %get3A_2464 = arith.constant 32 : i32
        %get3A_2465 = arith.index_cast %get3A_2464 : i32 to index
        %get3A_2466 = memref.load %arg9[%get3A_2465] : memref<40xi32, #tpu.memory_space<smem>>
        %ge3A_2467 = vector.broadcast %get3A_2466 : i32 to vector<16xi32>
        %ge3A_2468 = arith.cmpi sge, %add3A_2244, %ge3A_2467 : vector<16xi32>
        %convert_element_type3A_2469 = arith.extui %ge3A_2468 : vector<16xi1> to vector<16xi32>
        %add3A_2470 = arith.addi %add3A_2463, %convert_element_type3A_2469 : vector<16xi32>
        %gather3A_2471 = tpu.vector_load_idx %arg8[%add3A_2470] : memref<48xi32, #tpu.memory_space<vmem>>[vector<16xi32>], vector<16xi32>,
        %add3A_2472 = arith.addi %add3A_2244, %gather3A_2471 : vector<16xi32>
        %mul3A_2473 = arith.constant 128 : i32
        %mul3A_2474 = arith.muli %scan3A_799, %mul3A_2473 : i32
        %add3A_2475 = arith.constant 96 : i32
        %add3A_2476 = arith.addi %mul3A_2474, %add3A_2475 : i32
        %swap3A_2477 = arith.index_cast %add3A_2476 : i32 to index
        %swap3A_2478 = tpu.vector_load %arg11[%swap3A_2477] {strides = array<i32>} : memref<32768xi32, #tpu.memory_space<vmem>>, vector<16xi32>,
        tpu.vector_store %arg11[%swap3A_2477], %add3A_2472 {strides = array<i32>} : memref<32768xi32, #tpu.memory_space<vmem>>, vector<16xi32>,
        %add3A_2479 = arith.constant 112 : i32
        %add3A_2480 = arith.addi %add3A_803, %add3A_2479 : i32
        %add3A_2481 = vector.broadcast %add3A_2480 : i32 to vector<16xi32>
        %add3A_2482 = arith.addi %add3A_2481, %iota3A_786 : vector<16xi32>
        %broadcast_in_dim3A_2483 = arith.constant 0 : i32
        %broadcast_in_dim3A_2484 = vector.broadcast %broadcast_in_dim3A_2483 : i32 to vector<16xi32>
        %get3A_2485 = arith.constant 1 : i32
        %get3A_2486 = arith.index_cast %get3A_2485 : i32 to index
        %get3A_2487 = memref.load %arg9[%get3A_2486] : memref<40xi32, #tpu.memory_space<smem>>
        %ge3A_2488 = vector.broadcast %get3A_2487 : i32 to vector<16xi32>
        %ge3A_2489 = arith.cmpi sge, %add3A_2482, %ge3A_2488 : vector<16xi32>
        %convert_element_type3A_2490 = arith.extui %ge3A_2489 : vector<16xi1> to vector<16xi32>
        %add3A_2491 = arith.addi %broadcast_in_dim3A_2484, %convert_element_type3A_2490 : vector<16xi32>
        %get3A_2492 = arith.constant 2 : i32
        %get3A_2493 = arith.index_cast %get3A_2492 : i32 to index
        %get3A_2494 = memref.load %arg9[%get3A_2493] : memref<40xi32, #tpu.memory_space<smem>>
        %ge3A_2495 = vector.broadcast %get3A_2494 : i32 to vector<16xi32>
        %ge3A_2496 = arith.cmpi sge, %add3A_2482, %ge3A_2495 : vector<16xi32>
        %convert_element_type3A_2497 = arith.extui %ge3A_2496 : vector<16xi1> to vector<16xi32>
        %add3A_2498 = arith.addi %add3A_2491, %convert_element_type3A_2497 : vector<16xi32>
        %get3A_2499 = arith.constant 3 : i32
        %get3A_2500 = arith.index_cast %get3A_2499 : i32 to index
        %get3A_2501 = memref.load %arg9[%get3A_2500] : memref<40xi32, #tpu.memory_space<smem>>
        %ge3A_2502 = vector.broadcast %get3A_2501 : i32 to vector<16xi32>
        %ge3A_2503 = arith.cmpi sge, %add3A_2482, %ge3A_2502 : vector<16xi32>
        %convert_element_type3A_2504 = arith.extui %ge3A_2503 : vector<16xi1> to vector<16xi32>
        %add3A_2505 = arith.addi %add3A_2498, %convert_element_type3A_2504 : vector<16xi32>
        %get3A_2506 = arith.constant 4 : i32
        %get3A_2507 = arith.index_cast %get3A_2506 : i32 to index
        %get3A_2508 = memref.load %arg9[%get3A_2507] : memref<40xi32, #tpu.memory_space<smem>>
        %ge3A_2509 = vector.broadcast %get3A_2508 : i32 to vector<16xi32>
        %ge3A_2510 = arith.cmpi sge, %add3A_2482, %ge3A_2509 : vector<16xi32>
        %convert_element_type3A_2511 = arith.extui %ge3A_2510 : vector<16xi1> to vector<16xi32>
        %add3A_2512 = arith.addi %add3A_2505, %convert_element_type3A_2511 : vector<16xi32>
        %get3A_2513 = arith.constant 5 : i32
        %get3A_2514 = arith.index_cast %get3A_2513 : i32 to index
        %get3A_2515 = memref.load %arg9[%get3A_2514] : memref<40xi32, #tpu.memory_space<smem>>
        %ge3A_2516 = vector.broadcast %get3A_2515 : i32 to vector<16xi32>
        %ge3A_2517 = arith.cmpi sge, %add3A_2482, %ge3A_2516 : vector<16xi32>
        %convert_element_type3A_2518 = arith.extui %ge3A_2517 : vector<16xi1> to vector<16xi32>
        %add3A_2519 = arith.addi %add3A_2512, %convert_element_type3A_2518 : vector<16xi32>
        %get3A_2520 = arith.constant 6 : i32
        %get3A_2521 = arith.index_cast %get3A_2520 : i32 to index
        %get3A_2522 = memref.load %arg9[%get3A_2521] : memref<40xi32, #tpu.memory_space<smem>>
        %ge3A_2523 = vector.broadcast %get3A_2522 : i32 to vector<16xi32>
        %ge3A_2524 = arith.cmpi sge, %add3A_2482, %ge3A_2523 : vector<16xi32>
        %convert_element_type3A_2525 = arith.extui %ge3A_2524 : vector<16xi1> to vector<16xi32>
        %add3A_2526 = arith.addi %add3A_2519, %convert_element_type3A_2525 : vector<16xi32>
        %get3A_2527 = arith.constant 7 : i32
        %get3A_2528 = arith.index_cast %get3A_2527 : i32 to index
        %get3A_2529 = memref.load %arg9[%get3A_2528] : memref<40xi32, #tpu.memory_space<smem>>
        %ge3A_2530 = vector.broadcast %get3A_2529 : i32 to vector<16xi32>
        %ge3A_2531 = arith.cmpi sge, %add3A_2482, %ge3A_2530 : vector<16xi32>
        %convert_element_type3A_2532 = arith.extui %ge3A_2531 : vector<16xi1> to vector<16xi32>
        %add3A_2533 = arith.addi %add3A_2526, %convert_element_type3A_2532 : vector<16xi32>
        %get3A_2534 = arith.constant 8 : i32
        %get3A_2535 = arith.index_cast %get3A_2534 : i32 to index
        %get3A_2536 = memref.load %arg9[%get3A_2535] : memref<40xi32, #tpu.memory_space<smem>>
        %ge3A_2537 = vector.broadcast %get3A_2536 : i32 to vector<16xi32>
        %ge3A_2538 = arith.cmpi sge, %add3A_2482, %ge3A_2537 : vector<16xi32>
        %convert_element_type3A_2539 = arith.extui %ge3A_2538 : vector<16xi1> to vector<16xi32>
        %add3A_2540 = arith.addi %add3A_2533, %convert_element_type3A_2539 : vector<16xi32>
        %get3A_2541 = arith.constant 9 : i32
        %get3A_2542 = arith.index_cast %get3A_2541 : i32 to index
        %get3A_2543 = memref.load %arg9[%get3A_2542] : memref<40xi32, #tpu.memory_space<smem>>
        %ge3A_2544 = vector.broadcast %get3A_2543 : i32 to vector<16xi32>
        %ge3A_2545 = arith.cmpi sge, %add3A_2482, %ge3A_2544 : vector<16xi32>
        %convert_element_type3A_2546 = arith.extui %ge3A_2545 : vector<16xi1> to vector<16xi32>
        %add3A_2547 = arith.addi %add3A_2540, %convert_element_type3A_2546 : vector<16xi32>
        %get3A_2548 = arith.constant 10 : i32
        %get3A_2549 = arith.index_cast %get3A_2548 : i32 to index
        %get3A_2550 = memref.load %arg9[%get3A_2549] : memref<40xi32, #tpu.memory_space<smem>>
        %ge3A_2551 = vector.broadcast %get3A_2550 : i32 to vector<16xi32>
        %ge3A_2552 = arith.cmpi sge, %add3A_2482, %ge3A_2551 : vector<16xi32>
        %convert_element_type3A_2553 = arith.extui %ge3A_2552 : vector<16xi1> to vector<16xi32>
        %add3A_2554 = arith.addi %add3A_2547, %convert_element_type3A_2553 : vector<16xi32>
        %get3A_2555 = arith.constant 11 : i32
        %get3A_2556 = arith.index_cast %get3A_2555 : i32 to index
        %get3A_2557 = memref.load %arg9[%get3A_2556] : memref<40xi32, #tpu.memory_space<smem>>
        %ge3A_2558 = vector.broadcast %get3A_2557 : i32 to vector<16xi32>
        %ge3A_2559 = arith.cmpi sge, %add3A_2482, %ge3A_2558 : vector<16xi32>
        %convert_element_type3A_2560 = arith.extui %ge3A_2559 : vector<16xi1> to vector<16xi32>
        %add3A_2561 = arith.addi %add3A_2554, %convert_element_type3A_2560 : vector<16xi32>
        %get3A_2562 = arith.constant 12 : i32
        %get3A_2563 = arith.index_cast %get3A_2562 : i32 to index
        %get3A_2564 = memref.load %arg9[%get3A_2563] : memref<40xi32, #tpu.memory_space<smem>>
        %ge3A_2565 = vector.broadcast %get3A_2564 : i32 to vector<16xi32>
        %ge3A_2566 = arith.cmpi sge, %add3A_2482, %ge3A_2565 : vector<16xi32>
        %convert_element_type3A_2567 = arith.extui %ge3A_2566 : vector<16xi1> to vector<16xi32>
        %add3A_2568 = arith.addi %add3A_2561, %convert_element_type3A_2567 : vector<16xi32>
        %get3A_2569 = arith.constant 13 : i32
        %get3A_2570 = arith.index_cast %get3A_2569 : i32 to index
        %get3A_2571 = memref.load %arg9[%get3A_2570] : memref<40xi32, #tpu.memory_space<smem>>
        %ge3A_2572 = vector.broadcast %get3A_2571 : i32 to vector<16xi32>
        %ge3A_2573 = arith.cmpi sge, %add3A_2482, %ge3A_2572 : vector<16xi32>
        %convert_element_type3A_2574 = arith.extui %ge3A_2573 : vector<16xi1> to vector<16xi32>
        %add3A_2575 = arith.addi %add3A_2568, %convert_element_type3A_2574 : vector<16xi32>
        %get3A_2576 = arith.constant 14 : i32
        %get3A_2577 = arith.index_cast %get3A_2576 : i32 to index
        %get3A_2578 = memref.load %arg9[%get3A_2577] : memref<40xi32, #tpu.memory_space<smem>>
        %ge3A_2579 = vector.broadcast %get3A_2578 : i32 to vector<16xi32>
        %ge3A_2580 = arith.cmpi sge, %add3A_2482, %ge3A_2579 : vector<16xi32>
        %convert_element_type3A_2581 = arith.extui %ge3A_2580 : vector<16xi1> to vector<16xi32>
        %add3A_2582 = arith.addi %add3A_2575, %convert_element_type3A_2581 : vector<16xi32>
        %get3A_2583 = arith.constant 15 : i32
        %get3A_2584 = arith.index_cast %get3A_2583 : i32 to index
        %get3A_2585 = memref.load %arg9[%get3A_2584] : memref<40xi32, #tpu.memory_space<smem>>
        %ge3A_2586 = vector.broadcast %get3A_2585 : i32 to vector<16xi32>
        %ge3A_2587 = arith.cmpi sge, %add3A_2482, %ge3A_2586 : vector<16xi32>
        %convert_element_type3A_2588 = arith.extui %ge3A_2587 : vector<16xi1> to vector<16xi32>
        %add3A_2589 = arith.addi %add3A_2582, %convert_element_type3A_2588 : vector<16xi32>
        %get3A_2590 = arith.constant 16 : i32
        %get3A_2591 = arith.index_cast %get3A_2590 : i32 to index
        %get3A_2592 = memref.load %arg9[%get3A_2591] : memref<40xi32, #tpu.memory_space<smem>>
        %ge3A_2593 = vector.broadcast %get3A_2592 : i32 to vector<16xi32>
        %ge3A_2594 = arith.cmpi sge, %add3A_2482, %ge3A_2593 : vector<16xi32>
        %convert_element_type3A_2595 = arith.extui %ge3A_2594 : vector<16xi1> to vector<16xi32>
        %add3A_2596 = arith.addi %add3A_2589, %convert_element_type3A_2595 : vector<16xi32>
        %get3A_2597 = arith.constant 17 : i32
        %get3A_2598 = arith.index_cast %get3A_2597 : i32 to index
        %get3A_2599 = memref.load %arg9[%get3A_2598] : memref<40xi32, #tpu.memory_space<smem>>
        %ge3A_2600 = vector.broadcast %get3A_2599 : i32 to vector<16xi32>
        %ge3A_2601 = arith.cmpi sge, %add3A_2482, %ge3A_2600 : vector<16xi32>
        %convert_element_type3A_2602 = arith.extui %ge3A_2601 : vector<16xi1> to vector<16xi32>
        %add3A_2603 = arith.addi %add3A_2596, %convert_element_type3A_2602 : vector<16xi32>
        %get3A_2604 = arith.constant 18 : i32
        %get3A_2605 = arith.index_cast %get3A_2604 : i32 to index
        %get3A_2606 = memref.load %arg9[%get3A_2605] : memref<40xi32, #tpu.memory_space<smem>>
        %ge3A_2607 = vector.broadcast %get3A_2606 : i32 to vector<16xi32>
        %ge3A_2608 = arith.cmpi sge, %add3A_2482, %ge3A_2607 : vector<16xi32>
        %convert_element_type3A_2609 = arith.extui %ge3A_2608 : vector<16xi1> to vector<16xi32>
        %add3A_2610 = arith.addi %add3A_2603, %convert_element_type3A_2609 : vector<16xi32>
        %get3A_2611 = arith.constant 19 : i32
        %get3A_2612 = arith.index_cast %get3A_2611 : i32 to index
        %get3A_2613 = memref.load %arg9[%get3A_2612] : memref<40xi32, #tpu.memory_space<smem>>
        %ge3A_2614 = vector.broadcast %get3A_2613 : i32 to vector<16xi32>
        %ge3A_2615 = arith.cmpi sge, %add3A_2482, %ge3A_2614 : vector<16xi32>
        %convert_element_type3A_2616 = arith.extui %ge3A_2615 : vector<16xi1> to vector<16xi32>
        %add3A_2617 = arith.addi %add3A_2610, %convert_element_type3A_2616 : vector<16xi32>
        %get3A_2618 = arith.constant 20 : i32
        %get3A_2619 = arith.index_cast %get3A_2618 : i32 to index
        %get3A_2620 = memref.load %arg9[%get3A_2619] : memref<40xi32, #tpu.memory_space<smem>>
        %ge3A_2621 = vector.broadcast %get3A_2620 : i32 to vector<16xi32>
        %ge3A_2622 = arith.cmpi sge, %add3A_2482, %ge3A_2621 : vector<16xi32>
        %convert_element_type3A_2623 = arith.extui %ge3A_2622 : vector<16xi1> to vector<16xi32>
        %add3A_2624 = arith.addi %add3A_2617, %convert_element_type3A_2623 : vector<16xi32>
        %get3A_2625 = arith.constant 21 : i32
        %get3A_2626 = arith.index_cast %get3A_2625 : i32 to index
        %get3A_2627 = memref.load %arg9[%get3A_2626] : memref<40xi32, #tpu.memory_space<smem>>
        %ge3A_2628 = vector.broadcast %get3A_2627 : i32 to vector<16xi32>
        %ge3A_2629 = arith.cmpi sge, %add3A_2482, %ge3A_2628 : vector<16xi32>
        %convert_element_type3A_2630 = arith.extui %ge3A_2629 : vector<16xi1> to vector<16xi32>
        %add3A_2631 = arith.addi %add3A_2624, %convert_element_type3A_2630 : vector<16xi32>
        %get3A_2632 = arith.constant 22 : i32
        %get3A_2633 = arith.index_cast %get3A_2632 : i32 to index
        %get3A_2634 = memref.load %arg9[%get3A_2633] : memref<40xi32, #tpu.memory_space<smem>>
        %ge3A_2635 = vector.broadcast %get3A_2634 : i32 to vector<16xi32>
        %ge3A_2636 = arith.cmpi sge, %add3A_2482, %ge3A_2635 : vector<16xi32>
        %convert_element_type3A_2637 = arith.extui %ge3A_2636 : vector<16xi1> to vector<16xi32>
        %add3A_2638 = arith.addi %add3A_2631, %convert_element_type3A_2637 : vector<16xi32>
        %get3A_2639 = arith.constant 23 : i32
        %get3A_2640 = arith.index_cast %get3A_2639 : i32 to index
        %get3A_2641 = memref.load %arg9[%get3A_2640] : memref<40xi32, #tpu.memory_space<smem>>
        %ge3A_2642 = vector.broadcast %get3A_2641 : i32 to vector<16xi32>
        %ge3A_2643 = arith.cmpi sge, %add3A_2482, %ge3A_2642 : vector<16xi32>
        %convert_element_type3A_2644 = arith.extui %ge3A_2643 : vector<16xi1> to vector<16xi32>
        %add3A_2645 = arith.addi %add3A_2638, %convert_element_type3A_2644 : vector<16xi32>
        %get3A_2646 = arith.constant 24 : i32
        %get3A_2647 = arith.index_cast %get3A_2646 : i32 to index
        %get3A_2648 = memref.load %arg9[%get3A_2647] : memref<40xi32, #tpu.memory_space<smem>>
        %ge3A_2649 = vector.broadcast %get3A_2648 : i32 to vector<16xi32>
        %ge3A_2650 = arith.cmpi sge, %add3A_2482, %ge3A_2649 : vector<16xi32>
        %convert_element_type3A_2651 = arith.extui %ge3A_2650 : vector<16xi1> to vector<16xi32>
        %add3A_2652 = arith.addi %add3A_2645, %convert_element_type3A_2651 : vector<16xi32>
        %get3A_2653 = arith.constant 25 : i32
        %get3A_2654 = arith.index_cast %get3A_2653 : i32 to index
        %get3A_2655 = memref.load %arg9[%get3A_2654] : memref<40xi32, #tpu.memory_space<smem>>
        %ge3A_2656 = vector.broadcast %get3A_2655 : i32 to vector<16xi32>
        %ge3A_2657 = arith.cmpi sge, %add3A_2482, %ge3A_2656 : vector<16xi32>
        %convert_element_type3A_2658 = arith.extui %ge3A_2657 : vector<16xi1> to vector<16xi32>
        %add3A_2659 = arith.addi %add3A_2652, %convert_element_type3A_2658 : vector<16xi32>
        %get3A_2660 = arith.constant 26 : i32
        %get3A_2661 = arith.index_cast %get3A_2660 : i32 to index
        %get3A_2662 = memref.load %arg9[%get3A_2661] : memref<40xi32, #tpu.memory_space<smem>>
        %ge3A_2663 = vector.broadcast %get3A_2662 : i32 to vector<16xi32>
        %ge3A_2664 = arith.cmpi sge, %add3A_2482, %ge3A_2663 : vector<16xi32>
        %convert_element_type3A_2665 = arith.extui %ge3A_2664 : vector<16xi1> to vector<16xi32>
        %add3A_2666 = arith.addi %add3A_2659, %convert_element_type3A_2665 : vector<16xi32>
        %get3A_2667 = arith.constant 27 : i32
        %get3A_2668 = arith.index_cast %get3A_2667 : i32 to index
        %get3A_2669 = memref.load %arg9[%get3A_2668] : memref<40xi32, #tpu.memory_space<smem>>
        %ge3A_2670 = vector.broadcast %get3A_2669 : i32 to vector<16xi32>
        %ge3A_2671 = arith.cmpi sge, %add3A_2482, %ge3A_2670 : vector<16xi32>
        %convert_element_type3A_2672 = arith.extui %ge3A_2671 : vector<16xi1> to vector<16xi32>
        %add3A_2673 = arith.addi %add3A_2666, %convert_element_type3A_2672 : vector<16xi32>
        %get3A_2674 = arith.constant 28 : i32
        %get3A_2675 = arith.index_cast %get3A_2674 : i32 to index
        %get3A_2676 = memref.load %arg9[%get3A_2675] : memref<40xi32, #tpu.memory_space<smem>>
        %ge3A_2677 = vector.broadcast %get3A_2676 : i32 to vector<16xi32>
        %ge3A_2678 = arith.cmpi sge, %add3A_2482, %ge3A_2677 : vector<16xi32>
        %convert_element_type3A_2679 = arith.extui %ge3A_2678 : vector<16xi1> to vector<16xi32>
        %add3A_2680 = arith.addi %add3A_2673, %convert_element_type3A_2679 : vector<16xi32>
        %get3A_2681 = arith.constant 29 : i32
        %get3A_2682 = arith.index_cast %get3A_2681 : i32 to index
        %get3A_2683 = memref.load %arg9[%get3A_2682] : memref<40xi32, #tpu.memory_space<smem>>
        %ge3A_2684 = vector.broadcast %get3A_2683 : i32 to vector<16xi32>
        %ge3A_2685 = arith.cmpi sge, %add3A_2482, %ge3A_2684 : vector<16xi32>
        %convert_element_type3A_2686 = arith.extui %ge3A_2685 : vector<16xi1> to vector<16xi32>
        %add3A_2687 = arith.addi %add3A_2680, %convert_element_type3A_2686 : vector<16xi32>
        %get3A_2688 = arith.constant 30 : i32
        %get3A_2689 = arith.index_cast %get3A_2688 : i32 to index
        %get3A_2690 = memref.load %arg9[%get3A_2689] : memref<40xi32, #tpu.memory_space<smem>>
        %ge3A_2691 = vector.broadcast %get3A_2690 : i32 to vector<16xi32>
        %ge3A_2692 = arith.cmpi sge, %add3A_2482, %ge3A_2691 : vector<16xi32>
        %convert_element_type3A_2693 = arith.extui %ge3A_2692 : vector<16xi1> to vector<16xi32>
        %add3A_2694 = arith.addi %add3A_2687, %convert_element_type3A_2693 : vector<16xi32>
        %get3A_2695 = arith.constant 31 : i32
        %get3A_2696 = arith.index_cast %get3A_2695 : i32 to index
        %get3A_2697 = memref.load %arg9[%get3A_2696] : memref<40xi32, #tpu.memory_space<smem>>
        %ge3A_2698 = vector.broadcast %get3A_2697 : i32 to vector<16xi32>
        %ge3A_2699 = arith.cmpi sge, %add3A_2482, %ge3A_2698 : vector<16xi32>
        %convert_element_type3A_2700 = arith.extui %ge3A_2699 : vector<16xi1> to vector<16xi32>
        %add3A_2701 = arith.addi %add3A_2694, %convert_element_type3A_2700 : vector<16xi32>
        %get3A_2702 = arith.constant 32 : i32
        %get3A_2703 = arith.index_cast %get3A_2702 : i32 to index
        %get3A_2704 = memref.load %arg9[%get3A_2703] : memref<40xi32, #tpu.memory_space<smem>>
        %ge3A_2705 = vector.broadcast %get3A_2704 : i32 to vector<16xi32>
        %ge3A_2706 = arith.cmpi sge, %add3A_2482, %ge3A_2705 : vector<16xi32>
        %convert_element_type3A_2707 = arith.extui %ge3A_2706 : vector<16xi1> to vector<16xi32>
        %add3A_2708 = arith.addi %add3A_2701, %convert_element_type3A_2707 : vector<16xi32>
        %gather3A_2709 = tpu.vector_load_idx %arg8[%add3A_2708] : memref<48xi32, #tpu.memory_space<vmem>>[vector<16xi32>], vector<16xi32>,
        %add3A_2710 = arith.addi %add3A_2482, %gather3A_2709 : vector<16xi32>
        %mul3A_2711 = arith.constant 128 : i32
        %mul3A_2712 = arith.muli %scan3A_799, %mul3A_2711 : i32
        %add3A_2713 = arith.constant 112 : i32
        %add3A_2714 = arith.addi %mul3A_2712, %add3A_2713 : i32
        %swap3A_2715 = arith.index_cast %add3A_2714 : i32 to index
        %swap3A_2716 = tpu.vector_load %arg11[%swap3A_2715] {strides = array<i32>} : memref<32768xi32, #tpu.memory_space<vmem>>, vector<16xi32>,
        tpu.vector_store %arg11[%swap3A_2715], %add3A_2710 {strides = array<i32>} : memref<32768xi32, #tpu.memory_space<vmem>>, vector<16xi32>,
        %cond3A_2717 = arith.constant 0 : i32
        scf.yield %cond3A_2717 : i32
      }
      scf.yield %while3A : i32
    }
    %scan3A_792 = arith.constant 256 : i32
    %dma_start3A = arith.constant 0 : i32
    %dma_start3A_793 = tpu.memref_slice %arg3[%dma_start3A] : memref<2097152xf32, #tpu.memory_space<hbm>> -> memref<2097152xf32, #tpu.memory_space<hbm>>
    tpu.enqueue_indirect_dma source(%dma_start3A_793 : memref<2097152xf32, #tpu.memory_space<hbm>>) target(%arg12 : memref<32768xf32, #tpu.memory_space<vmem>>) offsets(%arg11 : memref<32768xi32, #tpu.memory_space<vmem>>) semaphore(%arg14 : memref<!tpu.dma_semaphore, #tpu.memory_space<semaphore_mem>>)
    %dma_start3A_794 = arith.constant 0 : i32
    %dma_start3A_795 = tpu.memref_slice %arg4[%dma_start3A_794] : memref<2097152xf32, #tpu.memory_space<hbm>> -> memref<2097152xf32, #tpu.memory_space<hbm>>
    tpu.enqueue_indirect_dma source(%dma_start3A_795 : memref<2097152xf32, #tpu.memory_space<hbm>>) target(%arg13 : memref<32768xf32, #tpu.memory_space<vmem>>) offsets(%arg11 : memref<32768xi32, #tpu.memory_space<vmem>>) semaphore(%arg15 : memref<!tpu.dma_semaphore, #tpu.memory_space<semaphore_mem>>)
    %dma_wait3A = arith.constant 0 : i32
    %dma_wait3A_796 = tpu.memref_slice %arg3[%dma_wait3A] : memref<2097152xf32, #tpu.memory_space<hbm>> -> memref<2097152xf32, #tpu.memory_space<hbm>>
    tpu.wait_indirect_dma semaphore(%arg14 : memref<!tpu.dma_semaphore, #tpu.memory_space<semaphore_mem>>) src(%dma_wait3A_796 : memref<2097152xf32, #tpu.memory_space<hbm>>) dst(%arg12 : memref<32768xf32, #tpu.memory_space<vmem>>)
    %dma_wait3A_797 = arith.constant 0 : i32
    %dma_wait3A_798 = tpu.memref_slice %arg4[%dma_wait3A_797] : memref<2097152xf32, #tpu.memory_space<hbm>> -> memref<2097152xf32, #tpu.memory_space<hbm>>
    tpu.wait_indirect_dma semaphore(%arg15 : memref<!tpu.dma_semaphore, #tpu.memory_space<semaphore_mem>>) src(%dma_wait3A_798 : memref<2097152xf32, #tpu.memory_space<hbm>>) dst(%arg13 : memref<32768xf32, #tpu.memory_space<vmem>>)
    "tpu.region"() ({
      %run_scoped3A = tpu.sem_alloc : memref<!tpu.dma_semaphore, #tpu.memory_space<semaphore_mem>>
      %dma_start3A_799 = arith.constant 0 : i32
      %dma_start3A_800 = tpu.memref_slice %arg5[%add3A, %dma_start3A_799] : memref<32x32768xf32, #tpu.memory_space<hbm>> -> memref<1x32768xf32, #tpu.memory_space<hbm>>
      %dma_start3A_801 = tpu.memref_squeeze %dma_start3A_800 : memref<1x32768xf32, #tpu.memory_space<hbm>> -> memref<32768xf32, #tpu.memory_space<hbm>>
      %dma_start3A_802 = arith.constant 0 : i32
      %dma_start3A_803 = tpu.memref_slice %arg5[%add3A, %dma_start3A_802] : memref<32x32768xf32, #tpu.memory_space<hbm>> -> memref<1x32768xf32, #tpu.memory_space<hbm>>
      %dma_start3A_804 = tpu.memref_squeeze %dma_start3A_803 : memref<1x32768xf32, #tpu.memory_space<hbm>> -> memref<32768xf32, #tpu.memory_space<hbm>>
      tpu.enqueue_dma source(%arg12 : memref<32768xf32, #tpu.memory_space<vmem>>) target(%dma_start3A_804 : memref<32768xf32, #tpu.memory_space<hbm>>) target_semaphore(%run_scoped3A : memref<!tpu.dma_semaphore, #tpu.memory_space<semaphore_mem>>)
      %dma_wait3A_805 = arith.constant 0 : i32
      %dma_wait3A_806 = tpu.memref_slice %arg5[%add3A, %dma_wait3A_805] : memref<32x32768xf32, #tpu.memory_space<hbm>> -> memref<1x32768xf32, #tpu.memory_space<hbm>>
      %dma_wait3A_807 = tpu.memref_squeeze %dma_wait3A_806 : memref<1x32768xf32, #tpu.memory_space<hbm>> -> memref<32768xf32, #tpu.memory_space<hbm>>
      %dma_wait3A_808 = arith.constant 0 : i32
      %dma_wait3A_809 = tpu.memref_slice %arg5[%add3A, %dma_wait3A_808] : memref<32x32768xf32, #tpu.memory_space<hbm>> -> memref<1x32768xf32, #tpu.memory_space<hbm>>
      %dma_wait3A_810 = tpu.memref_squeeze %dma_wait3A_809 : memref<1x32768xf32, #tpu.memory_space<hbm>> -> memref<32768xf32, #tpu.memory_space<hbm>>
      tpu.wait_dma2 semaphore(%run_scoped3A : memref<!tpu.dma_semaphore, #tpu.memory_space<semaphore_mem>>) src(%arg12 : memref<32768xf32, #tpu.memory_space<vmem>>) dst(%dma_wait3A_810 : memref<32768xf32, #tpu.memory_space<hbm>>)
      tpu.yield
    }) : () -> ()
    "tpu.region"() ({
      %run_scoped3A = tpu.sem_alloc : memref<!tpu.dma_semaphore, #tpu.memory_space<semaphore_mem>>
      %dma_start3A_799 = arith.constant 0 : i32
      %dma_start3A_800 = tpu.memref_slice %arg6[%add3A, %dma_start3A_799] : memref<32x32768xf32, #tpu.memory_space<hbm>> -> memref<1x32768xf32, #tpu.memory_space<hbm>>
      %dma_start3A_801 = tpu.memref_squeeze %dma_start3A_800 : memref<1x32768xf32, #tpu.memory_space<hbm>> -> memref<32768xf32, #tpu.memory_space<hbm>>
      %dma_start3A_802 = arith.constant 0 : i32
      %dma_start3A_803 = tpu.memref_slice %arg6[%add3A, %dma_start3A_802] : memref<32x32768xf32, #tpu.memory_space<hbm>> -> memref<1x32768xf32, #tpu.memory_space<hbm>>
      %dma_start3A_804 = tpu.memref_squeeze %dma_start3A_803 : memref<1x32768xf32, #tpu.memory_space<hbm>> -> memref<32768xf32, #tpu.memory_space<hbm>>
      tpu.enqueue_dma source(%arg13 : memref<32768xf32, #tpu.memory_space<vmem>>) target(%dma_start3A_804 : memref<32768xf32, #tpu.memory_space<hbm>>) target_semaphore(%run_scoped3A : memref<!tpu.dma_semaphore, #tpu.memory_space<semaphore_mem>>)
      %dma_wait3A_805 = arith.constant 0 : i32
      %dma_wait3A_806 = tpu.memref_slice %arg6[%add3A, %dma_wait3A_805] : memref<32x32768xf32, #tpu.memory_space<hbm>> -> memref<1x32768xf32, #tpu.memory_space<hbm>>
      %dma_wait3A_807 = tpu.memref_squeeze %dma_wait3A_806 : memref<1x32768xf32, #tpu.memory_space<hbm>> -> memref<32768xf32, #tpu.memory_space<hbm>>
      %dma_wait3A_808 = arith.constant 0 : i32
      %dma_wait3A_809 = tpu.memref_slice %arg6[%add3A, %dma_wait3A_808] : memref<32x32768xf32, #tpu.memory_space<hbm>> -> memref<1x32768xf32, #tpu.memory_space<hbm>>
      %dma_wait3A_810 = tpu.memref_squeeze %dma_wait3A_809 : memref<1x32768xf32, #tpu.memory_space<hbm>> -> memref<32768xf32, #tpu.memory_space<hbm>>
      tpu.wait_dma2 semaphore(%run_scoped3A : memref<!tpu.dma_semaphore, #tpu.memory_space<semaphore_mem>>) src(%arg13 : memref<32768xf32, #tpu.memory_space<vmem>>) dst(%dma_wait3A_810 : memref<32768xf32, #tpu.memory_space<hbm>>)
      tpu.yield
    }) : () -> ()
    return
  }
}

</mosaic_0001>

<sc_bundles>
// kernel: kernel.6.cloned.1.call-start
scs
__scs_entry_jumppad:
0x0: {  	(pc) =	sbr.rel $0x88, $3  }
0x1: {  	(tag) =	ssettag $0x0;
	lr =	simm.s32 $0x1  }
0x2: {  	[smem:$0x3F9D] =	sst lr;
	_ =	strace $0xD0000000  }
0x3: {  	_ = 	snop  }
0x4: {  	_ = 	snop  }
0x5: {  	_ = 	snop  }
0x6: {  	_ = 	snop  }
0x7: {  	_ = 	snop  }
__scs_overlays_trampoline_lowered:
0x8: {  	[smem:$0x3FAC] =	sst s0  }
0x9: {  	[smem:$0x3FAD] =	sst s1  }
0xa: {  	[smem:$0x3FAE] =	sst s2  }
0xb: {  	[smem:$0x3FAF] =	sst s3  }
0xc: {  	[smem:$0x3FB0] =	sst s4  }
0xd: {  	[smem:$0x3FB1] =	sst s5  }
0xe: {  	[smem:$0x3FB2] =	sst s6  }
0xf: {  	[smem:$0x3FB3] =	sst s7  }
0x10: {  	[smem:$0x3FB4] =	sst s8  }
0x11: {  	[smem:$0x3FB5] =	sst s9;
	s0 =	simm.s32 @!p0 $0x0  }
0x12: {  	s1 =	sld [smem:$0x3F9B];
	s0 =	simm.s32 @p0 $0x1  }
0x13: {  	[smem:$0x3FB6] =	sst s0;
	s0 =	simm.s32 @!p1 $0x0  }
0x14: {  	s2 =	sld [smem:$0x3F9A];
	s0 =	simm.s32 @p1 $0x1  }
0x15: {  	[smem:$0x3FB7] =	sst s0;
	s0 =	simm.s32 @!p2 $0x0  }
0x16: {  	s3 =	sld [smem:$0x3FDB];
	s0 =	simm.s32 @p2 $0x1  }
0x17: {  	s4 =	simm.s32 $0x1BF5;
	[smem:$0x3FB9] =	sst s0  }
0x18: {  	s0 =	sld [smem:$0x3F9C];
	_ =	swait.ge [sflag:s4], $0x0  }
0x19: {  	s7 =	sld [smem:$0x3F9D]  }
0x1a: {  	s8 =	sadd.s32 $0xFFFFE003, lr  }
0x1b: {  	s9 =	sadd.s32 $0xFFFFFEF7, lr;
	s5 =	simm.s32 $0xFFFFFFFF;
	p2 =	slt.u32 s8, $0xFFFFF086  }
0x1c: {  	p1 =	slt.u32 s9, $0xF7A;
	s5 =	simm.s32 @!p2 $0x0  }
0x1d: {  	s5 =	simm.s32 @p1 $0x1;
	p0 =	seq.s32 s7, s2  }
0x1e: {  	s7 =	smul.u32 @!p0 $0xF7A, s2;
	p2 =	seq.s32 @!p0 s5, $0x0  }
0x1f: {  	s9 =	smul.u32 $0xF7A, s1;
	s8 =	simm.s32 @!p0 $0x1BF5;
	p2 =	por !p2, p0  }
0x20: {  	[sflag:s8] =	ssyncset.s32 @!p0 $0xFFFFF086;
	s6 =	sadd.s32 @!p0 s3, s7;
	s7 =	simm.s32 @!p0 $0x108  }
0x21: {  	s3 =	sadd.s32 s3, s9;
	s6 =	sadd.s32 @!p0 $0x88, s6;
	s7 =	simm.s32 @p2 $0x1082  }
0x22: {  	[simem:s7], [sflag:s8] =	dma.local @!p0 [hbm:s6], $0xF7A  }
0x23: {  	s9 =	sor.u32 $0xD0000000, s2;
	s6 =	simm.s32 $0x108;
	_ =	swait.ge @!p0 [sflag:s8], $0x0  }
0x24: {  	s3 =	sadd.s32 $0x88, s3;
	s6 =	simm.s32 @!p1 $0x1082;
	[sflag:s4] =	ssyncset.s32 $0xFFFFF086  }
0x25: {  	[simem:s6], [sflag:s4] =	dma.local [hbm:s3], $0xF7A  }
0x26: {  	[smem:$0x3F9D] =	sst s1;
	(tag) =	ssettag s2;
	_ =	strace s9  }
0x27: {  	s1 =	sld [smem:$0x3FAD]  }
0x28: {  	s2 =	sld [smem:$0x3FAE]  }
0x29: {  	s4 =	sld [smem:$0x3FB0]  }
0x2a: {  	p0 =	seq.s32 s5, $0x0;
	s5 =	sld [smem:$0x3FB1]  }
0x2b: {  	s6 =	sld [smem:$0x3FB2]  }
0x2c: {  	s7 =	sld [smem:$0x3FB3]  }
0x2d: {  	s3 =	simm.s32 $0x108;
	s8 =	sld [smem:$0x3FB4]  }
0x2e: {  	s3 =	simm.s32 @!p0 $0x1082;
	s9 =	sld [smem:$0x3FB5]  }
0x2f: {  	lr =	sadd.s32 s0, s3;
	s0 =	sld [smem:$0x3FAC]  }
0x30: {  	s3 =	sld [smem:$0x3FAF]  }
0x31: {  	[smem:$0x3FB8] =	sst s10  }
0x32: {  	s10 =	sld [smem:$0x3FB6];
	_ =	sdelay $0x3  }
0x33: {  	p0 =	seq.s32 s10, $0x1;
	s10 =	sld [smem:$0x3FB8];
	_ =	sdelay $0x3  }
0x34: {  	[smem:$0x3FB8] =	sst s10  }
0x35: {  	s10 =	sld [smem:$0x3FB7];
	_ =	sdelay $0x3  }
0x36: {  	p1 =	seq.s32 s10, $0x1;
	s10 =	sld [smem:$0x3FB8];
	_ =	sdelay $0x3  }
0x37: {  	[smem:$0x3FB8] =	sst s10  }
0x38: {  	s10 =	sld [smem:$0x3FB9]  }
0x39: {  	_ = 	snop;
	(pc) =	sbr.ind lr, $3  }
0x3a: {  	_ = 	snop  }
0x3b: {  	_ = 	snop  }
0x3c: {  	p2 =	seq.s32 s10, $0x1;
	s10 =	sld [smem:$0x3FB8]  }
0x3d: {  	_ =	shalt  }
0x3e: {  	_ =	shalt  }
0x3f: {  	_ =	shalt  }
0x40: {  	_ =	shalt  }
0x41: {  	_ =	shalt  }
0x42: {  	_ =	shalt  }
0x43: {  	_ =	shalt  }
0x44: {  	_ =	shalt  }
0x45: {  	_ =	shalt  }
0x46: {  	_ =	shalt  }
0x47: {  	_ =	shalt  }
0x48: {  	_ =	shalt  }
0x49: {  	_ =	shalt  }
0x4a: {  	_ =	shalt  }
0x4b: {  	_ =	shalt  }
0x4c: {  	_ =	shalt  }
0x4d: {  	_ =	shalt  }
0x4e: {  	_ =	shalt  }
0x4f: {  	_ =	shalt  }
0x50: {  	_ =	shalt  }
0x51: {  	_ =	shalt  }
0x52: {  	_ =	shalt  }
0x53: {  	_ =	shalt  }
0x54: {  	_ =	shalt  }
0x55: {  	_ =	shalt  }
0x56: {  	_ =	shalt  }
0x57: {  	_ =	shalt  }
0x58: {  	_ =	shalt  }
0x59: {  	_ =	shalt  }
0x5a: {  	_ =	shalt  }
0x5b: {  	_ =	shalt  }
0x5c: {  	_ =	shalt  }
0x5d: {  	_ =	shalt  }
0x5e: {  	_ =	shalt  }
0x5f: {  	_ =	shalt  }
0x60: {  	_ =	shalt  }
0x61: {  	_ =	shalt  }
0x62: {  	_ =	shalt  }
0x63: {  	_ =	shalt  }
0x64: {  	_ =	shalt  }
0x65: {  	_ =	shalt  }
0x66: {  	_ =	shalt  }
0x67: {  	_ =	shalt  }
0x68: {  	_ =	shalt  }
0x69: {  	_ =	shalt  }
0x6a: {  	_ =	shalt  }
0x6b: {  	_ =	shalt  }
0x6c: {  	_ =	shalt  }
0x6d: {  	_ =	shalt  }
0x6e: {  	_ =	shalt  }
0x6f: {  	_ =	shalt  }
0x70: {  	_ =	shalt  }
0x71: {  	_ =	shalt  }
0x72: {  	_ =	shalt  }
0x73: {  	_ =	shalt  }
0x74: {  	_ =	shalt  }
0x75: {  	_ =	shalt  }
0x76: {  	_ =	shalt  }
0x77: {  	_ =	shalt  }
0x78: {  	_ =	shalt  }
0x79: {  	_ =	shalt  }
0x7a: {  	_ =	shalt  }
0x7b: {  	_ =	shalt  }
0x7c: {  	_ =	shalt  }
0x7d: {  	_ =	shalt  }
0x7e: {  	_ =	shalt  }
0x7f: {  	_ =	shalt  }
0x80: {  	_ =	shalt  }
0x81: {  	_ =	shalt  }
0x82: {  	_ =	shalt  }
0x83: {  	_ =	shalt  }
0x84: {  	_ =	shalt  }
0x85: {  	_ =	shalt  }
0x86: {  	_ =	shalt  }
0x87: {  	_ =	shalt  }
.Lfunc_end0:
.L_simem_size_0:
called_computation_lowered:
.L_overlay_start_0:
0x88: {  	s2 =	sld [smem:$0x3FD9]  }
0x89: {  	s3 =	sld [smem:$0x3FFE];
	_ =	sdelay $0x1  }
0x8a: {  	s1 =	srdreg.scid  }
0x8b: {  	s0 =	sand.u32 $0x1, s1  }
0x8c: {  	s14 =	sshll.u32 s0, $0xA;
	s2 =	sadd.s32 s3, s2  }
0x8d: {  	s2 =	sadd.s32 s2, s14  }
0x8e: {  	[smem:$0x3FC4] =	sst s2  }
0x8f: {  	_ = 	snop  }
0x90: {  	s2 =	sld [smem:$0x3FD0];
	_ =	sdelay $0x2  }
0x91: {  	s15 =	simm.s32 $0xA;
	s4 =	simm.s32 $0x10  }
0x92: {  	[smem:s4], [sflag:s15] =	dma.local [hbm:s2], $0x1  }
0x93: {  	_ =	swait.eq [sflag:s15], $0x1  }
0x94: {  	[sflag:s15] =	ssyncset.done $0x0  }
0x95: {  	s16 =	sld [smem:$0x10];
	[sflag:s15] =	ssyncadd.s32 $0xFFFFFFFF  }
0x96: {  	s17 =	sld [smem:$0x11];
	(tm) =	ssettm $0x1  }
0x97: {  	s18 =	sld [smem:$0x3FFB];
	_ =	sdelay $0x3  }
0x98: {  	_ =	strace s18  }
0x99: {  	s4 =	sld [smem:$0x3FFC];
	_ =	sdelay $0x3  }
0x9a: {  	_ =	strace s4  }
0x9b: {  	s4 =	sld [smem:$0x3FFD];
	_ =	sdelay $0x3  }
0x9c: {  	_ =	strace s4  }
0x9d: {  	_ =	strace $0x8FFFFFFF  }
0x9e: {  	s19 =	sld [smem:$0x3FDB];
	_ =	sdelay $0x1  }
0x9f: {  	s5 =	simm.s32 $_scs_section_size  }
0xa0: {  	s6 =	simm.s32 $_size__tile_overlayer_lowered;
	s7 =	simm.s32 $_tile_overlayer_lowered  }
0xa1: {  	s22 =	simm.s32 $0x1BFF;
	s21 =	sshll.u32 s7, $0x1;
	s4 =	sadd.s32 s5, s19  }
0xa2: {  	s8 =	simm.s32 $0x0;
	s20 =	sshll.u32 s6, $0x1;
	s6 =	sadd.s32 s21, s4  }
0xa3: {  	[timem:s8], [sflag:s22] =	dma.local [hbm:s6], s20  }
0xa4: {  	_ =	swait.ge [sflag:s22], s20  }
0xa5: {  	s5 =	ssub.s32 $0x0, s20;
	[sflag:s22] =	ssyncset.done $0x0  }
0xa6: {  	[sflag:s22] =	ssyncadd.s32 s5;
	_ =	sdelay $0x1  }
0xa7: {  	s23 =	simm.s32 $0x1B8B  }
0xa8: {  	_ =	swait.ge [sflag:s23], $0x1  }
0xa9: {  	[sflag:s23] =	ssyncset.done $0x0  }
0xaa: {  	s25 =	simm.s32 $0x1B8E;
	s24 =	sld [smem:$0x3FFE];
	[sflag:s23] =	ssyncadd.s32 $0xFFFFFFFF  }
0xab: {  	s26 =	simm.s32 $execute0_lowered;
	[smem:$0x3FD2] =	sst s25  }
0xac: {  	s6 =	sshll.u32 s26, $0x1;
	_ =	strace $0x80000046;
	[dreg:$0x1] =	wrdreg $0xFFFFFFFF  }
0xad: {  	s28 =	simm.s32 $_size_execute0_lowered;
	s4 =	sadd.s32 s4, s6;
	[dreg:$0x0] =	wrdreg $0x0  }
0xae: {  	s6 =	sshll.u32 s28, $0x1;
	[dreg:$0x2] =	wrdreg s4  }
0xaf: {  	[dreg:$0x3] =	wrdreg s6  }
0xb0: {  	[dreg:$0x4] =	wrdreg $0xC0  }
0xb1: {  	_ =	task [dreg:s8], $0x5FFFF  }
0xb2: {  	[dreg:$0x1] =	wrdreg $0xFFFFFFFF  }
0xb3: {  	[dreg:$0x0] =	wrdreg $0x60  }
0xb4: {  	[dreg:$0x2] =	wrdreg s24  }
0xb5: {  	[dreg:$0x3] =	wrdreg s16  }
0xb6: {  	[dreg:$0x4] =	wrdreg s17  }
0xb7: {  	[dreg:$0x5] =	wrdreg $0x9  }
0xb8: {  	_ =	task.clear_ibuf [dreg:s8], $0x6FFFF;
	_ =	strace $0x90000046  }
0xb9: {  	s29 =	simm.s32 $0x9;
	_ =	strace $0x80000048  }
0xba: {  	_ =	swait.ge [sflag:s29], $0x1  }
0xbb: {  	[sflag:s29] =	ssyncadd.s32 $0xFFFFFFFF  }
0xbc: {  	_ =	strace $0x90000048  }
0xbd: {  	_ =	sfence  }
0xbe: {  	s30 =	sld [smem:$0x0];
	_ =	sdelay $0x2  }
0xbf: {  	s31 =	sshll.u32 s1, $0xD;
	s1 =	sshrl.u32 s1, $0x2  }
0xc0: {  	s3 =	sand.u32 $0x4000, s31;
	s1 =	sadd.s32 s1, s30  }
0xc1: {  	s0 =	sor.u32 s3, s0;
	s1 =	sshll.u32 s1, $0x11  }
0xc2: {  	s0 =	sor.u32 s1, s0  }
0xc3: {  	s0 =	sadd.s32 $0x8F2B, s0  }
0xc4: {  	[sflag:s0] =	ssyncadd.remote.s32 $0x1  }
0xc5: {  	_ =	sfence.sel $0xFFFF  }
0xc6: {  	[dreg:$0x0] =	wrdreg $0xFFFFFFFF;
	(pc) =	sbr.abs _section_cstart, $3  }
0xc7: {  	[dreg:$0x1] =	wrdreg $0xFFFFFFFF  }
0xc8: {  	_ =	task.clear_ibuf [dreg:s8], $0x2FFFF;
	_ =	strace $0x9FFFFFFF  }
0xc9: {  	(tm) =	ssettm $0x7FFFFFFF  }
tec
execute0_lowered:
.L_overlay_start_1:
0x0: {  	(tag) =	ssettag $0x1  }
0x1: {  	s8 =	rddreg [dreg:$0x0]  }
0x2: {  	s1 =	rddreg [dreg:$0x1]  }
0x3: {  	s15 =	rddreg [dreg:$0x2]  }
0x4: {  	s0 =	rddreg [dreg:$0x3];
	s3 =	simm.s32 $0x0;
	s4 =	srdreg.scid  }
0x5: {  	s2 =	stileid.u32;
	s19 =	simm.s32 $0x800;
	s20 =	simm.s32 $0x1000  }
0x6: {  	s21 =	simm.s32 $0x1800;
	s22 =	simm.s32 $0x9880;
	s23 =	simm.s32 $0x11980  }
0x7: {  	s24 =	simm.s32 $0x0;
	[smem:$0x7FF] =	sst s3;
	s9 =	sand.u32 $0x1, s4  }
0x8: {  	s30 =	sshll.u32 s2, $0x1;
	s4 =	sadd.s32 $0x80200, s8;
	s5 =	sadd.s32 $0x40200, s8  }
0x9: {  	s7 =	sadd.s32 $0x60200, s8;
	s14 =	sadd.s32 $0xA0200, s8;
	s16 =	sadd.s32 $0xE0200, s8  }
0xa: {  	s10 =	sshll.u32 s2, $0x6;
	_ =	strace $0x80000047;
	s13 =	sor.u32 s9, s30  }
0xb: {  	s9 =	ssub.s32 $0x2, s9;
	s10 =	sor.u32 $0x1C01, s10;
	s6 =	sshll.u32 s13, $0xC  }
0xc: {  	s31 =	sshrl.u32 s9, $0x1;
	s18 =	sshll.u32 s13, $0x4;
	s12 =	sadd.s32 s6, s8  }
0xd: {  	s17 =	ssub.s32 s9, s31;
	s11 =	sor.u32 $0x20000, s6;
	s13 =	sadd.s32 s14, s6  }
0xe: {  	s15 =	sadd.s32 s15, s18;
	s18 =	simm.s32 $0x11900;
	s8 =	sadd.s32 s14, s11  }
0xf: {  	s9 =	sadd.s32 $0x200, s12;
	s11 =	sadd.s32 s16, s11;
	s12 =	sadd.s32 $0x20200, s12  }
0x10: {  	v0 =	vimm.s32 $0x0;
	s14 =	sadd.s32 s16, s6;
	s16 =	smax.u32 s17, $0x1;
	s17 =	simm.s32 $0x1  }
.LBB2_1:
0x11: {  	[hbm:s8], [sflag:s10] =	dma.local [hbm:s9], $0x1000  }
0x12: {  	_ =	swait.ge [sflag:s17], $0x1000  }
0x13: {  	[sflag:s17] =	ssyncset.done $0x0  }
0x14: {  	[sflag:s17] =	ssyncadd.s32 $0xFFFFF000  }
0x15: {  	[hbm:s11], [sflag:s10] =	dma.local [hbm:s12], $0x1000  }
0x16: {  	_ =	swait.ge [sflag:s17], $0x1000  }
0x17: {  	[sflag:s17] =	ssyncset.done $0x0  }
0x18: {  	[sflag:s17] =	ssyncadd.s32 $0xFFFFF000  }
0x19: {  	[tilespmem:s18], [sflag:$0x1] =	stream.linear.gather [hbm4b:s1+s3], $0x80, $0x38;
	[tilespmem:$0x11A00] =	vst v63  }
0x1a: {  	_ =	swait.ge [sflag:s17], $0x80  }
0x1b: {  	[sflag:s17] =	ssyncset.done $0x0  }
0x1c: {  	[sflag:s17] =	ssyncadd.s32 $0xFFFFFF80  }
0x1d: {  	v1 =	vld [tilespmem:$0x11900]  }
0x1e: {  	s25 =	simm.s32 $0x0;
	s26 =	simm.s32 $0x0  }
.LBB2_2:
0x1f: {  	s28 =	sshll.u32 s26, $0x8  }
0x20: {  	s28 =	sadd.s32 s6, s28  }
0x21: {  	s30 =	simm.s32 $0x0;
	s29 =	sadd.s32 s4, s28  }
0x22: {  	[tilespmem:s30], [sflag:$0x1] =	stream.linear.gather [hbm4b:s29+s30], $0x800, $0x38;
	[tilespmem:$0x11A00] =	vst v63  }
0x23: {  	_ =	swait.ge [sflag:s17], $0x800  }
0x24: {  	[sflag:s17] =	ssyncset.done $0x0  }
0x25: {  	s29 =	sadd.s32 s5, s28;
	[sflag:s17] =	ssyncadd.s32 $0xFFFFF800  }
0x26: {  	[tilespmem:s19], [sflag:$0x1] =	stream.linear.gather [hbm4b:s29+s30], $0x800, $0x38;
	[tilespmem:$0x11A00] =	vst v63  }
0x27: {  	_ =	swait.ge [sflag:s17], $0x800  }
0x28: {  	[sflag:s17] =	ssyncset.done $0x0  }
0x29: {  	s28 =	sadd.s32 s7, s28;
	[sflag:s17] =	ssyncadd.s32 $0xFFFFF800  }
0x2a: {  	[tilespmem:s20], [sflag:$0x1] =	stream.linear.gather [hbm4b:s28+s30], $0x800, $0x38;
	[tilespmem:$0x11A00] =	vst v63  }
0x2b: {  	_ =	swait.ge [sflag:s17], $0x800  }
0x2c: {  	[sflag:s17] =	ssyncset.done $0x0  }
0x2d: {  	s28 =	simm.s32 $0x0;
	[sflag:s17] =	ssyncadd.s32 $0xFFFFF800  }
0x2e: {  	v2 =	vld [tilespmem:s28+$0x0];
	_ =	sdelay $0x4  }
0x2f: {  	vm0 =	vgt.f32 v2, v1  }
0x30: {  	v2 =	vsel vm0, $0x1, v0  }
0x31: {  	(xrf0) =	vadd.scan.msk.s32 $0xffff, v2;
	_ =	sdelay $0x5  }
0x32: {  	v3, _, _ =	vpop (xrf0)  }
0x33: {  	(v2sf) =	vpush v3, $0xF  }
0x34: {  	v2 =	vsub.s32 v3, v2  }
0x35: {  	v3 =	vld [tilespmem:s28+$0x800];
	v2 =	vadd.s32 s25, v2;
	_ =	sdelay $0x4  }
0x36: {  	[tilespmem:v2+s21+$0x0] =	vst.idx.msk vm0, v3  }
0x37: {  	v3 =	vld [tilespmem:s28+$0x1000];
	_ =	sdelay $0x4  }
0x38: {  	s28 =	simm.s32 $0x10;
	[tilespmem:v2+s22+$0x0] =	vst.idx.msk vm0, v3  }
0x39: {  	v2 =	vld [tilespmem:s28+$0x0]  }
0x3a: {  	s29 =	simm.s32 $0x80;
	s30 =	spop (v2sf)  }
.LBB2_3:
0x3b: {  	p0 =	sne.s32 s29, $0x1FC0  }
0x3c: {  	s25 =	sadd.s32 s25, s30;
	s30 =	smov.u32 s29;
	s29 =	sadd.s32 $0x40, s29  }
0x3d: {  	_ = 	snop  }
0x3e: {  	vm0 =	vgt.f32 v2, v1  }
0x3f: {  	v2 =	vsel vm0, $0x1, v0  }
0x40: {  	(xrf0) =	vadd.scan.msk.s32 $0xffff, v2;
	_ =	sdelay $0x5  }
0x41: {  	v3, _, _ =	vpop (xrf0)  }
0x42: {  	v2 =	vsub.s32 v3, v2;
	(v2sf) =	vpush v3, $0xF  }
0x43: {  	v2 =	vadd.s32 s25, v2;
	v3 =	vld [tilespmem:s28+$0x800];
	_ =	sdelay $0x4  }
0x44: {  	[tilespmem:v2+s21+$0x0] =	vst.idx.msk vm0, v3  }
0x45: {  	v3 =	vld [tilespmem:s28+$0x1000];
	_ =	sdelay $0x3  }
.Ltmp0:
0x46: {  	(pc) =	sbr.rel @p0 .LBB2_3-.Ltmp0, $3  }
0x47: {  	s28 =	sshra.s32 s30, $0x2;
	[tilespmem:v2+s22+$0x0] =	vst.idx.msk vm0, v3  }
0x48: {  	v2 =	vld [tilespmem:s28+$0x0];
	_ =	sdelay $0x1  }
0x49: {  	s30 =	spop (v2sf)  }
0x4a: {  	_ =	sdelay $0x1  }
0x4b: {  	vm0 =	vgt.f32 v2, v1  }
0x4c: {  	v2 =	vsel vm0, $0x1, v0  }
0x4d: {  	(xrf0) =	vadd.scan.msk.s32 $0xffff, v2;
	_ =	sdelay $0x5  }
0x4e: {  	v3, _, _ =	vpop (xrf0)  }
0x4f: {  	(v2sf) =	vpush v3, $0xF;
	_ =	sdelay $0x3  }
0x50: {  	s25 =	sadd.s32 s25, s30;
	v2 =	vsub.s32 v3, v2  }
0x51: {  	v3 =	vld [tilespmem:s28+$0x800];
	v2 =	vadd.s32 s25, v2;
	_ =	sdelay $0x4  }
0x52: {  	s26 =	sadd.s32 $0x1, s26;
	[tilespmem:v2+s21+$0x0] =	vst.idx.msk vm0, v3  }
0x53: {  	p0 =	sne.s32 s26, $0x10;
	v3 =	vld [tilespmem:s28+$0x1000]  }
.Ltmp1:
0x54: {  	_ = 	snop;
	(pc) =	sbr.rel @p0 .LBB2_2-.Ltmp1, $3  }
0x55: {  	_ =	sdelay $0x1  }
0x56: {  	s31 =	spop (v2sf)  }
0x57: {  	[tilespmem:v2+s22+$0x0] =	vst.idx.msk vm0, v3;
	s25 =	sadd.s32 s25, s31  }
0x58: {  	[hbm4b:s13+s3] =	stream.linear.scatter [tilespmem:s21], [sflag:$0x1], $0x8000, $0x38;
	[tilespmem:$0x11A00] =	vst v63  }
0x59: {  	_ =	swait.ge [sflag:s17], $0x8000  }
0x5a: {  	[sflag:s17] =	ssyncset.done $0x0  }
0x5b: {  	[sflag:s17] =	ssyncadd.s32 $0xFFFF8000  }
0x5c: {  	[hbm4b:s14+s3] =	stream.linear.scatter [tilespmem:s22], [sflag:$0x1], $0x8000, $0x38;
	[tilespmem:$0x11A00] =	vst v63  }
0x5d: {  	_ =	swait.ge [sflag:s17], $0x8000  }
0x5e: {  	s24 =	sadd.s32 $0x1, s24;
	[sflag:s17] =	ssyncset.done $0x0  }
0x5f: {  	v1 =	vmov s25;
	p0 =	sne.s32 s24, s16;
	[sflag:s17] =	ssyncadd.s32 $0xFFFF8000  }
.Ltmp2:
0x60: {  	[tilespmem:$0x11980] =	vst v1;
	(pc) =	sbr.rel @p0 .LBB2_1-.Ltmp2, $4  }
0x61: {  	[hbm4b:s15+s3] =	stream.linear.scatter [tilespmem:s23], [sflag:$0x1], $0x80, $0x38;
	[tilespmem:$0x11A00] =	vst v63  }
0x62: {  	_ =	swait.ge [sflag:s17], $0x80  }
0x63: {  	[sflag:s17] =	ssyncset.done $0x0  }
0x64: {  	[sflag:s17] =	ssyncadd.s32 $0xFFFFFF80  }
0x65: {  	_ =	sfence.sel $0x180000  }
0x66: {  	[bflag:$0x0] =	sbarrier.arrive $0xFFFF  }
0x67: {  	p0 =	sne.s32 s2, $0x0;
	_ =	strace $0x90000047  }
0x68: {  	s0 =	sadd.s32 @!p0 $0x100000, s0;
	[bflag:$0x2] =	sbarrier.arrive $0xFFFF  }
0x69: {  	[sflag:s0] =	ssyncadd.tile.s32 @!p0 $0x1;
	_ =	shalt  }
.Lfunc_end2:
_tile_overlayer_lowered:
.L_overlay_start_2:
0x6a: {  	(tag) =	ssettag $0x2  }
0x6b: {  	s0 =	rddreg [dreg:$0x0];
	s2 =	stileid.u32  }
0x6c: {  	s1 =	rddreg [dreg:$0x1];
	p0 =	sne.s32 s2, $0x0  }
0x6d: {  	s3 =	rddreg [dreg:$0x2];
	[bflag:$0x3] =	sbarrier.arrive $0xFFFF;
	s2 =	simm.s32 @!p0 $0x1C01  }
0x6e: {  	[timem:s3], [sflag:s2] =	dma.local @!p0 [hbm:s0], s1  }
0x6f: {  	s0 =	simm.s32 @!p0 $0x1  }
0x70: {  	_ =	swait.ge @!p0 [sflag:s0], s1  }
0x71: {  	s1 =	ssub.s32 @!p0 $0x0, s1;
	[sflag:s0] =	ssyncset.done @!p0 $0x0  }
0x72: {  	[sflag:s0] =	ssyncadd.s32 @!p0 s1  }
0x73: {  	[bflag:$0x3] =	sbarrier.arrive $0xFFFF  }
0x74: {  	_ =	shalt  }

// kernel: kernel.9.cloned.1.call-start
scs
__scs_entry_jumppad:
0x0: {  	(pc) =	sbr.rel $0x88, $3  }
0x1: {  	(tag) =	ssettag $0x0;
	lr =	simm.s32 $0x1  }
0x2: {  	[smem:$0x3F9D] =	sst lr;
	_ =	strace $0xD0000000  }
0x3: {  	_ = 	snop  }
0x4: {  	_ = 	snop  }
0x5: {  	_ = 	snop  }
0x6: {  	_ = 	snop  }
0x7: {  	_ = 	snop  }
__scs_overlays_trampoline_lowered:
0x8: {  	[smem:$0x3FAC] =	sst s0  }
0x9: {  	[smem:$0x3FAD] =	sst s1  }
0xa: {  	[smem:$0x3FAE] =	sst s2  }
0xb: {  	[smem:$0x3FAF] =	sst s3  }
0xc: {  	[smem:$0x3FB0] =	sst s4  }
0xd: {  	[smem:$0x3FB1] =	sst s5  }
0xe: {  	[smem:$0x3FB2] =	sst s6  }
0xf: {  	[smem:$0x3FB3] =	sst s7  }
0x10: {  	[smem:$0x3FB4] =	sst s8  }
0x11: {  	[smem:$0x3FB5] =	sst s9;
	s0 =	simm.s32 @!p0 $0x0  }
0x12: {  	s1 =	sld [smem:$0x3F9B];
	s0 =	simm.s32 @p0 $0x1  }
0x13: {  	[smem:$0x3FB6] =	sst s0;
	s0 =	simm.s32 @!p1 $0x0  }
0x14: {  	s2 =	sld [smem:$0x3F9A];
	s0 =	simm.s32 @p1 $0x1  }
0x15: {  	[smem:$0x3FB7] =	sst s0;
	s0 =	simm.s32 @!p2 $0x0  }
0x16: {  	s3 =	sld [smem:$0x3FDB];
	s0 =	simm.s32 @p2 $0x1  }
0x17: {  	s4 =	simm.s32 $0x1BF5;
	[smem:$0x3FB9] =	sst s0  }
0x18: {  	s0 =	sld [smem:$0x3F9C];
	_ =	swait.ge [sflag:s4], $0x0  }
0x19: {  	s7 =	sld [smem:$0x3F9D]  }
0x1a: {  	s8 =	sadd.s32 $0xFFFFE003, lr  }
0x1b: {  	s9 =	sadd.s32 $0xFFFFFEF7, lr;
	s5 =	simm.s32 $0xFFFFFFFF;
	p2 =	slt.u32 s8, $0xFFFFF086  }
0x1c: {  	p1 =	slt.u32 s9, $0xF7A;
	s5 =	simm.s32 @!p2 $0x0  }
0x1d: {  	s5 =	simm.s32 @p1 $0x1;
	p0 =	seq.s32 s7, s2  }
0x1e: {  	s7 =	smul.u32 @!p0 $0xF7A, s2;
	p2 =	seq.s32 @!p0 s5, $0x0  }
0x1f: {  	s9 =	smul.u32 $0xF7A, s1;
	s8 =	simm.s32 @!p0 $0x1BF5;
	p2 =	por !p2, p0  }
0x20: {  	[sflag:s8] =	ssyncset.s32 @!p0 $0xFFFFF086;
	s6 =	sadd.s32 @!p0 s3, s7;
	s7 =	simm.s32 @!p0 $0x108  }
0x21: {  	s3 =	sadd.s32 s3, s9;
	s6 =	sadd.s32 @!p0 $0x88, s6;
	s7 =	simm.s32 @p2 $0x1082  }
0x22: {  	[simem:s7], [sflag:s8] =	dma.local @!p0 [hbm:s6], $0xF7A  }
0x23: {  	s9 =	sor.u32 $0xD0000000, s2;
	s6 =	simm.s32 $0x108;
	_ =	swait.ge @!p0 [sflag:s8], $0x0  }
0x24: {  	s3 =	sadd.s32 $0x88, s3;
	s6 =	simm.s32 @!p1 $0x1082;
	[sflag:s4] =	ssyncset.s32 $0xFFFFF086  }
0x25: {  	[simem:s6], [sflag:s4] =	dma.local [hbm:s3], $0xF7A  }
0x26: {  	[smem:$0x3F9D] =	sst s1;
	(tag) =	ssettag s2;
	_ =	strace s9  }
0x27: {  	s1 =	sld [smem:$0x3FAD]  }
0x28: {  	s2 =	sld [smem:$0x3FAE]  }
0x29: {  	s4 =	sld [smem:$0x3FB0]  }
0x2a: {  	p0 =	seq.s32 s5, $0x0;
	s5 =	sld [smem:$0x3FB1]  }
0x2b: {  	s6 =	sld [smem:$0x3FB2]  }
0x2c: {  	s7 =	sld [smem:$0x3FB3]  }
0x2d: {  	s3 =	simm.s32 $0x108;
	s8 =	sld [smem:$0x3FB4]  }
0x2e: {  	s3 =	simm.s32 @!p0 $0x1082;
	s9 =	sld [smem:$0x3FB5]  }
0x2f: {  	lr =	sadd.s32 s0, s3;
	s0 =	sld [smem:$0x3FAC]  }
0x30: {  	s3 =	sld [smem:$0x3FAF]  }
0x31: {  	[smem:$0x3FB8] =	sst s10  }
0x32: {  	s10 =	sld [smem:$0x3FB6];
	_ =	sdelay $0x3  }
0x33: {  	p0 =	seq.s32 s10, $0x1;
	s10 =	sld [smem:$0x3FB8];
	_ =	sdelay $0x3  }
0x34: {  	[smem:$0x3FB8] =	sst s10  }
0x35: {  	s10 =	sld [smem:$0x3FB7];
	_ =	sdelay $0x3  }
0x36: {  	p1 =	seq.s32 s10, $0x1;
	s10 =	sld [smem:$0x3FB8];
	_ =	sdelay $0x3  }
0x37: {  	[smem:$0x3FB8] =	sst s10  }
0x38: {  	s10 =	sld [smem:$0x3FB9]  }
0x39: {  	_ = 	snop;
	(pc) =	sbr.ind lr, $3  }
0x3a: {  	_ = 	snop  }
0x3b: {  	_ = 	snop  }
0x3c: {  	p2 =	seq.s32 s10, $0x1;
	s10 =	sld [smem:$0x3FB8]  }
0x3d: {  	_ =	shalt  }
0x3e: {  	_ =	shalt  }
0x3f: {  	_ =	shalt  }
0x40: {  	_ =	shalt  }
0x41: {  	_ =	shalt  }
0x42: {  	_ =	shalt  }
0x43: {  	_ =	shalt  }
0x44: {  	_ =	shalt  }
0x45: {  	_ =	shalt  }
0x46: {  	_ =	shalt  }
0x47: {  	_ =	shalt  }
0x48: {  	_ =	shalt  }
0x49: {  	_ =	shalt  }
0x4a: {  	_ =	shalt  }
0x4b: {  	_ =	shalt  }
0x4c: {  	_ =	shalt  }
0x4d: {  	_ =	shalt  }
0x4e: {  	_ =	shalt  }
0x4f: {  	_ =	shalt  }
0x50: {  	_ =	shalt  }
0x51: {  	_ =	shalt  }
0x52: {  	_ =	shalt  }
0x53: {  	_ =	shalt  }
0x54: {  	_ =	shalt  }
0x55: {  	_ =	shalt  }
0x56: {  	_ =	shalt  }
0x57: {  	_ =	shalt  }
0x58: {  	_ =	shalt  }
0x59: {  	_ =	shalt  }
0x5a: {  	_ =	shalt  }
0x5b: {  	_ =	shalt  }
0x5c: {  	_ =	shalt  }
0x5d: {  	_ =	shalt  }
0x5e: {  	_ =	shalt  }
0x5f: {  	_ =	shalt  }
0x60: {  	_ =	shalt  }
0x61: {  	_ =	shalt  }
0x62: {  	_ =	shalt  }
0x63: {  	_ =	shalt  }
0x64: {  	_ =	shalt  }
0x65: {  	_ =	shalt  }
0x66: {  	_ =	shalt  }
0x67: {  	_ =	shalt  }
0x68: {  	_ =	shalt  }
0x69: {  	_ =	shalt  }
0x6a: {  	_ =	shalt  }
0x6b: {  	_ =	shalt  }
0x6c: {  	_ =	shalt  }
0x6d: {  	_ =	shalt  }
0x6e: {  	_ =	shalt  }
0x6f: {  	_ =	shalt  }
0x70: {  	_ =	shalt  }
0x71: {  	_ =	shalt  }
0x72: {  	_ =	shalt  }
0x73: {  	_ =	shalt  }
0x74: {  	_ =	shalt  }
0x75: {  	_ =	shalt  }
0x76: {  	_ =	shalt  }
0x77: {  	_ =	shalt  }
0x78: {  	_ =	shalt  }
0x79: {  	_ =	shalt  }
0x7a: {  	_ =	shalt  }
0x7b: {  	_ =	shalt  }
0x7c: {  	_ =	shalt  }
0x7d: {  	_ =	shalt  }
0x7e: {  	_ =	shalt  }
0x7f: {  	_ =	shalt  }
0x80: {  	_ =	shalt  }
0x81: {  	_ =	shalt  }
0x82: {  	_ =	shalt  }
0x83: {  	_ =	shalt  }
0x84: {  	_ =	shalt  }
0x85: {  	_ =	shalt  }
0x86: {  	_ =	shalt  }
0x87: {  	_ =	shalt  }
.Lfunc_end0:
.L_simem_size_0:
called_computation.1_lowered:
.L_overlay_start_0:
0x88: {  	s2 =	sld [smem:$0x3FD9]  }
0x89: {  	s3 =	sld [smem:$0x3FFE];
	_ =	sdelay $0x1  }
0x8a: {  	s1 =	srdreg.scid  }
0x8b: {  	s0 =	sand.u32 $0x1, s1  }
0x8c: {  	s14 =	sshll.u32 s0, $0xA;
	s2 =	sadd.s32 s3, s2  }
0x8d: {  	s2 =	sadd.s32 s2, s14  }
0x8e: {  	[smem:$0x3FC4] =	sst s2  }
0x8f: {  	_ = 	snop  }
0x90: {  	s2 =	sld [smem:$0x3FD0];
	_ =	sdelay $0x2  }
0x91: {  	s15 =	simm.s32 $0xA;
	s4 =	simm.s32 $0x10  }
0x92: {  	[smem:s4], [sflag:s15] =	dma.local [hbm:s2], $0x1  }
0x93: {  	_ =	swait.eq [sflag:s15], $0x1  }
0x94: {  	[sflag:s15] =	ssyncset.done $0x0  }
0x95: {  	[sflag:s15] =	ssyncadd.s32 $0xFFFFFFFF  }
0x96: {  	s16 =	sld [smem:$0x11];
	(tm) =	ssettm $0x1  }
0x97: {  	s17 =	sld [smem:$0x3FFB];
	_ =	sdelay $0x3  }
0x98: {  	_ =	strace s17  }
0x99: {  	s3 =	sld [smem:$0x3FFC];
	_ =	sdelay $0x3  }
0x9a: {  	_ =	strace s3  }
0x9b: {  	s3 =	sld [smem:$0x3FFD];
	_ =	sdelay $0x3  }
0x9c: {  	_ =	strace s3  }
0x9d: {  	_ =	strace $0x8FFFFFFF  }
0x9e: {  	s18 =	sld [smem:$0x3FDB];
	_ =	sdelay $0x1  }
0x9f: {  	s19 =	simm.s32 $_scs_section_size  }
0xa0: {  	s5 =	simm.s32 $_size__tile_overlayer_lowered;
	s6 =	simm.s32 $_tile_overlayer_lowered  }
0xa1: {  	s22 =	simm.s32 $0x1BFF;
	s21 =	sshll.u32 s6, $0x1;
	s3 =	sadd.s32 s19, s18  }
0xa2: {  	s7 =	simm.s32 $0x0;
	s20 =	sshll.u32 s5, $0x1;
	s5 =	sadd.s32 s21, s3  }
0xa3: {  	[timem:s7], [sflag:s22] =	dma.local [hbm:s5], s20  }
0xa4: {  	_ =	swait.ge [sflag:s22], s20  }
0xa5: {  	s4 =	ssub.s32 $0x0, s20;
	[sflag:s22] =	ssyncset.done $0x0  }
0xa6: {  	[sflag:s22] =	ssyncadd.s32 s4;
	_ =	sdelay $0x1  }
0xa7: {  	s23 =	simm.s32 $0x1B8B  }
0xa8: {  	_ =	swait.ge [sflag:s23], $0x1  }
0xa9: {  	[sflag:s23] =	ssyncset.done $0x0  }
0xaa: {  	s25 =	simm.s32 $0x1B8E;
	s24 =	sld [smem:$0x3FFE];
	[sflag:s23] =	ssyncadd.s32 $0xFFFFFFFF  }
0xab: {  	s26 =	simm.s32 $execute0_lowered;
	[smem:$0x3FD2] =	sst s25  }
0xac: {  	s5 =	sshll.u32 s26, $0x1;
	_ =	strace $0x80000049;
	[dreg:$0x1] =	wrdreg $0xFFFFFFFF  }
0xad: {  	s28 =	simm.s32 $_size_execute0_lowered;
	s3 =	sadd.s32 s3, s5;
	[dreg:$0x0] =	wrdreg $0x0  }
0xae: {  	s5 =	sshll.u32 s28, $0x1;
	[dreg:$0x2] =	wrdreg s3  }
0xaf: {  	[dreg:$0x3] =	wrdreg s5  }
0xb0: {  	[dreg:$0x4] =	wrdreg $0xC0  }
0xb1: {  	_ =	task [dreg:s7], $0x5FFFF  }
0xb2: {  	[dreg:$0x1] =	wrdreg $0xFFFFFFFF  }
0xb3: {  	[dreg:$0x0] =	wrdreg $0x60  }
0xb4: {  	[dreg:$0x2] =	wrdreg s16  }
0xb5: {  	[dreg:$0x3] =	wrdreg s24  }
0xb6: {  	[dreg:$0x4] =	wrdreg $0x9  }
0xb7: {  	_ =	task.clear_ibuf [dreg:s7], $0x5FFFF;
	_ =	strace $0x90000049  }
0xb8: {  	s29 =	simm.s32 $0x9;
	_ =	strace $0x8000004B  }
0xb9: {  	_ =	swait.ge [sflag:s29], $0x1  }
0xba: {  	[sflag:s29] =	ssyncadd.s32 $0xFFFFFFFF  }
0xbb: {  	_ =	strace $0x9000004B  }
0xbc: {  	_ =	sfence  }
0xbd: {  	s30 =	sld [smem:$0x0];
	_ =	sdelay $0x2  }
0xbe: {  	s31 =	sshll.u32 s1, $0xD;
	s1 =	sshrl.u32 s1, $0x2  }
0xbf: {  	s3 =	sand.u32 $0x4000, s31;
	s1 =	sadd.s32 s1, s30  }
0xc0: {  	s0 =	sor.u32 s3, s0;
	s1 =	sshll.u32 s1, $0x11  }
0xc1: {  	s0 =	sor.u32 s1, s0  }
0xc2: {  	s0 =	sadd.s32 $0x8F2B, s0  }
0xc3: {  	[sflag:s0] =	ssyncadd.remote.s32 $0x1  }
0xc4: {  	_ =	sfence.sel $0xFFFF  }
0xc5: {  	[dreg:$0x0] =	wrdreg $0xFFFFFFFF;
	(pc) =	sbr.abs _section_cstart, $3  }
0xc6: {  	[dreg:$0x1] =	wrdreg $0xFFFFFFFF  }
0xc7: {  	_ =	task.clear_ibuf [dreg:s7], $0x2FFFF;
	_ =	strace $0x9FFFFFFF  }
0xc8: {  	(tm) =	ssettm $0x7FFFFFFF  }
0xc9: {  	_ =	shalt  }
tec
execute0_lowered:
.L_overlay_start_1:
0x0: {  	(tag) =	ssettag $0x1  }
0x1: {  	s0 =	srdreg.scid  }
0x2: {  	s2 =	stileid.u32;
	s1 =	rddreg [dreg:$0x1];
	s3 =	simm.s32 $0x0  }
0x3: {  	s0 =	sand.u32 $0x1, s0;
	s2 =	sshll.u32 s2, $0x1;
	[smem:$0x7FF] =	sst s3  }
0x4: {  	s29 =	sadd.s32 $0xA0200, s1;
	s31 =	sadd.s32 $0xE0200, s1;
	s2 =	sor.u32 s0, s2  }
0x5: {  	s0 =	ssub.s32 $0x2, s0;
	s4 =	sshll.u32 s2, $0xF;
	s2 =	sshll.u32 s2, $0x7  }
0x6: {  	s30 =	sshrl.u32 s0, $0x1;
	[dreg:$0x3] =	wrdreg s4;
	s2 =	sor.u32 s2, s4  }
0x7: {  	s0 =	ssub.s32 s0, s30;
	_ =	strace $0x8000004A;
	s2 =	sand.u32 $0xC0380, s2  }
.Ltmp0:
0x8: {  	[dreg:$0x4] =	wrdreg s29;
	s2 =	sshrl.u32 s2, $0x3;
	(pc) =	sbr.rel .LBB2_1-.Ltmp0, $4  }
0x9: {  	[dreg:$0x5] =	wrdreg s31;
	s0 =	smax.u32 s0, $0x1;
	s1 =	sadd.s32 s2, s1  }
0xa: {  	[dreg:$0x8] =	wrdreg s0;
	s2 =	sadd.s32 $0x200, s1  }
0xb: {  	s11 =	simm.s32 $0x1000;
	s1 =	sadd.s32 $0x20200, s1;
	[dreg:$0x6] =	wrdreg s2  }
0xc: {  	v0 =	vimm.s32 $0x0;
	v6 =	vlaneseq.u32;
	[dreg:$0x7] =	wrdreg s1;
	s1 =	simm.s32 $0x3;
	s2 =	simm.s32 $0x0  }
.LBB2_8:
0xd: {  	s0 =	rddreg [dreg:$0x4]  }
0xe: {  	s1 =	simm.s32 $0x8000;
	s2 =	simm.s32 $0x1080;
	s3 =	simm.s32 $0x9080  }
0xf: {  	[tilespmem:s3], [sflag:$0x1] =	stream.indirect.gather [hbm4b:s0+s1], $0x1, s2, s1, $0xb8;
	[tilespmem:$0x19080] =	vst v63  }
0x10: {  	s23 =	rddreg [dreg:$0x5];
	s4 =	simm.s32 $0x11080;
	s24 =	simm.s32 $0x1  }
0x11: {  	[tilespmem:s4], [sflag:$0x2] =	stream.indirect.gather [hbm4b:s23+s1], $0x1, s2, s1, $0xb8;
	[tilespmem:$0x19080] =	vst v63  }
0x12: {  	_ =	swait.ge [sflag:s24], $0x8000  }
0x13: {  	[sflag:s24] =	ssyncset.done $0x0  }
0x14: {  	s25 =	simm.s32 $0x2;
	[sflag:s24] =	ssyncadd.s32 $0xFFFF8000  }
0x15: {  	_ =	swait.ge [sflag:s25], $0x8000  }
0x16: {  	s28 =	simm.s32 $0x80;
	s5 =	simm.s32 $0x400;
	[sflag:s25] =	ssyncset.done $0x0  }
0x17: {  	s1 =	simm.s32 $0x3;
	s26 =	rddreg [dreg:$0x6];
	[sflag:s25] =	ssyncadd.s32 $0xFFFF8000  }
0x18: {  	[hbm4b:s26+s28] =	stream.strided.scatter [tilespmem:s3], [sflag:$0x3], $0x8000, s5, s28, $0x38;
	[tilespmem:$0x19080] =	vst v63  }
0x19: {  	_ =	swait.ge [sflag:s1], $0x8000  }
0x1a: {  	[sflag:s1] =	ssyncset.done $0x0  }
0x1b: {  	s29 =	rddreg [dreg:$0x7];
	[sflag:s1] =	ssyncadd.s32 $0xFFFF8000  }
0x1c: {  	[hbm4b:s29+s28] =	stream.strided.scatter [tilespmem:s4], [sflag:$0x3], $0x8000, s5, s28, $0x38;
	[tilespmem:$0x19080] =	vst v63  }
0x1d: {  	_ =	swait.ge [sflag:s1], $0x8000  }
0x1e: {  	s30 =	rddreg [dreg:$0x9]  }
0x1f: {  	s31 =	rddreg [dreg:$0x8];
	s2 =	sadd.s32 $0x1, s30  }
0x20: {  	p0 =	sne.s32 s2, s31  }
.Ltmp1:
0x21: {  	_ = 	snop;
	(pc) =	sbr.rel @!p0 .LBB2_9-.Ltmp1, $3  }
0x22: {  	_ =	sdelay $0x1  }
0x23: {  	[sflag:s1] =	ssyncset.done $0x0  }
0x24: {  	[sflag:s1] =	ssyncadd.s32 $0xFFFF8000  }
.LBB2_1:
0x25: {  	[dreg:$0x9] =	wrdreg s2  }
0x26: {  	s0 =	rddreg [dreg:$0x0];
	s10 =	simm.s32 $0x0  }
0x27: {  	[tilespmem:s10], [sflag:$0x3] =	stream.linear.gather [hbm4b:s0+s10], $0x1000, $0x38;
	[tilespmem:$0x19080] =	vst v63  }
0x28: {  	_ =	swait.ge [sflag:s1], $0x1000  }
0x29: {  	[sflag:s1] =	ssyncset.done $0x0  }
0x2a: {  	[sflag:s1] =	ssyncadd.s32 $0xFFFFF000  }
0x2b: {  	[tilespmem:v0+s11+$0x0] =	vst.idx.msk $0x1, v0  }
0x2c: {  	v1 =	vld [tilespmem:$0x0];
	_ =	sdelay $0x4  }
0x2d: {  	v1 =	vxor.u32 $0x80000000, v1  }
0x2e: {  	(xrf0) =	vmax.scan.msk.u32 $0xffff, v1;
	_ =	sdelay $0x5  }
0x2f: {  	v1, _, _ =	vpop (xrf0)  }
0x30: {  	(v2sf) =	vpush v1, $0xF;
	_ =	sdelay $0xd  }
0x31: {  	v2 =	vimm.s32 $0x1  }
0x32: {  	s12 =	spop (v2sf)  }
0x33: {  	s13 =	sxor.u32 $0x80000000, s12  }
0x34: {  	s0 =	ssub.s32 $0x8000, s13  }
0x35: {  	v1 =	vmov s0  }
0x36: {  	[tilespmem:v2+s11+$0x0] =	vst.idx.msk $0x1, v1  }
0x37: {  	v1 =	vld [tilespmem:$0x80];
	_ =	sdelay $0x4  }
0x38: {  	v1 =	vxor.u32 $0x80000000, v1  }
0x39: {  	(xrf0) =	vmax.scan.msk.u32 $0xffff, v1;
	_ =	sdelay $0x5  }
0x3a: {  	v1, _, _ =	vpop (xrf0)  }
0x3b: {  	(v2sf) =	vpush v1, $0xF;
	_ =	sdelay $0xd  }
0x3c: {  	v2 =	vimm.s32 $0x2  }
0x3d: {  	s14 =	spop (v2sf)  }
0x3e: {  	[dreg:$0xa] =	wrdreg s0;
	s0 =	sadd.s32 s14, s13  }
0x3f: {  	s1 =	ssub.s32 $0x80010000, s0  }
0x40: {  	v1 =	vmov s1  }
0x41: {  	[tilespmem:v2+s11+$0x0] =	vst.idx.msk $0x1, v1  }
0x42: {  	v1 =	vld [tilespmem:$0x100];
	_ =	sdelay $0x4  }
0x43: {  	v1 =	vxor.u32 $0x80000000, v1  }
0x44: {  	(xrf0) =	vmax.scan.msk.u32 $0xffff, v1;
	_ =	sdelay $0x5  }
0x45: {  	v1, _, _ =	vpop (xrf0)  }
0x46: {  	(v2sf) =	vpush v1, $0xF;
	_ =	sdelay $0xd  }
0x47: {  	v2 =	vimm.s32 $0x3  }
0x48: {  	s15 =	sadd.s32 $0x80000000, s0;
	s16 =	spop (v2sf)  }
0x49: {  	s0 =	sadd.s32 s16, s15  }
0x4a: {  	[dreg:$0xb] =	wrdreg s1;
	s1 =	ssub.s32 $0x80018000, s0  }
0x4b: {  	v1 =	vmov s1  }
0x4c: {  	[tilespmem:v2+s11+$0x0] =	vst.idx.msk $0x1, v1  }
0x4d: {  	v1 =	vld [tilespmem:$0x180];
	_ =	sdelay $0x4  }
0x4e: {  	v1 =	vxor.u32 $0x80000000, v1  }
0x4f: {  	(xrf0) =	vmax.scan.msk.u32 $0xffff, v1;
	_ =	sdelay $0x5  }
0x50: {  	v1, _, _ =	vpop (xrf0)  }
0x51: {  	(v2sf) =	vpush v1, $0xF;
	_ =	sdelay $0xd  }
0x52: {  	v2 =	vimm.s32 $0x4  }
0x53: {  	s17 =	sadd.s32 $0x80000000, s0;
	s18 =	spop (v2sf)  }
0x54: {  	s0 =	sadd.s32 s18, s17  }
0x55: {  	[dreg:$0xe] =	wrdreg s1;
	s1 =	ssub.s32 $0x80020000, s0  }
0x56: {  	v1 =	vmov s1  }
0x57: {  	[tilespmem:v2+s11+$0x0] =	vst.idx.msk $0x1, v1  }
0x58: {  	v1 =	vld [tilespmem:$0x200];
	_ =	sdelay $0x4  }
0x59: {  	v1 =	vxor.u32 $0x80000000, v1  }
0x5a: {  	(xrf0) =	vmax.scan.msk.u32 $0xffff, v1;
	_ =	sdelay $0x5  }
0x5b: {  	v1, _, _ =	vpop (xrf0)  }
0x5c: {  	(v2sf) =	vpush v1, $0xF;
	_ =	sdelay $0xd  }
0x5d: {  	v2 =	vimm.s32 $0x5  }
0x5e: {  	s19 =	sadd.s32 $0x80000000, s0;
	s20 =	spop (v2sf)  }
0x5f: {  	s0 =	sadd.s32 s20, s19  }
0x60: {  	[dreg:$0x10] =	wrdreg s1;
	s1 =	ssub.s32 $0x80028000, s0  }
0x61: {  	v1 =	vmov s1  }
0x62: {  	[tilespmem:v2+s11+$0x0] =	vst.idx.msk $0x1, v1  }
0x63: {  	v1 =	vld [tilespmem:$0x280];
	_ =	sdelay $0x4  }
0x64: {  	v1 =	vxor.u32 $0x80000000, v1  }
0x65: {  	(xrf0) =	vmax.scan.msk.u32 $0xffff, v1;
	_ =	sdelay $0x5  }
0x66: {  	v1, _, _ =	vpop (xrf0)  }
0x67: {  	(v2sf) =	vpush v1, $0xF;
	_ =	sdelay $0xd  }
0x68: {  	v2 =	vimm.s32 $0x6  }
0x69: {  	s21 =	sadd.s32 $0x80000000, s0;
	s22 =	spop (v2sf)  }
0x6a: {  	s0 =	sadd.s32 s22, s21  }
0x6b: {  	[dreg:$0x11] =	wrdreg s1;
	s1 =	ssub.s32 $0x80030000, s0  }
0x6c: {  	v1 =	vmov s1  }
0x6d: {  	[tilespmem:v2+s11+$0x0] =	vst.idx.msk $0x1, v1  }
0x6e: {  	v1 =	vld [tilespmem:$0x300];
	_ =	sdelay $0x4  }
0x6f: {  	v1 =	vxor.u32 $0x80000000, v1  }
0x70: {  	(xrf0) =	vmax.scan.msk.u32 $0xffff, v1;
	_ =	sdelay $0x5  }
0x71: {  	v1, _, _ =	vpop (xrf0)  }
0x72: {  	(v2sf) =	vpush v1, $0xF;
	_ =	sdelay $0xd  }
0x73: {  	v2 =	vimm.s32 $0x7  }
0x74: {  	s23 =	sadd.s32 $0x80000000, s0;
	s24 =	spop (v2sf)  }
0x75: {  	s0 =	sadd.s32 s24, s23  }
0x76: {  	[dreg:$0x14] =	wrdreg s1;
	s1 =	ssub.s32 $0x80038000, s0  }
0x77: {  	v1 =	vmov s1  }
0x78: {  	[tilespmem:v2+s11+$0x0] =	vst.idx.msk $0x1, v1  }
0x79: {  	v1 =	vld [tilespmem:$0x380];
	_ =	sdelay $0x4  }
0x7a: {  	v1 =	vxor.u32 $0x80000000, v1  }
0x7b: {  	(xrf0) =	vmax.scan.msk.u32 $0xffff, v1;
	_ =	sdelay $0x5  }
0x7c: {  	v1, _, _ =	vpop (xrf0)  }
0x7d: {  	(v2sf) =	vpush v1, $0xF;
	_ =	sdelay $0xd  }
0x7e: {  	v2 =	vimm.s32 $0x8  }
0x7f: {  	s25 =	sadd.s32 $0x80000000, s0;
	s26 =	spop (v2sf)  }
0x80: {  	s0 =	sadd.s32 s26, s25  }
0x81: {  	[dreg:$0x16] =	wrdreg s1;
	s1 =	ssub.s32 $0x80040000, s0  }
0x82: {  	v1 =	vmov s1  }
0x83: {  	[tilespmem:v2+s11+$0x0] =	vst.idx.msk $0x1, v1  }
0x84: {  	v1 =	vld [tilespmem:$0x400];
	_ =	sdelay $0x4  }
0x85: {  	v1 =	vxor.u32 $0x80000000, v1  }
0x86: {  	(xrf0) =	vmax.scan.msk.u32 $0xffff, v1;
	_ =	sdelay $0x5  }
0x87: {  	v1, _, _ =	vpop (xrf0)  }
0x88: {  	(v2sf) =	vpush v1, $0xF;
	_ =	sdelay $0xd  }
0x89: {  	v2 =	vimm.s32 $0x9  }
0x8a: {  	s28 =	sadd.s32 $0x80000000, s0;
	s29 =	spop (v2sf)  }
0x8b: {  	s0 =	sadd.s32 s29, s28  }
0x8c: {  	[dreg:$0x17] =	wrdreg s1;
	s1 =	ssub.s32 $0x80048000, s0  }
0x8d: {  	v1 =	vmov s1  }
0x8e: {  	[tilespmem:v2+s11+$0x0] =	vst.idx.msk $0x1, v1  }
0x8f: {  	v1 =	vld [tilespmem:$0x480];
	_ =	sdelay $0x4  }
0x90: {  	v1 =	vxor.u32 $0x80000000, v1  }
0x91: {  	(xrf0) =	vmax.scan.msk.u32 $0xffff, v1;
	_ =	sdelay $0x5  }
0x92: {  	v1, _, _ =	vpop (xrf0)  }
0x93: {  	(v2sf) =	vpush v1, $0xF;
	_ =	sdelay $0xd  }
0x94: {  	v2 =	vimm.s32 $0xA  }
0x95: {  	s30 =	sadd.s32 $0x80000000, s0;
	s31 =	spop (v2sf)  }
0x96: {  	s0 =	sadd.s32 s31, s30  }
0x97: {  	[dreg:$0x19] =	wrdreg s1;
	s1 =	ssub.s32 $0x80050000, s0  }
0x98: {  	v1 =	vmov s1  }
0x99: {  	[tilespmem:v2+s11+$0x0] =	vst.idx.msk $0x1, v1  }
0x9a: {  	v1 =	vld [tilespmem:$0x500];
	_ =	sdelay $0x4  }
0x9b: {  	v1 =	vxor.u32 $0x80000000, v1  }
0x9c: {  	(xrf0) =	vmax.scan.msk.u32 $0xffff, v1;
	_ =	sdelay $0x5  }
0x9d: {  	v1, _, _ =	vpop (xrf0)  }
0x9e: {  	(v2sf) =	vpush v1, $0xF;
	_ =	sdelay $0xd  }
0x9f: {  	v2 =	vimm.s32 $0xB  }
0xa0: {  	s2 =	sadd.s32 $0x80000000, s0;
	s3 =	spop (v2sf)  }
0xa1: {  	s0 =	sadd.s32 s3, s2  }
0xa2: {  	[dreg:$0x1b] =	wrdreg s1;
	s1 =	ssub.s32 $0x80058000, s0  }
0xa3: {  	v1 =	vmov s1  }
0xa4: {  	[tilespmem:v2+s11+$0x0] =	vst.idx.msk $0x1, v1  }
0xa5: {  	v1 =	vld [tilespmem:$0x580];
	_ =	sdelay $0x4  }
0xa6: {  	v1 =	vxor.u32 $0x80000000, v1  }
0xa7: {  	(xrf0) =	vmax.scan.msk.u32 $0xffff, v1;
	_ =	sdelay $0x5  }
0xa8: {  	v1, _, _ =	vpop (xrf0)  }
0xa9: {  	(v2sf) =	vpush v1, $0xF;
	_ =	sdelay $0xd  }
0xaa: {  	v2 =	vimm.s32 $0xC  }
0xab: {  	s4 =	sadd.s32 $0x80000000, s0;
	s5 =	spop (v2sf)  }
0xac: {  	s0 =	sadd.s32 s5, s4  }
0xad: {  	[dreg:$0x1d] =	wrdreg s1;
	s1 =	ssub.s32 $0x80060000, s0  }
0xae: {  	v1 =	vmov s1  }
0xaf: {  	[tilespmem:v2+s11+$0x0] =	vst.idx.msk $0x1, v1  }
0xb0: {  	v1 =	vld [tilespmem:$0x600];
	_ =	sdelay $0x4  }
0xb1: {  	v1 =	vxor.u32 $0x80000000, v1  }
0xb2: {  	(xrf0) =	vmax.scan.msk.u32 $0xffff, v1;
	_ =	sdelay $0x5  }
0xb3: {  	v1, _, _ =	vpop (xrf0)  }
0xb4: {  	(v2sf) =	vpush v1, $0xF;
	_ =	sdelay $0xd  }
0xb5: {  	v2 =	vimm.s32 $0xD  }
0xb6: {  	s6 =	sadd.s32 $0x80000000, s0;
	s7 =	spop (v2sf)  }
0xb7: {  	s0 =	sadd.s32 s7, s6  }
0xb8: {  	[dreg:$0x1f] =	wrdreg s1;
	s1 =	ssub.s32 $0x80068000, s0  }
0xb9: {  	v1 =	vmov s1  }
0xba: {  	[tilespmem:v2+s11+$0x0] =	vst.idx.msk $0x1, v1  }
0xbb: {  	v1 =	vld [tilespmem:$0x680];
	_ =	sdelay $0x4  }
0xbc: {  	v1 =	vxor.u32 $0x80000000, v1  }
0xbd: {  	(xrf0) =	vmax.scan.msk.u32 $0xffff, v1;
	_ =	sdelay $0x5  }
0xbe: {  	v1, _, _ =	vpop (xrf0)  }
0xbf: {  	(v2sf) =	vpush v1, $0xF;
	_ =	sdelay $0xd  }
0xc0: {  	v2 =	vimm.s32 $0xE  }
0xc1: {  	s8 =	sadd.s32 $0x80000000, s0;
	s9 =	spop (v2sf)  }
0xc2: {  	s0 =	sadd.s32 s9, s8  }
0xc3: {  	[smem:$0x7F8] =	sst s1;
	s1 =	ssub.s32 $0x80070000, s0  }
0xc4: {  	v1 =	vmov s1  }
0xc5: {  	[tilespmem:v2+s11+$0x0] =	vst.idx.msk $0x1, v1  }
0xc6: {  	v1 =	vld [tilespmem:$0x700];
	_ =	sdelay $0x4  }
0xc7: {  	v1 =	vxor.u32 $0x80000000, v1  }
0xc8: {  	(xrf0) =	vmax.scan.msk.u32 $0xffff, v1;
	_ =	sdelay $0x5  }
0xc9: {  	v1, _, _ =	vpop (xrf0)  }
0xca: {  	(v2sf) =	vpush v1, $0xF;
	_ =	sdelay $0xd  }
0xcb: {  	v2 =	vimm.s32 $0xF  }
0xcc: {  	s31 =	sadd.s32 $0x80000000, s0;
	s10 =	spop (v2sf)  }
0xcd: {  	s0 =	sadd.s32 s10, s31  }
0xce: {  	s12 =	ssub.s32 $0x80078000, s0  }
0xcf: {  	v1 =	vmov s12  }
0xd0: {  	[tilespmem:v2+s11+$0x0] =	vst.idx.msk $0x1, v1  }
0xd1: {  	v1 =	vld [tilespmem:$0x780];
	_ =	sdelay $0x4  }
0xd2: {  	v1 =	vxor.u32 $0x80000000, v1  }
0xd3: {  	(xrf0) =	vmax.scan.msk.u32 $0xffff, v1;
	_ =	sdelay $0x5  }
0xd4: {  	v1, _, _ =	vpop (xrf0)  }
0xd5: {  	(v2sf) =	vpush v1, $0xF;
	_ =	sdelay $0xd  }
0xd6: {  	[dreg:$0xc] =	wrdreg s13;
	v2 =	vimm.s32 $0x10  }
0xd7: {  	[dreg:$0x1e] =	wrdreg s2;
	s2 =	sadd.s32 $0x80000000, s0;
	s13 =	spop (v2sf)  }
0xd8: {  	s0 =	sadd.s32 s13, s2  }
0xd9: {  	s14 =	ssub.s32 $0x80080000, s0  }
0xda: {  	v1 =	vmov s14  }
0xdb: {  	[tilespmem:v2+s11+$0x0] =	vst.idx.msk $0x1, v1  }
0xdc: {  	v1 =	vld [tilespmem:$0x800];
	_ =	sdelay $0x4  }
0xdd: {  	v1 =	vxor.u32 $0x80000000, v1  }
0xde: {  	(xrf0) =	vmax.scan.msk.u32 $0xffff, v1;
	_ =	sdelay $0x5  }
0xdf: {  	v1, _, _ =	vpop (xrf0)  }
0xe0: {  	(v2sf) =	vpush v1, $0xF;
	_ =	sdelay $0xd  }
0xe1: {  	v2 =	vimm.s32 $0x11  }
0xe2: {  	[dreg:$0xd] =	wrdreg s15;
	s15 =	sadd.s32 $0x80000000, s0;
	s16 =	spop (v2sf)  }
0xe3: {  	s0 =	sadd.s32 s16, s15  }
0xe4: {  	[smem:$0x7F9] =	sst s1;
	s1 =	ssub.s32 $0x80088000, s0  }
0xe5: {  	v1 =	vmov s1  }
0xe6: {  	[tilespmem:v2+s11+$0x0] =	vst.idx.msk $0x1, v1  }
0xe7: {  	v1 =	vld [tilespmem:$0x880];
	_ =	sdelay $0x4  }
0xe8: {  	v1 =	vxor.u32 $0x80000000, v1  }
0xe9: {  	(xrf0) =	vmax.scan.msk.u32 $0xffff, v1;
	_ =	sdelay $0x5  }
0xea: {  	v1, _, _ =	vpop (xrf0)  }
0xeb: {  	(v2sf) =	vpush v1, $0xF;
	_ =	sdelay $0xd  }
0xec: {  	v2 =	vimm.s32 $0x12  }
0xed: {  	[dreg:$0xf] =	wrdreg s17;
	s29 =	sadd.s32 $0x80000000, s0;
	s17 =	spop (v2sf)  }
0xee: {  	s0 =	sadd.s32 s17, s29  }
0xef: {  	[dreg:$0x1c] =	wrdreg s30;
	s30 =	ssub.s32 $0x80090000, s0  }
0xf0: {  	v1 =	vmov s30  }
0xf1: {  	[tilespmem:v2+s11+$0x0] =	vst.idx.msk $0x1, v1  }
0xf2: {  	v1 =	vld [tilespmem:$0x900];
	_ =	sdelay $0x4  }
0xf3: {  	v1 =	vxor.u32 $0x80000000, v1  }
0xf4: {  	(xrf0) =	vmax.scan.msk.u32 $0xffff, v1;
	_ =	sdelay $0x5  }
0xf5: {  	v1, _, _ =	vpop (xrf0)  }
0xf6: {  	(v2sf) =	vpush v1, $0xF;
	_ =	sdelay $0xd  }
0xf7: {  	v2 =	vimm.s32 $0x13  }
0xf8: {  	s26 =	sadd.s32 $0x80000000, s0;
	s18 =	spop (v2sf)  }
0xf9: {  	s0 =	sadd.s32 s18, s26  }
0xfa: {  	[dreg:$0x1a] =	wrdreg s28;
	s28 =	ssub.s32 $0x80098000, s0  }
0xfb: {  	v1 =	vmov s28  }
0xfc: {  	[tilespmem:v2+s11+$0x0] =	vst.idx.msk $0x1, v1  }
0xfd: {  	v1 =	vld [tilespmem:$0x980];
	_ =	sdelay $0x4  }
0xfe: {  	v1 =	vxor.u32 $0x80000000, v1  }
0xff: {  	(xrf0) =	vmax.scan.msk.u32 $0xffff, v1;
	_ =	sdelay $0x5  }
0x100: {  	v1, _, _ =	vpop (xrf0)  }
0x101: {  	(v2sf) =	vpush v1, $0xF;
	_ =	sdelay $0xd  }
0x102: {  	v2 =	vimm.s32 $0x14  }
0x103: {  	[dreg:$0x12] =	wrdreg s19;
	s24 =	sadd.s32 $0x80000000, s0;
	s19 =	spop (v2sf)  }
0x104: {  	s0 =	sadd.s32 s19, s24  }
0x105: {  	[dreg:$0x18] =	wrdreg s25;
	s25 =	ssub.s32 $0x800A0000, s0  }
0x106: {  	v1 =	vmov s25  }
0x107: {  	[tilespmem:v2+s11+$0x0] =	vst.idx.msk $0x1, v1  }
0x108: {  	v1 =	vld [tilespmem:$0xA00];
	_ =	sdelay $0x4  }
0x109: {  	v1 =	vxor.u32 $0x80000000, v1  }
0x10a: {  	(xrf0) =	vmax.scan.msk.u32 $0xffff, v1;
	_ =	sdelay $0x5  }
0x10b: {  	v1, _, _ =	vpop (xrf0)  }
0x10c: {  	(v2sf) =	vpush v1, $0xF;
	_ =	sdelay $0xd  }
0x10d: {  	v2 =	vimm.s32 $0x15  }
0x10e: {  	s22 =	sadd.s32 $0x80000000, s0;
	s20 =	spop (v2sf)  }
0x10f: {  	s0 =	sadd.s32 s20, s22  }
0x110: {  	[dreg:$0x15] =	wrdreg s23;
	s23 =	ssub.s32 $0x800A8000, s0  }
0x111: {  	v1 =	vmov s23  }
0x112: {  	[tilespmem:v2+s11+$0x0] =	vst.idx.msk $0x1, v1  }
0x113: {  	v1 =	vld [tilespmem:$0xA80];
	_ =	sdelay $0x4  }
0x114: {  	v1 =	vxor.u32 $0x80000000, v1  }
0x115: {  	(xrf0) =	vmax.scan.msk.u32 $0xffff, v1;
	_ =	sdelay $0x5  }
0x116: {  	v1, _, _ =	vpop (xrf0)  }
0x117: {  	(v2sf) =	vpush v1, $0xF;
	_ =	sdelay $0xd  }
0x118: {  	v2 =	vimm.s32 $0x16  }
0x119: {  	[dreg:$0x13] =	wrdreg s21;
	s20 =	sadd.s32 $0x80000000, s0;
	s21 =	spop (v2sf)  }
0x11a: {  	s0 =	sadd.s32 s21, s20  }
0x11b: {  	s21 =	ssub.s32 $0x800B0000, s0  }
0x11c: {  	v1 =	vmov s21  }
0x11d: {  	[tilespmem:v2+s11+$0x0] =	vst.idx.msk $0x1, v1  }
0x11e: {  	v1 =	vld [tilespmem:$0xB00];
	_ =	sdelay $0x4  }
0x11f: {  	v1 =	vxor.u32 $0x80000000, v1  }
0x120: {  	(xrf0) =	vmax.scan.msk.u32 $0xffff, v1;
	_ =	sdelay $0x5  }
0x121: {  	v1, _, _ =	vpop (xrf0)  }
0x122: {  	(v2sf) =	vpush v1, $0xF;
	_ =	sdelay $0xd  }
0x123: {  	v2 =	vimm.s32 $0x17  }
0x124: {  	[smem:$0x7FD] =	sst s1;
	s18 =	sadd.s32 $0x80000000, s0;
	s1 =	spop (v2sf)  }
0x125: {  	s0 =	sadd.s32 s1, s18  }
0x126: {  	s19 =	ssub.s32 $0x800B8000, s0  }
0x127: {  	v1 =	vmov s19  }
0x128: {  	[tilespmem:v2+s11+$0x0] =	vst.idx.msk $0x1, v1  }
0x129: {  	v1 =	vld [tilespmem:$0xB80];
	_ =	sdelay $0x4  }
0x12a: {  	v1 =	vxor.u32 $0x80000000, v1  }
0x12b: {  	(xrf0) =	vmax.scan.msk.u32 $0xffff, v1;
	_ =	sdelay $0x5  }
0x12c: {  	v1, _, _ =	vpop (xrf0)  }
0x12d: {  	(v2sf) =	vpush v1, $0xF;
	_ =	sdelay $0xd  }
0x12e: {  	v2 =	vimm.s32 $0x18  }
0x12f: {  	s16 =	sadd.s32 $0x80000000, s0;
	s3 =	spop (v2sf)  }
0x130: {  	s0 =	sadd.s32 s3, s16  }
0x131: {  	s17 =	ssub.s32 $0x800C0000, s0  }
0x132: {  	v1 =	vmov s17  }
0x133: {  	[tilespmem:v2+s11+$0x0] =	vst.idx.msk $0x1, v1  }
0x134: {  	v1 =	vld [tilespmem:$0xC00];
	_ =	sdelay $0x4  }
0x135: {  	v1 =	vxor.u32 $0x80000000, v1  }
0x136: {  	(xrf0) =	vmax.scan.msk.u32 $0xffff, v1;
	_ =	sdelay $0x5  }
0x137: {  	v1, _, _ =	vpop (xrf0)  }
0x138: {  	(v2sf) =	vpush v1, $0xF;
	_ =	sdelay $0xd  }
0x139: {  	[smem:$0x7F5] =	sst s4;
	v2 =	vimm.s32 $0x19  }
0x13a: {  	[smem:$0x7FC] =	sst s14;
	s14 =	sadd.s32 $0x80000000, s0;
	s4 =	spop (v2sf)  }
0x13b: {  	s0 =	sadd.s32 s4, s14  }
0x13c: {  	[smem:$0x7FB] =	sst s15;
	s15 =	ssub.s32 $0x800C8000, s0  }
0x13d: {  	v1 =	vmov s15  }
0x13e: {  	[tilespmem:v2+s11+$0x0] =	vst.idx.msk $0x1, v1  }
0x13f: {  	v1 =	vld [tilespmem:$0xC80];
	_ =	sdelay $0x4  }
0x140: {  	v1 =	vxor.u32 $0x80000000, v1  }
0x141: {  	(xrf0) =	vmax.scan.msk.u32 $0xffff, v1;
	_ =	sdelay $0x5  }
0x142: {  	v1, _, _ =	vpop (xrf0)  }
0x143: {  	(v2sf) =	vpush v1, $0xF;
	_ =	sdelay $0xd  }
0x144: {  	v2 =	vimm.s32 $0x1A  }
0x145: {  	[smem:$0x7FA] =	sst s12;
	s12 =	sadd.s32 $0x80000000, s0;
	s5 =	spop (v2sf)  }
0x146: {  	s0 =	sadd.s32 s5, s12  }
0x147: {  	s13 =	ssub.s32 $0x800D0000, s0  }
0x148: {  	v1 =	vmov s13  }
0x149: {  	[tilespmem:v2+s11+$0x0] =	vst.idx.msk $0x1, v1  }
0x14a: {  	v1 =	vld [tilespmem:$0xD00];
	_ =	sdelay $0x4  }
0x14b: {  	v1 =	vxor.u32 $0x80000000, v1  }
0x14c: {  	(xrf0) =	vmax.scan.msk.u32 $0xffff, v1;
	_ =	sdelay $0x5  }
0x14d: {  	v1, _, _ =	vpop (xrf0)  }
0x14e: {  	(v2sf) =	vpush v1, $0xF;
	_ =	sdelay $0xd  }
0x14f: {  	v2 =	vimm.s32 $0x1B  }
0x150: {  	[smem:$0x7F6] =	sst s6;
	s9 =	sadd.s32 $0x80000000, s0;
	s6 =	spop (v2sf)  }
0x151: {  	s0 =	sadd.s32 s6, s9  }
0x152: {  	s10 =	ssub.s32 $0x800D8000, s0  }
0x153: {  	v1 =	vmov s10  }
0x154: {  	[tilespmem:v2+s11+$0x0] =	vst.idx.msk $0x1, v1  }
0x155: {  	v1 =	vld [tilespmem:$0xD80];
	_ =	sdelay $0x4  }
0x156: {  	v1 =	vxor.u32 $0x80000000, v1  }
0x157: {  	(xrf0) =	vmax.scan.msk.u32 $0xffff, v1;
	_ =	sdelay $0x5  }
0x158: {  	v1, _, _ =	vpop (xrf0)  }
0x159: {  	(v2sf) =	vpush v1, $0xF;
	_ =	sdelay $0xd  }
0x15a: {  	v2 =	vimm.s32 $0x1C  }
0x15b: {  	[smem:$0x7F7] =	sst s8;
	s8 =	sadd.s32 $0x80000000, s0;
	s7 =	spop (v2sf)  }
0x15c: {  	s0 =	sadd.s32 s7, s8  }
0x15d: {  	s7 =	ssub.s32 $0x800E0000, s0  }
0x15e: {  	v1 =	vmov s7  }
0x15f: {  	[tilespmem:v2+s11+$0x0] =	vst.idx.msk $0x1, v1  }
0x160: {  	v1 =	vld [tilespmem:$0xE00];
	_ =	sdelay $0x4  }
0x161: {  	v1 =	vxor.u32 $0x80000000, v1  }
0x162: {  	(xrf0) =	vmax.scan.msk.u32 $0xffff, v1;
	_ =	sdelay $0x5  }
0x163: {  	v1, _, _ =	vpop (xrf0)  }
0x164: {  	(v2sf) =	vpush v1, $0xF;
	_ =	sdelay $0xe  }
0x165: {  	s6 =	sadd.s32 $0x80000000, s0;
	s1 =	spop (v2sf)  }
0x166: {  	s0 =	sadd.s32 s1, s6;
	s1 =	simm.s32 $0x0  }
0x167: {  	[smem:$0x0] =	sst s1  }
0x168: {  	[smem:$0x80] =	sst s1  }
0x169: {  	s1 =	rddreg [dreg:$0xc]  }
0x16a: {  	[smem:$0x1] =	sst s1  }
0x16b: {  	s1 =	rddreg [dreg:$0xa]  }
0x16c: {  	[smem:$0x81] =	sst s1  }
0x16d: {  	s1 =	rddreg [dreg:$0xd]  }
0x16e: {  	[smem:$0x2] =	sst s1  }
0x16f: {  	v2 =	vimm.s32 $0x1D;
	s1 =	rddreg [dreg:$0xb]  }
0x170: {  	[smem:$0x82] =	sst s1  }
0x171: {  	s1 =	rddreg [dreg:$0xf]  }
0x172: {  	s5 =	ssub.s32 $0x800E8000, s0;
	[smem:$0x3] =	sst s1  }
0x173: {  	v1 =	vmov s5;
	s1 =	rddreg [dreg:$0xe]  }
0x174: {  	[tilespmem:v2+s11+$0x0] =	vst.idx.msk $0x1, v1;
	[smem:$0x83] =	sst s1  }
0x175: {  	v1 =	vld [tilespmem:$0xE80];
	s1 =	rddreg [dreg:$0x12]  }
0x176: {  	[smem:$0x4] =	sst s1  }
0x177: {  	s1 =	rddreg [dreg:$0x10]  }
0x178: {  	[smem:$0x84] =	sst s1  }
0x179: {  	s1 =	rddreg [dreg:$0x13]  }
0x17a: {  	v1 =	vxor.u32 $0x80000000, v1;
	[smem:$0x5] =	sst s1  }
0x17b: {  	(xrf0) =	vmax.scan.msk.u32 $0xffff, v1;
	s1 =	rddreg [dreg:$0x11]  }
0x17c: {  	[smem:$0x85] =	sst s1  }
0x17d: {  	s1 =	rddreg [dreg:$0x15]  }
0x17e: {  	[smem:$0x6] =	sst s1  }
0x17f: {  	s1 =	rddreg [dreg:$0x14]  }
0x180: {  	[smem:$0x86] =	sst s1  }
0x181: {  	s1 =	rddreg [dreg:$0x18];
	v1, _, _ =	vpop (xrf0)  }
0x182: {  	[smem:$0x7] =	sst s1;
	(v2sf) =	vpush v1, $0xF  }
0x183: {  	s1 =	rddreg [dreg:$0x16]  }
0x184: {  	[smem:$0x87] =	sst s1  }
0x185: {  	s1 =	rddreg [dreg:$0x1a]  }
0x186: {  	[smem:$0x8] =	sst s1  }
0x187: {  	s1 =	rddreg [dreg:$0x17]  }
0x188: {  	[smem:$0x88] =	sst s1  }
0x189: {  	s1 =	rddreg [dreg:$0x1c]  }
0x18a: {  	[smem:$0x9] =	sst s1  }
0x18b: {  	s1 =	rddreg [dreg:$0x19]  }
0x18c: {  	[smem:$0x89] =	sst s1  }
0x18d: {  	s1 =	rddreg [dreg:$0x1e]  }
0x18e: {  	[smem:$0xA] =	sst s1  }
0x18f: {  	s1 =	rddreg [dreg:$0x1b]  }
0x190: {  	v2 =	vimm.s32 $0x1E;
	[smem:$0x8A] =	sst s1  }
0x191: {  	s4 =	sadd.s32 $0x80000000, s0;
	s1 =	sld [smem:$0x7F5];
	s3 =	spop (v2sf)  }
0x192: {  	s0 =	sadd.s32 s3, s4  }
0x193: {  	s3 =	ssub.s32 $0x800F0000, s0  }
0x194: {  	[smem:$0xB] =	sst s1;
	v1 =	vmov s3  }
0x195: {  	s1 =	rddreg [dreg:$0x1d];
	[tilespmem:v2+s11+$0x0] =	vst.idx.msk $0x1, v1  }
0x196: {  	[smem:$0x8B] =	sst s1;
	v1 =	vld [tilespmem:$0xF00]  }
0x197: {  	s1 =	sld [smem:$0x7F6];
	_ =	sdelay $0x2  }
0x198: {  	[smem:$0xC] =	sst s1  }
0x199: {  	s1 =	rddreg [dreg:$0x1f];
	v1 =	vxor.u32 $0x80000000, v1  }
0x19a: {  	[smem:$0x8C] =	sst s1;
	(xrf0) =	vmax.scan.msk.u32 $0xffff, v1  }
0x19b: {  	s1 =	sld [smem:$0x7F7];
	_ =	sdelay $0x2  }
0x19c: {  	[smem:$0xD] =	sst s1  }
0x19d: {  	s1 =	sld [smem:$0x7F8]  }
0x19e: {  	v1, _, _ =	vpop (xrf0)  }
0x19f: {  	(v2sf) =	vpush v1, $0xF  }
0x1a0: {  	[smem:$0x8D] =	sst s1  }
0x1a1: {  	[smem:$0xE] =	sst s31  }
0x1a2: {  	s31 =	sld [smem:$0x7F9];
	_ =	sdelay $0x2  }
0x1a3: {  	[smem:$0x8E] =	sst s31  }
0x1a4: {  	s31 =	sld [smem:$0x7FA];
	_ =	sdelay $0x1  }
0x1a5: {  	[smem:$0xF] =	sst s2  }
0x1a6: {  	[smem:$0x8F] =	sst s31  }
0x1a7: {  	s31 =	sld [smem:$0x7FB];
	_ =	sdelay $0x2  }
0x1a8: {  	v2 =	vimm.s32 $0x1F;
	[smem:$0x10] =	sst s31  }
0x1a9: {  	s1 =	sadd.s32 $0x80000000, s0;
	s31 =	sld [smem:$0x7FC];
	s0 =	spop (v2sf)  }
0x1aa: {  	s0 =	sadd.s32 s0, s1  }
0x1ab: {  	s2 =	ssub.s32 $0x800F8000, s0  }
0x1ac: {  	[smem:$0x90] =	sst s31;
	v1 =	vmov s2  }
0x1ad: {  	s31 =	sld [smem:$0x7FD];
	[tilespmem:v2+s11+$0x0] =	vst.idx.msk $0x1, v1  }
0x1ae: {  	v1 =	vld [tilespmem:$0xF80]  }
0x1af: {  	[smem:$0x11] =	sst s29  }
0x1b0: {  	[smem:$0x91] =	sst s31  }
0x1b1: {  	[smem:$0x12] =	sst s26  }
0x1b2: {  	[smem:$0x92] =	sst s30  }
0x1b3: {  	[smem:$0x13] =	sst s24;
	v1 =	vxor.u32 $0x80000000, v1  }
0x1b4: {  	[smem:$0x93] =	sst s28;
	(xrf0) =	vmax.scan.msk.u32 $0xffff, v1  }
0x1b5: {  	[smem:$0x14] =	sst s22  }
0x1b6: {  	[smem:$0x94] =	sst s25  }
0x1b7: {  	[smem:$0x15] =	sst s20  }
0x1b8: {  	[smem:$0x95] =	sst s23  }
0x1b9: {  	[smem:$0x16] =	sst s18  }
0x1ba: {  	[smem:$0x96] =	sst s21;
	v1, _, _ =	vpop (xrf0)  }
0x1bb: {  	[smem:$0x17] =	sst s16;
	(v2sf) =	vpush v1, $0xF  }
0x1bc: {  	[smem:$0x97] =	sst s19  }
0x1bd: {  	[smem:$0x18] =	sst s14  }
0x1be: {  	[smem:$0x98] =	sst s17  }
0x1bf: {  	[smem:$0x19] =	sst s12  }
0x1c0: {  	[smem:$0x99] =	sst s15  }
0x1c1: {  	[smem:$0x1A] =	sst s9  }
0x1c2: {  	[smem:$0x9A] =	sst s13  }
0x1c3: {  	[smem:$0x1B] =	sst s8  }
0x1c4: {  	[smem:$0x9B] =	sst s10  }
0x1c5: {  	[smem:$0x1C] =	sst s6  }
0x1c6: {  	[smem:$0x9C] =	sst s7  }
0x1c7: {  	[smem:$0x1D] =	sst s4  }
0x1c8: {  	[smem:$0x9D] =	sst s5  }
0x1c9: {  	[smem:$0x1E] =	sst s1  }
0x1ca: {  	s0 =	sadd.s32 $0x80000000, s0;
	v2 =	vimm.s32 $0x20;
	[smem:$0x9E] =	sst s3;
	s30 =	spop (v2sf)  }
.Ltmp2:
0x1cb: {  	[smem:$0x1F] =	sst s0;
	s0 =	sadd.s32 s30, s0;
	(pc) =	sbr.rel .LBB2_2-.Ltmp2, $4  }
0x1cc: {  	[smem:$0x9F] =	sst s2;
	s1 =	sadd.s32 $0x80000000, s0  }
0x1cd: {  	s0 =	ssub.s32 $0x80100000, s0;
	[smem:$0x20] =	sst s1  }
0x1ce: {  	s31 =	simm.s32 $0x100000;
	v1 =	vmov s0;
	[smem:$0xA0] =	sst s0  }
0x1cf: {  	s22 =	simm.s32 $0x0;
	s23 =	simm.s32 $0x0;
	[tilespmem:v2+s11+$0x0] =	vst.idx.msk $0x1, v1;
	[smem:$0x21] =	sst s31  }
.LBB2_6:
0x1d0: {  	s21 =	sld [smem:$0x6]  }
0x1d1: {  	s10 =	sld [smem:$0x7]  }
0x1d2: {  	s18 =	sld [smem:$0x8]  }
0x1d3: {  	s17 =	sld [smem:$0x9]  }
0x1d4: {  	s19 =	sld [smem:$0xA]  }
0x1d5: {  	s9 =	sld [smem:$0xB]  }
0x1d6: {  	s8 =	sld [smem:$0xC]  }
0x1d7: {  	v41 =	vor.u32 s3, v6;
	s6 =	sor.u32 $0x20, s3;
	s14 =	sor.u32 $0x30, s3;
	s15 =	sor.u32 $0x50, s3  }
0x1d8: {  	s7 =	sld [smem:$0xD];
	v39 =	vor.u32 s6, v6;
	v38 =	vor.u32 s14, v6;
	s14 =	sor.u32 $0x40, s3;
	v36 =	vor.u32 s15, v6;
	s15 =	sor.u32 $0x70, s3  }
0x1d9: {  	s2 =	sld [smem:$0x12];
	v37 =	vor.u32 s14, v6;
	v35 =	vor.u32 s15, v6;
	vm7 =	vge.s32 v41, s21  }
0x1da: {  	s0 =	sld [smem:$0x13];
	vm8 =	vge.s32 v41, s10;
	vm9 =	vge.s32 v41, s18;
	vm10 =	vge.s32 v41, s17  }
0x1db: {  	s1 =	sld [smem:$0x14];
	s14 =	sor.u32 $0x60, s3;
	vm11 =	vge.s32 v41, s19;
	vm12 =	vge.s32 v41, s9;
	vm13 =	vge.s32 v41, s8  }
0x1dc: {  	s12 =	sld [smem:$0x15];
	v34 =	vor.u32 s14, v6;
	v10 =	vsel vm7, $0x1, v0;
	vm7 =	vge.s32 v41, s2  }
0x1dd: {  	s5 =	sld [smem:$0x16];
	v11 =	vsel vm8, $0x1, v0;
	vm8 =	vge.s32 v41, s0;
	v1 =	vsel vm7, $0x1, v0  }
0x1de: {  	s13 =	sld [smem:$0x17];
	v12 =	vsel vm9, $0x1, v0;
	vm9 =	vge.s32 v41, s1;
	[tilespmem:$0x1F9B0] =	vst v1;
	v1 =	vsel vm8, $0x1, v0  }
0x1df: {  	s6 =	sld [smem:$0x18];
	v13 =	vsel vm10, $0x1, v0;
	vm10 =	vge.s32 v41, s12;
	[tilespmem:$0x1F9C0] =	vst v1;
	v1 =	vsel vm9, $0x1, v0  }
0x1e0: {  	s14 =	sld [smem:$0x19];
	v14 =	vsel vm11, $0x1, v0;
	vm11 =	vge.s32 v41, s5;
	[tilespmem:$0x1F9D0] =	vst v1;
	v1 =	vsel vm10, $0x1, v0  }
0x1e1: {  	s15 =	sld [smem:$0x1A];
	vm14 =	vge.s32 v41, s7;
	vm2 =	vge.s32 v41, s13;
	[tilespmem:$0x1F9E0] =	vst v1;
	v1 =	vsel vm11, $0x1, v0  }
0x1e2: {  	s16 =	sld [smem:$0xE];
	v15 =	vsel vm12, $0x1, v0;
	vm12 =	vge.s32 v41, s6;
	[tilespmem:$0x1F9F0] =	vst v1;
	v1 =	vsel vm2, $0x1, v0  }
0x1e3: {  	s20 =	sld [smem:$0x1];
	v16 =	vsel vm13, $0x1, v0;
	vm13 =	vge.s32 v41, s14;
	[tilespmem:$0x1FA00] =	vst v1;
	v1 =	vsel vm12, $0x1, v0  }
0x1e4: {  	v59 =	vsel vm14, $0x1, v0;
	vm14 =	vge.s32 v41, s15;
	[tilespmem:$0x1FA10] =	vst v1;
	v1 =	vsel vm13, $0x1, v0  }
0x1e5: {  	s28 =	sld [smem:$0x2];
	vm15 =	vge.s32 v41, s16;
	[tilespmem:$0x1FA20] =	vst v1;
	v1 =	vsel vm14, $0x1, v0  }
0x1e6: {  	v60 =	vsel vm15, $0x1, v0;
	vm15 =	vge.s32 v38, s20;
	[tilespmem:$0x1FA30] =	vst v1;
	v1 =	vimm.s32 $0x0  }
0x1e7: {  	s25 =	sld [smem:$0x3];
	v1 =	vsel vm15, $0xFFFFFFFF, v1  }
0x1e8: {  	vm9 =	vge.s32 v38, s28;
	[tilespmem:$0x1F900] =	vst v1;
	v1 =	vimm.s32 $0x0  }
0x1e9: {  	s26 =	sld [smem:$0x4];
	v1 =	vsel vm9, $0xFFFFFFFF, v1  }
0x1ea: {  	vm15 =	vge.s32 v38, s25;
	[tilespmem:$0x1F910] =	vst v1;
	v1 =	vimm.s32 $0x0  }
0x1eb: {  	s24 =	sld [smem:$0x5];
	v1 =	vsel vm15, $0xFFFFFFFF, v1  }
0x1ec: {  	vm9 =	vge.s32 v38, s26;
	[tilespmem:$0x1F920] =	vst v1;
	v1 =	vimm.s32 $0x0  }
0x1ed: {  	v1 =	vsel vm9, $0xFFFFFFFF, v1  }
0x1ee: {  	vm15 =	vge.s32 v38, s24;
	[tilespmem:$0x1F930] =	vst v1;
	v1 =	vimm.s32 $0x0  }
0x1ef: {  	v1 =	vsel vm15, $0xFFFFFFFF, v1  }
0x1f0: {  	vm9 =	vge.s32 v37, s20;
	[tilespmem:$0x1F940] =	vst v1;
	v1 =	vimm.s32 $0x0  }
0x1f1: {  	v1 =	vsel vm9, $0xFFFFFFFF, v1  }
0x1f2: {  	vm15 =	vge.s32 v37, s28;
	[tilespmem:$0x1F950] =	vst v1;
	v1 =	vimm.s32 $0x0  }
0x1f3: {  	v1 =	vsel vm15, $0xFFFFFFFF, v1  }
0x1f4: {  	vm9 =	vge.s32 v37, s25;
	[tilespmem:$0x1F960] =	vst v1;
	v1 =	vimm.s32 $0x0  }
0x1f5: {  	v1 =	vsel vm9, $0xFFFFFFFF, v1  }
0x1f6: {  	vm15 =	vge.s32 v37, s26;
	[tilespmem:$0x1F970] =	vst v1;
	v1 =	vimm.s32 $0x0  }
0x1f7: {  	v1 =	vsel vm15, $0xFFFFFFFF, v1  }
0x1f8: {  	vm9 =	vge.s32 v37, s24;
	[tilespmem:$0x1F980] =	vst v1;
	v1 =	vimm.s32 $0x0  }
0x1f9: {  	v1 =	vsel vm9, $0xFFFFFFFF, v1  }
0x1fa: {  	vm15 =	vge.s32 v36, s20;
	[tilespmem:$0x1F990] =	vst v1;
	v1 =	vimm.s32 $0x0  }
0x1fb: {  	v1 =	vsel vm15, $0xFFFFFFFF, v1  }
0x1fc: {  	vm9 =	vge.s32 v34, s20;
	[tilespmem:$0x1FB60] =	vst v1;
	v1 =	vimm.s32 $0x0  }
0x1fd: {  	v1 =	vsel vm9, $0xFFFFFFFF, v1  }
0x1fe: {  	vm15 =	vge.s32 v35, s20;
	[tilespmem:$0x1FF00] =	vst v1;
	v1 =	vimm.s32 $0x0  }
0x1ff: {  	v1 =	vsel vm15, $0xFFFFFFFF, v1  }
0x200: {  	vm9 =	vge.s32 v36, s28;
	[tilespmem:$0x1FF90] =	vst v1;
	v1 =	vimm.s32 $0x0  }
0x201: {  	v1 =	vsel vm9, $0xFFFFFFFF, v1  }
0x202: {  	vm15 =	vge.s32 v34, s28;
	[tilespmem:$0x1FB90] =	vst v1;
	v1 =	vimm.s32 $0x0  }
0x203: {  	v1 =	vsel vm15, $0xFFFFFFFF, v1  }
0x204: {  	vm9 =	vge.s32 v35, s28;
	[tilespmem:$0x1FF10] =	vst v1;
	v1 =	vimm.s32 $0x0  }
0x205: {  	v1 =	vsel vm9, $0xFFFFFFFF, v1  }
0x206: {  	vm15 =	vge.s32 v36, s25;
	[tilespmem:$0x1FFA0] =	vst v1;
	v1 =	vimm.s32 $0x0  }
0x207: {  	v1 =	vsel vm15, $0xFFFFFFFF, v1  }
0x208: {  	vm9 =	vge.s32 v34, s25;
	[tilespmem:$0x1FDC0] =	vst v1;
	v1 =	vimm.s32 $0x0  }
0x209: {  	v1 =	vsel vm9, $0xFFFFFFFF, v1  }
0x20a: {  	vm15 =	vge.s32 v35, s25;
	[tilespmem:$0x1FF30] =	vst v1;
	v1 =	vimm.s32 $0x0  }
0x20b: {  	v1 =	vsel vm15, $0xFFFFFFFF, v1  }
0x20c: {  	vm9 =	vge.s32 v36, s26;
	[tilespmem:$0x1FFB0] =	vst v1;
	v1 =	vimm.s32 $0x0  }
0x20d: {  	v1 =	vsel vm9, $0xFFFFFFFF, v1  }
0x20e: {  	s4 =	sor.u32 $0x10, s3;
	vm15 =	vge.s32 v34, s26;
	[tilespmem:$0x1FDD0] =	vst v1;
	v1 =	vimm.s32 $0x0  }
0x20f: {  	v40 =	vor.u32 s4, v6;
	v1 =	vsel vm15, $0xFFFFFFFF, v1  }
0x210: {  	vm0 =	vge.s32 v41, s20;
	vm9 =	vge.s32 v35, s26;
	[tilespmem:$0x1FF40] =	vst v1;
	v1 =	vimm.s32 $0x0  }
0x211: {  	vm1 =	vge.s32 v41, s28;
	vm4 =	vge.s32 v41, s25;
	v1 =	vsel vm9, $0xFFFFFFFF, v1  }
0x212: {  	vm5 =	vge.s32 v41, s26;
	vm15 =	vge.s32 v36, s24;
	[tilespmem:$0x1FFC0] =	vst v1;
	v1 =	vimm.s32 $0x0  }
0x213: {  	vm6 =	vge.s32 v41, s24;
	vm3 =	vge.s32 v40, s26;
	v1 =	vsel vm15, $0xFFFFFFFF, v1  }
0x214: {  	s29 =	sld [smem:$0xF];
	v3 =	vsel vm0, $0x1, v0;
	vm9 =	vge.s32 v34, s24;
	[tilespmem:$0x1FDE0] =	vst v1;
	v1 =	vimm.s32 $0x0  }
0x215: {  	s30 =	sld [smem:$0x10];
	v5 =	vsel vm1, $0x1, v0;
	v4 =	vsel vm4, $0x1, v0;
	v1 =	vsel vm9, $0xFFFFFFFF, v1  }
0x216: {  	s31 =	sld [smem:$0x11];
	v8 =	vsel vm5, $0x1, v0;
	vm15 =	vge.s32 v35, s24;
	[tilespmem:$0x1FF50] =	vst v1;
	v1 =	vimm.s32 $0x0  }
0x217: {  	v9 =	vsel vm6, $0x1, v0;
	vm4 =	vge.s32 v41, s29;
	v1 =	vsel vm15, $0xFFFFFFFF, v1  }
0x218: {  	vm5 =	vge.s32 v41, s30;
	vm0 =	vge.s32 v37, s21;
	[tilespmem:$0x1FFD0] =	vst v1;
	v1 =	vimm.s32 $0x0  }
0x219: {  	vm6 =	vge.s32 v41, s31;
	v61 =	vsel vm4, $0x1, v0;
	v1 =	vsel vm0, $0xFFFFFFFF, v1  }
0x21a: {  	v63 =	vsel vm5, $0x1, v0;
	vm0 =	vge.s32 v36, s21;
	[tilespmem:$0x1F9A0] =	vst v1;
	v1 =	vimm.s32 $0x0  }
0x21b: {  	v2 =	vsel vm6, $0x1, v0;
	vm5 =	vge.s32 v40, s20;
	v1 =	vsel vm0, $0xFFFFFFFF, v1  }
0x21c: {  	vm10 =	vge.s32 v39, s20;
	s20 =	sld [smem:$0x1B];
	vm0 =	vge.s32 v34, s21;
	[tilespmem:$0x1FDF0] =	vst v1;
	v1 =	vimm.s32 $0x0  }
0x21d: {  	s3 =	sld [smem:$0x1C];
	vm7 =	vge.s32 v40, s25;
	vm4 =	vge.s32 v40, s24;
	v1 =	vsel vm0, $0xFFFFFFFF, v1  }
0x21e: {  	vm12 =	vge.s32 v39, s25;
	s25 =	sld [smem:$0x1D];
	vm0 =	vge.s32 v35, s21;
	[tilespmem:$0x1FF60] =	vst v1;
	v1 =	vimm.s32 $0x0  }
0x21f: {  	vm13 =	vge.s32 v39, s26;
	s26 =	sld [smem:$0x1E];
	v1 =	vsel vm0, $0xFFFFFFFF, v1;
	vm0 =	vge.s32 v41, s20  }
0x220: {  	vm1 =	vge.s32 v41, s3;
	vm14 =	vge.s32 v39, s24;
	s24 =	sld [smem:$0x1F];
	[tilespmem:$0x1FFE0] =	vst v1;
	v1 =	vsel vm0, $0x1, v0  }
0x221: {  	s4 =	sld [smem:$0x20];
	vm6 =	vge.s32 v40, s28;
	vm2 =	vge.s32 v41, s25;
	[tilespmem:$0x1FA40] =	vst v1;
	v1 =	vsel vm1, $0x1, v0  }
0x222: {  	vm8 =	vge.s32 v40, s21;
	vm0 =	vge.s32 v41, s26;
	[tilespmem:$0x1FA60] =	vst v1;
	v1 =	vsel vm2, $0x1, v0  }
0x223: {  	v52 =	vsel vm5, $0x1, v0;
	vm1 =	vge.s32 v41, s24;
	[tilespmem:$0x1FA80] =	vst v1;
	v1 =	vsel vm0, $0x1, v0  }
0x224: {  	v45 =	vsel vm6, $0x1, v0;
	vm2 =	vge.s32 v41, s4;
	[tilespmem:$0x1FAA0] =	vst v1;
	v1 =	vsel vm1, $0x1, v0  }
0x225: {  	v57 =	vsel vm7, $0x1, v0;
	vm5 =	vge.s32 v40, s18;
	[tilespmem:$0x1FAC0] =	vst v1;
	v1 =	vsel vm2, $0x1, v0  }
0x226: {  	v55 =	vsel vm4, $0x1, v0;
	vm6 =	vge.s32 v40, s17;
	[tilespmem:$0x1FAE0] =	vst v1;
	v1 =	vsel vm5, $0x1, v0  }
0x227: {  	vm4 =	vge.s32 v40, s10;
	vm7 =	vge.s32 v40, s19;
	[tilespmem:$0x1FA50] =	vst v1;
	v1 =	vsel vm6, $0x1, v0  }
0x228: {  	v49 =	vsel vm8, $0x1, v0;
	vm8 =	vge.s32 v40, s9;
	[tilespmem:$0x1FA70] =	vst v1;
	v1 =	vsel vm7, $0x1, v0  }
0x229: {  	v58 =	vsel vm4, $0x1, v0;
	vm4 =	vge.s32 v40, s8;
	[tilespmem:$0x1FA90] =	vst v1;
	v1 =	vsel vm8, $0x1, v0  }
0x22a: {  	vm5 =	vge.s32 v40, s7;
	[tilespmem:$0x1FAB0] =	vst v1;
	v1 =	vsel vm4, $0x1, v0  }
0x22b: {  	vm6 =	vge.s32 v40, s16;
	[tilespmem:$0x1FAD0] =	vst v1;
	v1 =	vsel vm5, $0x1, v0  }
0x22c: {  	vm7 =	vge.s32 v40, s29;
	[tilespmem:$0x1FAF0] =	vst v1;
	v1 =	vsel vm6, $0x1, v0  }
0x22d: {  	vm4 =	vge.s32 v40, s31;
	[tilespmem:$0x1FB00] =	vst v1;
	v1 =	vsel vm7, $0x1, v0  }
0x22e: {  	vm5 =	vge.s32 v40, s2;
	[tilespmem:$0x1FB10] =	vst v1;
	v1 =	vsel vm4, $0x1, v0  }
0x22f: {  	vm6 =	vge.s32 v40, s0;
	[tilespmem:$0x1FB20] =	vst v1;
	v1 =	vsel vm5, $0x1, v0  }
0x230: {  	vm8 =	vge.s32 v40, s30;
	vm7 =	vge.s32 v40, s1;
	[tilespmem:$0x1FB30] =	vst v1;
	v1 =	vsel vm6, $0x1, v0  }
0x231: {  	v51 =	vsel vm8, $0x1, v0;
	vm8 =	vge.s32 v40, s12;
	[tilespmem:$0x1FB40] =	vst v1;
	v1 =	vsel vm7, $0x1, v0  }
0x232: {  	vm4 =	vge.s32 v40, s5;
	[tilespmem:$0x1FB50] =	vst v1;
	v1 =	vsel vm8, $0x1, v0  }
0x233: {  	vm5 =	vge.s32 v40, s13;
	[tilespmem:$0x1FB70] =	vst v1;
	v1 =	vsel vm4, $0x1, v0  }
0x234: {  	vm6 =	vge.s32 v40, s6;
	[tilespmem:$0x1FBA0] =	vst v1;
	v1 =	vsel vm5, $0x1, v0  }
0x235: {  	vm7 =	vge.s32 v40, s14;
	[tilespmem:$0x1FBC0] =	vst v1;
	v1 =	vsel vm6, $0x1, v0  }
0x236: {  	vm8 =	vge.s32 v40, s15;
	[tilespmem:$0x1FBE0] =	vst v1;
	v1 =	vsel vm7, $0x1, v0  }
0x237: {  	vm4 =	vge.s32 v40, s20;
	[tilespmem:$0x1FC00] =	vst v1;
	v1 =	vsel vm8, $0x1, v0  }
0x238: {  	vm5 =	vge.s32 v40, s3;
	[tilespmem:$0x1FC20] =	vst v1;
	v1 =	vsel vm4, $0x1, v0  }
0x239: {  	vm6 =	vge.s32 v40, s25;
	[tilespmem:$0x1FC40] =	vst v1;
	v1 =	vsel vm5, $0x1, v0  }
0x23a: {  	vm7 =	vge.s32 v40, s26;
	[tilespmem:$0x1FC60] =	vst v1;
	v1 =	vsel vm6, $0x1, v0  }
0x23b: {  	vm8 =	vge.s32 v40, s24;
	[tilespmem:$0x1FC80] =	vst v1;
	v1 =	vsel vm7, $0x1, v0  }
0x23c: {  	vm4 =	vge.s32 v40, s4;
	[tilespmem:$0x1FCA0] =	vst v1;
	v1 =	vsel vm8, $0x1, v0  }
0x23d: {  	[tilespmem:$0x1FCC0] =	vst v1;
	v1 =	vsel vm4, $0x1, v0  }
0x23e: {  	vm9 =	vge.s32 v39, s21;
	[tilespmem:$0x1FCE0] =	vst v1;
	v1 =	vsel vm14, $0x1, v0  }
0x23f: {  	vm5 =	vge.s32 v39, s10;
	[tilespmem:$0x1FB80] =	vst v1;
	v1 =	vsel vm9, $0x1, v0  }
0x240: {  	vm6 =	vge.s32 v39, s18;
	[tilespmem:$0x1FBB0] =	vst v1;
	v1 =	vsel vm5, $0x1, v0  }
0x241: {  	vm7 =	vge.s32 v39, s17;
	[tilespmem:$0x1FBD0] =	vst v1;
	v1 =	vsel vm6, $0x1, v0  }
0x242: {  	vm8 =	vge.s32 v39, s19;
	[tilespmem:$0x1FBF0] =	vst v1;
	v1 =	vsel vm7, $0x1, v0  }
0x243: {  	vm11 =	vge.s32 v39, s28;
	vm9 =	vge.s32 v39, s9;
	[tilespmem:$0x1FC10] =	vst v1;
	v1 =	vsel vm8, $0x1, v0  }
0x244: {  	v33 =	vsel vm10, $0x1, v0;
	vm10 =	vge.s32 v39, s8;
	[tilespmem:$0x1FC30] =	vst v1;
	v1 =	vsel vm9, $0x1, v0  }
0x245: {  	v32 =	vsel vm11, $0x1, v0;
	vm11 =	vge.s32 v39, s7;
	[tilespmem:$0x1FC50] =	vst v1;
	v1 =	vsel vm10, $0x1, v0  }
0x246: {  	v54 =	vsel vm12, $0x1, v0;
	vm12 =	vge.s32 v39, s16;
	[tilespmem:$0x1FC70] =	vst v1;
	v1 =	vsel vm11, $0x1, v0  }
0x247: {  	v50 =	vsel vm13, $0x1, v0;
	vm13 =	vge.s32 v39, s29;
	[tilespmem:$0x1FC90] =	vst v1;
	v1 =	vsel vm12, $0x1, v0  }
0x248: {  	vm14 =	vge.s32 v39, s30;
	[tilespmem:$0x1FCB0] =	vst v1;
	v1 =	vsel vm13, $0x1, v0  }
0x249: {  	vm4 =	vge.s32 v39, s31;
	[tilespmem:$0x1FCD0] =	vst v1;
	v1 =	vsel vm14, $0x1, v0  }
0x24a: {  	vm5 =	vge.s32 v39, s2;
	[tilespmem:$0x1FCF0] =	vst v1;
	v1 =	vsel vm4, $0x1, v0  }
0x24b: {  	vm6 =	vge.s32 v39, s0;
	[tilespmem:$0x1FD00] =	vst v1;
	v1 =	vsel vm5, $0x1, v0  }
0x24c: {  	vm7 =	vge.s32 v39, s1;
	[tilespmem:$0x1FD10] =	vst v1;
	v1 =	vsel vm6, $0x1, v0  }
0x24d: {  	vm8 =	vge.s32 v39, s12;
	[tilespmem:$0x1FD20] =	vst v1;
	v1 =	vsel vm7, $0x1, v0  }
0x24e: {  	vm9 =	vge.s32 v39, s5;
	[tilespmem:$0x1FD30] =	vst v1;
	v1 =	vsel vm8, $0x1, v0  }
0x24f: {  	vm10 =	vge.s32 v39, s13;
	[tilespmem:$0x1FD40] =	vst v1;
	v1 =	vsel vm9, $0x1, v0  }
0x250: {  	vm11 =	vge.s32 v39, s6;
	[tilespmem:$0x1FD50] =	vst v1;
	v1 =	vsel vm10, $0x1, v0  }
0x251: {  	vm12 =	vge.s32 v39, s14;
	[tilespmem:$0x1FD60] =	vst v1;
	v1 =	vsel vm11, $0x1, v0  }
0x252: {  	vm13 =	vge.s32 v39, s15;
	[tilespmem:$0x1FD70] =	vst v1;
	v1 =	vsel vm12, $0x1, v0  }
0x253: {  	vm14 =	vge.s32 v39, s20;
	[tilespmem:$0x1FD80] =	vst v1;
	v1 =	vsel vm13, $0x1, v0  }
0x254: {  	vm4 =	vge.s32 v39, s3;
	[tilespmem:$0x1FD90] =	vst v1;
	v1 =	vsel vm14, $0x1, v0  }
0x255: {  	vm5 =	vge.s32 v39, s25;
	[tilespmem:$0x1FDA0] =	vst v1;
	v1 =	vsel vm4, $0x1, v0  }
0x256: {  	vm6 =	vge.s32 v39, s26;
	[tilespmem:$0x1FDB0] =	vst v1;
	v1 =	vsel vm5, $0x1, v0  }
0x257: {  	vm7 =	vge.s32 v39, s24;
	[tilespmem:$0x1FE00] =	vst v1;
	v1 =	vsel vm6, $0x1, v0  }
0x258: {  	vm8 =	vge.s32 v39, s4;
	[tilespmem:$0x1FE20] =	vst v1;
	v1 =	vsel vm7, $0x1, v0  }
0x259: {  	[tilespmem:$0x1FE40] =	vst v1;
	v1 =	vsel vm8, $0x1, v0  }
0x25a: {  	[tilespmem:$0x1FE70] =	vst v1;
	v1 =	vld [tilespmem:$0x1F900];
	_ =	sdelay $0x4  }
0x25b: {  	vm9 =	vnez.u8 v1;
	v1 =	vld [tilespmem:$0x1F910];
	_ =	sdelay $0x4  }
0x25c: {  	vm10 =	vnez.u8 v1;
	v1 =	vld [tilespmem:$0x1F920];
	_ =	sdelay $0x4  }
0x25d: {  	vm11 =	vnez.u8 v1;
	v1 =	vld [tilespmem:$0x1F930];
	_ =	sdelay $0x1  }
0x25e: {  	vm14 =	vge.s32 v38, s10  }
0x25f: {  	v23 =	vsel vm14, $0x1, v0  }
0x260: {  	vm14 =	vge.s32 v38, s0;
	vm6 =	vge.s32 v38, s9;
	vm7 =	vge.s32 v38, s8  }
0x261: {  	v24 =	vsel vm6, $0x1, v0;
	vm6 =	vge.s32 v38, s13;
	vm12 =	vnez.u8 v1;
	v1 =	vld [tilespmem:$0x1F940]  }
0x262: {  	v27 =	vsel vm7, $0x1, v0;
	vm8 =	vge.s32 v38, s7;
	vm7 =	vge.s32 v38, s6  }
0x263: {  	v29 =	vsel vm8, $0x1, v0;
	vm8 =	vge.s32 v38, s14;
	v56 =	vsel vm9, $0x1, v0  }
0x264: {  	vm9 =	vge.s32 v38, s16;
	v17 =	vsel vm10, $0x1, v0;
	vm10 =	vge.s32 v38, s29  }
0x265: {  	v28 =	vsel vm9, $0x1, v0;
	vm9 =	vge.s32 v38, s15;
	v30 =	vsel vm10, $0x1, v0  }
0x266: {  	vm10 =	vge.s32 v38, s20;
	vm13 =	vnez.u8 v1;
	v1 =	vsel vm6, $0x1, v0  }
0x267: {  	v18 =	vsel vm11, $0x1, v0;
	vm11 =	vge.s32 v38, s30;
	[tilespmem:$0x1FE10] =	vst v1;
	v1 =	vsel vm7, $0x1, v0  }
0x268: {  	v31 =	vsel vm11, $0x1, v0;
	vm11 =	vge.s32 v38, s3;
	[tilespmem:$0x1FE30] =	vst v1;
	v1 =	vsel vm8, $0x1, v0  }
0x269: {  	v19 =	vsel vm12, $0x1, v0;
	vm12 =	vge.s32 v38, s31;
	[tilespmem:$0x1FE50] =	vst v1;
	v1 =	vsel vm9, $0x1, v0  }
0x26a: {  	v42 =	vsel vm12, $0x1, v0;
	vm12 =	vge.s32 v38, s25;
	[tilespmem:$0x1FE80] =	vst v1;
	v1 =	vsel vm10, $0x1, v0  }
0x26b: {  	v20 =	vsel vm13, $0x1, v0;
	vm13 =	vge.s32 v38, s2;
	[tilespmem:$0x1FEA0] =	vst v1;
	v1 =	vsel vm11, $0x1, v0  }
0x26c: {  	v43 =	vsel vm13, $0x1, v0;
	vm13 =	vge.s32 v38, s26;
	[tilespmem:$0x1FEB0] =	vst v1;
	v1 =	vsel vm12, $0x1, v0  }
0x26d: {  	v46 =	vsel vm14, $0x1, v0;
	vm14 =	vge.s32 v38, s24;
	[tilespmem:$0x1FEC0] =	vst v1;
	v1 =	vsel vm13, $0x1, v0  }
0x26e: {  	[tilespmem:$0x1FEE0] =	vst v1;
	v1 =	vsel vm14, $0x1, v0  }
0x26f: {  	[tilespmem:$0x1FEF0] =	vst v1;
	v1 =	vadd.s32 v3, v5  }
0x270: {  	v4 =	vadd.s32 v4, v1;
	v1 =	vld [tilespmem:$0x1F960];
	_ =	sdelay $0x2  }
0x271: {  	vm5 =	vge.s32 v38, s19  }
0x272: {  	v26 =	vsel vm5, $0x1, v0;
	vm5 =	vge.s32 v38, s5  }
0x273: {  	v48 =	vsel vm5, $0x1, v0;
	vm5 =	vnez.u8 v1;
	v1 =	vld [tilespmem:$0x1F970];
	_ =	sdelay $0x4  }
0x274: {  	vm6 =	vnez.u8 v1;
	v1 =	vld [tilespmem:$0x1F980];
	_ =	sdelay $0x4  }
0x275: {  	vm7 =	vnez.u8 v1;
	v1 =	vld [tilespmem:$0x1F990];
	_ =	sdelay $0x1  }
0x276: {  	v5 =	vadd.s32 v8, v4  }
0x277: {  	v5 =	vadd.s32 v9, v5  }
0x278: {  	v5 =	vadd.s32 v10, v5  }
0x279: {  	v5 =	vadd.s32 v11, v5;
	vm8 =	vnez.u8 v1;
	v1 =	vld [tilespmem:$0x1F9A0]  }
0x27a: {  	v5 =	vadd.s32 v12, v5  }
0x27b: {  	v5 =	vadd.s32 v13, v5  }
0x27c: {  	v5 =	vadd.s32 v14, v5  }
0x27d: {  	v5 =	vadd.s32 v15, v5  }
0x27e: {  	v8 =	vsel vm8, $0x1, v0;
	vm8 =	vge.s32 v37, s31;
	vm9 =	vnez.u8 v1  }
0x27f: {  	v1 =	vsel vm8, $0x1, v0;
	v9 =	vsel vm9, $0x1, v0;
	vm9 =	vge.s32 v37, s2  }
0x280: {  	v5 =	vadd.s32 v16, v5;
	[tilespmem:$0x1FE60] =	vst v1;
	v1 =	vsel vm9, $0x1, v0  }
0x281: {  	v59 =	vadd.s32 v59, v5;
	[tilespmem:$0x1FE90] =	vst v1;
	v1 =	vld [tilespmem:$0x1F9B0]  }
0x282: {  	v60 =	vadd.s32 v60, v59  }
0x283: {  	v61 =	vadd.s32 v61, v60  }
0x284: {  	v61 =	vadd.s32 v63, v61  }
0x285: {  	v61 =	vadd.s32 v2, v61  }
0x286: {  	v59 =	vadd.s32 v1, v61;
	v1 =	vld [tilespmem:$0x1F9C0]  }
0x287: {  	v2 =	vld [tilespmem:$0x1F9D0];
	_ =	sdelay $0x2  }
0x288: {  	vm12 =	vge.s32 v37, s17  }
0x289: {  	v12 =	vsel vm12, $0x1, v0;
	vm12 =	vge.s32 v37, s12;
	v1 =	vadd.s32 v1, v59  }
0x28a: {  	v1 =	vadd.s32 v2, v1;
	v2 =	vsel vm12, $0x1, v0  }
0x28b: {  	[tilespmem:$0x1FED0] =	vst v2;
	v2 =	vld [tilespmem:$0x1F9E0];
	_ =	sdelay $0x4  }
0x28c: {  	v1 =	vadd.s32 v2, v1;
	v2 =	vld [tilespmem:$0x1F9F0];
	_ =	sdelay $0x4  }
0x28d: {  	v1 =	vadd.s32 v2, v1;
	v2 =	vld [tilespmem:$0x1FA00];
	_ =	sdelay $0x4  }
0x28e: {  	v1 =	vadd.s32 v2, v1;
	v2 =	vld [tilespmem:$0x1FA10];
	_ =	sdelay $0x4  }
0x28f: {  	v1 =	vadd.s32 v2, v1;
	v2 =	vld [tilespmem:$0x1FA20];
	_ =	sdelay $0x4  }
0x290: {  	v1 =	vadd.s32 v2, v1;
	v2 =	vld [tilespmem:$0x1FA30];
	_ =	sdelay $0x4  }
0x291: {  	v1 =	vadd.s32 v2, v1;
	v2 =	vld [tilespmem:$0x1FA40];
	_ =	sdelay $0x3  }
0x292: {  	v45 =	vadd.s32 v52, v45  }
0x293: {  	v53 =	vsel vm3, $0x1, v0;
	v45 =	vadd.s32 v57, v45;
	v1 =	vadd.s32 v2, v1;
	v2 =	vld [tilespmem:$0x1FA50]  }
0x294: {  	v45 =	vadd.s32 v53, v45  }
0x295: {  	v45 =	vadd.s32 v55, v45  }
0x296: {  	v45 =	vadd.s32 v49, v45  }
0x297: {  	v45 =	vadd.s32 v58, v45  }
0x298: {  	v45 =	vadd.s32 v2, v45;
	v2 =	vld [tilespmem:$0x1FA60];
	_ =	sdelay $0x4  }
0x299: {  	v59 =	vadd.s32 v2, v1;
	v1 =	vld [tilespmem:$0x1FA70];
	_ =	sdelay $0x4  }
0x29a: {  	v45 =	vadd.s32 v1, v45;
	v1 =	vld [tilespmem:$0x1FA80];
	_ =	sdelay $0x4  }
0x29b: {  	v49 =	vadd.s32 v1, v59;
	v1 =	vld [tilespmem:$0x1FA90];
	_ =	sdelay $0x4  }
0x29c: {  	v45 =	vadd.s32 v1, v45;
	v1 =	vld [tilespmem:$0x1FAA0];
	_ =	sdelay $0x4  }
0x29d: {  	v49 =	vadd.s32 v1, v49;
	v1 =	vld [tilespmem:$0x1FAB0];
	_ =	sdelay $0x4  }
0x29e: {  	v59 =	vadd.s32 v1, v45;
	v1 =	vld [tilespmem:$0x1FAC0];
	_ =	sdelay $0x4  }
0x29f: {  	v49 =	vadd.s32 v1, v49;
	v1 =	vld [tilespmem:$0x1FAD0];
	_ =	sdelay $0x4  }
0x2a0: {  	v52 =	vadd.s32 v1, v59;
	v1 =	vld [tilespmem:$0x1FAE0];
	_ =	sdelay $0x4  }
0x2a1: {  	v2 =	vadd.s32 v1, v49;
	v1 =	vld [tilespmem:$0x1FAF0];
	_ =	sdelay $0x4  }
0x2a2: {  	v52 =	vadd.s32 v1, v52;
	v1 =	vld [tilespmem:$0x1FB00];
	_ =	sdelay $0x4  }
0x2a3: {  	v59 =	vadd.s32 v1, v52;
	v1 =	vld [tilespmem:$0x1FB10];
	_ =	sdelay $0x4  }
0x2a4: {  	vm9 =	vge.s32 v37, s26;
	v1 =	vadd.s32 v1, v59  }
0x2a5: {  	v1 =	vadd.s32 v51, v1;
	v51 =	vsel vm9, $0x1, v0  }
0x2a6: {  	[tilespmem:$0x1FF70] =	vst v51;
	v51 =	vld [tilespmem:$0x1FB20];
	_ =	sdelay $0x1  }
0x2a7: {  	vm10 =	vge.s32 v37, s10  }
0x2a8: {  	v10 =	vsel vm10, $0x1, v0;
	vm10 =	vge.s32 v37, s0  }
0x2a9: {  	v61 =	vsel vm10, $0x1, v0;
	vm10 =	vge.s32 v37, s24  }
0x2aa: {  	v1 =	vadd.s32 v51, v1;
	v51 =	vsel vm10, $0x1, v0  }
0x2ab: {  	[tilespmem:$0x1FF80] =	vst v51;
	v51 =	vld [tilespmem:$0x1FB30];
	_ =	sdelay $0x4  }
0x2ac: {  	v1 =	vadd.s32 v51, v1;
	v51 =	vld [tilespmem:$0x1FB40];
	_ =	sdelay $0x4  }
0x2ad: {  	v1 =	vadd.s32 v51, v1;
	v51 =	vld [tilespmem:$0x1FB50];
	_ =	sdelay $0x1  }
0x2ae: {  	v32 =	vadd.s32 v33, v32  }
0x2af: {  	v32 =	vadd.s32 v54, v32  }
0x2b0: {  	v33 =	vadd.s32 v50, v32;
	v50 =	vld [tilespmem:$0x1FB60]  }
0x2b1: {  	v1 =	vadd.s32 v51, v1;
	v51 =	vld [tilespmem:$0x1FB90];
	_ =	sdelay $0x2  }
0x2b2: {  	vm13 =	vge.s32 v37, s19  }
0x2b3: {  	v13 =	vsel vm13, $0x1, v0;
	vm13 =	vge.s32 v37, s5;
	vm12 =	vnez.u8 v50;
	v50 =	vld [tilespmem:$0x1FB70]  }
0x2b4: {  	v57 =	vsel vm13, $0x1, v0;
	vm13 =	vnez.u8 v51;
	v51 =	vld [tilespmem:$0x1FBA0];
	_ =	sdelay $0x3  }
0x2b5: {  	v1 =	vadd.s32 v50, v1;
	v50 =	vld [tilespmem:$0x1FB80]  }
0x2b6: {  	v1 =	vadd.s32 v51, v1;
	v51 =	vld [tilespmem:$0x1FBB0];
	_ =	sdelay $0x3  }
0x2b7: {  	v50 =	vadd.s32 v50, v33  }
0x2b8: {  	v50 =	vadd.s32 v51, v50;
	v51 =	vld [tilespmem:$0x1FBC0];
	_ =	sdelay $0x3  }
0x2b9: {  	v2 =	vld.idx.msk [tilespmem:v2+s11+$0x0], $0xffff  }
0x2ba: {  	v1 =	vadd.s32 v51, v1;
	v51 =	vld [tilespmem:$0x1FBD0];
	_ =	sdelay $0x4  }
0x2bb: {  	v2 =	vadd.s32 v41, v2;
	v41 =	vadd.s32 v51, v50;
	v50 =	vld [tilespmem:$0x1FBE0]  }
0x2bc: {  	v17 =	vadd.s32 v56, v17;
	v56 =	vld [tilespmem:$0x1FC00];
	_ =	sdelay $0x3  }
0x2bd: {  	v1 =	vadd.s32 v50, v1;
	v50 =	vld [tilespmem:$0x1FBF0]  }
0x2be: {  	v1 =	vadd.s32 v56, v1;
	v56 =	vld [tilespmem:$0x1FC10];
	_ =	sdelay $0x3  }
0x2bf: {  	v41 =	vadd.s32 v50, v41  }
0x2c0: {  	v41 =	vadd.s32 v56, v41;
	v56 =	vld [tilespmem:$0x1FC30]  }
0x2c1: {  	v51 =	vld [tilespmem:$0x1FC20]  }
0x2c2: {  	v17 =	vadd.s32 v18, v17;
	v50 =	vld [tilespmem:$0x1FC40]  }
0x2c3: {  	vm15 =	vge.s32 v38, s21;
	v17 =	vadd.s32 v19, v17  }
0x2c4: {  	v21 =	vsel vm15, $0x1, v0;
	vm15 =	vge.s32 v38, s18;
	v17 =	vadd.s32 v20, v17  }
0x2c5: {  	v22 =	vsel vm15, $0x1, v0;
	v17 =	vadd.s32 v21, v17;
	v18 =	vadd.s32 v56, v41;
	v56 =	vld [tilespmem:$0x1FC60]  }
0x2c6: {  	vm15 =	vge.s32 v38, s1;
	v17 =	vadd.s32 v23, v17;
	v23 =	vld [tilespmem:$0x1FCC0];
	v1 =	vadd.s32 v51, v1  }
0x2c7: {  	v44 =	vsel vm15, $0x1, v0;
	vm15 =	vge.s32 v38, s4;
	v1 =	vadd.s32 v50, v1;
	v50 =	vld [tilespmem:$0x1FC80]  }
0x2c8: {  	v3 =	vsel vm15, $0x1, v0;
	v51 =	vld [tilespmem:$0x1FC50]  }
0x2c9: {  	[tilespmem:$0x1FF20] =	vst v3;
	v3 =	vld [tilespmem:$0x1F950]  }
0x2ca: {  	v1 =	vadd.s32 v56, v1;
	v56 =	vld [tilespmem:$0x1FCA0]  }
0x2cb: {  	v41 =	vld [tilespmem:$0x1FC70]  }
0x2cc: {  	v1 =	vadd.s32 v50, v1;
	v50 =	vld [tilespmem:$0x1FCE0]  }
0x2cd: {  	v18 =	vadd.s32 v51, v18;
	v51 =	vld [tilespmem:$0x1FC90]  }
0x2ce: {  	vm4 =	vge.s32 v38, s17  }
0x2cf: {  	v25 =	vsel vm4, $0x1, v0;
	vm4 =	vge.s32 v38, s12;
	v21 =	vld [tilespmem:$0x1FCB0];
	v1 =	vadd.s32 v56, v1  }
0x2d0: {  	v47 =	vsel vm4, $0x1, v0;
	v18 =	vadd.s32 v41, v18;
	v41 =	vld [tilespmem:$0x1FCD0];
	v1 =	vadd.s32 v23, v1  }
0x2d1: {  	v17 =	vadd.s32 v22, v17;
	vm4 =	vnez.u8 v3;
	v22 =	vadd.s32 v50, v1;
	v1 =	vld [tilespmem:$0x1FCF0]  }
0x2d2: {  	v7 =	vsel vm4, $0x1, v0;
	v3 =	vsel vm5, $0x1, v0;
	v18 =	vadd.s32 v51, v18;
	v51 =	vld [tilespmem:$0x1FD00]  }
0x2d3: {  	v3 =	vadd.s32 v7, v3;
	v7 =	vld [tilespmem:$0x1FD10];
	v6 =	vsel vm6, $0x1, v0  }
0x2d4: {  	v3 =	vadd.s32 v6, v3;
	v6 =	vld [tilespmem:$0x1FD20];
	v4 =	vsel vm7, $0x1, v0;
	v18 =	vadd.s32 v21, v18  }
0x2d5: {  	v17 =	vadd.s32 v25, v17;
	v3 =	vadd.s32 v4, v3;
	v4 =	vld [tilespmem:$0x1FD30];
	v18 =	vadd.s32 v41, v18  }
0x2d6: {  	v17 =	vadd.s32 v26, v17;
	v1 =	vadd.s32 v1, v18  }
0x2d7: {  	v17 =	vadd.s32 v24, v17;
	v1 =	vadd.s32 v51, v1  }
0x2d8: {  	v1 =	vadd.s32 v7, v1;
	v7 =	vadd.s32 v27, v17  }
0x2d9: {  	v1 =	vadd.s32 v6, v1;
	v6 =	vadd.s32 v29, v7  }
0x2da: {  	v1 =	vadd.s32 v4, v1;
	v4 =	vadd.s32 v28, v6;
	v6 =	vld [tilespmem:$0x1FD40];
	_ =	sdelay $0x4  }
0x2db: {  	v1 =	vadd.s32 v6, v1;
	v6 =	vld [tilespmem:$0x1FD50];
	_ =	sdelay $0x4  }
0x2dc: {  	v1 =	vadd.s32 v6, v1;
	v6 =	vld [tilespmem:$0x1FD60];
	_ =	sdelay $0x4  }
0x2dd: {  	v1 =	vadd.s32 v6, v1;
	v6 =	vld [tilespmem:$0x1FD70];
	_ =	sdelay $0x4  }
0x2de: {  	v1 =	vadd.s32 v6, v1;
	v6 =	vld [tilespmem:$0x1FD80];
	_ =	sdelay $0x4  }
0x2df: {  	v1 =	vadd.s32 v6, v1;
	v6 =	vld [tilespmem:$0x1FD90];
	_ =	sdelay $0x4  }
0x2e0: {  	v1 =	vadd.s32 v6, v1;
	v6 =	vld [tilespmem:$0x1FDA0];
	_ =	sdelay $0x1  }
0x2e1: {  	v3 =	vadd.s32 v8, v3  }
0x2e2: {  	vm11 =	vge.s32 v37, s18;
	v3 =	vadd.s32 v9, v3  }
0x2e3: {  	v11 =	vsel vm11, $0x1, v0;
	v3 =	vadd.s32 v10, v3  }
0x2e4: {  	v3 =	vadd.s32 v11, v3;
	v1 =	vadd.s32 v6, v1;
	v6 =	vld [tilespmem:$0x1FDB0]  }
0x2e5: {  	vm14 =	vge.s32 v37, s9;
	v3 =	vadd.s32 v12, v3  }
0x2e6: {  	vm15 =	vge.s32 v37, s8;
	v14 =	vsel vm14, $0x1, v0;
	v3 =	vadd.s32 v13, v3  }
0x2e7: {  	vm4 =	vge.s32 v37, s7;
	v15 =	vsel vm15, $0x1, v0;
	v3 =	vadd.s32 v14, v3  }
0x2e8: {  	vm5 =	vge.s32 v37, s16;
	v16 =	vsel vm4, $0x1, v0;
	v3 =	vadd.s32 v15, v3  }
0x2e9: {  	v5 =	vsel vm5, $0x1, v0;
	v10 =	vadd.s32 v6, v1;
	v1 =	vadd.s32 v16, v3  }
0x2ea: {  	v56 =	vadd.s32 v5, v1;
	v1 =	vld [tilespmem:$0x1FDC0];
	_ =	sdelay $0x3  }
0x2eb: {  	vm14 =	vge.s32 v37, s13  }
0x2ec: {  	v55 =	vsel vm14, $0x1, v0;
	vm14 =	vnez.u8 v1;
	v1 =	vld [tilespmem:$0x1FDD0];
	_ =	sdelay $0x3  }
0x2ed: {  	vm15 =	vge.s32 v37, s6  }
0x2ee: {  	v58 =	vsel vm15, $0x1, v0;
	vm15 =	vnez.u8 v1;
	v1 =	vld [tilespmem:$0x1FDE0];
	_ =	sdelay $0x2  }
0x2ef: {  	vm4 =	vge.s32 v37, s14  }
0x2f0: {  	v53 =	vsel vm4, $0x1, v0;
	vm5 =	vge.s32 v37, s15;
	vm7 =	vge.s32 v37, s30  }
0x2f1: {  	v60 =	vsel vm7, $0x1, v0;
	vm7 =	vge.s32 v37, s3;
	vm4 =	vnez.u8 v1;
	v1 =	vld [tilespmem:$0x1FDF0]  }
0x2f2: {  	v45 =	vsel vm5, $0x1, v0;
	v52 =	vsel vm7, $0x1, v0;
	v4 =	vadd.s32 v30, v4  }
0x2f3: {  	v33 =	vsel vm13, $0x1, v0;
	vm13 =	vge.s32 v36, s16;
	v4 =	vadd.s32 v31, v4  }
0x2f4: {  	v4 =	vadd.s32 v42, v4;
	v16 =	vsel vm13, $0x1, v0;
	vm13 =	vge.s32 v36, s15  }
0x2f5: {  	v4 =	vadd.s32 v43, v4;
	v15 =	vsel vm13, $0x1, v0;
	vm13 =	vge.s32 v36, s26  }
0x2f6: {  	v4 =	vadd.s32 v46, v4;
	vm7 =	vnez.u8 v1;
	v1 =	vsel vm13, $0x1, v0  }
0x2f7: {  	vm5 =	vge.s32 v36, s10;
	vm9 =	vge.s32 v36, s19;
	v4 =	vadd.s32 v44, v4;
	[tilespmem:$0x1FFF0] =	vst v1;
	v1 =	vld [tilespmem:$0x1FE00]  }
0x2f8: {  	v51 =	vsel vm5, $0x1, v0;
	vm5 =	vge.s32 v36, s2;
	v4 =	vadd.s32 v47, v4  }
0x2f9: {  	v47 =	vsel vm9, $0x1, v0;
	vm9 =	vge.s32 v36, s5;
	v6 =	vsel vm5, $0x1, v0  }
0x2fa: {  	v3 =	vsel vm9, $0x1, v0;
	vm5 =	vge.s32 v34, s10;
	vm9 =	vge.s32 v35, s10;
	s10 =	sshll.u32 s23, $0x9  }
0x2fb: {  	s21 =	sshrl.u32 s10, $0x2  }
0x2fc: {  	[tilespmem:s21+$0x1080] =	vst v2;
	v2 =	vadd.s32 v1, v10;
	v1 =	vld [tilespmem:$0x1FE10];
	_ =	sdelay $0x3  }
0x2fd: {  	v14 =	vadd.s32 v48, v4  }
0x2fe: {  	v44 =	vadd.s32 v1, v14;
	v1 =	vld [tilespmem:$0x1FE20];
	_ =	sdelay $0x4  }
0x2ff: {  	v2 =	vadd.s32 v1, v2;
	v1 =	vld [tilespmem:$0x1FE30];
	_ =	sdelay $0x4  }
0x300: {  	v10 =	vadd.s32 v1, v44;
	v1 =	vld [tilespmem:$0x1FE40];
	_ =	sdelay $0x4  }
0x301: {  	v2 =	vadd.s32 v1, v2;
	v1 =	vld [tilespmem:$0x1FE50];
	_ =	sdelay $0x4  }
0x302: {  	v10 =	vadd.s32 v1, v10;
	v1 =	vld [tilespmem:$0x1FE60]  }
0x303: {  	vm6 =	vge.s32 v37, s29  }
0x304: {  	v62 =	vsel vm6, $0x1, v0  }
0x305: {  	v46 =	vadd.s32 v62, v56  }
0x306: {  	v14 =	vadd.s32 v60, v46  }
0x307: {  	v14 =	vadd.s32 v1, v14;
	v1 =	vld [tilespmem:$0x1FE70];
	_ =	sdelay $0x4  }
0x308: {  	v2 =	vadd.s32 v1, v2;
	v1 =	vld [tilespmem:$0x1FE80];
	_ =	sdelay $0x4  }
0x309: {  	v10 =	vadd.s32 v1, v10;
	v1 =	vld [tilespmem:$0x1FE90];
	_ =	sdelay $0x4  }
0x30a: {  	v14 =	vadd.s32 v1, v14;
	v1 =	vld [tilespmem:$0x1FEA0];
	_ =	sdelay $0x4  }
0x30b: {  	v56 =	vadd.s32 v1, v10;
	v1 =	vld [tilespmem:$0x1FEB0];
	_ =	sdelay $0x4  }
0x30c: {  	v23 =	vadd.s32 v1, v56;
	v1 =	vld [tilespmem:$0x1FEC0];
	_ =	sdelay $0x1  }
0x30d: {  	vm3 =	vge.s32 v35, s19;
	vm0 =	vge.s32 v34, s17  }
0x30e: {  	vm1 =	vge.s32 v34, s19;
	vm2 =	vge.s32 v35, s2;
	vm11 =	vge.s32 v37, s1  }
0x30f: {  	vm6 =	vge.s32 v37, s20;
	v63 =	vsel vm11, $0x1, v0;
	vm11 =	vge.s32 v37, s4  }
0x310: {  	v32 =	vsel vm12, $0x1, v0;
	vm12 =	vge.s32 v36, s7;
	v23 =	vadd.s32 v1, v23;
	v1 =	vld [tilespmem:$0x1FED0]  }
0x311: {  	v54 =	vsel vm11, $0x1, v0;
	v20 =	vsel vm12, $0x1, v0;
	vm12 =	vge.s32 v36, s14  }
0x312: {  	vm11 =	vge.s32 v36, s8;
	vm8 =	vge.s32 v37, s25;
	v24 =	vsel vm12, $0x1, v0  }
0x313: {  	v32 =	vadd.s32 v32, v33;
	v25 =	vsel vm14, $0x1, v0;
	v14 =	vadd.s32 v61, v14  }
0x314: {  	v25 =	vadd.s32 v25, v32;
	v26 =	vsel vm15, $0x1, v0;
	v14 =	vadd.s32 v63, v14  }
0x315: {  	v25 =	vadd.s32 v26, v25;
	v27 =	vsel vm4, $0x1, v0;
	v14 =	vadd.s32 v1, v14;
	v1 =	vld [tilespmem:$0x1FEE0]  }
0x316: {  	v49 =	vsel vm6, $0x1, v0;
	v25 =	vadd.s32 v27, v25;
	v28 =	vsel vm7, $0x1, v0  }
0x317: {  	vm6 =	vge.s32 v36, s18;
	v59 =	vsel vm8, $0x1, v0;
	v25 =	vadd.s32 v28, v25  }
0x318: {  	vm8 =	vge.s32 v36, s17;
	v48 =	vsel vm6, $0x1, v0;
	v25 =	vadd.s32 v51, v25  }
0x319: {  	vm12 =	vge.s32 v36, s25;
	v50 =	vsel vm8, $0x1, v0;
	v25 =	vadd.s32 v48, v25  }
0x31a: {  	vm10 =	vge.s32 v36, s9;
	v25 =	vadd.s32 v50, v25;
	v23 =	vadd.s32 v1, v23;
	v1 =	vld [tilespmem:$0x1FEF0]  }
0x31b: {  	v9 =	vsel vm12, $0x1, v0;
	v21 =	vsel vm10, $0x1, v0;
	v25 =	vadd.s32 v47, v25  }
0x31c: {  	v33 =	vsel vm0, $0x1, v0;
	v41 =	vsel vm11, $0x1, v0;
	v21 =	vadd.s32 v21, v25  }
0x31d: {  	vm0 =	vge.s32 v35, s1;
	vm14 =	vge.s32 v36, s29;
	v21 =	vadd.s32 v41, v21  }
0x31e: {  	vm10 =	vge.s32 v36, s13;
	v17 =	vsel vm14, $0x1, v0;
	v20 =	vadd.s32 v20, v21  }
0x31f: {  	vm15 =	vge.s32 v36, s30;
	v16 =	vadd.s32 v16, v20;
	v60 =	vadd.s32 v1, v23;
	v1 =	vld [tilespmem:$0x1FF00]  }
0x320: {  	v13 =	vsel vm15, $0x1, v0;
	vm4 =	vge.s32 v36, s31;
	v16 =	vadd.s32 v17, v16  }
0x321: {  	v19 =	vsel vm10, $0x1, v0;
	v7 =	vsel vm4, $0x1, v0;
	v13 =	vadd.s32 v13, v16  }
0x322: {  	vm8 =	vge.s32 v36, s12;
	vm6 =	vge.s32 v36, s0;
	v7 =	vadd.s32 v7, v13  }
0x323: {  	v4 =	vsel vm6, $0x1, v0;
	v22 =	vld.idx.msk [tilespmem:v22+s11+$0x0], $0xffff;
	vm7 =	vge.s32 v36, s1;
	v6 =	vadd.s32 v6, v7  }
0x324: {  	v18 =	vsel vm7, $0x1, v0;
	v4 =	vadd.s32 v4, v6;
	vm4 =	vnez.u8 v1;
	v1 =	vld [tilespmem:$0x1FF10]  }
0x325: {  	vm11 =	vge.s32 v36, s6;
	v5 =	vsel vm8, $0x1, v0;
	v4 =	vadd.s32 v18, v4  }
0x326: {  	v8 =	vsel vm11, $0x1, v0;
	vm6 =	vge.s32 v34, s18;
	v4 =	vadd.s32 v5, v4  }
0x327: {  	vm8 =	vge.s32 v35, s18;
	vm14 =	vge.s32 v36, s20;
	v3 =	vadd.s32 v3, v4  }
0x328: {  	v22 =	vadd.s32 v40, v22;
	v11 =	vsel vm14, $0x1, v0;
	v3 =	vadd.s32 v19, v3  }
0x329: {  	[tilespmem:s21+$0x1090] =	vst v22;
	vm15 =	vge.s32 v36, s3;
	v3 =	vadd.s32 v8, v3;
	vm7 =	vnez.u8 v1;
	v1 =	vld [tilespmem:$0x1FF20]  }
0x32a: {  	vm14 =	vge.s32 v36, s24;
	v12 =	vsel vm15, $0x1, v0;
	v3 =	vadd.s32 v24, v3;
	v2 =	vld.idx.msk [tilespmem:v2+s11+$0x0], $0xffff  }
0x32b: {  	vm15 =	vge.s32 v36, s4;
	v20 =	vsel vm9, $0x1, v0;
	v3 =	vadd.s32 v15, v3  }
0x32c: {  	vm9 =	vge.s32 v35, s13;
	v17 =	vsel vm8, $0x1, v0;
	v3 =	vadd.s32 v11, v3  }
0x32d: {  	vm8 =	vge.s32 v35, s6;
	v44 =	vsel vm1, $0x1, v0;
	v3 =	vadd.s32 v12, v3  }
0x32e: {  	vm1 =	vge.s32 v35, s0;
	v3 =	vadd.s32 v9, v3;
	v22 =	vadd.s32 v1, v60;
	v1 =	vld [tilespmem:$0x1FF30]  }
0x32f: {  	v2 =	vadd.s32 v39, v2;
	v39 =	vsel vm6, $0x1, v0;
	vm6 =	vge.s32 v35, s7  }
0x330: {  	[tilespmem:s21+$0x10A0] =	vst v2;
	v2 =	vsel vm5, $0x1, v0;
	v10 =	vsel vm14, $0x1, v0;
	vm14 =	vge.s32 v34, s9  }
0x331: {  	v32 =	vsel vm14, $0x1, v0;
	vm14 =	vge.s32 v34, s29;
	v57 =	vadd.s32 v57, v14  }
0x332: {  	vm5 =	vge.s32 v35, s8;
	v28 =	vsel vm14, $0x1, v0;
	v61 =	vadd.s32 v55, v57  }
0x333: {  	vm14 =	vge.s32 v34, s1;
	v23 =	vadd.s32 v58, v61;
	vm10 =	vnez.u8 v1;
	v1 =	vld [tilespmem:$0x1FF40]  }
0x334: {  	v14 =	vsel vm15, $0x1, v0;
	vm15 =	vge.s32 v34, s8;
	v23 =	vadd.s32 v53, v23  }
0x335: {  	v53 =	vsel vm14, $0x1, v0;
	vm14 =	vge.s32 v34, s14;
	v23 =	vadd.s32 v45, v23  }
0x336: {  	v45 =	vsel vm15, $0x1, v0;
	vm15 =	vge.s32 v34, s30;
	v23 =	vadd.s32 v49, v23  }
0x337: {  	v58 =	vsel vm14, $0x1, v0;
	vm14 =	vge.s32 v34, s26;
	v23 =	vadd.s32 v52, v23  }
0x338: {  	v23 =	vadd.s32 v59, v23;
	v29 =	vsel vm4, $0x1, v0;
	vm11 =	vnez.u8 v1;
	v1 =	vld [tilespmem:$0x1FF50]  }
0x339: {  	vm4 =	vge.s32 v35, s9;
	v30 =	vsel vm7, $0x1, v0;
	vm7 =	vge.s32 v35, s17  }
0x33a: {  	v29 =	vadd.s32 v29, v30;
	v30 =	vsel vm7, $0x1, v0;
	v31 =	vsel vm10, $0x1, v0  }
0x33b: {  	vm7 =	vge.s32 v35, s14;
	vm10 =	vge.s32 v35, s16;
	v29 =	vadd.s32 v31, v29  }
0x33c: {  	v50 =	vld [tilespmem:$0x1FFA0];
	v31 =	vsel vm3, $0x1, v0;
	vm3 =	vge.s32 v35, s15;
	v16 =	vsel vm10, $0x1, v0  }
0x33d: {  	v40 =	vsel vm11, $0x1, v0;
	vm11 =	vge.s32 v34, s31;
	vm12 =	vnez.u8 v1;
	v1 =	vld [tilespmem:$0x1FF60]  }
0x33e: {  	v25 =	vld [tilespmem:$0x1FFC0];
	v46 =	vsel vm11, $0x1, v0;
	vm11 =	vge.s32 v34, s5;
	v29 =	vadd.s32 v40, v29  }
0x33f: {  	v40 =	vsel vm4, $0x1, v0;
	v55 =	vsel vm11, $0x1, v0;
	vm11 =	vge.s32 v34, s20  }
0x340: {  	vm4 =	vge.s32 v35, s20;
	v60 =	vsel vm11, $0x1, v0;
	vm11 =	vge.s32 v34, s4  }
0x341: {  	v47 =	vld [tilespmem:$0x1FFB0];
	v51 =	vsel vm11, $0x1, v0;
	vm11 =	vnez.u8 v50;
	v42 =	vsel vm12, $0x1, v0  }
0x342: {  	vm12 =	vge.s32 v34, s7;
	v50 =	vsel vm11, $0x1, v0;
	vm13 =	vnez.u8 v1;
	v1 =	vld [tilespmem:$0x1FF70]  }
0x343: {  	vm11 =	vnez.u8 v25;
	v26 =	vsel vm12, $0x1, v0;
	vm12 =	vge.s32 v34, s2  }
0x344: {  	v41 =	vld [tilespmem:$0x1FFD0];
	v25 =	vsel vm11, $0x1, v0;
	vm11 =	vge.s32 v35, s12;
	v29 =	vadd.s32 v42, v29  }
0x345: {  	v21 =	vld [tilespmem:$0x1FFE0];
	v42 =	vsel vm5, $0x1, v0;
	v49 =	vsel vm12, $0x1, v0;
	vm12 =	vge.s32 v34, s13  }
0x346: {  	v22 =	vld.idx.msk [tilespmem:v22+s11+$0x0], $0xffff;
	vm5 =	vge.s32 v35, s3;
	v56 =	vsel vm12, $0x1, v0;
	vm12 =	vge.s32 v34, s3  }
0x347: {  	v61 =	vsel vm12, $0x1, v0;
	vm12 =	vnez.u8 v47;
	v62 =	vadd.s32 v1, v23;
	v1 =	vld [tilespmem:$0x1FF80]  }
0x348: {  	v43 =	vsel vm13, $0x1, v0;
	vm13 =	vge.s32 v34, s16;
	v47 =	vsel vm12, $0x1, v0  }
0x349: {  	vm12 =	vnez.u8 v41;
	v27 =	vsel vm13, $0x1, v0;
	vm13 =	vge.s32 v34, s0  }
0x34a: {  	v48 =	vld [tilespmem:$0x1FF90];
	v41 =	vsel vm12, $0x1, v0;
	vm12 =	vnez.u8 v21;
	v29 =	vadd.s32 v43, v29  }
0x34b: {  	v43 =	vsel vm6, $0x1, v0;
	v52 =	vsel vm13, $0x1, v0;
	v23 =	vadd.s32 v38, v22  }
0x34c: {  	v38 =	vsel vm15, $0x1, v0;
	vm15 =	vge.s32 v34, s12;
	v63 =	vadd.s32 v1, v62  }
0x34d: {  	v22 =	vadd.s32 v54, v63;
	v54 =	vsel vm15, $0x1, v0;
	vm15 =	vge.s32 v34, s15  }
0x34e: {  	vm13 =	vge.s32 v34, s6;
	v59 =	vsel vm15, $0x1, v0;
	vm15 =	vge.s32 v34, s24  }
0x34f: {  	v2 =	vadd.s32 v2, v29;
	v1 =	vsel vm15, $0x1, v0;
	vm15 =	vnez.u8 v48  }
0x350: {  	v21 =	vsel vm12, $0x1, v0;
	v2 =	vadd.s32 v39, v2;
	v48 =	vsel vm15, $0x1, v0  }
0x351: {  	vm12 =	vge.s32 v35, s5;
	v2 =	vadd.s32 v33, v2;
	v48 =	vadd.s32 v48, v50  }
0x352: {  	v57 =	vsel vm13, $0x1, v0;
	v2 =	vadd.s32 v44, v2;
	v47 =	vadd.s32 v47, v48  }
0x353: {  	vm13 =	vge.s32 v34, s25;
	v2 =	vadd.s32 v32, v2;
	v7 =	vadd.s32 v25, v47  }
0x354: {  	v33 =	vsel vm2, $0x1, v0;
	v2 =	vadd.s32 v45, v2;
	v6 =	vadd.s32 v41, v7  }
0x355: {  	v44 =	vsel vm0, $0x1, v0;
	v2 =	vadd.s32 v26, v2;
	v6 =	vadd.s32 v21, v6  }
0x356: {  	v62 =	vsel vm13, $0x1, v0;
	v2 =	vadd.s32 v27, v2;
	v5 =	vadd.s32 v20, v6  }
0x357: {  	vm13 =	vge.s32 v35, s29;
	v2 =	vadd.s32 v28, v2;
	v4 =	vadd.s32 v17, v5  }
0x358: {  	v63 =	vsel vm14, $0x1, v0;
	v2 =	vadd.s32 v38, v2;
	v4 =	vadd.s32 v30, v4  }
0x359: {  	vm14 =	vge.s32 v35, s30;
	v2 =	vadd.s32 v46, v2;
	v4 =	vadd.s32 v31, v4  }
0x35a: {  	v29 =	vsel vm13, $0x1, v0;
	v2 =	vadd.s32 v49, v2;
	v5 =	vld [tilespmem:$0x1FFF0];
	v4 =	vadd.s32 v40, v4  }
0x35b: {  	v39 =	vsel vm14, $0x1, v0;
	v2 =	vadd.s32 v52, v2;
	v4 =	vadd.s32 v42, v4  }
0x35c: {  	vm15 =	vge.s32 v35, s31;
	v2 =	vadd.s32 v53, v2;
	v4 =	vadd.s32 v43, v4  }
0x35d: {  	v13 =	vsel vm15, $0x1, v0;
	v2 =	vadd.s32 v54, v2;
	v4 =	vadd.s32 v16, v4  }
0x35e: {  	[tilespmem:s21+$0x10B0] =	vst v23;
	v50 =	vsel vm1, $0x1, v0;
	v2 =	vadd.s32 v55, v2;
	v4 =	vadd.s32 v29, v4  }
0x35f: {  	v2 =	vadd.s32 v56, v2;
	v3 =	vadd.s32 v5, v3;
	v5 =	vld.idx.msk [tilespmem:v22+s11+$0x0], $0xffff;
	v4 =	vadd.s32 v39, v4  }
0x360: {  	v2 =	vadd.s32 v57, v2;
	v3 =	vadd.s32 v10, v3;
	v4 =	vadd.s32 v13, v4  }
0x361: {  	v2 =	vadd.s32 v58, v2;
	v3 =	vadd.s32 v14, v3;
	v4 =	vadd.s32 v33, v4  }
0x362: {  	v7 =	vsel vm12, $0x1, v0;
	v2 =	vadd.s32 v59, v2;
	v4 =	vadd.s32 v50, v4  }
0x363: {  	v6 =	vsel vm11, $0x1, v0;
	v2 =	vadd.s32 v60, v2;
	v4 =	vadd.s32 v44, v4  }
0x364: {  	v2 =	vadd.s32 v61, v2;
	v5 =	vadd.s32 v37, v5;
	v4 =	vadd.s32 v6, v4  }
0x365: {  	v2 =	vadd.s32 v62, v2;
	[tilespmem:s21+$0x10C0] =	vst v5;
	v6 =	vsel vm9, $0x1, v0;
	v4 =	vadd.s32 v7, v4  }
0x366: {  	v2 =	vadd.s32 v63, v2;
	v5 =	vsel vm8, $0x1, v0;
	v3 =	vld.idx.msk [tilespmem:v3+s11+$0x0], $0xffff;
	v4 =	vadd.s32 v6, v4  }
0x367: {  	v1 =	vadd.s32 v1, v2;
	v6 =	vsel vm7, $0x1, v0;
	v2 =	vadd.s32 v5, v4  }
0x368: {  	v1 =	vadd.s32 v51, v1;
	v4 =	vsel vm3, $0x1, v0;
	v2 =	vadd.s32 v6, v2  }
0x369: {  	vm13 =	vge.s32 v35, s26;
	v2 =	vadd.s32 v4, v2;
	v4 =	vsel vm4, $0x1, v0  }
0x36a: {  	vm12 =	vge.s32 v35, s25;
	v5 =	vsel vm5, $0x1, v0;
	v2 =	vadd.s32 v4, v2  }
0x36b: {  	v3 =	vadd.s32 v36, v3;
	v4 =	vsel vm12, $0x1, v0;
	v2 =	vadd.s32 v5, v2  }
0x36c: {  	vm14 =	vge.s32 v35, s24;
	[tilespmem:s21+$0x10D0] =	vst v3;
	v3 =	vsel vm13, $0x1, v0;
	v2 =	vadd.s32 v4, v2  }
0x36d: {  	vm15 =	vge.s32 v35, s4;
	v1 =	vld.idx.msk [tilespmem:v1+s11+$0x0], $0xffff;
	v4 =	vsel vm14, $0x1, v0;
	v2 =	vadd.s32 v3, v2  }
0x36e: {  	v3 =	vsel vm15, $0x1, v0;
	v2 =	vadd.s32 v4, v2  }
0x36f: {  	v2 =	vadd.s32 v3, v2;
	_ =	sdelay $0x2  }
0x370: {  	v1 =	vadd.s32 v34, v1  }
0x371: {  	[tilespmem:s21+$0x10E0] =	vst v1  }
0x372: {  	v1 =	vld.idx.msk [tilespmem:v2+s11+$0x0], $0xffff;
	_ =	sdelay $0x4  }
0x373: {  	v6 =	vlaneseq.u32;
	v1 =	vadd.s32 v35, v1  }
.LBB2_7:
0x374: {  	s23 =	sadd.s32 $0x1, s23  }
0x375: {  	p0 =	sne.s32 s23, $0x100  }
.Ltmp3:
0x376: {  	_ = 	snop;
	(pc) =	sbr.rel @!p0 .LBB2_8-.Ltmp3, $3  }
0x377: {  	_ =	sdelay $0x1  }
0x378: {  	s0 =	sshrl.u32 s10, $0x2  }
0x379: {  	[tilespmem:s0+$0x10F0] =	vst v1  }
.LBB2_2:
0x37a: {  	s0 =	sshll.u32 s23, $0x7;
	s1 =	sshll.u32 s22, $0x2  }
0x37b: {  	s2 =	rddreg [dreg:$0x3];
	s22 =	sadd.s32 $0xFFFFFFFF, s22;
	s1 =	sshra.s32 s1, $0x2  }
0x37c: {  	s3 =	sadd.s32 s2, s0;
	s0 =	sadd.s32 $0x7F, s1;
	s2 =	sadd.s32 $0x1, s1  }
.LBB2_3:
0x37d: {  	s1 =	sld [smem:s2+$0x0]  }
0x37e: {  	s22 =	sadd.s32 $0x1, s22  }
0x37f: {  	p0 =	sgt.s32 s22, $0x1F  }
0x380: {  	p1 =	sge.s32 @!p0 s3, s1  }
0x381: {  	p0 =	por p0, !p1  }
.Ltmp4:
0x382: {  	_ = 	snop;
	(pc) =	sbr.rel @!p0 .LBB2_3-.Ltmp4, $2  }
0x383: {  	_ =	sdelay $0x2  }
0x384: {  	s0 =	sadd.s32 $0x1, s0;
	s2 =	sadd.s32 $0x1, s2  }
0x385: {  	s2 =	sor.u32 $0x7F, s3  }
0x386: {  	p0 =	sge.s32 s2, s1  }
.Ltmp5:
0x387: {  	_ = 	snop;
	(pc) =	sbr.rel @p0 .LBB2_6-.Ltmp5, $1  }
0x388: {  	_ =	sdelay $0x3  }
0x389: {  	s0 =	sld [smem:s0+$0x0];
	_ =	sdelay $0x2  }
0x38a: {  	v1 =	vmov s0  }
0x38b: {  	s24 =	sor.u32 $0x10, s3;
	v2 =	vadd.s32 s3, v1  }
0x38c: {  	s25 =	sor.u32 $0x20, s3;
	v3 =	vadd.s32 s24, v1;
	v2 =	vbroadcast v2, $0x0  }
0x38d: {  	s10 =	sshll.u32 s23, $0x9;
	s26 =	sor.u32 $0x30, s3;
	v4 =	vadd.s32 s25, v1;
	v3 =	vbroadcast v3, $0x0  }
0x38e: {  	s28 =	sor.u32 $0x40, s3;
	s1 =	sshrl.u32 s10, $0x2;
	v5 =	vadd.s32 s26, v1;
	v4 =	vbroadcast v4, $0x0;
	v2 =	vadd.s32 v6, v2  }
0x38f: {  	s29 =	sor.u32 $0x50, s3;
	[tilespmem:s1+$0x1080] =	vst v2;
	v2 =	vadd.s32 v6, v3;
	v3 =	vbroadcast v5, $0x0;
	v5 =	vadd.s32 s28, v1  }
0x390: {  	s30 =	sor.u32 $0x60, s3;
	[tilespmem:s1+$0x1090] =	vst v2;
	v2 =	vadd.s32 v6, v4;
	v4 =	vbroadcast v5, $0x0;
	v5 =	vadd.s32 s29, v1  }
.Ltmp6:
0x391: {  	s31 =	sor.u32 $0x70, s3;
	[tilespmem:s1+$0x10A0] =	vst v2;
	v2 =	vadd.s32 v6, v3;
	v3 =	vbroadcast v5, $0x0;
	v5 =	vadd.s32 s30, v1;
	(pc) =	sbr.rel .LBB2_7-.Ltmp6, $4  }
0x392: {  	v1 =	vadd.s32 s31, v1;
	[tilespmem:s1+$0x10B0] =	vst v2;
	v2 =	vadd.s32 v6, v4;
	v4 =	vbroadcast v5, $0x0  }
0x393: {  	v1 =	vbroadcast v1, $0x0;
	[tilespmem:s1+$0x10C0] =	vst v2;
	v2 =	vadd.s32 v6, v3  }
0x394: {  	[tilespmem:s1+$0x10D0] =	vst v2;
	v2 =	vadd.s32 v6, v4  }
0x395: {  	v1 =	vadd.s32 v6, v1;
	[tilespmem:s1+$0x10E0] =	vst v2  }
.LBB2_9:
0x396: {  	_ =	sfence.sel $0x180000  }
0x397: {  	[bflag:$0x0] =	sbarrier.arrive $0xFFFF  }
0x398: {  	_ =	strace $0x9000004A  }
0x399: {  	s0 =	stileid.u32;
	[bflag:$0x2] =	sbarrier.arrive $0xFFFF  }
0x39a: {  	p0 =	sne.s32 s0, $0x0;
	s0 =	rddreg [dreg:$0x2]  }
0x39b: {  	s0 =	sadd.s32 @!p0 $0x100000, s0  }
0x39c: {  	[sflag:s0] =	ssyncadd.tile.s32 @!p0 $0x1;
	_ =	shalt  }
.Lfunc_end2:
_tile_overlayer_lowered:
.L_overlay_start_2:
0x39d: {  	(tag) =	ssettag $0x2  }
0x39e: {  	s0 =	rddreg [dreg:$0x0];
	s2 =	stileid.u32  }
0x39f: {  	s1 =	rddreg [dreg:$0x1];
	p0 =	sne.s32 s2, $0x0  }
0x3a0: {  	s3 =	rddreg [dreg:$0x2];
	[bflag:$0x3] =	sbarrier.arrive $0xFFFF;
	s2 =	simm.s32 @!p0 $0x1C03  }
0x3a1: {  	[timem:s3], [sflag:s2] =	dma.local @!p0 [hbm:s0], s1  }
0x3a2: {  	s0 =	simm.s32 @!p0 $0x3  }
0x3a3: {  	_ =	swait.ge @!p0 [sflag:s0], s1  }
0x3a4: {  	s1 =	ssub.s32 @!p0 $0x0, s1;
	[sflag:s0] =	ssyncset.done @!p0 $0x0  }
0x3a5: {  	[sflag:s0] =	ssyncadd.s32 @!p0 s1  }
0x3a6: {  	[bflag:$0x3] =	sbarrier.arrive $0xFFFF  }
0x3a7: {  	_ =	shalt  }

</sc_bundles>
